<compile_context>
chip_gen: v7x
topology: tpu7x:2x2x1
jax: 0.10.2.dev20260603
libtpu: 0.0.44.dev20260713+nightly
codegen_flags: <defaults>
</compile_context>

<pallas_src>
import functools

import jax
import jax.numpy as jnp
from jax import lax
from jax.experimental import pallas as pl
from jax.experimental.pallas import tpu as pltpu
from jax.experimental.pallas import tpu_sc as plsc

N = 10000
E = 160000
H = 128
DM = 32
D = 144
NC = 2
NS = 16
NW = NC * NS
CH = 64
N_PAD = 10240
E_PAD = 163840
EPT = E_PAD // NW
NCH = EPT // CH
RPT = N_PAD // NS
_PREC = lax.Precision.DEFAULT


def _ek_body(x1_ref, x2_ref, wk1, wk2, bk, wa2, out_ref):
    k = (jnp.dot(x1_ref[...], wk1[...], precision=_PREC)
         + jnp.dot(x2_ref[...], wk2[...], precision=_PREC) + bk[...])
    ak = jnp.dot(k, wa2[...], precision=_PREC)
    out_ref[...] = jnp.exp(ak - jnp.max(ak))


_ek_call = pl.pallas_call(
    _ek_body,
    out_shape=jax.ShapeDtypeStruct((N, 1), jnp.float32),
)

_TBR = 640
_TG = N_PAD // _TBR


def _table_body(x1_ref, x2_ref, ek_ref, wv1, wv2, bv, out_ref):
    i = pl.program_id(0)
    v = (jnp.dot(x1_ref[...], wv1[...], precision=_PREC)
         + jnp.dot(x2_ref[...], wv2[...], precision=_PREC) + bv[...])
    ek = ek_ref[...]
    val = jnp.concatenate(
        [ek * v, ek, jnp.zeros((_TBR, D - H - 1), jnp.float32)], axis=1)
    rows = i * _TBR + lax.broadcasted_iota(jnp.int32, (_TBR, 1), 0)
    out_ref[...] = jnp.where(rows < N, val, 0.0)


def _attn_table(x1, x2, wk1, wk2, bk, wa2, wv1, wv2, bv):
    ek = _ek_call(x1, x2, wk1, wk2, bk, wa2)
    return pl.pallas_call(
        _table_body,
        grid=(_TG,),
        in_specs=[
            pl.BlockSpec((_TBR, x1.shape[1]), lambda i: (i, 0)),
            pl.BlockSpec((_TBR, x2.shape[1]), lambda i: (i, 0)),
            pl.BlockSpec((_TBR, 1), lambda i: (i, 0)),
            pl.BlockSpec(wv1.shape, lambda i: (0, 0)),
            pl.BlockSpec(wv2.shape, lambda i: (0, 0)),
            pl.BlockSpec((1, H), lambda i: (0, 0)),
        ],
        out_specs=pl.BlockSpec((_TBR, D), lambda i: (i, 0)),
        out_shape=jax.ShapeDtypeStruct((N_PAD, D), jnp.float32),
    )(x1, x2, ek, wv1, wv2, bv)


def _segsum_kernel(table_hbm, src_hbm, dst_hbm, out_hbm,
                   src_v, dst_v, rows_v, rows_w, acc, sem, sem2):
    cid = lax.axis_index("c")
    sid = lax.axis_index("s")
    wid = sid * NC + cid
    base = sid * RPT

    z16 = jnp.zeros((16,), jnp.float32)

    def _zrow(r, _):
        def _zcol(j, _):
            rows_v[r, pl.ds(j * 16, 16)] = z16
            return 0
        return lax.fori_loop(0, D // 16, _zcol, 0)

    lax.fori_loop(0, CH, _zrow, 0)

    def _zcopy(j, _):
        pltpu.sync_copy(rows_v, acc.at[pl.ds(base + j * CH, CH)])
        return 0

    lax.fori_loop(0, RPT // CH, _zcopy, 0)

    pltpu.sync_copy(src_hbm.at[wid], src_v)
    pltpu.sync_copy(dst_hbm.at[wid], dst_v)
    plsc.subcore_barrier()

    pltpu.async_copy(table_hbm.at[src_v.at[0]], rows_v, sem)

    def _pair(i, _):
        c0 = 2 * i
        pltpu.async_copy(table_hbm.at[src_v.at[c0 + 1]], rows_w, sem2)
        pltpu.make_async_copy(table_hbm.at[src_v.at[c0]], rows_v, sem).wait()
        pltpu.sync_copy(rows_v, acc.at[dst_v.at[c0]], add=True)

        @pl.when(i < NCH // 2 - 1)
        def _():
            pltpu.async_copy(table_hbm.at[src_v.at[c0 + 2]], rows_v, sem)

        pltpu.make_async_copy(table_hbm.at[src_v.at[c0 + 1]],
                              rows_w, sem2).wait()
        pltpu.sync_copy(rows_w, acc.at[dst_v.at[c0 + 1]], add=True)
        return 0

    lax.fori_loop(0, NCH // 2, _pair, 0)
    plsc.subcore_barrier()

    pltpu.sync_copy(acc.at[pl.ds(base, RPT)],
                    out_hbm.at[cid, pl.ds(base, RPT)])


@functools.cache
def _segsum_call():
    return functools.partial(
        pl.kernel,
        out_type=jax.ShapeDtypeStruct((NC, N_PAD, D), jnp.float32),
        mesh=plsc.VectorSubcoreMesh(core_axis_name="c", subcore_axis_name="s",
                                    num_cores=NC, num_subcores=NS),
        compiler_params=pltpu.CompilerParams(use_tc_tiling_on_sc=False),
        scratch_types=[
            pltpu.VMEM((NCH, CH), jnp.int32),
            pltpu.VMEM((NCH, CH), jnp.int32),
            pltpu.VMEM((CH, D), jnp.float32),
            pltpu.VMEM((CH, D), jnp.float32),
            pltpu.VMEM_SHARED((N_PAD, D), jnp.float32),
            pltpu.SemaphoreType.DMA,
            pltpu.SemaphoreType.DMA,
        ],
    )(_segsum_kernel)


def _segsum(table, srcp, dstp):
    return _segsum_call()(table, srcp, dstp)


def _gru_body(level, gval, t_ref, h_ref, g_ref, fl_ref,
              wi, bi, wh, bh, out_ref):
    t = t_ref[0] + t_ref[1]
    s = t[:, H:H + 1]
    pos = s > 0
    msg = jnp.where(pos, t[:, :H] / jnp.where(pos, s, 1.0), 0.0)
    h = h_ref[...]
    gi = jnp.dot(msg, wi[...], precision=_PREC) + bi[...]
    gh = jnp.dot(h, wh[...], precision=_PREC) + bh[...]
    r = jax.nn.sigmoid(gi[:, :H] + gh[:, :H])
    z = jax.nn.sigmoid(gi[:, H:2 * H] + gh[:, H:2 * H])
    ng = jnp.tanh(gi[:, 2 * H:] + r * gh[:, 2 * H:])
    hn = (1.0 - z) * ng + z * h
    m = (fl_ref[...] == level) & (g_ref[...] == gval)
    out_ref[...] = jnp.where(m, hn, h)


_GRU_G = 5
_BR = N // _GRU_G


def _gru_call(level, gval, t, h, gate2, fl2, gp):
    body = functools.partial(_gru_body, level, gval)
    return pl.pallas_call(
        body,
        grid=(_GRU_G,),
        in_specs=[
            pl.BlockSpec((NC, _BR, D), lambda i: (0, i, 0)),
            pl.BlockSpec((_BR, H), lambda i: (i, 0)),
            pl.BlockSpec((_BR, 1), lambda i: (i, 0)),
            pl.BlockSpec((_BR, 1), lambda i: (i, 0)),
            pl.BlockSpec((H, 3 * H), lambda i: (0, 0)),
            pl.BlockSpec((1, 3 * H), lambda i: (0, 0)),
            pl.BlockSpec((H, 3 * H), lambda i: (0, 0)),
            pl.BlockSpec((1, 3 * H), lambda i: (0, 0)),
        ],
        out_specs=pl.BlockSpec((_BR, H), lambda i: (i, 0)),
        out_shape=jax.ShapeDtypeStruct((N, H), jnp.float32),
    )(t, h, gate2, fl2, gp['Wi'], gp['bi'].reshape(1, 3 * H),
      gp['Wh'], gp['bh'].reshape(1, 3 * H))


def _mlp_body(x_ref, w0, b0, g0, be0, w1, b1, g1, be1, w2, b2, out_ref):
    def bn(y, g, b):
        m = jnp.mean(y, axis=0, keepdims=True)
        v = jnp.mean((y - m) ** 2, axis=0, keepdims=True)
        return (y - m) / jnp.sqrt(v + 1e-5) * g + b

    y = jnp.dot(x_ref[...], w0[...], precision=_PREC) + b0[...]
    y = jax.nn.relu(bn(y, g0[...], be0[...]))
    y = jnp.dot(y, w1[...], precision=_PREC) + b1[...]
    y = jax.nn.relu(bn(y, g1[...], be1[...]))
    out_ref[...] = jnp.dot(y, w2[...], precision=_PREC) + b2[...]


_mlp_call = pl.pallas_call(
    _mlp_body,
    out_shape=jax.ShapeDtypeStruct((N, 1), jnp.float32),
)


def kernel(params, edge_index, gate, forward_level, forward_index,
           backward_level):
    p = params
    f32 = jnp.float32
    src = edge_index[0].astype(jnp.int32)
    dst = edge_index[1].astype(jnp.int32)
    padlen = E_PAD - E
    pad_idx = jnp.full((padlen,), N, jnp.int32)
    srcp = jnp.concatenate([src, pad_idx]).reshape(NW, NCH, CH)
    dstp = jnp.concatenate([dst, pad_idx]).reshape(NW, NCH, CH)
    gate2 = gate.astype(jnp.int32).reshape(N, 1)
    fl2 = forward_level.astype(jnp.int32).reshape(N, 1)

    hs = jnp.zeros((N, H), f32)
    hf = jnp.tile(jnp.ones((1, 1), f32) @ p['hf_W'] + p['hf_b'], (N, 1))

    zH = jnp.zeros((H, H), f32)

    def attn(x1, x2, tf, split):
        if split:
            wk1, wk2 = tf['Wk'][:H], tf['Wk'][H:]
            wv1, wv2 = tf['Wv'][:H], tf['Wv'][H:]
        else:
            wk1, wk2 = tf['Wk'], zH
            wv1, wv2 = tf['Wv'], zH
        table = _attn_table(x1, x2, wk1, wk2, tf['bk'].reshape(1, H),
                            tf['Wa'][H:], wv1, wv2, tf['bv'].reshape(1, H))
        return _segsum(table, srcp, dstp)

    for level in (1, 2):
        t_a = attn(hs, hs, p['and_strc'], False)
        t_b = attn(hs, hf, p['and_func'], True)
        hs1 = _gru_call(level, 6, t_a, hs, gate2, fl2, p['g_and_strc'])
        hf1 = _gru_call(level, 6, t_b, hf, gate2, fl2, p['g_and_func'])
        t_c = attn(hs1, hs1, p['not_strc'], False)
        hs = _gru_call(level, 4, t_c, hs1, gate2, fl2, p['g_not_strc'])
        t_d = attn(hf1, hf1, p['not_func'], False)
        hf = _gru_call(level, 4, t_d, hf1, gate2, fl2, p['g_not_func'])

    mp = p['mlp']
    return _mlp_call(hf, mp['W0'], mp['b0'].reshape(1, DM),
                     mp['g0'].reshape(1, DM), mp['be0'].reshape(1, DM),
                     mp['W1'], mp['b1'].reshape(1, DM),
                     mp['g1'].reshape(1, DM), mp['be1'].reshape(1, DM),
                     mp['W2'], mp['b2'].reshape(1, 1))

# --- scband reference (transcript-rebuilt; emitter-appended) ---
"""Pipeline reference for scband-gate-net-20478404067558 (READ-ONLY COPY).

The authoritative reference and input builder live on the scoring server;
editing this copy changes nothing except your own understanding.
"""

import jax, jax.numpy as jnp
import numpy as np

N = 10000
E = 160000
H = 128
DM = 32
NUM_ROUNDS = 1
MAX_LEVEL = 3

def _lin(x, W, b):
    return x @ W + b

def _tfmlp(p, x, src, dst, n):
    q = _lin(x[dst], p['Wq'], p['bq'])
    k = _lin(x[src], p['Wk'], p['bk'])
    a = _lin(jnp.concatenate([q, k], axis=-1), p['Wa'], p['ba'])[:, 0]
    amax = jax.ops.segment_max(a, dst, num_segments=n)
    ea = jnp.exp(a - amax[dst])
    esum = jax.ops.segment_sum(ea, dst, num_segments=n)
    alpha = ea / (esum[dst] + 1e-16)
    v = _lin(x[src], p['Wv'], p['bv']) * alpha[:, None]
    return jax.ops.segment_sum(v, dst, num_segments=n)

def _gru(p, x, h):
    gi = x @ p['Wi'] + p['bi']
    gh = h @ p['Wh'] + p['bh']
    ir, iz, inn = jnp.split(gi, 3, axis=-1)
    hr, hz, hn = jnp.split(gh, 3, axis=-1)
    r = jax.nn.sigmoid(ir + hr)
    z = jax.nn.sigmoid(iz + hz)
    ng = jnp.tanh(inn + r * hn)
    return (1.0 - z) * ng + z * h

def _bn(x, g, b):
    m = jnp.mean(x, axis=0)
    v = jnp.var(x, axis=0)
    return (x - m) / jnp.sqrt(v + 1e-5) * g + b

def _mlp(p, x):
    x = jax.nn.relu(_bn(_lin(x, p['W0'], p['b0']), p['g0'], p['be0']))
    x = jax.nn.relu(_bn(_lin(x, p['W1'], p['b1']), p['g1'], p['be1']))
    return _lin(x, p['W2'], p['b2'])

def _forward(params, edge_index, gate, forward_level, num_layers_f):
    n = gate.shape[0]
    src = edge_index[0]
    dst = edge_index[1]
    hs = jnp.zeros((n, H), dtype=jnp.float32)
    hf0 = jnp.ones((1, 1), dtype=jnp.float32) @ params['hf_W'] + params['hf_b']
    hf = jnp.tile(hf0, (n, 1))
    node_state = jnp.concatenate([hs, hf], axis=-1)
    and_mask = gate == 6
    not_mask = gate == 4

    def level_body(level, carry):
        hs, hf, node_state = carry
        layer_mask = forward_level == level
        m_and = (layer_mask & and_mask)[:, None]
        msg = _tfmlp(params['and_strc'], hs, src, dst, n)
        hs = jnp.where(m_and, _gru(params['g_and_strc'], msg, hs), hs)
        msg = _tfmlp(params['and_func'], node_state, src, dst, n)
        hf = jnp.where(m_and, _gru(params['g_and_func'], msg, hf), hf)
        m_not = (layer_mask & not_mask)[:, None]
        msg = _tfmlp(params['not_strc'], hs, src, dst, n)
        hs = jnp.where(m_not, _gru(params['g_not_strc'], msg, hs), hs)
        msg = _tfmlp(params['not_func'], hf, src, dst, n)
        hf = jnp.where(m_not, _gru(params['g_not_func'], msg, hf), hf)
        node_state = jnp.concatenate([hs, hf], axis=-1)
        return (hs, hf, node_state)

    for _ in range(NUM_ROUNDS):
        hs, hf, node_state = jax.lax.fori_loop(1, num_layers_f, level_body, (hs, hf, node_state))
    return _mlp(params['mlp'], hf)

def _tf_params(key, fin, fout):
    k = jax.random.split(key, 4)
    s = 1.0 / np.sqrt(fin)
    return {
        'Wq': jax.random.normal(k[0], (fin, fout), dtype=jnp.float32) * s,
        'bq': jnp.zeros((fout,), dtype=jnp.float32),
        'Wk': jax.random.normal(k[1], (fin, fout), dtype=jnp.float32) * s,
        'bk': jnp.zeros((fout,), dtype=jnp.float32),
        'Wv': jax.random.normal(k[2], (fin, fout), dtype=jnp.float32) * s,
        'bv': jnp.zeros((fout,), dtype=jnp.float32),
        'Wa': jax.random.normal(k[3], (2 * fout, 1), dtype=jnp.float32) / np.sqrt(2.0 * fout),
        'ba': jnp.zeros((1,), dtype=jnp.float32),
    }

def _gru_params(key, fin, h):
    k = jax.random.split(key, 2)
    s = 1.0 / np.sqrt(h)
    return {
        'Wi': jax.random.normal(k[0], (fin, 3 * h), dtype=jnp.float32) * s,
        'bi': jnp.zeros((3 * h,), dtype=jnp.float32),
        'Wh': jax.random.normal(k[1], (h, 3 * h), dtype=jnp.float32) * s,
        'bh': jnp.zeros((3 * h,), dtype=jnp.float32),
    }

def _mlp_params(key):
    k = jax.random.split(key, 3)
    return {
        'W0': jax.random.normal(k[0], (H, DM), dtype=jnp.float32) * np.sqrt(2.0 / H),
        'b0': jnp.zeros((DM,), dtype=jnp.float32),
        'g0': jnp.ones((DM,), dtype=jnp.float32),
        'be0': jnp.zeros((DM,), dtype=jnp.float32),
        'W1': jax.random.normal(k[1], (DM, DM), dtype=jnp.float32) * np.sqrt(2.0 / DM),
        'b1': jnp.zeros((DM,), dtype=jnp.float32),
        'g1': jnp.ones((DM,), dtype=jnp.float32),
        'be1': jnp.zeros((DM,), dtype=jnp.float32),
        'W2': jax.random.normal(k[2], (DM, 1), dtype=jnp.float32) * np.sqrt(2.0 / DM),
        'b2': jnp.zeros((1,), dtype=jnp.float32),
    }

def setup_inputs(seed: int = 0):
    key = jax.random.key(seed)
    ks = jax.random.split(key, 16)
    edge_index = jax.random.randint(ks[0], (2, E), 0, N, dtype=jnp.int32)
    gate = jax.random.randint(ks[1], (N,), 0, 8, dtype=jnp.int32)
    forward_level = jax.random.randint(ks[2], (N,), 0, MAX_LEVEL, dtype=jnp.int32)
    forward_index = jnp.arange(N, dtype=jnp.int32)
    backward_level = jax.random.randint(ks[3], (N,), 0, MAX_LEVEL, dtype=jnp.int32)
    params = {
        'and_strc': _tf_params(ks[4], H, H),
        'and_func': _tf_params(ks[5], 2 * H, H),
        'not_strc': _tf_params(ks[6], H, H),
        'not_func': _tf_params(ks[7], H, H),
        'g_and_strc': _gru_params(ks[8], H, H),
        'g_and_func': _gru_params(ks[9], H, H),
        'g_not_strc': _gru_params(ks[10], H, H),
        'g_not_func': _gru_params(ks[11], H, H),
        'hf_W': jax.random.normal(ks[12], (1, H), dtype=jnp.float32),
        'hf_b': jnp.zeros((H,), dtype=jnp.float32),
        'mlp': _mlp_params(ks[13]),
    }
    return {'params': params, 'edge_index': edge_index, 'gate': gate, 'forward_level': forward_level, 'forward_index': forward_index, 'backward_level': backward_level}

def reference(params, edge_index, gate, forward_level, forward_index, backward_level):
    num_layers_f = jnp.max(forward_level) + 1
    return _forward(params, edge_index, gate, forward_level, num_layers_f)

if __name__ == "__main__":
    import jax
    _d = setup_inputs()
    print(jax.jit(kernel)(*tuple(_d.values())))

</pallas_src>

<mosaic_0001>
#map = affine_map<(d0, d1) -> (0, 0)>
#map1 = affine_map<(d0, d1) -> (0, 0, 0)>
module attributes {stable_mosaic.version = 14 : i64} {
  func.func @_segsum_kernel(%arg0: i32, %arg1: i32, %arg2: memref<10240x144xf32, #tpu.memory_space<hbm>>, %arg3: memref<32x80x64xi32, #tpu.memory_space<hbm>>, %arg4: memref<32x80x64xi32, #tpu.memory_space<hbm>>, %arg5: memref<2x10240x144xf32, #tpu.memory_space<hbm>>, %arg6: memref<80x64xi32, #tpu.memory_space<vmem>>, %arg7: memref<80x64xi32, #tpu.memory_space<vmem>>, %arg8: memref<64x144xf32, #tpu.memory_space<vmem>>, %arg9: memref<64x144xf32, #tpu.memory_space<vmem>>, %arg10: memref<10240x144xf32, #tpu.memory_space<vmem_shared>>, %arg11: memref<!tpu.dma_semaphore, #tpu.memory_space<semaphore_mem>>, %arg12: memref<!tpu.dma_semaphore, #tpu.memory_space<semaphore_mem>>) attributes {dimension_semantics = [#tpu.dimension_semantics<core_parallel>, #tpu.dimension_semantics<subcore_parallel>], iteration_bounds = array<i64: 2, 16>, scalar_prefetch = 0 : i64, scratch_operands = 7 : i64, tpu.core_type = #tpu.core_type<sc_vector_subcore>, window_params = [{transform_indices = #map}, {transform_indices = #map1}, {transform_indices = #map1}, {transform_indices = #map1}]} {
    %mul3A = arith.constant 2 : i32
    %mul3A_0 = arith.muli %arg1, %mul3A : i32
    %add3A = arith.addi %mul3A_0, %arg0 : i32
    %mul3A_1 = arith.constant 640 : i32
    %mul3A_2 = arith.muli %arg1, %mul3A_1 : i32
    %broadcast_in_dim3A = arith.constant 0.000000e+00 : f32
    %broadcast_in_dim3A_3 = vector.broadcast %broadcast_in_dim3A : f32 to vector<16xf32>
    %scan3A = arith.constant 0 : i32
    %scan3A_4 = arith.constant 0 : i32
    %scan3A_5 = arith.constant 64 : i32
    %scan3A_6 = arith.addi %scan3A_4, %scan3A_5 : i32
    %scan3A_7 = arith.constant 1 : i32
    %scan3A_8 = scf.for %scan3A_31 = %scan3A_4 to %scan3A_6 step %scan3A_7 iter_args(%scan3A_32 = %scan3A) -> (i32)  : i32 {
      %scan3A_33 = arith.constant 0 : i32
      %scan3A_34 = arith.constant 0 : i32
      %scan3A_35 = arith.constant 9 : i32
      %scan3A_36 = arith.addi %scan3A_34, %scan3A_35 : i32
      %scan3A_37 = arith.constant 1 : i32
      %scan3A_38 = scf.for %scan3A_40 = %scan3A_34 to %scan3A_36 step %scan3A_37 iter_args(%scan3A_41 = %scan3A_33) -> (i32)  : i32 {
        %mul3A_42 = arith.constant 16 : i32
        %mul3A_43 = arith.muli %scan3A_40, %mul3A_42 : i32
        %swap3A = arith.index_cast %scan3A_31 : i32 to index
        %swap3A_44 = arith.index_cast %mul3A_43 : i32 to index
        %swap3A_45 = tpu.vector_load %arg8[%swap3A, %swap3A_44] {strides = array<i32>} : memref<64x144xf32, #tpu.memory_space<vmem>>, vector<1x16xf32>,
        %swap3A_46 = vector.shape_cast %swap3A_45 : vector<1x16xf32> to vector<16xf32>
        %swap3A_47 = vector.shape_cast %broadcast_in_dim3A_3 : vector<16xf32> to vector<1x16xf32>
        tpu.vector_store %arg8[%swap3A, %swap3A_44], %swap3A_47 {strides = array<i32>} : memref<64x144xf32, #tpu.memory_space<vmem>>, vector<1x16xf32>,
        %scan3A_48 = arith.constant 0 : i32
        scf.yield %scan3A_48 : i32
      }
      %scan3A_39 = arith.constant 9 : i32
      scf.yield %scan3A_38 : i32
    }
    %scan3A_9 = arith.constant 64 : i32
    %scan3A_10 = arith.constant 0 : i32
    %scan3A_11 = arith.constant 0 : i32
    %scan3A_12 = arith.constant 10 : i32
    %scan3A_13 = arith.addi %scan3A_11, %scan3A_12 : i32
    %scan3A_14 = arith.constant 1 : i32
    %scan3A_15 = scf.for %scan3A_31 = %scan3A_11 to %scan3A_13 step %scan3A_14 iter_args(%scan3A_32 = %scan3A_10) -> (i32)  : i32 {
      %mul3A_33 = arith.constant 64 : i32
      %mul3A_34 = arith.muli %scan3A_31, %mul3A_33 : i32
      %add3A_35 = arith.addi %mul3A_2, %mul3A_34 : i32
      "tpu.region"() ({
        %run_scoped3A = tpu.sem_alloc : memref<!tpu.dma_semaphore, #tpu.memory_space<semaphore_mem>>
        %dma_start3A_37 = arith.constant 0 : i32
        %dma_start3A_38 = tpu.memref_slice %arg10[%add3A_35, %dma_start3A_37] : memref<10240x144xf32, #tpu.memory_space<vmem_shared>> -> memref<64x144xf32, #tpu.memory_space<vmem_shared>>
        %dma_start3A_39 = arith.constant 0 : i32
        %dma_start3A_40 = tpu.memref_slice %arg10[%add3A_35, %dma_start3A_39] : memref<10240x144xf32, #tpu.memory_space<vmem_shared>> -> memref<64x144xf32, #tpu.memory_space<vmem_shared>>
        tpu.enqueue_dma source(%arg8 : memref<64x144xf32, #tpu.memory_space<vmem>>) target(%dma_start3A_40 : memref<64x144xf32, #tpu.memory_space<vmem_shared>>) target_semaphore(%run_scoped3A : memref<!tpu.dma_semaphore, #tpu.memory_space<semaphore_mem>>)
        %dma_wait3A = arith.constant 0 : i32
        %dma_wait3A_41 = tpu.memref_slice %arg10[%add3A_35, %dma_wait3A] : memref<10240x144xf32, #tpu.memory_space<vmem_shared>> -> memref<64x144xf32, #tpu.memory_space<vmem_shared>>
        %dma_wait3A_42 = arith.constant 0 : i32
        %dma_wait3A_43 = tpu.memref_slice %arg10[%add3A_35, %dma_wait3A_42] : memref<10240x144xf32, #tpu.memory_space<vmem_shared>> -> memref<64x144xf32, #tpu.memory_space<vmem_shared>>
        tpu.wait_dma2 semaphore(%run_scoped3A : memref<!tpu.dma_semaphore, #tpu.memory_space<semaphore_mem>>) src(%arg8 : memref<64x144xf32, #tpu.memory_space<vmem>>) dst(%dma_wait3A_43 : memref<64x144xf32, #tpu.memory_space<vmem_shared>>)
        tpu.yield
      }) : () -> ()
      %scan3A_36 = arith.constant 0 : i32
      scf.yield %scan3A_36 : i32
    }
    %scan3A_16 = arith.constant 10 : i32
    "tpu.region"() ({
      %run_scoped3A = tpu.sem_alloc : memref<!tpu.dma_semaphore, #tpu.memory_space<semaphore_mem>>
      %dma_start3A_31 = arith.constant 0 : i32
      %dma_start3A_32 = arith.constant 0 : i32
      %dma_start3A_33 = tpu.memref_slice %arg3[%add3A, %dma_start3A_31, %dma_start3A_32] : memref<32x80x64xi32, #tpu.memory_space<hbm>> -> memref<1x80x64xi32, #tpu.memory_space<hbm>>
      %dma_start3A_34 = tpu.memref_squeeze %dma_start3A_33 : memref<1x80x64xi32, #tpu.memory_space<hbm>> -> memref<80x64xi32, #tpu.memory_space<hbm>>
      %dma_start3A_35 = arith.constant 0 : i32
      %dma_start3A_36 = arith.constant 0 : i32
      %dma_start3A_37 = tpu.memref_slice %arg3[%add3A, %dma_start3A_35, %dma_start3A_36] : memref<32x80x64xi32, #tpu.memory_space<hbm>> -> memref<1x80x64xi32, #tpu.memory_space<hbm>>
      %dma_start3A_38 = tpu.memref_squeeze %dma_start3A_37 : memref<1x80x64xi32, #tpu.memory_space<hbm>> -> memref<80x64xi32, #tpu.memory_space<hbm>>
      tpu.enqueue_dma source(%dma_start3A_38 : memref<80x64xi32, #tpu.memory_space<hbm>>) target(%arg6 : memref<80x64xi32, #tpu.memory_space<vmem>>) target_semaphore(%run_scoped3A : memref<!tpu.dma_semaphore, #tpu.memory_space<semaphore_mem>>)
      %dma_wait3A = arith.constant 0 : i32
      %dma_wait3A_39 = arith.constant 0 : i32
      %dma_wait3A_40 = tpu.memref_slice %arg3[%add3A, %dma_wait3A, %dma_wait3A_39] : memref<32x80x64xi32, #tpu.memory_space<hbm>> -> memref<1x80x64xi32, #tpu.memory_space<hbm>>
      %dma_wait3A_41 = tpu.memref_squeeze %dma_wait3A_40 : memref<1x80x64xi32, #tpu.memory_space<hbm>> -> memref<80x64xi32, #tpu.memory_space<hbm>>
      %dma_wait3A_42 = arith.constant 0 : i32
      %dma_wait3A_43 = arith.constant 0 : i32
      %dma_wait3A_44 = tpu.memref_slice %arg3[%add3A, %dma_wait3A_42, %dma_wait3A_43] : memref<32x80x64xi32, #tpu.memory_space<hbm>> -> memref<1x80x64xi32, #tpu.memory_space<hbm>>
      %dma_wait3A_45 = tpu.memref_squeeze %dma_wait3A_44 : memref<1x80x64xi32, #tpu.memory_space<hbm>> -> memref<80x64xi32, #tpu.memory_space<hbm>>
      tpu.wait_dma2 semaphore(%run_scoped3A : memref<!tpu.dma_semaphore, #tpu.memory_space<semaphore_mem>>) src(%dma_wait3A_45 : memref<80x64xi32, #tpu.memory_space<hbm>>) dst(%arg6 : memref<80x64xi32, #tpu.memory_space<vmem>>)
      tpu.yield
    }) : () -> ()
    "tpu.region"() ({
      %run_scoped3A = tpu.sem_alloc : memref<!tpu.dma_semaphore, #tpu.memory_space<semaphore_mem>>
      %dma_start3A_31 = arith.constant 0 : i32
      %dma_start3A_32 = arith.constant 0 : i32
      %dma_start3A_33 = tpu.memref_slice %arg4[%add3A, %dma_start3A_31, %dma_start3A_32] : memref<32x80x64xi32, #tpu.memory_space<hbm>> -> memref<1x80x64xi32, #tpu.memory_space<hbm>>
      %dma_start3A_34 = tpu.memref_squeeze %dma_start3A_33 : memref<1x80x64xi32, #tpu.memory_space<hbm>> -> memref<80x64xi32, #tpu.memory_space<hbm>>
      %dma_start3A_35 = arith.constant 0 : i32
      %dma_start3A_36 = arith.constant 0 : i32
      %dma_start3A_37 = tpu.memref_slice %arg4[%add3A, %dma_start3A_35, %dma_start3A_36] : memref<32x80x64xi32, #tpu.memory_space<hbm>> -> memref<1x80x64xi32, #tpu.memory_space<hbm>>
      %dma_start3A_38 = tpu.memref_squeeze %dma_start3A_37 : memref<1x80x64xi32, #tpu.memory_space<hbm>> -> memref<80x64xi32, #tpu.memory_space<hbm>>
      tpu.enqueue_dma source(%dma_start3A_38 : memref<80x64xi32, #tpu.memory_space<hbm>>) target(%arg7 : memref<80x64xi32, #tpu.memory_space<vmem>>) target_semaphore(%run_scoped3A : memref<!tpu.dma_semaphore, #tpu.memory_space<semaphore_mem>>)
      %dma_wait3A = arith.constant 0 : i32
      %dma_wait3A_39 = arith.constant 0 : i32
      %dma_wait3A_40 = tpu.memref_slice %arg4[%add3A, %dma_wait3A, %dma_wait3A_39] : memref<32x80x64xi32, #tpu.memory_space<hbm>> -> memref<1x80x64xi32, #tpu.memory_space<hbm>>
      %dma_wait3A_41 = tpu.memref_squeeze %dma_wait3A_40 : memref<1x80x64xi32, #tpu.memory_space<hbm>> -> memref<80x64xi32, #tpu.memory_space<hbm>>
      %dma_wait3A_42 = arith.constant 0 : i32
      %dma_wait3A_43 = arith.constant 0 : i32
      %dma_wait3A_44 = tpu.memref_slice %arg4[%add3A, %dma_wait3A_42, %dma_wait3A_43] : memref<32x80x64xi32, #tpu.memory_space<hbm>> -> memref<1x80x64xi32, #tpu.memory_space<hbm>>
      %dma_wait3A_45 = tpu.memref_squeeze %dma_wait3A_44 : memref<1x80x64xi32, #tpu.memory_space<hbm>> -> memref<80x64xi32, #tpu.memory_space<hbm>>
      tpu.wait_dma2 semaphore(%run_scoped3A : memref<!tpu.dma_semaphore, #tpu.memory_space<semaphore_mem>>) src(%dma_wait3A_45 : memref<80x64xi32, #tpu.memory_space<hbm>>) dst(%arg7 : memref<80x64xi32, #tpu.memory_space<vmem>>)
      tpu.yield
    }) : () -> ()
    %barrier3A = arith.constant 0 : index
    tpu.barrier barrier_id(%barrier3A)
    %dma_start3A = arith.constant 0 : i32
    %dma_start3A_17 = arith.constant 0 : i32
    %dma_start3A_18 = tpu.memref_slice %arg6[%dma_start3A, %dma_start3A_17] : memref<80x64xi32, #tpu.memory_space<vmem>> -> memref<1x64xi32, #tpu.memory_space<vmem>>
    %dma_start3A_19 = tpu.memref_squeeze %dma_start3A_18 : memref<1x64xi32, #tpu.memory_space<vmem>> -> memref<64xi32, #tpu.memory_space<vmem>>
    %dma_start3A_20 = arith.constant 0 : i32
    %dma_start3A_21 = arith.constant 0 : i32
    %dma_start3A_22 = tpu.memref_slice %arg2[%dma_start3A_20, %dma_start3A_21] : memref<10240x144xf32, #tpu.memory_space<hbm>> -> memref<10240x144xf32, #tpu.memory_space<hbm>>
    tpu.enqueue_indirect_dma source(%dma_start3A_22 : memref<10240x144xf32, #tpu.memory_space<hbm>>) target(%arg8 : memref<64x144xf32, #tpu.memory_space<vmem>>) offsets(%dma_start3A_19 : memref<64xi32, #tpu.memory_space<vmem>>) semaphore(%arg11 : memref<!tpu.dma_semaphore, #tpu.memory_space<semaphore_mem>>)
    %scan3A_23 = arith.constant 0 : i32
    %scan3A_24 = arith.constant 0 : i32
    %scan3A_25 = arith.constant 40 : i32
    %scan3A_26 = arith.addi %scan3A_24, %scan3A_25 : i32
    %scan3A_27 = arith.constant 1 : i32
    %scan3A_28 = scf.for %scan3A_31 = %scan3A_24 to %scan3A_26 step %scan3A_27 iter_args(%scan3A_32 = %scan3A_23) -> (i32)  : i32 {
      %mul3A_33 = arith.constant 2 : i32
      %mul3A_34 = arith.muli %mul3A_33, %scan3A_31 : i32
      %add3A_35 = arith.constant 1 : i32
      %add3A_36 = arith.addi %mul3A_34, %add3A_35 : i32
      %dma_start3A_37 = arith.constant 0 : i32
      %dma_start3A_38 = tpu.memref_slice %arg6[%add3A_36, %dma_start3A_37] : memref<80x64xi32, #tpu.memory_space<vmem>> -> memref<1x64xi32, #tpu.memory_space<vmem>>
      %dma_start3A_39 = tpu.memref_squeeze %dma_start3A_38 : memref<1x64xi32, #tpu.memory_space<vmem>> -> memref<64xi32, #tpu.memory_space<vmem>>
      %dma_start3A_40 = arith.constant 0 : i32
      %dma_start3A_41 = arith.constant 0 : i32
      %dma_start3A_42 = tpu.memref_slice %arg2[%dma_start3A_40, %dma_start3A_41] : memref<10240x144xf32, #tpu.memory_space<hbm>> -> memref<10240x144xf32, #tpu.memory_space<hbm>>
      tpu.enqueue_indirect_dma source(%dma_start3A_42 : memref<10240x144xf32, #tpu.memory_space<hbm>>) target(%arg9 : memref<64x144xf32, #tpu.memory_space<vmem>>) offsets(%dma_start3A_39 : memref<64xi32, #tpu.memory_space<vmem>>) semaphore(%arg12 : memref<!tpu.dma_semaphore, #tpu.memory_space<semaphore_mem>>)
      %dma_wait3A = arith.constant 0 : i32
      %dma_wait3A_43 = tpu.memref_slice %arg6[%mul3A_34, %dma_wait3A] : memref<80x64xi32, #tpu.memory_space<vmem>> -> memref<1x64xi32, #tpu.memory_space<vmem>>
      %dma_wait3A_44 = tpu.memref_squeeze %dma_wait3A_43 : memref<1x64xi32, #tpu.memory_space<vmem>> -> memref<64xi32, #tpu.memory_space<vmem>>
      %dma_wait3A_45 = arith.constant 0 : i32
      %dma_wait3A_46 = arith.constant 0 : i32
      %dma_wait3A_47 = tpu.memref_slice %arg2[%dma_wait3A_45, %dma_wait3A_46] : memref<10240x144xf32, #tpu.memory_space<hbm>> -> memref<10240x144xf32, #tpu.memory_space<hbm>>
      tpu.wait_indirect_dma semaphore(%arg11 : memref<!tpu.dma_semaphore, #tpu.memory_space<semaphore_mem>>) src(%dma_wait3A_47 : memref<10240x144xf32, #tpu.memory_space<hbm>>) dst(%arg8 : memref<64x144xf32, #tpu.memory_space<vmem>>)
      "tpu.region"() ({
        %run_scoped3A = tpu.sem_alloc : memref<!tpu.dma_semaphore, #tpu.memory_space<semaphore_mem>>
        %dma_start3A_61 = arith.constant 0 : i32
        %dma_start3A_62 = tpu.memref_slice %arg7[%mul3A_34, %dma_start3A_61] : memref<80x64xi32, #tpu.memory_space<vmem>> -> memref<1x64xi32, #tpu.memory_space<vmem>>
        %dma_start3A_63 = tpu.memref_squeeze %dma_start3A_62 : memref<1x64xi32, #tpu.memory_space<vmem>> -> memref<64xi32, #tpu.memory_space<vmem>>
        %dma_start3A_64 = arith.constant 0 : i32
        %dma_start3A_65 = arith.constant 0 : i32
        %dma_start3A_66 = tpu.memref_slice %arg10[%dma_start3A_64, %dma_start3A_65] : memref<10240x144xf32, #tpu.memory_space<vmem_shared>> -> memref<10240x144xf32, #tpu.memory_space<vmem_shared>>
        tpu.enqueue_indirect_dma source(%arg8 : memref<64x144xf32, #tpu.memory_space<vmem>>) target(%dma_start3A_66 : memref<10240x144xf32, #tpu.memory_space<vmem_shared>>) offsets(%dma_start3A_63 : memref<64xi32, #tpu.memory_space<vmem>>) semaphore(%run_scoped3A : memref<!tpu.dma_semaphore, #tpu.memory_space<semaphore_mem>>) {add = true}
        %dma_wait3A_67 = arith.constant 0 : i32
        %dma_wait3A_68 = tpu.memref_slice %arg7[%mul3A_34, %dma_wait3A_67] : memref<80x64xi32, #tpu.memory_space<vmem>> -> memref<1x64xi32, #tpu.memory_space<vmem>>
        %dma_wait3A_69 = tpu.memref_squeeze %dma_wait3A_68 : memref<1x64xi32, #tpu.memory_space<vmem>> -> memref<64xi32, #tpu.memory_space<vmem>>
        %dma_wait3A_70 = arith.constant 0 : i32
        %dma_wait3A_71 = arith.constant 0 : i32
        %dma_wait3A_72 = tpu.memref_slice %arg10[%dma_wait3A_70, %dma_wait3A_71] : memref<10240x144xf32, #tpu.memory_space<vmem_shared>> -> memref<10240x144xf32, #tpu.memory_space<vmem_shared>>
        tpu.wait_indirect_dma semaphore(%run_scoped3A : memref<!tpu.dma_semaphore, #tpu.memory_space<semaphore_mem>>) src(%arg8 : memref<64x144xf32, #tpu.memory_space<vmem>>) dst(%dma_wait3A_72 : memref<10240x144xf32, #tpu.memory_space<vmem_shared>>)
        tpu.yield
      }) : () -> ()
      %lt3A = arith.constant 39 : i32
      %lt3A_48 = arith.cmpi slt, %scan3A_31, %lt3A : i32
      %convert_element_type3A = arith.extui %lt3A_48 : i1 to i32
      %cond3A = arith.constant 0 : i32
      %cond3A_49 = arith.cmpi ne, %convert_element_type3A, %cond3A : i32
      scf.if %cond3A_49 {
        %add3A_61 = arith.constant 2 : i32
        %add3A_62 = arith.addi %mul3A_34, %add3A_61 : i32
        %dma_start3A_63 = arith.constant 0 : i32
        %dma_start3A_64 = tpu.memref_slice %arg6[%add3A_62, %dma_start3A_63] : memref<80x64xi32, #tpu.memory_space<vmem>> -> memref<1x64xi32, #tpu.memory_space<vmem>>
        %dma_start3A_65 = tpu.memref_squeeze %dma_start3A_64 : memref<1x64xi32, #tpu.memory_space<vmem>> -> memref<64xi32, #tpu.memory_space<vmem>>
        %dma_start3A_66 = arith.constant 0 : i32
        %dma_start3A_67 = arith.constant 0 : i32
        %dma_start3A_68 = tpu.memref_slice %arg2[%dma_start3A_66, %dma_start3A_67] : memref<10240x144xf32, #tpu.memory_space<hbm>> -> memref<10240x144xf32, #tpu.memory_space<hbm>>
        tpu.enqueue_indirect_dma source(%dma_start3A_68 : memref<10240x144xf32, #tpu.memory_space<hbm>>) target(%arg8 : memref<64x144xf32, #tpu.memory_space<vmem>>) offsets(%dma_start3A_65 : memref<64xi32, #tpu.memory_space<vmem>>) semaphore(%arg11 : memref<!tpu.dma_semaphore, #tpu.memory_space<semaphore_mem>>)
      } else {
      }
      %add3A_50 = arith.constant 1 : i32
      %add3A_51 = arith.addi %mul3A_34, %add3A_50 : i32
      %dma_wait3A_52 = arith.constant 0 : i32
      %dma_wait3A_53 = tpu.memref_slice %arg6[%add3A_51, %dma_wait3A_52] : memref<80x64xi32, #tpu.memory_space<vmem>> -> memref<1x64xi32, #tpu.memory_space<vmem>>
      %dma_wait3A_54 = tpu.memref_squeeze %dma_wait3A_53 : memref<1x64xi32, #tpu.memory_space<vmem>> -> memref<64xi32, #tpu.memory_space<vmem>>
      %dma_wait3A_55 = arith.constant 0 : i32
      %dma_wait3A_56 = arith.constant 0 : i32
      %dma_wait3A_57 = tpu.memref_slice %arg2[%dma_wait3A_55, %dma_wait3A_56] : memref<10240x144xf32, #tpu.memory_space<hbm>> -> memref<10240x144xf32, #tpu.memory_space<hbm>>
      tpu.wait_indirect_dma semaphore(%arg12 : memref<!tpu.dma_semaphore, #tpu.memory_space<semaphore_mem>>) src(%dma_wait3A_57 : memref<10240x144xf32, #tpu.memory_space<hbm>>) dst(%arg9 : memref<64x144xf32, #tpu.memory_space<vmem>>)
      %add3A_58 = arith.constant 1 : i32
      %add3A_59 = arith.addi %mul3A_34, %add3A_58 : i32
      "tpu.region"() ({
        %run_scoped3A = tpu.sem_alloc : memref<!tpu.dma_semaphore, #tpu.memory_space<semaphore_mem>>
        %dma_start3A_61 = arith.constant 0 : i32
        %dma_start3A_62 = tpu.memref_slice %arg7[%add3A_59, %dma_start3A_61] : memref<80x64xi32, #tpu.memory_space<vmem>> -> memref<1x64xi32, #tpu.memory_space<vmem>>
        %dma_start3A_63 = tpu.memref_squeeze %dma_start3A_62 : memref<1x64xi32, #tpu.memory_space<vmem>> -> memref<64xi32, #tpu.memory_space<vmem>>
        %dma_start3A_64 = arith.constant 0 : i32
        %dma_start3A_65 = arith.constant 0 : i32
        %dma_start3A_66 = tpu.memref_slice %arg10[%dma_start3A_64, %dma_start3A_65] : memref<10240x144xf32, #tpu.memory_space<vmem_shared>> -> memref<10240x144xf32, #tpu.memory_space<vmem_shared>>
        tpu.enqueue_indirect_dma source(%arg9 : memref<64x144xf32, #tpu.memory_space<vmem>>) target(%dma_start3A_66 : memref<10240x144xf32, #tpu.memory_space<vmem_shared>>) offsets(%dma_start3A_63 : memref<64xi32, #tpu.memory_space<vmem>>) semaphore(%run_scoped3A : memref<!tpu.dma_semaphore, #tpu.memory_space<semaphore_mem>>) {add = true}
        %dma_wait3A_67 = arith.constant 0 : i32
        %dma_wait3A_68 = tpu.memref_slice %arg7[%add3A_59, %dma_wait3A_67] : memref<80x64xi32, #tpu.memory_space<vmem>> -> memref<1x64xi32, #tpu.memory_space<vmem>>
        %dma_wait3A_69 = tpu.memref_squeeze %dma_wait3A_68 : memref<1x64xi32, #tpu.memory_space<vmem>> -> memref<64xi32, #tpu.memory_space<vmem>>
        %dma_wait3A_70 = arith.constant 0 : i32
        %dma_wait3A_71 = arith.constant 0 : i32
        %dma_wait3A_72 = tpu.memref_slice %arg10[%dma_wait3A_70, %dma_wait3A_71] : memref<10240x144xf32, #tpu.memory_space<vmem_shared>> -> memref<10240x144xf32, #tpu.memory_space<vmem_shared>>
        tpu.wait_indirect_dma semaphore(%run_scoped3A : memref<!tpu.dma_semaphore, #tpu.memory_space<semaphore_mem>>) src(%arg9 : memref<64x144xf32, #tpu.memory_space<vmem>>) dst(%dma_wait3A_72 : memref<10240x144xf32, #tpu.memory_space<vmem_shared>>)
        tpu.yield
      }) : () -> ()
      %scan3A_60 = arith.constant 0 : i32
      scf.yield %scan3A_60 : i32
    }
    %scan3A_29 = arith.constant 40 : i32
    %barrier3A_30 = arith.constant 0 : index
    tpu.barrier barrier_id(%barrier3A_30)
    "tpu.region"() ({
      %run_scoped3A = tpu.sem_alloc : memref<!tpu.dma_semaphore, #tpu.memory_space<semaphore_mem>>
      %dma_start3A_31 = arith.constant 0 : i32
      %dma_start3A_32 = tpu.memref_slice %arg5[%arg0, %mul3A_2, %dma_start3A_31] : memref<2x10240x144xf32, #tpu.memory_space<hbm>> -> memref<1x640x144xf32, #tpu.memory_space<hbm>>
      %dma_start3A_33 = tpu.memref_squeeze %dma_start3A_32 : memref<1x640x144xf32, #tpu.memory_space<hbm>> -> memref<640x144xf32, #tpu.memory_space<hbm>>
      %dma_start3A_34 = arith.constant 0 : i32
      %dma_start3A_35 = tpu.memref_slice %arg10[%mul3A_2, %dma_start3A_34] : memref<10240x144xf32, #tpu.memory_space<vmem_shared>> -> memref<640x144xf32, #tpu.memory_space<vmem_shared>>
      tpu.enqueue_dma source(%dma_start3A_35 : memref<640x144xf32, #tpu.memory_space<vmem_shared>>) target(%dma_start3A_33 : memref<640x144xf32, #tpu.memory_space<hbm>>) target_semaphore(%run_scoped3A : memref<!tpu.dma_semaphore, #tpu.memory_space<semaphore_mem>>)
      %dma_wait3A = arith.constant 0 : i32
      %dma_wait3A_36 = tpu.memref_slice %arg5[%arg0, %mul3A_2, %dma_wait3A] : memref<2x10240x144xf32, #tpu.memory_space<hbm>> -> memref<1x640x144xf32, #tpu.memory_space<hbm>>
      %dma_wait3A_37 = tpu.memref_squeeze %dma_wait3A_36 : memref<1x640x144xf32, #tpu.memory_space<hbm>> -> memref<640x144xf32, #tpu.memory_space<hbm>>
      %dma_wait3A_38 = arith.constant 0 : i32
      %dma_wait3A_39 = tpu.memref_slice %arg10[%mul3A_2, %dma_wait3A_38] : memref<10240x144xf32, #tpu.memory_space<vmem_shared>> -> memref<640x144xf32, #tpu.memory_space<vmem_shared>>
      tpu.wait_dma2 semaphore(%run_scoped3A : memref<!tpu.dma_semaphore, #tpu.memory_space<semaphore_mem>>) src(%dma_wait3A_39 : memref<640x144xf32, #tpu.memory_space<vmem_shared>>) dst(%dma_wait3A_37 : memref<640x144xf32, #tpu.memory_space<hbm>>)
      tpu.yield
    }) : () -> ()
    return
  }
}

#map = affine_map<(d0, d1) -> (0, 0)>
#map1 = affine_map<(d0, d1) -> (0, 0, 0)>
module attributes {stable_mosaic.version = 14 : i64} {
  func.func @_segsum_kernel(%arg0: i32, %arg1: i32, %arg2: memref<10240x144xf32, #tpu.memory_space<hbm>>, %arg3: memref<32x80x64xi32, #tpu.memory_space<hbm>>, %arg4: memref<32x80x64xi32, #tpu.memory_space<hbm>>, %arg5: memref<2x10240x144xf32, #tpu.memory_space<hbm>>, %arg6: memref<80x64xi32, #tpu.memory_space<vmem>>, %arg7: memref<80x64xi32, #tpu.memory_space<vmem>>, %arg8: memref<64x144xf32, #tpu.memory_space<vmem>>, %arg9: memref<64x144xf32, #tpu.memory_space<vmem>>, %arg10: memref<10240x144xf32, #tpu.memory_space<vmem_shared>>, %arg11: memref<!tpu.dma_semaphore, #tpu.memory_space<semaphore_mem>>, %arg12: memref<!tpu.dma_semaphore, #tpu.memory_space<semaphore_mem>>) attributes {dimension_semantics = [#tpu.dimension_semantics<core_parallel>, #tpu.dimension_semantics<subcore_parallel>], iteration_bounds = array<i64: 2, 16>, scalar_prefetch = 0 : i64, scratch_operands = 7 : i64, tpu.core_type = #tpu.core_type<sc_vector_subcore>, window_params = [{transform_indices = #map}, {transform_indices = #map1}, {transform_indices = #map1}, {transform_indices = #map1}]} {
    %mul3A = arith.constant 2 : i32
    %mul3A_0 = arith.muli %arg1, %mul3A : i32
    %add3A = arith.addi %mul3A_0, %arg0 : i32
    %mul3A_1 = arith.constant 640 : i32
    %mul3A_2 = arith.muli %arg1, %mul3A_1 : i32
    %broadcast_in_dim3A = arith.constant 0.000000e+00 : f32
    %broadcast_in_dim3A_3 = vector.broadcast %broadcast_in_dim3A : f32 to vector<16xf32>
    %scan3A = arith.constant 0 : i32
    %scan3A_4 = arith.constant 0 : i32
    %scan3A_5 = arith.constant 64 : i32
    %scan3A_6 = arith.addi %scan3A_4, %scan3A_5 : i32
    %scan3A_7 = arith.constant 1 : i32
    %scan3A_8 = scf.for %scan3A_31 = %scan3A_4 to %scan3A_6 step %scan3A_7 iter_args(%scan3A_32 = %scan3A) -> (i32)  : i32 {
      %scan3A_33 = arith.constant 0 : i32
      %scan3A_34 = arith.constant 0 : i32
      %scan3A_35 = arith.constant 9 : i32
      %scan3A_36 = arith.addi %scan3A_34, %scan3A_35 : i32
      %scan3A_37 = arith.constant 1 : i32
      %scan3A_38 = scf.for %scan3A_40 = %scan3A_34 to %scan3A_36 step %scan3A_37 iter_args(%scan3A_41 = %scan3A_33) -> (i32)  : i32 {
        %mul3A_42 = arith.constant 16 : i32
        %mul3A_43 = arith.muli %scan3A_40, %mul3A_42 : i32
        %swap3A = arith.index_cast %scan3A_31 : i32 to index
        %swap3A_44 = arith.index_cast %mul3A_43 : i32 to index
        %swap3A_45 = tpu.vector_load %arg8[%swap3A, %swap3A_44] {strides = array<i32>} : memref<64x144xf32, #tpu.memory_space<vmem>>, vector<1x16xf32>,
        %swap3A_46 = vector.shape_cast %swap3A_45 : vector<1x16xf32> to vector<16xf32>
        %swap3A_47 = vector.shape_cast %broadcast_in_dim3A_3 : vector<16xf32> to vector<1x16xf32>
        tpu.vector_store %arg8[%swap3A, %swap3A_44], %swap3A_47 {strides = array<i32>} : memref<64x144xf32, #tpu.memory_space<vmem>>, vector<1x16xf32>,
        %scan3A_48 = arith.constant 0 : i32
        scf.yield %scan3A_48 : i32
      }
      %scan3A_39 = arith.constant 9 : i32
      scf.yield %scan3A_38 : i32
    }
    %scan3A_9 = arith.constant 64 : i32
    %scan3A_10 = arith.constant 0 : i32
    %scan3A_11 = arith.constant 0 : i32
    %scan3A_12 = arith.constant 10 : i32
    %scan3A_13 = arith.addi %scan3A_11, %scan3A_12 : i32
    %scan3A_14 = arith.constant 1 : i32
    %scan3A_15 = scf.for %scan3A_31 = %scan3A_11 to %scan3A_13 step %scan3A_14 iter_args(%scan3A_32 = %scan3A_10) -> (i32)  : i32 {
      %mul3A_33 = arith.constant 64 : i32
      %mul3A_34 = arith.muli %scan3A_31, %mul3A_33 : i32
      %add3A_35 = arith.addi %mul3A_2, %mul3A_34 : i32
      "tpu.region"() ({
        %run_scoped3A = tpu.sem_alloc : memref<!tpu.dma_semaphore, #tpu.memory_space<semaphore_mem>>
        %dma_start3A_37 = arith.constant 0 : i32
        %dma_start3A_38 = tpu.memref_slice %arg10[%add3A_35, %dma_start3A_37] : memref<10240x144xf32, #tpu.memory_space<vmem_shared>> -> memref<64x144xf32, #tpu.memory_space<vmem_shared>>
        %dma_start3A_39 = arith.constant 0 : i32
        %dma_start3A_40 = tpu.memref_slice %arg10[%add3A_35, %dma_start3A_39] : memref<10240x144xf32, #tpu.memory_space<vmem_shared>> -> memref<64x144xf32, #tpu.memory_space<vmem_shared>>
        tpu.enqueue_dma source(%arg8 : memref<64x144xf32, #tpu.memory_space<vmem>>) target(%dma_start3A_40 : memref<64x144xf32, #tpu.memory_space<vmem_shared>>) target_semaphore(%run_scoped3A : memref<!tpu.dma_semaphore, #tpu.memory_space<semaphore_mem>>)
        %dma_wait3A = arith.constant 0 : i32
        %dma_wait3A_41 = tpu.memref_slice %arg10[%add3A_35, %dma_wait3A] : memref<10240x144xf32, #tpu.memory_space<vmem_shared>> -> memref<64x144xf32, #tpu.memory_space<vmem_shared>>
        %dma_wait3A_42 = arith.constant 0 : i32
        %dma_wait3A_43 = tpu.memref_slice %arg10[%add3A_35, %dma_wait3A_42] : memref<10240x144xf32, #tpu.memory_space<vmem_shared>> -> memref<64x144xf32, #tpu.memory_space<vmem_shared>>
        tpu.wait_dma2 semaphore(%run_scoped3A : memref<!tpu.dma_semaphore, #tpu.memory_space<semaphore_mem>>) src(%arg8 : memref<64x144xf32, #tpu.memory_space<vmem>>) dst(%dma_wait3A_43 : memref<64x144xf32, #tpu.memory_space<vmem_shared>>)
        tpu.yield
      }) : () -> ()
      %scan3A_36 = arith.constant 0 : i32
      scf.yield %scan3A_36 : i32
    }
    %scan3A_16 = arith.constant 10 : i32
    "tpu.region"() ({
      %run_scoped3A = tpu.sem_alloc : memref<!tpu.dma_semaphore, #tpu.memory_space<semaphore_mem>>
      %dma_start3A_31 = arith.constant 0 : i32
      %dma_start3A_32 = arith.constant 0 : i32
      %dma_start3A_33 = tpu.memref_slice %arg3[%add3A, %dma_start3A_31, %dma_start3A_32] : memref<32x80x64xi32, #tpu.memory_space<hbm>> -> memref<1x80x64xi32, #tpu.memory_space<hbm>>
      %dma_start3A_34 = tpu.memref_squeeze %dma_start3A_33 : memref<1x80x64xi32, #tpu.memory_space<hbm>> -> memref<80x64xi32, #tpu.memory_space<hbm>>
      %dma_start3A_35 = arith.constant 0 : i32
      %dma_start3A_36 = arith.constant 0 : i32
      %dma_start3A_37 = tpu.memref_slice %arg3[%add3A, %dma_start3A_35, %dma_start3A_36] : memref<32x80x64xi32, #tpu.memory_space<hbm>> -> memref<1x80x64xi32, #tpu.memory_space<hbm>>
      %dma_start3A_38 = tpu.memref_squeeze %dma_start3A_37 : memref<1x80x64xi32, #tpu.memory_space<hbm>> -> memref<80x64xi32, #tpu.memory_space<hbm>>
      tpu.enqueue_dma source(%dma_start3A_38 : memref<80x64xi32, #tpu.memory_space<hbm>>) target(%arg6 : memref<80x64xi32, #tpu.memory_space<vmem>>) target_semaphore(%run_scoped3A : memref<!tpu.dma_semaphore, #tpu.memory_space<semaphore_mem>>)
      %dma_wait3A = arith.constant 0 : i32
      %dma_wait3A_39 = arith.constant 0 : i32
      %dma_wait3A_40 = tpu.memref_slice %arg3[%add3A, %dma_wait3A, %dma_wait3A_39] : memref<32x80x64xi32, #tpu.memory_space<hbm>> -> memref<1x80x64xi32, #tpu.memory_space<hbm>>
      %dma_wait3A_41 = tpu.memref_squeeze %dma_wait3A_40 : memref<1x80x64xi32, #tpu.memory_space<hbm>> -> memref<80x64xi32, #tpu.memory_space<hbm>>
      %dma_wait3A_42 = arith.constant 0 : i32
      %dma_wait3A_43 = arith.constant 0 : i32
      %dma_wait3A_44 = tpu.memref_slice %arg3[%add3A, %dma_wait3A_42, %dma_wait3A_43] : memref<32x80x64xi32, #tpu.memory_space<hbm>> -> memref<1x80x64xi32, #tpu.memory_space<hbm>>
      %dma_wait3A_45 = tpu.memref_squeeze %dma_wait3A_44 : memref<1x80x64xi32, #tpu.memory_space<hbm>> -> memref<80x64xi32, #tpu.memory_space<hbm>>
      tpu.wait_dma2 semaphore(%run_scoped3A : memref<!tpu.dma_semaphore, #tpu.memory_space<semaphore_mem>>) src(%dma_wait3A_45 : memref<80x64xi32, #tpu.memory_space<hbm>>) dst(%arg6 : memref<80x64xi32, #tpu.memory_space<vmem>>)
      tpu.yield
    }) : () -> ()
    "tpu.region"() ({
      %run_scoped3A = tpu.sem_alloc : memref<!tpu.dma_semaphore, #tpu.memory_space<semaphore_mem>>
      %dma_start3A_31 = arith.constant 0 : i32
      %dma_start3A_32 = arith.constant 0 : i32
      %dma_start3A_33 = tpu.memref_slice %arg4[%add3A, %dma_start3A_31, %dma_start3A_32] : memref<32x80x64xi32, #tpu.memory_space<hbm>> -> memref<1x80x64xi32, #tpu.memory_space<hbm>>
      %dma_start3A_34 = tpu.memref_squeeze %dma_start3A_33 : memref<1x80x64xi32, #tpu.memory_space<hbm>> -> memref<80x64xi32, #tpu.memory_space<hbm>>
      %dma_start3A_35 = arith.constant 0 : i32
      %dma_start3A_36 = arith.constant 0 : i32
      %dma_start3A_37 = tpu.memref_slice %arg4[%add3A, %dma_start3A_35, %dma_start3A_36] : memref<32x80x64xi32, #tpu.memory_space<hbm>> -> memref<1x80x64xi32, #tpu.memory_space<hbm>>
      %dma_start3A_38 = tpu.memref_squeeze %dma_start3A_37 : memref<1x80x64xi32, #tpu.memory_space<hbm>> -> memref<80x64xi32, #tpu.memory_space<hbm>>
      tpu.enqueue_dma source(%dma_start3A_38 : memref<80x64xi32, #tpu.memory_space<hbm>>) target(%arg7 : memref<80x64xi32, #tpu.memory_space<vmem>>) target_semaphore(%run_scoped3A : memref<!tpu.dma_semaphore, #tpu.memory_space<semaphore_mem>>)
      %dma_wait3A = arith.constant 0 : i32
      %dma_wait3A_39 = arith.constant 0 : i32
      %dma_wait3A_40 = tpu.memref_slice %arg4[%add3A, %dma_wait3A, %dma_wait3A_39] : memref<32x80x64xi32, #tpu.memory_space<hbm>> -> memref<1x80x64xi32, #tpu.memory_space<hbm>>
      %dma_wait3A_41 = tpu.memref_squeeze %dma_wait3A_40 : memref<1x80x64xi32, #tpu.memory_space<hbm>> -> memref<80x64xi32, #tpu.memory_space<hbm>>
      %dma_wait3A_42 = arith.constant 0 : i32
      %dma_wait3A_43 = arith.constant 0 : i32
      %dma_wait3A_44 = tpu.memref_slice %arg4[%add3A, %dma_wait3A_42, %dma_wait3A_43] : memref<32x80x64xi32, #tpu.memory_space<hbm>> -> memref<1x80x64xi32, #tpu.memory_space<hbm>>
      %dma_wait3A_45 = tpu.memref_squeeze %dma_wait3A_44 : memref<1x80x64xi32, #tpu.memory_space<hbm>> -> memref<80x64xi32, #tpu.memory_space<hbm>>
      tpu.wait_dma2 semaphore(%run_scoped3A : memref<!tpu.dma_semaphore, #tpu.memory_space<semaphore_mem>>) src(%dma_wait3A_45 : memref<80x64xi32, #tpu.memory_space<hbm>>) dst(%arg7 : memref<80x64xi32, #tpu.memory_space<vmem>>)
      tpu.yield
    }) : () -> ()
    %barrier3A = arith.constant 0 : index
    tpu.barrier barrier_id(%barrier3A)
    %dma_start3A = arith.constant 0 : i32
    %dma_start3A_17 = arith.constant 0 : i32
    %dma_start3A_18 = tpu.memref_slice %arg6[%dma_start3A, %dma_start3A_17] : memref<80x64xi32, #tpu.memory_space<vmem>> -> memref<1x64xi32, #tpu.memory_space<vmem>>
    %dma_start3A_19 = tpu.memref_squeeze %dma_start3A_18 : memref<1x64xi32, #tpu.memory_space<vmem>> -> memref<64xi32, #tpu.memory_space<vmem>>
    %dma_start3A_20 = arith.constant 0 : i32
    %dma_start3A_21 = arith.constant 0 : i32
    %dma_start3A_22 = tpu.memref_slice %arg2[%dma_start3A_20, %dma_start3A_21] : memref<10240x144xf32, #tpu.memory_space<hbm>> -> memref<10240x144xf32, #tpu.memory_space<hbm>>
    tpu.enqueue_indirect_dma source(%dma_start3A_22 : memref<10240x144xf32, #tpu.memory_space<hbm>>) target(%arg8 : memref<64x144xf32, #tpu.memory_space<vmem>>) offsets(%dma_start3A_19 : memref<64xi32, #tpu.memory_space<vmem>>) semaphore(%arg11 : memref<!tpu.dma_semaphore, #tpu.memory_space<semaphore_mem>>)
    %scan3A_23 = arith.constant 0 : i32
    %scan3A_24 = arith.constant 0 : i32
    %scan3A_25 = arith.constant 40 : i32
    %scan3A_26 = arith.addi %scan3A_24, %scan3A_25 : i32
    %scan3A_27 = arith.constant 1 : i32
    %scan3A_28 = scf.for %scan3A_31 = %scan3A_24 to %scan3A_26 step %scan3A_27 iter_args(%scan3A_32 = %scan3A_23) -> (i32)  : i32 {
      %mul3A_33 = arith.constant 2 : i32
      %mul3A_34 = arith.muli %mul3A_33, %scan3A_31 : i32
      %add3A_35 = arith.constant 1 : i32
      %add3A_36 = arith.addi %mul3A_34, %add3A_35 : i32
      %dma_start3A_37 = arith.constant 0 : i32
      %dma_start3A_38 = tpu.memref_slice %arg6[%add3A_36, %dma_start3A_37] : memref<80x64xi32, #tpu.memory_space<vmem>> -> memref<1x64xi32, #tpu.memory_space<vmem>>
      %dma_start3A_39 = tpu.memref_squeeze %dma_start3A_38 : memref<1x64xi32, #tpu.memory_space<vmem>> -> memref<64xi32, #tpu.memory_space<vmem>>
      %dma_start3A_40 = arith.constant 0 : i32
      %dma_start3A_41 = arith.constant 0 : i32
      %dma_start3A_42 = tpu.memref_slice %arg2[%dma_start3A_40, %dma_start3A_41] : memref<10240x144xf32, #tpu.memory_space<hbm>> -> memref<10240x144xf32, #tpu.memory_space<hbm>>
      tpu.enqueue_indirect_dma source(%dma_start3A_42 : memref<10240x144xf32, #tpu.memory_space<hbm>>) target(%arg9 : memref<64x144xf32, #tpu.memory_space<vmem>>) offsets(%dma_start3A_39 : memref<64xi32, #tpu.memory_space<vmem>>) semaphore(%arg12 : memref<!tpu.dma_semaphore, #tpu.memory_space<semaphore_mem>>)
      %dma_wait3A = arith.constant 0 : i32
      %dma_wait3A_43 = tpu.memref_slice %arg6[%mul3A_34, %dma_wait3A] : memref<80x64xi32, #tpu.memory_space<vmem>> -> memref<1x64xi32, #tpu.memory_space<vmem>>
      %dma_wait3A_44 = tpu.memref_squeeze %dma_wait3A_43 : memref<1x64xi32, #tpu.memory_space<vmem>> -> memref<64xi32, #tpu.memory_space<vmem>>
      %dma_wait3A_45 = arith.constant 0 : i32
      %dma_wait3A_46 = arith.constant 0 : i32
      %dma_wait3A_47 = tpu.memref_slice %arg2[%dma_wait3A_45, %dma_wait3A_46] : memref<10240x144xf32, #tpu.memory_space<hbm>> -> memref<10240x144xf32, #tpu.memory_space<hbm>>
      tpu.wait_indirect_dma semaphore(%arg11 : memref<!tpu.dma_semaphore, #tpu.memory_space<semaphore_mem>>) src(%dma_wait3A_47 : memref<10240x144xf32, #tpu.memory_space<hbm>>) dst(%arg8 : memref<64x144xf32, #tpu.memory_space<vmem>>)
      "tpu.region"() ({
        %run_scoped3A = tpu.sem_alloc : memref<!tpu.dma_semaphore, #tpu.memory_space<semaphore_mem>>
        %dma_start3A_61 = arith.constant 0 : i32
        %dma_start3A_62 = tpu.memref_slice %arg7[%mul3A_34, %dma_start3A_61] : memref<80x64xi32, #tpu.memory_space<vmem>> -> memref<1x64xi32, #tpu.memory_space<vmem>>
        %dma_start3A_63 = tpu.memref_squeeze %dma_start3A_62 : memref<1x64xi32, #tpu.memory_space<vmem>> -> memref<64xi32, #tpu.memory_space<vmem>>
        %dma_start3A_64 = arith.constant 0 : i32
        %dma_start3A_65 = arith.constant 0 : i32
        %dma_start3A_66 = tpu.memref_slice %arg10[%dma_start3A_64, %dma_start3A_65] : memref<10240x144xf32, #tpu.memory_space<vmem_shared>> -> memref<10240x144xf32, #tpu.memory_space<vmem_shared>>
        tpu.enqueue_indirect_dma source(%arg8 : memref<64x144xf32, #tpu.memory_space<vmem>>) target(%dma_start3A_66 : memref<10240x144xf32, #tpu.memory_space<vmem_shared>>) offsets(%dma_start3A_63 : memref<64xi32, #tpu.memory_space<vmem>>) semaphore(%run_scoped3A : memref<!tpu.dma_semaphore, #tpu.memory_space<semaphore_mem>>) {add = true}
        %dma_wait3A_67 = arith.constant 0 : i32
        %dma_wait3A_68 = tpu.memref_slice %arg7[%mul3A_34, %dma_wait3A_67] : memref<80x64xi32, #tpu.memory_space<vmem>> -> memref<1x64xi32, #tpu.memory_space<vmem>>
        %dma_wait3A_69 = tpu.memref_squeeze %dma_wait3A_68 : memref<1x64xi32, #tpu.memory_space<vmem>> -> memref<64xi32, #tpu.memory_space<vmem>>
        %dma_wait3A_70 = arith.constant 0 : i32
        %dma_wait3A_71 = arith.constant 0 : i32
        %dma_wait3A_72 = tpu.memref_slice %arg10[%dma_wait3A_70, %dma_wait3A_71] : memref<10240x144xf32, #tpu.memory_space<vmem_shared>> -> memref<10240x144xf32, #tpu.memory_space<vmem_shared>>
        tpu.wait_indirect_dma semaphore(%run_scoped3A : memref<!tpu.dma_semaphore, #tpu.memory_space<semaphore_mem>>) src(%arg8 : memref<64x144xf32, #tpu.memory_space<vmem>>) dst(%dma_wait3A_72 : memref<10240x144xf32, #tpu.memory_space<vmem_shared>>)
        tpu.yield
      }) : () -> ()
      %lt3A = arith.constant 39 : i32
      %lt3A_48 = arith.cmpi slt, %scan3A_31, %lt3A : i32
      %convert_element_type3A = arith.extui %lt3A_48 : i1 to i32
      %cond3A = arith.constant 0 : i32
      %cond3A_49 = arith.cmpi ne, %convert_element_type3A, %cond3A : i32
      scf.if %cond3A_49 {
        %add3A_61 = arith.constant 2 : i32
        %add3A_62 = arith.addi %mul3A_34, %add3A_61 : i32
        %dma_start3A_63 = arith.constant 0 : i32
        %dma_start3A_64 = tpu.memref_slice %arg6[%add3A_62, %dma_start3A_63] : memref<80x64xi32, #tpu.memory_space<vmem>> -> memref<1x64xi32, #tpu.memory_space<vmem>>
        %dma_start3A_65 = tpu.memref_squeeze %dma_start3A_64 : memref<1x64xi32, #tpu.memory_space<vmem>> -> memref<64xi32, #tpu.memory_space<vmem>>
        %dma_start3A_66 = arith.constant 0 : i32
        %dma_start3A_67 = arith.constant 0 : i32
        %dma_start3A_68 = tpu.memref_slice %arg2[%dma_start3A_66, %dma_start3A_67] : memref<10240x144xf32, #tpu.memory_space<hbm>> -> memref<10240x144xf32, #tpu.memory_space<hbm>>
        tpu.enqueue_indirect_dma source(%dma_start3A_68 : memref<10240x144xf32, #tpu.memory_space<hbm>>) target(%arg8 : memref<64x144xf32, #tpu.memory_space<vmem>>) offsets(%dma_start3A_65 : memref<64xi32, #tpu.memory_space<vmem>>) semaphore(%arg11 : memref<!tpu.dma_semaphore, #tpu.memory_space<semaphore_mem>>)
      } else {
      }
      %add3A_50 = arith.constant 1 : i32
      %add3A_51 = arith.addi %mul3A_34, %add3A_50 : i32
      %dma_wait3A_52 = arith.constant 0 : i32
      %dma_wait3A_53 = tpu.memref_slice %arg6[%add3A_51, %dma_wait3A_52] : memref<80x64xi32, #tpu.memory_space<vmem>> -> memref<1x64xi32, #tpu.memory_space<vmem>>
      %dma_wait3A_54 = tpu.memref_squeeze %dma_wait3A_53 : memref<1x64xi32, #tpu.memory_space<vmem>> -> memref<64xi32, #tpu.memory_space<vmem>>
      %dma_wait3A_55 = arith.constant 0 : i32
      %dma_wait3A_56 = arith.constant 0 : i32
      %dma_wait3A_57 = tpu.memref_slice %arg2[%dma_wait3A_55, %dma_wait3A_56] : memref<10240x144xf32, #tpu.memory_space<hbm>> -> memref<10240x144xf32, #tpu.memory_space<hbm>>
      tpu.wait_indirect_dma semaphore(%arg12 : memref<!tpu.dma_semaphore, #tpu.memory_space<semaphore_mem>>) src(%dma_wait3A_57 : memref<10240x144xf32, #tpu.memory_space<hbm>>) dst(%arg9 : memref<64x144xf32, #tpu.memory_space<vmem>>)
      %add3A_58 = arith.constant 1 : i32
      %add3A_59 = arith.addi %mul3A_34, %add3A_58 : i32
      "tpu.region"() ({
        %run_scoped3A = tpu.sem_alloc : memref<!tpu.dma_semaphore, #tpu.memory_space<semaphore_mem>>
        %dma_start3A_61 = arith.constant 0 : i32
        %dma_start3A_62 = tpu.memref_slice %arg7[%add3A_59, %dma_start3A_61] : memref<80x64xi32, #tpu.memory_space<vmem>> -> memref<1x64xi32, #tpu.memory_space<vmem>>
        %dma_start3A_63 = tpu.memref_squeeze %dma_start3A_62 : memref<1x64xi32, #tpu.memory_space<vmem>> -> memref<64xi32, #tpu.memory_space<vmem>>
        %dma_start3A_64 = arith.constant 0 : i32
        %dma_start3A_65 = arith.constant 0 : i32
        %dma_start3A_66 = tpu.memref_slice %arg10[%dma_start3A_64, %dma_start3A_65] : memref<10240x144xf32, #tpu.memory_space<vmem_shared>> -> memref<10240x144xf32, #tpu.memory_space<vmem_shared>>
        tpu.enqueue_indirect_dma source(%arg9 : memref<64x144xf32, #tpu.memory_space<vmem>>) target(%dma_start3A_66 : memref<10240x144xf32, #tpu.memory_space<vmem_shared>>) offsets(%dma_start3A_63 : memref<64xi32, #tpu.memory_space<vmem>>) semaphore(%run_scoped3A : memref<!tpu.dma_semaphore, #tpu.memory_space<semaphore_mem>>) {add = true}
        %dma_wait3A_67 = arith.constant 0 : i32
        %dma_wait3A_68 = tpu.memref_slice %arg7[%add3A_59, %dma_wait3A_67] : memref<80x64xi32, #tpu.memory_space<vmem>> -> memref<1x64xi32, #tpu.memory_space<vmem>>
        %dma_wait3A_69 = tpu.memref_squeeze %dma_wait3A_68 : memref<1x64xi32, #tpu.memory_space<vmem>> -> memref<64xi32, #tpu.memory_space<vmem>>
        %dma_wait3A_70 = arith.constant 0 : i32
        %dma_wait3A_71 = arith.constant 0 : i32
        %dma_wait3A_72 = tpu.memref_slice %arg10[%dma_wait3A_70, %dma_wait3A_71] : memref<10240x144xf32, #tpu.memory_space<vmem_shared>> -> memref<10240x144xf32, #tpu.memory_space<vmem_shared>>
        tpu.wait_indirect_dma semaphore(%run_scoped3A : memref<!tpu.dma_semaphore, #tpu.memory_space<semaphore_mem>>) src(%arg9 : memref<64x144xf32, #tpu.memory_space<vmem>>) dst(%dma_wait3A_72 : memref<10240x144xf32, #tpu.memory_space<vmem_shared>>)
        tpu.yield
      }) : () -> ()
      %scan3A_60 = arith.constant 0 : i32
      scf.yield %scan3A_60 : i32
    }
    %scan3A_29 = arith.constant 40 : i32
    %barrier3A_30 = arith.constant 0 : index
    tpu.barrier barrier_id(%barrier3A_30)
    "tpu.region"() ({
      %run_scoped3A = tpu.sem_alloc : memref<!tpu.dma_semaphore, #tpu.memory_space<semaphore_mem>>
      %dma_start3A_31 = arith.constant 0 : i32
      %dma_start3A_32 = tpu.memref_slice %arg5[%arg0, %mul3A_2, %dma_start3A_31] : memref<2x10240x144xf32, #tpu.memory_space<hbm>> -> memref<1x640x144xf32, #tpu.memory_space<hbm>>
      %dma_start3A_33 = tpu.memref_squeeze %dma_start3A_32 : memref<1x640x144xf32, #tpu.memory_space<hbm>> -> memref<640x144xf32, #tpu.memory_space<hbm>>
      %dma_start3A_34 = arith.constant 0 : i32
      %dma_start3A_35 = tpu.memref_slice %arg10[%mul3A_2, %dma_start3A_34] : memref<10240x144xf32, #tpu.memory_space<vmem_shared>> -> memref<640x144xf32, #tpu.memory_space<vmem_shared>>
      tpu.enqueue_dma source(%dma_start3A_35 : memref<640x144xf32, #tpu.memory_space<vmem_shared>>) target(%dma_start3A_33 : memref<640x144xf32, #tpu.memory_space<hbm>>) target_semaphore(%run_scoped3A : memref<!tpu.dma_semaphore, #tpu.memory_space<semaphore_mem>>)
      %dma_wait3A = arith.constant 0 : i32
      %dma_wait3A_36 = tpu.memref_slice %arg5[%arg0, %mul3A_2, %dma_wait3A] : memref<2x10240x144xf32, #tpu.memory_space<hbm>> -> memref<1x640x144xf32, #tpu.memory_space<hbm>>
      %dma_wait3A_37 = tpu.memref_squeeze %dma_wait3A_36 : memref<1x640x144xf32, #tpu.memory_space<hbm>> -> memref<640x144xf32, #tpu.memory_space<hbm>>
      %dma_wait3A_38 = arith.constant 0 : i32
      %dma_wait3A_39 = tpu.memref_slice %arg10[%mul3A_2, %dma_wait3A_38] : memref<10240x144xf32, #tpu.memory_space<vmem_shared>> -> memref<640x144xf32, #tpu.memory_space<vmem_shared>>
      tpu.wait_dma2 semaphore(%run_scoped3A : memref<!tpu.dma_semaphore, #tpu.memory_space<semaphore_mem>>) src(%dma_wait3A_39 : memref<640x144xf32, #tpu.memory_space<vmem_shared>>) dst(%dma_wait3A_37 : memref<640x144xf32, #tpu.memory_space<hbm>>)
      tpu.yield
    }) : () -> ()
    return
  }
}

#map = affine_map<(d0, d1) -> (0, 0)>
#map1 = affine_map<(d0, d1) -> (0, 0, 0)>
module attributes {stable_mosaic.version = 14 : i64} {
  func.func @_segsum_kernel(%arg0: i32, %arg1: i32, %arg2: memref<10240x144xf32, #tpu.memory_space<hbm>>, %arg3: memref<32x80x64xi32, #tpu.memory_space<hbm>>, %arg4: memref<32x80x64xi32, #tpu.memory_space<hbm>>, %arg5: memref<2x10240x144xf32, #tpu.memory_space<hbm>>, %arg6: memref<80x64xi32, #tpu.memory_space<vmem>>, %arg7: memref<80x64xi32, #tpu.memory_space<vmem>>, %arg8: memref<64x144xf32, #tpu.memory_space<vmem>>, %arg9: memref<64x144xf32, #tpu.memory_space<vmem>>, %arg10: memref<10240x144xf32, #tpu.memory_space<vmem_shared>>, %arg11: memref<!tpu.dma_semaphore, #tpu.memory_space<semaphore_mem>>, %arg12: memref<!tpu.dma_semaphore, #tpu.memory_space<semaphore_mem>>) attributes {dimension_semantics = [#tpu.dimension_semantics<core_parallel>, #tpu.dimension_semantics<subcore_parallel>], iteration_bounds = array<i64: 2, 16>, scalar_prefetch = 0 : i64, scratch_operands = 7 : i64, tpu.core_type = #tpu.core_type<sc_vector_subcore>, window_params = [{transform_indices = #map}, {transform_indices = #map1}, {transform_indices = #map1}, {transform_indices = #map1}]} {
    %mul3A = arith.constant 2 : i32
    %mul3A_0 = arith.muli %arg1, %mul3A : i32
    %add3A = arith.addi %mul3A_0, %arg0 : i32
    %mul3A_1 = arith.constant 640 : i32
    %mul3A_2 = arith.muli %arg1, %mul3A_1 : i32
    %broadcast_in_dim3A = arith.constant 0.000000e+00 : f32
    %broadcast_in_dim3A_3 = vector.broadcast %broadcast_in_dim3A : f32 to vector<16xf32>
    %scan3A = arith.constant 0 : i32
    %scan3A_4 = arith.constant 0 : i32
    %scan3A_5 = arith.constant 64 : i32
    %scan3A_6 = arith.addi %scan3A_4, %scan3A_5 : i32
    %scan3A_7 = arith.constant 1 : i32
    %scan3A_8 = scf.for %scan3A_31 = %scan3A_4 to %scan3A_6 step %scan3A_7 iter_args(%scan3A_32 = %scan3A) -> (i32)  : i32 {
      %scan3A_33 = arith.constant 0 : i32
      %scan3A_34 = arith.constant 0 : i32
      %scan3A_35 = arith.constant 9 : i32
      %scan3A_36 = arith.addi %scan3A_34, %scan3A_35 : i32
      %scan3A_37 = arith.constant 1 : i32
      %scan3A_38 = scf.for %scan3A_40 = %scan3A_34 to %scan3A_36 step %scan3A_37 iter_args(%scan3A_41 = %scan3A_33) -> (i32)  : i32 {
        %mul3A_42 = arith.constant 16 : i32
        %mul3A_43 = arith.muli %scan3A_40, %mul3A_42 : i32
        %swap3A = arith.index_cast %scan3A_31 : i32 to index
        %swap3A_44 = arith.index_cast %mul3A_43 : i32 to index
        %swap3A_45 = tpu.vector_load %arg8[%swap3A, %swap3A_44] {strides = array<i32>} : memref<64x144xf32, #tpu.memory_space<vmem>>, vector<1x16xf32>,
        %swap3A_46 = vector.shape_cast %swap3A_45 : vector<1x16xf32> to vector<16xf32>
        %swap3A_47 = vector.shape_cast %broadcast_in_dim3A_3 : vector<16xf32> to vector<1x16xf32>
        tpu.vector_store %arg8[%swap3A, %swap3A_44], %swap3A_47 {strides = array<i32>} : memref<64x144xf32, #tpu.memory_space<vmem>>, vector<1x16xf32>,
        %scan3A_48 = arith.constant 0 : i32
        scf.yield %scan3A_48 : i32
      }
      %scan3A_39 = arith.constant 9 : i32
      scf.yield %scan3A_38 : i32
    }
    %scan3A_9 = arith.constant 64 : i32
    %scan3A_10 = arith.constant 0 : i32
    %scan3A_11 = arith.constant 0 : i32
    %scan3A_12 = arith.constant 10 : i32
    %scan3A_13 = arith.addi %scan3A_11, %scan3A_12 : i32
    %scan3A_14 = arith.constant 1 : i32
    %scan3A_15 = scf.for %scan3A_31 = %scan3A_11 to %scan3A_13 step %scan3A_14 iter_args(%scan3A_32 = %scan3A_10) -> (i32)  : i32 {
      %mul3A_33 = arith.constant 64 : i32
      %mul3A_34 = arith.muli %scan3A_31, %mul3A_33 : i32
      %add3A_35 = arith.addi %mul3A_2, %mul3A_34 : i32
      "tpu.region"() ({
        %run_scoped3A = tpu.sem_alloc : memref<!tpu.dma_semaphore, #tpu.memory_space<semaphore_mem>>
        %dma_start3A_37 = arith.constant 0 : i32
        %dma_start3A_38 = tpu.memref_slice %arg10[%add3A_35, %dma_start3A_37] : memref<10240x144xf32, #tpu.memory_space<vmem_shared>> -> memref<64x144xf32, #tpu.memory_space<vmem_shared>>
        %dma_start3A_39 = arith.constant 0 : i32
        %dma_start3A_40 = tpu.memref_slice %arg10[%add3A_35, %dma_start3A_39] : memref<10240x144xf32, #tpu.memory_space<vmem_shared>> -> memref<64x144xf32, #tpu.memory_space<vmem_shared>>
        tpu.enqueue_dma source(%arg8 : memref<64x144xf32, #tpu.memory_space<vmem>>) target(%dma_start3A_40 : memref<64x144xf32, #tpu.memory_space<vmem_shared>>) target_semaphore(%run_scoped3A : memref<!tpu.dma_semaphore, #tpu.memory_space<semaphore_mem>>)
        %dma_wait3A = arith.constant 0 : i32
        %dma_wait3A_41 = tpu.memref_slice %arg10[%add3A_35, %dma_wait3A] : memref<10240x144xf32, #tpu.memory_space<vmem_shared>> -> memref<64x144xf32, #tpu.memory_space<vmem_shared>>
        %dma_wait3A_42 = arith.constant 0 : i32
        %dma_wait3A_43 = tpu.memref_slice %arg10[%add3A_35, %dma_wait3A_42] : memref<10240x144xf32, #tpu.memory_space<vmem_shared>> -> memref<64x144xf32, #tpu.memory_space<vmem_shared>>
        tpu.wait_dma2 semaphore(%run_scoped3A : memref<!tpu.dma_semaphore, #tpu.memory_space<semaphore_mem>>) src(%arg8 : memref<64x144xf32, #tpu.memory_space<vmem>>) dst(%dma_wait3A_43 : memref<64x144xf32, #tpu.memory_space<vmem_shared>>)
        tpu.yield
      }) : () -> ()
      %scan3A_36 = arith.constant 0 : i32
      scf.yield %scan3A_36 : i32
    }
    %scan3A_16 = arith.constant 10 : i32
    "tpu.region"() ({
      %run_scoped3A = tpu.sem_alloc : memref<!tpu.dma_semaphore, #tpu.memory_space<semaphore_mem>>
      %dma_start3A_31 = arith.constant 0 : i32
      %dma_start3A_32 = arith.constant 0 : i32
      %dma_start3A_33 = tpu.memref_slice %arg3[%add3A, %dma_start3A_31, %dma_start3A_32] : memref<32x80x64xi32, #tpu.memory_space<hbm>> -> memref<1x80x64xi32, #tpu.memory_space<hbm>>
      %dma_start3A_34 = tpu.memref_squeeze %dma_start3A_33 : memref<1x80x64xi32, #tpu.memory_space<hbm>> -> memref<80x64xi32, #tpu.memory_space<hbm>>
      %dma_start3A_35 = arith.constant 0 : i32
      %dma_start3A_36 = arith.constant 0 : i32
      %dma_start3A_37 = tpu.memref_slice %arg3[%add3A, %dma_start3A_35, %dma_start3A_36] : memref<32x80x64xi32, #tpu.memory_space<hbm>> -> memref<1x80x64xi32, #tpu.memory_space<hbm>>
      %dma_start3A_38 = tpu.memref_squeeze %dma_start3A_37 : memref<1x80x64xi32, #tpu.memory_space<hbm>> -> memref<80x64xi32, #tpu.memory_space<hbm>>
      tpu.enqueue_dma source(%dma_start3A_38 : memref<80x64xi32, #tpu.memory_space<hbm>>) target(%arg6 : memref<80x64xi32, #tpu.memory_space<vmem>>) target_semaphore(%run_scoped3A : memref<!tpu.dma_semaphore, #tpu.memory_space<semaphore_mem>>)
      %dma_wait3A = arith.constant 0 : i32
      %dma_wait3A_39 = arith.constant 0 : i32
      %dma_wait3A_40 = tpu.memref_slice %arg3[%add3A, %dma_wait3A, %dma_wait3A_39] : memref<32x80x64xi32, #tpu.memory_space<hbm>> -> memref<1x80x64xi32, #tpu.memory_space<hbm>>
      %dma_wait3A_41 = tpu.memref_squeeze %dma_wait3A_40 : memref<1x80x64xi32, #tpu.memory_space<hbm>> -> memref<80x64xi32, #tpu.memory_space<hbm>>
      %dma_wait3A_42 = arith.constant 0 : i32
      %dma_wait3A_43 = arith.constant 0 : i32
      %dma_wait3A_44 = tpu.memref_slice %arg3[%add3A, %dma_wait3A_42, %dma_wait3A_43] : memref<32x80x64xi32, #tpu.memory_space<hbm>> -> memref<1x80x64xi32, #tpu.memory_space<hbm>>
      %dma_wait3A_45 = tpu.memref_squeeze %dma_wait3A_44 : memref<1x80x64xi32, #tpu.memory_space<hbm>> -> memref<80x64xi32, #tpu.memory_space<hbm>>
      tpu.wait_dma2 semaphore(%run_scoped3A : memref<!tpu.dma_semaphore, #tpu.memory_space<semaphore_mem>>) src(%dma_wait3A_45 : memref<80x64xi32, #tpu.memory_space<hbm>>) dst(%arg6 : memref<80x64xi32, #tpu.memory_space<vmem>>)
      tpu.yield
    }) : () -> ()
    "tpu.region"() ({
      %run_scoped3A = tpu.sem_alloc : memref<!tpu.dma_semaphore, #tpu.memory_space<semaphore_mem>>
      %dma_start3A_31 = arith.constant 0 : i32
      %dma_start3A_32 = arith.constant 0 : i32
      %dma_start3A_33 = tpu.memref_slice %arg4[%add3A, %dma_start3A_31, %dma_start3A_32] : memref<32x80x64xi32, #tpu.memory_space<hbm>> -> memref<1x80x64xi32, #tpu.memory_space<hbm>>
      %dma_start3A_34 = tpu.memref_squeeze %dma_start3A_33 : memref<1x80x64xi32, #tpu.memory_space<hbm>> -> memref<80x64xi32, #tpu.memory_space<hbm>>
      %dma_start3A_35 = arith.constant 0 : i32
      %dma_start3A_36 = arith.constant 0 : i32
      %dma_start3A_37 = tpu.memref_slice %arg4[%add3A, %dma_start3A_35, %dma_start3A_36] : memref<32x80x64xi32, #tpu.memory_space<hbm>> -> memref<1x80x64xi32, #tpu.memory_space<hbm>>
      %dma_start3A_38 = tpu.memref_squeeze %dma_start3A_37 : memref<1x80x64xi32, #tpu.memory_space<hbm>> -> memref<80x64xi32, #tpu.memory_space<hbm>>
      tpu.enqueue_dma source(%dma_start3A_38 : memref<80x64xi32, #tpu.memory_space<hbm>>) target(%arg7 : memref<80x64xi32, #tpu.memory_space<vmem>>) target_semaphore(%run_scoped3A : memref<!tpu.dma_semaphore, #tpu.memory_space<semaphore_mem>>)
      %dma_wait3A = arith.constant 0 : i32
      %dma_wait3A_39 = arith.constant 0 : i32
      %dma_wait3A_40 = tpu.memref_slice %arg4[%add3A, %dma_wait3A, %dma_wait3A_39] : memref<32x80x64xi32, #tpu.memory_space<hbm>> -> memref<1x80x64xi32, #tpu.memory_space<hbm>>
      %dma_wait3A_41 = tpu.memref_squeeze %dma_wait3A_40 : memref<1x80x64xi32, #tpu.memory_space<hbm>> -> memref<80x64xi32, #tpu.memory_space<hbm>>
      %dma_wait3A_42 = arith.constant 0 : i32
      %dma_wait3A_43 = arith.constant 0 : i32
      %dma_wait3A_44 = tpu.memref_slice %arg4[%add3A, %dma_wait3A_42, %dma_wait3A_43] : memref<32x80x64xi32, #tpu.memory_space<hbm>> -> memref<1x80x64xi32, #tpu.memory_space<hbm>>
      %dma_wait3A_45 = tpu.memref_squeeze %dma_wait3A_44 : memref<1x80x64xi32, #tpu.memory_space<hbm>> -> memref<80x64xi32, #tpu.memory_space<hbm>>
      tpu.wait_dma2 semaphore(%run_scoped3A : memref<!tpu.dma_semaphore, #tpu.memory_space<semaphore_mem>>) src(%dma_wait3A_45 : memref<80x64xi32, #tpu.memory_space<hbm>>) dst(%arg7 : memref<80x64xi32, #tpu.memory_space<vmem>>)
      tpu.yield
    }) : () -> ()
    %barrier3A = arith.constant 0 : index
    tpu.barrier barrier_id(%barrier3A)
    %dma_start3A = arith.constant 0 : i32
    %dma_start3A_17 = arith.constant 0 : i32
    %dma_start3A_18 = tpu.memref_slice %arg6[%dma_start3A, %dma_start3A_17] : memref<80x64xi32, #tpu.memory_space<vmem>> -> memref<1x64xi32, #tpu.memory_space<vmem>>
    %dma_start3A_19 = tpu.memref_squeeze %dma_start3A_18 : memref<1x64xi32, #tpu.memory_space<vmem>> -> memref<64xi32, #tpu.memory_space<vmem>>
    %dma_start3A_20 = arith.constant 0 : i32
    %dma_start3A_21 = arith.constant 0 : i32
    %dma_start3A_22 = tpu.memref_slice %arg2[%dma_start3A_20, %dma_start3A_21] : memref<10240x144xf32, #tpu.memory_space<hbm>> -> memref<10240x144xf32, #tpu.memory_space<hbm>>
    tpu.enqueue_indirect_dma source(%dma_start3A_22 : memref<10240x144xf32, #tpu.memory_space<hbm>>) target(%arg8 : memref<64x144xf32, #tpu.memory_space<vmem>>) offsets(%dma_start3A_19 : memref<64xi32, #tpu.memory_space<vmem>>) semaphore(%arg11 : memref<!tpu.dma_semaphore, #tpu.memory_space<semaphore_mem>>)
    %scan3A_23 = arith.constant 0 : i32
    %scan3A_24 = arith.constant 0 : i32
    %scan3A_25 = arith.constant 40 : i32
    %scan3A_26 = arith.addi %scan3A_24, %scan3A_25 : i32
    %scan3A_27 = arith.constant 1 : i32
    %scan3A_28 = scf.for %scan3A_31 = %scan3A_24 to %scan3A_26 step %scan3A_27 iter_args(%scan3A_32 = %scan3A_23) -> (i32)  : i32 {
      %mul3A_33 = arith.constant 2 : i32
      %mul3A_34 = arith.muli %mul3A_33, %scan3A_31 : i32
      %add3A_35 = arith.constant 1 : i32
      %add3A_36 = arith.addi %mul3A_34, %add3A_35 : i32
      %dma_start3A_37 = arith.constant 0 : i32
      %dma_start3A_38 = tpu.memref_slice %arg6[%add3A_36, %dma_start3A_37] : memref<80x64xi32, #tpu.memory_space<vmem>> -> memref<1x64xi32, #tpu.memory_space<vmem>>
      %dma_start3A_39 = tpu.memref_squeeze %dma_start3A_38 : memref<1x64xi32, #tpu.memory_space<vmem>> -> memref<64xi32, #tpu.memory_space<vmem>>
      %dma_start3A_40 = arith.constant 0 : i32
      %dma_start3A_41 = arith.constant 0 : i32
      %dma_start3A_42 = tpu.memref_slice %arg2[%dma_start3A_40, %dma_start3A_41] : memref<10240x144xf32, #tpu.memory_space<hbm>> -> memref<10240x144xf32, #tpu.memory_space<hbm>>
      tpu.enqueue_indirect_dma source(%dma_start3A_42 : memref<10240x144xf32, #tpu.memory_space<hbm>>) target(%arg9 : memref<64x144xf32, #tpu.memory_space<vmem>>) offsets(%dma_start3A_39 : memref<64xi32, #tpu.memory_space<vmem>>) semaphore(%arg12 : memref<!tpu.dma_semaphore, #tpu.memory_space<semaphore_mem>>)
      %dma_wait3A = arith.constant 0 : i32
      %dma_wait3A_43 = tpu.memref_slice %arg6[%mul3A_34, %dma_wait3A] : memref<80x64xi32, #tpu.memory_space<vmem>> -> memref<1x64xi32, #tpu.memory_space<vmem>>
      %dma_wait3A_44 = tpu.memref_squeeze %dma_wait3A_43 : memref<1x64xi32, #tpu.memory_space<vmem>> -> memref<64xi32, #tpu.memory_space<vmem>>
      %dma_wait3A_45 = arith.constant 0 : i32
      %dma_wait3A_46 = arith.constant 0 : i32
      %dma_wait3A_47 = tpu.memref_slice %arg2[%dma_wait3A_45, %dma_wait3A_46] : memref<10240x144xf32, #tpu.memory_space<hbm>> -> memref<10240x144xf32, #tpu.memory_space<hbm>>
      tpu.wait_indirect_dma semaphore(%arg11 : memref<!tpu.dma_semaphore, #tpu.memory_space<semaphore_mem>>) src(%dma_wait3A_47 : memref<10240x144xf32, #tpu.memory_space<hbm>>) dst(%arg8 : memref<64x144xf32, #tpu.memory_space<vmem>>)
      "tpu.region"() ({
        %run_scoped3A = tpu.sem_alloc : memref<!tpu.dma_semaphore, #tpu.memory_space<semaphore_mem>>
        %dma_start3A_61 = arith.constant 0 : i32
        %dma_start3A_62 = tpu.memref_slice %arg7[%mul3A_34, %dma_start3A_61] : memref<80x64xi32, #tpu.memory_space<vmem>> -> memref<1x64xi32, #tpu.memory_space<vmem>>
        %dma_start3A_63 = tpu.memref_squeeze %dma_start3A_62 : memref<1x64xi32, #tpu.memory_space<vmem>> -> memref<64xi32, #tpu.memory_space<vmem>>
        %dma_start3A_64 = arith.constant 0 : i32
        %dma_start3A_65 = arith.constant 0 : i32
        %dma_start3A_66 = tpu.memref_slice %arg10[%dma_start3A_64, %dma_start3A_65] : memref<10240x144xf32, #tpu.memory_space<vmem_shared>> -> memref<10240x144xf32, #tpu.memory_space<vmem_shared>>
        tpu.enqueue_indirect_dma source(%arg8 : memref<64x144xf32, #tpu.memory_space<vmem>>) target(%dma_start3A_66 : memref<10240x144xf32, #tpu.memory_space<vmem_shared>>) offsets(%dma_start3A_63 : memref<64xi32, #tpu.memory_space<vmem>>) semaphore(%run_scoped3A : memref<!tpu.dma_semaphore, #tpu.memory_space<semaphore_mem>>) {add = true}
        %dma_wait3A_67 = arith.constant 0 : i32
        %dma_wait3A_68 = tpu.memref_slice %arg7[%mul3A_34, %dma_wait3A_67] : memref<80x64xi32, #tpu.memory_space<vmem>> -> memref<1x64xi32, #tpu.memory_space<vmem>>
        %dma_wait3A_69 = tpu.memref_squeeze %dma_wait3A_68 : memref<1x64xi32, #tpu.memory_space<vmem>> -> memref<64xi32, #tpu.memory_space<vmem>>
        %dma_wait3A_70 = arith.constant 0 : i32
        %dma_wait3A_71 = arith.constant 0 : i32
        %dma_wait3A_72 = tpu.memref_slice %arg10[%dma_wait3A_70, %dma_wait3A_71] : memref<10240x144xf32, #tpu.memory_space<vmem_shared>> -> memref<10240x144xf32, #tpu.memory_space<vmem_shared>>
        tpu.wait_indirect_dma semaphore(%run_scoped3A : memref<!tpu.dma_semaphore, #tpu.memory_space<semaphore_mem>>) src(%arg8 : memref<64x144xf32, #tpu.memory_space<vmem>>) dst(%dma_wait3A_72 : memref<10240x144xf32, #tpu.memory_space<vmem_shared>>)
        tpu.yield
      }) : () -> ()
      %lt3A = arith.constant 39 : i32
      %lt3A_48 = arith.cmpi slt, %scan3A_31, %lt3A : i32
      %convert_element_type3A = arith.extui %lt3A_48 : i1 to i32
      %cond3A = arith.constant 0 : i32
      %cond3A_49 = arith.cmpi ne, %convert_element_type3A, %cond3A : i32
      scf.if %cond3A_49 {
        %add3A_61 = arith.constant 2 : i32
        %add3A_62 = arith.addi %mul3A_34, %add3A_61 : i32
        %dma_start3A_63 = arith.constant 0 : i32
        %dma_start3A_64 = tpu.memref_slice %arg6[%add3A_62, %dma_start3A_63] : memref<80x64xi32, #tpu.memory_space<vmem>> -> memref<1x64xi32, #tpu.memory_space<vmem>>
        %dma_start3A_65 = tpu.memref_squeeze %dma_start3A_64 : memref<1x64xi32, #tpu.memory_space<vmem>> -> memref<64xi32, #tpu.memory_space<vmem>>
        %dma_start3A_66 = arith.constant 0 : i32
        %dma_start3A_67 = arith.constant 0 : i32
        %dma_start3A_68 = tpu.memref_slice %arg2[%dma_start3A_66, %dma_start3A_67] : memref<10240x144xf32, #tpu.memory_space<hbm>> -> memref<10240x144xf32, #tpu.memory_space<hbm>>
        tpu.enqueue_indirect_dma source(%dma_start3A_68 : memref<10240x144xf32, #tpu.memory_space<hbm>>) target(%arg8 : memref<64x144xf32, #tpu.memory_space<vmem>>) offsets(%dma_start3A_65 : memref<64xi32, #tpu.memory_space<vmem>>) semaphore(%arg11 : memref<!tpu.dma_semaphore, #tpu.memory_space<semaphore_mem>>)
      } else {
      }
      %add3A_50 = arith.constant 1 : i32
      %add3A_51 = arith.addi %mul3A_34, %add3A_50 : i32
      %dma_wait3A_52 = arith.constant 0 : i32
      %dma_wait3A_53 = tpu.memref_slice %arg6[%add3A_51, %dma_wait3A_52] : memref<80x64xi32, #tpu.memory_space<vmem>> -> memref<1x64xi32, #tpu.memory_space<vmem>>
      %dma_wait3A_54 = tpu.memref_squeeze %dma_wait3A_53 : memref<1x64xi32, #tpu.memory_space<vmem>> -> memref<64xi32, #tpu.memory_space<vmem>>
      %dma_wait3A_55 = arith.constant 0 : i32
      %dma_wait3A_56 = arith.constant 0 : i32
      %dma_wait3A_57 = tpu.memref_slice %arg2[%dma_wait3A_55, %dma_wait3A_56] : memref<10240x144xf32, #tpu.memory_space<hbm>> -> memref<10240x144xf32, #tpu.memory_space<hbm>>
      tpu.wait_indirect_dma semaphore(%arg12 : memref<!tpu.dma_semaphore, #tpu.memory_space<semaphore_mem>>) src(%dma_wait3A_57 : memref<10240x144xf32, #tpu.memory_space<hbm>>) dst(%arg9 : memref<64x144xf32, #tpu.memory_space<vmem>>)
      %add3A_58 = arith.constant 1 : i32
      %add3A_59 = arith.addi %mul3A_34, %add3A_58 : i32
      "tpu.region"() ({
        %run_scoped3A = tpu.sem_alloc : memref<!tpu.dma_semaphore, #tpu.memory_space<semaphore_mem>>
        %dma_start3A_61 = arith.constant 0 : i32
        %dma_start3A_62 = tpu.memref_slice %arg7[%add3A_59, %dma_start3A_61] : memref<80x64xi32, #tpu.memory_space<vmem>> -> memref<1x64xi32, #tpu.memory_space<vmem>>
        %dma_start3A_63 = tpu.memref_squeeze %dma_start3A_62 : memref<1x64xi32, #tpu.memory_space<vmem>> -> memref<64xi32, #tpu.memory_space<vmem>>
        %dma_start3A_64 = arith.constant 0 : i32
        %dma_start3A_65 = arith.constant 0 : i32
        %dma_start3A_66 = tpu.memref_slice %arg10[%dma_start3A_64, %dma_start3A_65] : memref<10240x144xf32, #tpu.memory_space<vmem_shared>> -> memref<10240x144xf32, #tpu.memory_space<vmem_shared>>
        tpu.enqueue_indirect_dma source(%arg9 : memref<64x144xf32, #tpu.memory_space<vmem>>) target(%dma_start3A_66 : memref<10240x144xf32, #tpu.memory_space<vmem_shared>>) offsets(%dma_start3A_63 : memref<64xi32, #tpu.memory_space<vmem>>) semaphore(%run_scoped3A : memref<!tpu.dma_semaphore, #tpu.memory_space<semaphore_mem>>) {add = true}
        %dma_wait3A_67 = arith.constant 0 : i32
        %dma_wait3A_68 = tpu.memref_slice %arg7[%add3A_59, %dma_wait3A_67] : memref<80x64xi32, #tpu.memory_space<vmem>> -> memref<1x64xi32, #tpu.memory_space<vmem>>
        %dma_wait3A_69 = tpu.memref_squeeze %dma_wait3A_68 : memref<1x64xi32, #tpu.memory_space<vmem>> -> memref<64xi32, #tpu.memory_space<vmem>>
        %dma_wait3A_70 = arith.constant 0 : i32
        %dma_wait3A_71 = arith.constant 0 : i32
        %dma_wait3A_72 = tpu.memref_slice %arg10[%dma_wait3A_70, %dma_wait3A_71] : memref<10240x144xf32, #tpu.memory_space<vmem_shared>> -> memref<10240x144xf32, #tpu.memory_space<vmem_shared>>
        tpu.wait_indirect_dma semaphore(%run_scoped3A : memref<!tpu.dma_semaphore, #tpu.memory_space<semaphore_mem>>) src(%arg9 : memref<64x144xf32, #tpu.memory_space<vmem>>) dst(%dma_wait3A_72 : memref<10240x144xf32, #tpu.memory_space<vmem_shared>>)
        tpu.yield
      }) : () -> ()
      %scan3A_60 = arith.constant 0 : i32
      scf.yield %scan3A_60 : i32
    }
    %scan3A_29 = arith.constant 40 : i32
    %barrier3A_30 = arith.constant 0 : index
    tpu.barrier barrier_id(%barrier3A_30)
    "tpu.region"() ({
      %run_scoped3A = tpu.sem_alloc : memref<!tpu.dma_semaphore, #tpu.memory_space<semaphore_mem>>
      %dma_start3A_31 = arith.constant 0 : i32
      %dma_start3A_32 = tpu.memref_slice %arg5[%arg0, %mul3A_2, %dma_start3A_31] : memref<2x10240x144xf32, #tpu.memory_space<hbm>> -> memref<1x640x144xf32, #tpu.memory_space<hbm>>
      %dma_start3A_33 = tpu.memref_squeeze %dma_start3A_32 : memref<1x640x144xf32, #tpu.memory_space<hbm>> -> memref<640x144xf32, #tpu.memory_space<hbm>>
      %dma_start3A_34 = arith.constant 0 : i32
      %dma_start3A_35 = tpu.memref_slice %arg10[%mul3A_2, %dma_start3A_34] : memref<10240x144xf32, #tpu.memory_space<vmem_shared>> -> memref<640x144xf32, #tpu.memory_space<vmem_shared>>
      tpu.enqueue_dma source(%dma_start3A_35 : memref<640x144xf32, #tpu.memory_space<vmem_shared>>) target(%dma_start3A_33 : memref<640x144xf32, #tpu.memory_space<hbm>>) target_semaphore(%run_scoped3A : memref<!tpu.dma_semaphore, #tpu.memory_space<semaphore_mem>>)
      %dma_wait3A = arith.constant 0 : i32
      %dma_wait3A_36 = tpu.memref_slice %arg5[%arg0, %mul3A_2, %dma_wait3A] : memref<2x10240x144xf32, #tpu.memory_space<hbm>> -> memref<1x640x144xf32, #tpu.memory_space<hbm>>
      %dma_wait3A_37 = tpu.memref_squeeze %dma_wait3A_36 : memref<1x640x144xf32, #tpu.memory_space<hbm>> -> memref<640x144xf32, #tpu.memory_space<hbm>>
      %dma_wait3A_38 = arith.constant 0 : i32
      %dma_wait3A_39 = tpu.memref_slice %arg10[%mul3A_2, %dma_wait3A_38] : memref<10240x144xf32, #tpu.memory_space<vmem_shared>> -> memref<640x144xf32, #tpu.memory_space<vmem_shared>>
      tpu.wait_dma2 semaphore(%run_scoped3A : memref<!tpu.dma_semaphore, #tpu.memory_space<semaphore_mem>>) src(%dma_wait3A_39 : memref<640x144xf32, #tpu.memory_space<vmem_shared>>) dst(%dma_wait3A_37 : memref<640x144xf32, #tpu.memory_space<hbm>>)
      tpu.yield
    }) : () -> ()
    return
  }
}

#map = affine_map<(d0, d1) -> (0, 0)>
#map1 = affine_map<(d0, d1) -> (0, 0, 0)>
module attributes {stable_mosaic.version = 14 : i64} {
  func.func @_segsum_kernel(%arg0: i32, %arg1: i32, %arg2: memref<10240x144xf32, #tpu.memory_space<hbm>>, %arg3: memref<32x80x64xi32, #tpu.memory_space<hbm>>, %arg4: memref<32x80x64xi32, #tpu.memory_space<hbm>>, %arg5: memref<2x10240x144xf32, #tpu.memory_space<hbm>>, %arg6: memref<80x64xi32, #tpu.memory_space<vmem>>, %arg7: memref<80x64xi32, #tpu.memory_space<vmem>>, %arg8: memref<64x144xf32, #tpu.memory_space<vmem>>, %arg9: memref<64x144xf32, #tpu.memory_space<vmem>>, %arg10: memref<10240x144xf32, #tpu.memory_space<vmem_shared>>, %arg11: memref<!tpu.dma_semaphore, #tpu.memory_space<semaphore_mem>>, %arg12: memref<!tpu.dma_semaphore, #tpu.memory_space<semaphore_mem>>) attributes {dimension_semantics = [#tpu.dimension_semantics<core_parallel>, #tpu.dimension_semantics<subcore_parallel>], iteration_bounds = array<i64: 2, 16>, scalar_prefetch = 0 : i64, scratch_operands = 7 : i64, tpu.core_type = #tpu.core_type<sc_vector_subcore>, window_params = [{transform_indices = #map}, {transform_indices = #map1}, {transform_indices = #map1}, {transform_indices = #map1}]} {
    %mul3A = arith.constant 2 : i32
    %mul3A_0 = arith.muli %arg1, %mul3A : i32
    %add3A = arith.addi %mul3A_0, %arg0 : i32
    %mul3A_1 = arith.constant 640 : i32
    %mul3A_2 = arith.muli %arg1, %mul3A_1 : i32
    %broadcast_in_dim3A = arith.constant 0.000000e+00 : f32
    %broadcast_in_dim3A_3 = vector.broadcast %broadcast_in_dim3A : f32 to vector<16xf32>
    %scan3A = arith.constant 0 : i32
    %scan3A_4 = arith.constant 0 : i32
    %scan3A_5 = arith.constant 64 : i32
    %scan3A_6 = arith.addi %scan3A_4, %scan3A_5 : i32
    %scan3A_7 = arith.constant 1 : i32
    %scan3A_8 = scf.for %scan3A_31 = %scan3A_4 to %scan3A_6 step %scan3A_7 iter_args(%scan3A_32 = %scan3A) -> (i32)  : i32 {
      %scan3A_33 = arith.constant 0 : i32
      %scan3A_34 = arith.constant 0 : i32
      %scan3A_35 = arith.constant 9 : i32
      %scan3A_36 = arith.addi %scan3A_34, %scan3A_35 : i32
      %scan3A_37 = arith.constant 1 : i32
      %scan3A_38 = scf.for %scan3A_40 = %scan3A_34 to %scan3A_36 step %scan3A_37 iter_args(%scan3A_41 = %scan3A_33) -> (i32)  : i32 {
        %mul3A_42 = arith.constant 16 : i32
        %mul3A_43 = arith.muli %scan3A_40, %mul3A_42 : i32
        %swap3A = arith.index_cast %scan3A_31 : i32 to index
        %swap3A_44 = arith.index_cast %mul3A_43 : i32 to index
        %swap3A_45 = tpu.vector_load %arg8[%swap3A, %swap3A_44] {strides = array<i32>} : memref<64x144xf32, #tpu.memory_space<vmem>>, vector<1x16xf32>,
        %swap3A_46 = vector.shape_cast %swap3A_45 : vector<1x16xf32> to vector<16xf32>
        %swap3A_47 = vector.shape_cast %broadcast_in_dim3A_3 : vector<16xf32> to vector<1x16xf32>
        tpu.vector_store %arg8[%swap3A, %swap3A_44], %swap3A_47 {strides = array<i32>} : memref<64x144xf32, #tpu.memory_space<vmem>>, vector<1x16xf32>,
        %scan3A_48 = arith.constant 0 : i32
        scf.yield %scan3A_48 : i32
      }
      %scan3A_39 = arith.constant 9 : i32
      scf.yield %scan3A_38 : i32
    }
    %scan3A_9 = arith.constant 64 : i32
    %scan3A_10 = arith.constant 0 : i32
    %scan3A_11 = arith.constant 0 : i32
    %scan3A_12 = arith.constant 10 : i32
    %scan3A_13 = arith.addi %scan3A_11, %scan3A_12 : i32
    %scan3A_14 = arith.constant 1 : i32
    %scan3A_15 = scf.for %scan3A_31 = %scan3A_11 to %scan3A_13 step %scan3A_14 iter_args(%scan3A_32 = %scan3A_10) -> (i32)  : i32 {
      %mul3A_33 = arith.constant 64 : i32
      %mul3A_34 = arith.muli %scan3A_31, %mul3A_33 : i32
      %add3A_35 = arith.addi %mul3A_2, %mul3A_34 : i32
      "tpu.region"() ({
        %run_scoped3A = tpu.sem_alloc : memref<!tpu.dma_semaphore, #tpu.memory_space<semaphore_mem>>
        %dma_start3A_37 = arith.constant 0 : i32
        %dma_start3A_38 = tpu.memref_slice %arg10[%add3A_35, %dma_start3A_37] : memref<10240x144xf32, #tpu.memory_space<vmem_shared>> -> memref<64x144xf32, #tpu.memory_space<vmem_shared>>
        %dma_start3A_39 = arith.constant 0 : i32
        %dma_start3A_40 = tpu.memref_slice %arg10[%add3A_35, %dma_start3A_39] : memref<10240x144xf32, #tpu.memory_space<vmem_shared>> -> memref<64x144xf32, #tpu.memory_space<vmem_shared>>
        tpu.enqueue_dma source(%arg8 : memref<64x144xf32, #tpu.memory_space<vmem>>) target(%dma_start3A_40 : memref<64x144xf32, #tpu.memory_space<vmem_shared>>) target_semaphore(%run_scoped3A : memref<!tpu.dma_semaphore, #tpu.memory_space<semaphore_mem>>)
        %dma_wait3A = arith.constant 0 : i32
        %dma_wait3A_41 = tpu.memref_slice %arg10[%add3A_35, %dma_wait3A] : memref<10240x144xf32, #tpu.memory_space<vmem_shared>> -> memref<64x144xf32, #tpu.memory_space<vmem_shared>>
        %dma_wait3A_42 = arith.constant 0 : i32
        %dma_wait3A_43 = tpu.memref_slice %arg10[%add3A_35, %dma_wait3A_42] : memref<10240x144xf32, #tpu.memory_space<vmem_shared>> -> memref<64x144xf32, #tpu.memory_space<vmem_shared>>
        tpu.wait_dma2 semaphore(%run_scoped3A : memref<!tpu.dma_semaphore, #tpu.memory_space<semaphore_mem>>) src(%arg8 : memref<64x144xf32, #tpu.memory_space<vmem>>) dst(%dma_wait3A_43 : memref<64x144xf32, #tpu.memory_space<vmem_shared>>)
        tpu.yield
      }) : () -> ()
      %scan3A_36 = arith.constant 0 : i32
      scf.yield %scan3A_36 : i32
    }
    %scan3A_16 = arith.constant 10 : i32
    "tpu.region"() ({
      %run_scoped3A = tpu.sem_alloc : memref<!tpu.dma_semaphore, #tpu.memory_space<semaphore_mem>>
      %dma_start3A_31 = arith.constant 0 : i32
      %dma_start3A_32 = arith.constant 0 : i32
      %dma_start3A_33 = tpu.memref_slice %arg3[%add3A, %dma_start3A_31, %dma_start3A_32] : memref<32x80x64xi32, #tpu.memory_space<hbm>> -> memref<1x80x64xi32, #tpu.memory_space<hbm>>
      %dma_start3A_34 = tpu.memref_squeeze %dma_start3A_33 : memref<1x80x64xi32, #tpu.memory_space<hbm>> -> memref<80x64xi32, #tpu.memory_space<hbm>>
      %dma_start3A_35 = arith.constant 0 : i32
      %dma_start3A_36 = arith.constant 0 : i32
      %dma_start3A_37 = tpu.memref_slice %arg3[%add3A, %dma_start3A_35, %dma_start3A_36] : memref<32x80x64xi32, #tpu.memory_space<hbm>> -> memref<1x80x64xi32, #tpu.memory_space<hbm>>
      %dma_start3A_38 = tpu.memref_squeeze %dma_start3A_37 : memref<1x80x64xi32, #tpu.memory_space<hbm>> -> memref<80x64xi32, #tpu.memory_space<hbm>>
      tpu.enqueue_dma source(%dma_start3A_38 : memref<80x64xi32, #tpu.memory_space<hbm>>) target(%arg6 : memref<80x64xi32, #tpu.memory_space<vmem>>) target_semaphore(%run_scoped3A : memref<!tpu.dma_semaphore, #tpu.memory_space<semaphore_mem>>)
      %dma_wait3A = arith.constant 0 : i32
      %dma_wait3A_39 = arith.constant 0 : i32
      %dma_wait3A_40 = tpu.memref_slice %arg3[%add3A, %dma_wait3A, %dma_wait3A_39] : memref<32x80x64xi32, #tpu.memory_space<hbm>> -> memref<1x80x64xi32, #tpu.memory_space<hbm>>
      %dma_wait3A_41 = tpu.memref_squeeze %dma_wait3A_40 : memref<1x80x64xi32, #tpu.memory_space<hbm>> -> memref<80x64xi32, #tpu.memory_space<hbm>>
      %dma_wait3A_42 = arith.constant 0 : i32
      %dma_wait3A_43 = arith.constant 0 : i32
      %dma_wait3A_44 = tpu.memref_slice %arg3[%add3A, %dma_wait3A_42, %dma_wait3A_43] : memref<32x80x64xi32, #tpu.memory_space<hbm>> -> memref<1x80x64xi32, #tpu.memory_space<hbm>>
      %dma_wait3A_45 = tpu.memref_squeeze %dma_wait3A_44 : memref<1x80x64xi32, #tpu.memory_space<hbm>> -> memref<80x64xi32, #tpu.memory_space<hbm>>
      tpu.wait_dma2 semaphore(%run_scoped3A : memref<!tpu.dma_semaphore, #tpu.memory_space<semaphore_mem>>) src(%dma_wait3A_45 : memref<80x64xi32, #tpu.memory_space<hbm>>) dst(%arg6 : memref<80x64xi32, #tpu.memory_space<vmem>>)
      tpu.yield
    }) : () -> ()
    "tpu.region"() ({
      %run_scoped3A = tpu.sem_alloc : memref<!tpu.dma_semaphore, #tpu.memory_space<semaphore_mem>>
      %dma_start3A_31 = arith.constant 0 : i32
      %dma_start3A_32 = arith.constant 0 : i32
      %dma_start3A_33 = tpu.memref_slice %arg4[%add3A, %dma_start3A_31, %dma_start3A_32] : memref<32x80x64xi32, #tpu.memory_space<hbm>> -> memref<1x80x64xi32, #tpu.memory_space<hbm>>
      %dma_start3A_34 = tpu.memref_squeeze %dma_start3A_33 : memref<1x80x64xi32, #tpu.memory_space<hbm>> -> memref<80x64xi32, #tpu.memory_space<hbm>>
      %dma_start3A_35 = arith.constant 0 : i32
      %dma_start3A_36 = arith.constant 0 : i32
      %dma_start3A_37 = tpu.memref_slice %arg4[%add3A, %dma_start3A_35, %dma_start3A_36] : memref<32x80x64xi32, #tpu.memory_space<hbm>> -> memref<1x80x64xi32, #tpu.memory_space<hbm>>
      %dma_start3A_38 = tpu.memref_squeeze %dma_start3A_37 : memref<1x80x64xi32, #tpu.memory_space<hbm>> -> memref<80x64xi32, #tpu.memory_space<hbm>>
      tpu.enqueue_dma source(%dma_start3A_38 : memref<80x64xi32, #tpu.memory_space<hbm>>) target(%arg7 : memref<80x64xi32, #tpu.memory_space<vmem>>) target_semaphore(%run_scoped3A : memref<!tpu.dma_semaphore, #tpu.memory_space<semaphore_mem>>)
      %dma_wait3A = arith.constant 0 : i32
      %dma_wait3A_39 = arith.constant 0 : i32
      %dma_wait3A_40 = tpu.memref_slice %arg4[%add3A, %dma_wait3A, %dma_wait3A_39] : memref<32x80x64xi32, #tpu.memory_space<hbm>> -> memref<1x80x64xi32, #tpu.memory_space<hbm>>
      %dma_wait3A_41 = tpu.memref_squeeze %dma_wait3A_40 : memref<1x80x64xi32, #tpu.memory_space<hbm>> -> memref<80x64xi32, #tpu.memory_space<hbm>>
      %dma_wait3A_42 = arith.constant 0 : i32
      %dma_wait3A_43 = arith.constant 0 : i32
      %dma_wait3A_44 = tpu.memref_slice %arg4[%add3A, %dma_wait3A_42, %dma_wait3A_43] : memref<32x80x64xi32, #tpu.memory_space<hbm>> -> memref<1x80x64xi32, #tpu.memory_space<hbm>>
      %dma_wait3A_45 = tpu.memref_squeeze %dma_wait3A_44 : memref<1x80x64xi32, #tpu.memory_space<hbm>> -> memref<80x64xi32, #tpu.memory_space<hbm>>
      tpu.wait_dma2 semaphore(%run_scoped3A : memref<!tpu.dma_semaphore, #tpu.memory_space<semaphore_mem>>) src(%dma_wait3A_45 : memref<80x64xi32, #tpu.memory_space<hbm>>) dst(%arg7 : memref<80x64xi32, #tpu.memory_space<vmem>>)
      tpu.yield
    }) : () -> ()
    %barrier3A = arith.constant 0 : index
    tpu.barrier barrier_id(%barrier3A)
    %dma_start3A = arith.constant 0 : i32
    %dma_start3A_17 = arith.constant 0 : i32
    %dma_start3A_18 = tpu.memref_slice %arg6[%dma_start3A, %dma_start3A_17] : memref<80x64xi32, #tpu.memory_space<vmem>> -> memref<1x64xi32, #tpu.memory_space<vmem>>
    %dma_start3A_19 = tpu.memref_squeeze %dma_start3A_18 : memref<1x64xi32, #tpu.memory_space<vmem>> -> memref<64xi32, #tpu.memory_space<vmem>>
    %dma_start3A_20 = arith.constant 0 : i32
    %dma_start3A_21 = arith.constant 0 : i32
    %dma_start3A_22 = tpu.memref_slice %arg2[%dma_start3A_20, %dma_start3A_21] : memref<10240x144xf32, #tpu.memory_space<hbm>> -> memref<10240x144xf32, #tpu.memory_space<hbm>>
    tpu.enqueue_indirect_dma source(%dma_start3A_22 : memref<10240x144xf32, #tpu.memory_space<hbm>>) target(%arg8 : memref<64x144xf32, #tpu.memory_space<vmem>>) offsets(%dma_start3A_19 : memref<64xi32, #tpu.memory_space<vmem>>) semaphore(%arg11 : memref<!tpu.dma_semaphore, #tpu.memory_space<semaphore_mem>>)
    %scan3A_23 = arith.constant 0 : i32
    %scan3A_24 = arith.constant 0 : i32
    %scan3A_25 = arith.constant 40 : i32
    %scan3A_26 = arith.addi %scan3A_24, %scan3A_25 : i32
    %scan3A_27 = arith.constant 1 : i32
    %scan3A_28 = scf.for %scan3A_31 = %scan3A_24 to %scan3A_26 step %scan3A_27 iter_args(%scan3A_32 = %scan3A_23) -> (i32)  : i32 {
      %mul3A_33 = arith.constant 2 : i32
      %mul3A_34 = arith.muli %mul3A_33, %scan3A_31 : i32
      %add3A_35 = arith.constant 1 : i32
      %add3A_36 = arith.addi %mul3A_34, %add3A_35 : i32
      %dma_start3A_37 = arith.constant 0 : i32
      %dma_start3A_38 = tpu.memref_slice %arg6[%add3A_36, %dma_start3A_37] : memref<80x64xi32, #tpu.memory_space<vmem>> -> memref<1x64xi32, #tpu.memory_space<vmem>>
      %dma_start3A_39 = tpu.memref_squeeze %dma_start3A_38 : memref<1x64xi32, #tpu.memory_space<vmem>> -> memref<64xi32, #tpu.memory_space<vmem>>
      %dma_start3A_40 = arith.constant 0 : i32
      %dma_start3A_41 = arith.constant 0 : i32
      %dma_start3A_42 = tpu.memref_slice %arg2[%dma_start3A_40, %dma_start3A_41] : memref<10240x144xf32, #tpu.memory_space<hbm>> -> memref<10240x144xf32, #tpu.memory_space<hbm>>
      tpu.enqueue_indirect_dma source(%dma_start3A_42 : memref<10240x144xf32, #tpu.memory_space<hbm>>) target(%arg9 : memref<64x144xf32, #tpu.memory_space<vmem>>) offsets(%dma_start3A_39 : memref<64xi32, #tpu.memory_space<vmem>>) semaphore(%arg12 : memref<!tpu.dma_semaphore, #tpu.memory_space<semaphore_mem>>)
      %dma_wait3A = arith.constant 0 : i32
      %dma_wait3A_43 = tpu.memref_slice %arg6[%mul3A_34, %dma_wait3A] : memref<80x64xi32, #tpu.memory_space<vmem>> -> memref<1x64xi32, #tpu.memory_space<vmem>>
      %dma_wait3A_44 = tpu.memref_squeeze %dma_wait3A_43 : memref<1x64xi32, #tpu.memory_space<vmem>> -> memref<64xi32, #tpu.memory_space<vmem>>
      %dma_wait3A_45 = arith.constant 0 : i32
      %dma_wait3A_46 = arith.constant 0 : i32
      %dma_wait3A_47 = tpu.memref_slice %arg2[%dma_wait3A_45, %dma_wait3A_46] : memref<10240x144xf32, #tpu.memory_space<hbm>> -> memref<10240x144xf32, #tpu.memory_space<hbm>>
      tpu.wait_indirect_dma semaphore(%arg11 : memref<!tpu.dma_semaphore, #tpu.memory_space<semaphore_mem>>) src(%dma_wait3A_47 : memref<10240x144xf32, #tpu.memory_space<hbm>>) dst(%arg8 : memref<64x144xf32, #tpu.memory_space<vmem>>)
      "tpu.region"() ({
        %run_scoped3A = tpu.sem_alloc : memref<!tpu.dma_semaphore, #tpu.memory_space<semaphore_mem>>
        %dma_start3A_61 = arith.constant 0 : i32
        %dma_start3A_62 = tpu.memref_slice %arg7[%mul3A_34, %dma_start3A_61] : memref<80x64xi32, #tpu.memory_space<vmem>> -> memref<1x64xi32, #tpu.memory_space<vmem>>
        %dma_start3A_63 = tpu.memref_squeeze %dma_start3A_62 : memref<1x64xi32, #tpu.memory_space<vmem>> -> memref<64xi32, #tpu.memory_space<vmem>>
        %dma_start3A_64 = arith.constant 0 : i32
        %dma_start3A_65 = arith.constant 0 : i32
        %dma_start3A_66 = tpu.memref_slice %arg10[%dma_start3A_64, %dma_start3A_65] : memref<10240x144xf32, #tpu.memory_space<vmem_shared>> -> memref<10240x144xf32, #tpu.memory_space<vmem_shared>>
        tpu.enqueue_indirect_dma source(%arg8 : memref<64x144xf32, #tpu.memory_space<vmem>>) target(%dma_start3A_66 : memref<10240x144xf32, #tpu.memory_space<vmem_shared>>) offsets(%dma_start3A_63 : memref<64xi32, #tpu.memory_space<vmem>>) semaphore(%run_scoped3A : memref<!tpu.dma_semaphore, #tpu.memory_space<semaphore_mem>>) {add = true}
        %dma_wait3A_67 = arith.constant 0 : i32
        %dma_wait3A_68 = tpu.memref_slice %arg7[%mul3A_34, %dma_wait3A_67] : memref<80x64xi32, #tpu.memory_space<vmem>> -> memref<1x64xi32, #tpu.memory_space<vmem>>
        %dma_wait3A_69 = tpu.memref_squeeze %dma_wait3A_68 : memref<1x64xi32, #tpu.memory_space<vmem>> -> memref<64xi32, #tpu.memory_space<vmem>>
        %dma_wait3A_70 = arith.constant 0 : i32
        %dma_wait3A_71 = arith.constant 0 : i32
        %dma_wait3A_72 = tpu.memref_slice %arg10[%dma_wait3A_70, %dma_wait3A_71] : memref<10240x144xf32, #tpu.memory_space<vmem_shared>> -> memref<10240x144xf32, #tpu.memory_space<vmem_shared>>
        tpu.wait_indirect_dma semaphore(%run_scoped3A : memref<!tpu.dma_semaphore, #tpu.memory_space<semaphore_mem>>) src(%arg8 : memref<64x144xf32, #tpu.memory_space<vmem>>) dst(%dma_wait3A_72 : memref<10240x144xf32, #tpu.memory_space<vmem_shared>>)
        tpu.yield
      }) : () -> ()
      %lt3A = arith.constant 39 : i32
      %lt3A_48 = arith.cmpi slt, %scan3A_31, %lt3A : i32
      %convert_element_type3A = arith.extui %lt3A_48 : i1 to i32
      %cond3A = arith.constant 0 : i32
      %cond3A_49 = arith.cmpi ne, %convert_element_type3A, %cond3A : i32
      scf.if %cond3A_49 {
        %add3A_61 = arith.constant 2 : i32
        %add3A_62 = arith.addi %mul3A_34, %add3A_61 : i32
        %dma_start3A_63 = arith.constant 0 : i32
        %dma_start3A_64 = tpu.memref_slice %arg6[%add3A_62, %dma_start3A_63] : memref<80x64xi32, #tpu.memory_space<vmem>> -> memref<1x64xi32, #tpu.memory_space<vmem>>
        %dma_start3A_65 = tpu.memref_squeeze %dma_start3A_64 : memref<1x64xi32, #tpu.memory_space<vmem>> -> memref<64xi32, #tpu.memory_space<vmem>>
        %dma_start3A_66 = arith.constant 0 : i32
        %dma_start3A_67 = arith.constant 0 : i32
        %dma_start3A_68 = tpu.memref_slice %arg2[%dma_start3A_66, %dma_start3A_67] : memref<10240x144xf32, #tpu.memory_space<hbm>> -> memref<10240x144xf32, #tpu.memory_space<hbm>>
        tpu.enqueue_indirect_dma source(%dma_start3A_68 : memref<10240x144xf32, #tpu.memory_space<hbm>>) target(%arg8 : memref<64x144xf32, #tpu.memory_space<vmem>>) offsets(%dma_start3A_65 : memref<64xi32, #tpu.memory_space<vmem>>) semaphore(%arg11 : memref<!tpu.dma_semaphore, #tpu.memory_space<semaphore_mem>>)
      } else {
      }
      %add3A_50 = arith.constant 1 : i32
      %add3A_51 = arith.addi %mul3A_34, %add3A_50 : i32
      %dma_wait3A_52 = arith.constant 0 : i32
      %dma_wait3A_53 = tpu.memref_slice %arg6[%add3A_51, %dma_wait3A_52] : memref<80x64xi32, #tpu.memory_space<vmem>> -> memref<1x64xi32, #tpu.memory_space<vmem>>
      %dma_wait3A_54 = tpu.memref_squeeze %dma_wait3A_53 : memref<1x64xi32, #tpu.memory_space<vmem>> -> memref<64xi32, #tpu.memory_space<vmem>>
      %dma_wait3A_55 = arith.constant 0 : i32
      %dma_wait3A_56 = arith.constant 0 : i32
      %dma_wait3A_57 = tpu.memref_slice %arg2[%dma_wait3A_55, %dma_wait3A_56] : memref<10240x144xf32, #tpu.memory_space<hbm>> -> memref<10240x144xf32, #tpu.memory_space<hbm>>
      tpu.wait_indirect_dma semaphore(%arg12 : memref<!tpu.dma_semaphore, #tpu.memory_space<semaphore_mem>>) src(%dma_wait3A_57 : memref<10240x144xf32, #tpu.memory_space<hbm>>) dst(%arg9 : memref<64x144xf32, #tpu.memory_space<vmem>>)
      %add3A_58 = arith.constant 1 : i32
      %add3A_59 = arith.addi %mul3A_34, %add3A_58 : i32
      "tpu.region"() ({
        %run_scoped3A = tpu.sem_alloc : memref<!tpu.dma_semaphore, #tpu.memory_space<semaphore_mem>>
        %dma_start3A_61 = arith.constant 0 : i32
        %dma_start3A_62 = tpu.memref_slice %arg7[%add3A_59, %dma_start3A_61] : memref<80x64xi32, #tpu.memory_space<vmem>> -> memref<1x64xi32, #tpu.memory_space<vmem>>
        %dma_start3A_63 = tpu.memref_squeeze %dma_start3A_62 : memref<1x64xi32, #tpu.memory_space<vmem>> -> memref<64xi32, #tpu.memory_space<vmem>>
        %dma_start3A_64 = arith.constant 0 : i32
        %dma_start3A_65 = arith.constant 0 : i32
        %dma_start3A_66 = tpu.memref_slice %arg10[%dma_start3A_64, %dma_start3A_65] : memref<10240x144xf32, #tpu.memory_space<vmem_shared>> -> memref<10240x144xf32, #tpu.memory_space<vmem_shared>>
        tpu.enqueue_indirect_dma source(%arg9 : memref<64x144xf32, #tpu.memory_space<vmem>>) target(%dma_start3A_66 : memref<10240x144xf32, #tpu.memory_space<vmem_shared>>) offsets(%dma_start3A_63 : memref<64xi32, #tpu.memory_space<vmem>>) semaphore(%run_scoped3A : memref<!tpu.dma_semaphore, #tpu.memory_space<semaphore_mem>>) {add = true}
        %dma_wait3A_67 = arith.constant 0 : i32
        %dma_wait3A_68 = tpu.memref_slice %arg7[%add3A_59, %dma_wait3A_67] : memref<80x64xi32, #tpu.memory_space<vmem>> -> memref<1x64xi32, #tpu.memory_space<vmem>>
        %dma_wait3A_69 = tpu.memref_squeeze %dma_wait3A_68 : memref<1x64xi32, #tpu.memory_space<vmem>> -> memref<64xi32, #tpu.memory_space<vmem>>
        %dma_wait3A_70 = arith.constant 0 : i32
        %dma_wait3A_71 = arith.constant 0 : i32
        %dma_wait3A_72 = tpu.memref_slice %arg10[%dma_wait3A_70, %dma_wait3A_71] : memref<10240x144xf32, #tpu.memory_space<vmem_shared>> -> memref<10240x144xf32, #tpu.memory_space<vmem_shared>>
        tpu.wait_indirect_dma semaphore(%run_scoped3A : memref<!tpu.dma_semaphore, #tpu.memory_space<semaphore_mem>>) src(%arg9 : memref<64x144xf32, #tpu.memory_space<vmem>>) dst(%dma_wait3A_72 : memref<10240x144xf32, #tpu.memory_space<vmem_shared>>)
        tpu.yield
      }) : () -> ()
      %scan3A_60 = arith.constant 0 : i32
      scf.yield %scan3A_60 : i32
    }
    %scan3A_29 = arith.constant 40 : i32
    %barrier3A_30 = arith.constant 0 : index
    tpu.barrier barrier_id(%barrier3A_30)
    "tpu.region"() ({
      %run_scoped3A = tpu.sem_alloc : memref<!tpu.dma_semaphore, #tpu.memory_space<semaphore_mem>>
      %dma_start3A_31 = arith.constant 0 : i32
      %dma_start3A_32 = tpu.memref_slice %arg5[%arg0, %mul3A_2, %dma_start3A_31] : memref<2x10240x144xf32, #tpu.memory_space<hbm>> -> memref<1x640x144xf32, #tpu.memory_space<hbm>>
      %dma_start3A_33 = tpu.memref_squeeze %dma_start3A_32 : memref<1x640x144xf32, #tpu.memory_space<hbm>> -> memref<640x144xf32, #tpu.memory_space<hbm>>
      %dma_start3A_34 = arith.constant 0 : i32
      %dma_start3A_35 = tpu.memref_slice %arg10[%mul3A_2, %dma_start3A_34] : memref<10240x144xf32, #tpu.memory_space<vmem_shared>> -> memref<640x144xf32, #tpu.memory_space<vmem_shared>>
      tpu.enqueue_dma source(%dma_start3A_35 : memref<640x144xf32, #tpu.memory_space<vmem_shared>>) target(%dma_start3A_33 : memref<640x144xf32, #tpu.memory_space<hbm>>) target_semaphore(%run_scoped3A : memref<!tpu.dma_semaphore, #tpu.memory_space<semaphore_mem>>)
      %dma_wait3A = arith.constant 0 : i32
      %dma_wait3A_36 = tpu.memref_slice %arg5[%arg0, %mul3A_2, %dma_wait3A] : memref<2x10240x144xf32, #tpu.memory_space<hbm>> -> memref<1x640x144xf32, #tpu.memory_space<hbm>>
      %dma_wait3A_37 = tpu.memref_squeeze %dma_wait3A_36 : memref<1x640x144xf32, #tpu.memory_space<hbm>> -> memref<640x144xf32, #tpu.memory_space<hbm>>
      %dma_wait3A_38 = arith.constant 0 : i32
      %dma_wait3A_39 = tpu.memref_slice %arg10[%mul3A_2, %dma_wait3A_38] : memref<10240x144xf32, #tpu.memory_space<vmem_shared>> -> memref<640x144xf32, #tpu.memory_space<vmem_shared>>
      tpu.wait_dma2 semaphore(%run_scoped3A : memref<!tpu.dma_semaphore, #tpu.memory_space<semaphore_mem>>) src(%dma_wait3A_39 : memref<640x144xf32, #tpu.memory_space<vmem_shared>>) dst(%dma_wait3A_37 : memref<640x144xf32, #tpu.memory_space<hbm>>)
      tpu.yield
    }) : () -> ()
    return
  }
}

#map = affine_map<(d0, d1) -> (0, 0)>
#map1 = affine_map<(d0, d1) -> (0, 0, 0)>
module attributes {stable_mosaic.version = 14 : i64} {
  func.func @_segsum_kernel(%arg0: i32, %arg1: i32, %arg2: memref<10240x144xf32, #tpu.memory_space<hbm>>, %arg3: memref<32x80x64xi32, #tpu.memory_space<hbm>>, %arg4: memref<32x80x64xi32, #tpu.memory_space<hbm>>, %arg5: memref<2x10240x144xf32, #tpu.memory_space<hbm>>, %arg6: memref<80x64xi32, #tpu.memory_space<vmem>>, %arg7: memref<80x64xi32, #tpu.memory_space<vmem>>, %arg8: memref<64x144xf32, #tpu.memory_space<vmem>>, %arg9: memref<64x144xf32, #tpu.memory_space<vmem>>, %arg10: memref<10240x144xf32, #tpu.memory_space<vmem_shared>>, %arg11: memref<!tpu.dma_semaphore, #tpu.memory_space<semaphore_mem>>, %arg12: memref<!tpu.dma_semaphore, #tpu.memory_space<semaphore_mem>>) attributes {dimension_semantics = [#tpu.dimension_semantics<core_parallel>, #tpu.dimension_semantics<subcore_parallel>], iteration_bounds = array<i64: 2, 16>, scalar_prefetch = 0 : i64, scratch_operands = 7 : i64, tpu.core_type = #tpu.core_type<sc_vector_subcore>, window_params = [{transform_indices = #map}, {transform_indices = #map1}, {transform_indices = #map1}, {transform_indices = #map1}]} {
    %mul3A = arith.constant 2 : i32
    %mul3A_0 = arith.muli %arg1, %mul3A : i32
    %add3A = arith.addi %mul3A_0, %arg0 : i32
    %mul3A_1 = arith.constant 640 : i32
    %mul3A_2 = arith.muli %arg1, %mul3A_1 : i32
    %broadcast_in_dim3A = arith.constant 0.000000e+00 : f32
    %broadcast_in_dim3A_3 = vector.broadcast %broadcast_in_dim3A : f32 to vector<16xf32>
    %scan3A = arith.constant 0 : i32
    %scan3A_4 = arith.constant 0 : i32
    %scan3A_5 = arith.constant 64 : i32
    %scan3A_6 = arith.addi %scan3A_4, %scan3A_5 : i32
    %scan3A_7 = arith.constant 1 : i32
    %scan3A_8 = scf.for %scan3A_31 = %scan3A_4 to %scan3A_6 step %scan3A_7 iter_args(%scan3A_32 = %scan3A) -> (i32)  : i32 {
      %scan3A_33 = arith.constant 0 : i32
      %scan3A_34 = arith.constant 0 : i32
      %scan3A_35 = arith.constant 9 : i32
      %scan3A_36 = arith.addi %scan3A_34, %scan3A_35 : i32
      %scan3A_37 = arith.constant 1 : i32
      %scan3A_38 = scf.for %scan3A_40 = %scan3A_34 to %scan3A_36 step %scan3A_37 iter_args(%scan3A_41 = %scan3A_33) -> (i32)  : i32 {
        %mul3A_42 = arith.constant 16 : i32
        %mul3A_43 = arith.muli %scan3A_40, %mul3A_42 : i32
        %swap3A = arith.index_cast %scan3A_31 : i32 to index
        %swap3A_44 = arith.index_cast %mul3A_43 : i32 to index
        %swap3A_45 = tpu.vector_load %arg8[%swap3A, %swap3A_44] {strides = array<i32>} : memref<64x144xf32, #tpu.memory_space<vmem>>, vector<1x16xf32>,
        %swap3A_46 = vector.shape_cast %swap3A_45 : vector<1x16xf32> to vector<16xf32>
        %swap3A_47 = vector.shape_cast %broadcast_in_dim3A_3 : vector<16xf32> to vector<1x16xf32>
        tpu.vector_store %arg8[%swap3A, %swap3A_44], %swap3A_47 {strides = array<i32>} : memref<64x144xf32, #tpu.memory_space<vmem>>, vector<1x16xf32>,
        %scan3A_48 = arith.constant 0 : i32
        scf.yield %scan3A_48 : i32
      }
      %scan3A_39 = arith.constant 9 : i32
      scf.yield %scan3A_38 : i32
    }
    %scan3A_9 = arith.constant 64 : i32
    %scan3A_10 = arith.constant 0 : i32
    %scan3A_11 = arith.constant 0 : i32
    %scan3A_12 = arith.constant 10 : i32
    %scan3A_13 = arith.addi %scan3A_11, %scan3A_12 : i32
    %scan3A_14 = arith.constant 1 : i32
    %scan3A_15 = scf.for %scan3A_31 = %scan3A_11 to %scan3A_13 step %scan3A_14 iter_args(%scan3A_32 = %scan3A_10) -> (i32)  : i32 {
      %mul3A_33 = arith.constant 64 : i32
      %mul3A_34 = arith.muli %scan3A_31, %mul3A_33 : i32
      %add3A_35 = arith.addi %mul3A_2, %mul3A_34 : i32
      "tpu.region"() ({
        %run_scoped3A = tpu.sem_alloc : memref<!tpu.dma_semaphore, #tpu.memory_space<semaphore_mem>>
        %dma_start3A_37 = arith.constant 0 : i32
        %dma_start3A_38 = tpu.memref_slice %arg10[%add3A_35, %dma_start3A_37] : memref<10240x144xf32, #tpu.memory_space<vmem_shared>> -> memref<64x144xf32, #tpu.memory_space<vmem_shared>>
        %dma_start3A_39 = arith.constant 0 : i32
        %dma_start3A_40 = tpu.memref_slice %arg10[%add3A_35, %dma_start3A_39] : memref<10240x144xf32, #tpu.memory_space<vmem_shared>> -> memref<64x144xf32, #tpu.memory_space<vmem_shared>>
        tpu.enqueue_dma source(%arg8 : memref<64x144xf32, #tpu.memory_space<vmem>>) target(%dma_start3A_40 : memref<64x144xf32, #tpu.memory_space<vmem_shared>>) target_semaphore(%run_scoped3A : memref<!tpu.dma_semaphore, #tpu.memory_space<semaphore_mem>>)
        %dma_wait3A = arith.constant 0 : i32
        %dma_wait3A_41 = tpu.memref_slice %arg10[%add3A_35, %dma_wait3A] : memref<10240x144xf32, #tpu.memory_space<vmem_shared>> -> memref<64x144xf32, #tpu.memory_space<vmem_shared>>
        %dma_wait3A_42 = arith.constant 0 : i32
        %dma_wait3A_43 = tpu.memref_slice %arg10[%add3A_35, %dma_wait3A_42] : memref<10240x144xf32, #tpu.memory_space<vmem_shared>> -> memref<64x144xf32, #tpu.memory_space<vmem_shared>>
        tpu.wait_dma2 semaphore(%run_scoped3A : memref<!tpu.dma_semaphore, #tpu.memory_space<semaphore_mem>>) src(%arg8 : memref<64x144xf32, #tpu.memory_space<vmem>>) dst(%dma_wait3A_43 : memref<64x144xf32, #tpu.memory_space<vmem_shared>>)
        tpu.yield
      }) : () -> ()
      %scan3A_36 = arith.constant 0 : i32
      scf.yield %scan3A_36 : i32
    }
    %scan3A_16 = arith.constant 10 : i32
    "tpu.region"() ({
      %run_scoped3A = tpu.sem_alloc : memref<!tpu.dma_semaphore, #tpu.memory_space<semaphore_mem>>
      %dma_start3A_31 = arith.constant 0 : i32
      %dma_start3A_32 = arith.constant 0 : i32
      %dma_start3A_33 = tpu.memref_slice %arg3[%add3A, %dma_start3A_31, %dma_start3A_32] : memref<32x80x64xi32, #tpu.memory_space<hbm>> -> memref<1x80x64xi32, #tpu.memory_space<hbm>>
      %dma_start3A_34 = tpu.memref_squeeze %dma_start3A_33 : memref<1x80x64xi32, #tpu.memory_space<hbm>> -> memref<80x64xi32, #tpu.memory_space<hbm>>
      %dma_start3A_35 = arith.constant 0 : i32
      %dma_start3A_36 = arith.constant 0 : i32
      %dma_start3A_37 = tpu.memref_slice %arg3[%add3A, %dma_start3A_35, %dma_start3A_36] : memref<32x80x64xi32, #tpu.memory_space<hbm>> -> memref<1x80x64xi32, #tpu.memory_space<hbm>>
      %dma_start3A_38 = tpu.memref_squeeze %dma_start3A_37 : memref<1x80x64xi32, #tpu.memory_space<hbm>> -> memref<80x64xi32, #tpu.memory_space<hbm>>
      tpu.enqueue_dma source(%dma_start3A_38 : memref<80x64xi32, #tpu.memory_space<hbm>>) target(%arg6 : memref<80x64xi32, #tpu.memory_space<vmem>>) target_semaphore(%run_scoped3A : memref<!tpu.dma_semaphore, #tpu.memory_space<semaphore_mem>>)
      %dma_wait3A = arith.constant 0 : i32
      %dma_wait3A_39 = arith.constant 0 : i32
      %dma_wait3A_40 = tpu.memref_slice %arg3[%add3A, %dma_wait3A, %dma_wait3A_39] : memref<32x80x64xi32, #tpu.memory_space<hbm>> -> memref<1x80x64xi32, #tpu.memory_space<hbm>>
      %dma_wait3A_41 = tpu.memref_squeeze %dma_wait3A_40 : memref<1x80x64xi32, #tpu.memory_space<hbm>> -> memref<80x64xi32, #tpu.memory_space<hbm>>
      %dma_wait3A_42 = arith.constant 0 : i32
      %dma_wait3A_43 = arith.constant 0 : i32
      %dma_wait3A_44 = tpu.memref_slice %arg3[%add3A, %dma_wait3A_42, %dma_wait3A_43] : memref<32x80x64xi32, #tpu.memory_space<hbm>> -> memref<1x80x64xi32, #tpu.memory_space<hbm>>
      %dma_wait3A_45 = tpu.memref_squeeze %dma_wait3A_44 : memref<1x80x64xi32, #tpu.memory_space<hbm>> -> memref<80x64xi32, #tpu.memory_space<hbm>>
      tpu.wait_dma2 semaphore(%run_scoped3A : memref<!tpu.dma_semaphore, #tpu.memory_space<semaphore_mem>>) src(%dma_wait3A_45 : memref<80x64xi32, #tpu.memory_space<hbm>>) dst(%arg6 : memref<80x64xi32, #tpu.memory_space<vmem>>)
      tpu.yield
    }) : () -> ()
    "tpu.region"() ({
      %run_scoped3A = tpu.sem_alloc : memref<!tpu.dma_semaphore, #tpu.memory_space<semaphore_mem>>
      %dma_start3A_31 = arith.constant 0 : i32
      %dma_start3A_32 = arith.constant 0 : i32
      %dma_start3A_33 = tpu.memref_slice %arg4[%add3A, %dma_start3A_31, %dma_start3A_32] : memref<32x80x64xi32, #tpu.memory_space<hbm>> -> memref<1x80x64xi32, #tpu.memory_space<hbm>>
      %dma_start3A_34 = tpu.memref_squeeze %dma_start3A_33 : memref<1x80x64xi32, #tpu.memory_space<hbm>> -> memref<80x64xi32, #tpu.memory_space<hbm>>
      %dma_start3A_35 = arith.constant 0 : i32
      %dma_start3A_36 = arith.constant 0 : i32
      %dma_start3A_37 = tpu.memref_slice %arg4[%add3A, %dma_start3A_35, %dma_start3A_36] : memref<32x80x64xi32, #tpu.memory_space<hbm>> -> memref<1x80x64xi32, #tpu.memory_space<hbm>>
      %dma_start3A_38 = tpu.memref_squeeze %dma_start3A_37 : memref<1x80x64xi32, #tpu.memory_space<hbm>> -> memref<80x64xi32, #tpu.memory_space<hbm>>
      tpu.enqueue_dma source(%dma_start3A_38 : memref<80x64xi32, #tpu.memory_space<hbm>>) target(%arg7 : memref<80x64xi32, #tpu.memory_space<vmem>>) target_semaphore(%run_scoped3A : memref<!tpu.dma_semaphore, #tpu.memory_space<semaphore_mem>>)
      %dma_wait3A = arith.constant 0 : i32
      %dma_wait3A_39 = arith.constant 0 : i32
      %dma_wait3A_40 = tpu.memref_slice %arg4[%add3A, %dma_wait3A, %dma_wait3A_39] : memref<32x80x64xi32, #tpu.memory_space<hbm>> -> memref<1x80x64xi32, #tpu.memory_space<hbm>>
      %dma_wait3A_41 = tpu.memref_squeeze %dma_wait3A_40 : memref<1x80x64xi32, #tpu.memory_space<hbm>> -> memref<80x64xi32, #tpu.memory_space<hbm>>
      %dma_wait3A_42 = arith.constant 0 : i32
      %dma_wait3A_43 = arith.constant 0 : i32
      %dma_wait3A_44 = tpu.memref_slice %arg4[%add3A, %dma_wait3A_42, %dma_wait3A_43] : memref<32x80x64xi32, #tpu.memory_space<hbm>> -> memref<1x80x64xi32, #tpu.memory_space<hbm>>
      %dma_wait3A_45 = tpu.memref_squeeze %dma_wait3A_44 : memref<1x80x64xi32, #tpu.memory_space<hbm>> -> memref<80x64xi32, #tpu.memory_space<hbm>>
      tpu.wait_dma2 semaphore(%run_scoped3A : memref<!tpu.dma_semaphore, #tpu.memory_space<semaphore_mem>>) src(%dma_wait3A_45 : memref<80x64xi32, #tpu.memory_space<hbm>>) dst(%arg7 : memref<80x64xi32, #tpu.memory_space<vmem>>)
      tpu.yield
    }) : () -> ()
    %barrier3A = arith.constant 0 : index
    tpu.barrier barrier_id(%barrier3A)
    %dma_start3A = arith.constant 0 : i32
    %dma_start3A_17 = arith.constant 0 : i32
    %dma_start3A_18 = tpu.memref_slice %arg6[%dma_start3A, %dma_start3A_17] : memref<80x64xi32, #tpu.memory_space<vmem>> -> memref<1x64xi32, #tpu.memory_space<vmem>>
    %dma_start3A_19 = tpu.memref_squeeze %dma_start3A_18 : memref<1x64xi32, #tpu.memory_space<vmem>> -> memref<64xi32, #tpu.memory_space<vmem>>
    %dma_start3A_20 = arith.constant 0 : i32
    %dma_start3A_21 = arith.constant 0 : i32
    %dma_start3A_22 = tpu.memref_slice %arg2[%dma_start3A_20, %dma_start3A_21] : memref<10240x144xf32, #tpu.memory_space<hbm>> -> memref<10240x144xf32, #tpu.memory_space<hbm>>
    tpu.enqueue_indirect_dma source(%dma_start3A_22 : memref<10240x144xf32, #tpu.memory_space<hbm>>) target(%arg8 : memref<64x144xf32, #tpu.memory_space<vmem>>) offsets(%dma_start3A_19 : memref<64xi32, #tpu.memory_space<vmem>>) semaphore(%arg11 : memref<!tpu.dma_semaphore, #tpu.memory_space<semaphore_mem>>)
    %scan3A_23 = arith.constant 0 : i32
    %scan3A_24 = arith.constant 0 : i32
    %scan3A_25 = arith.constant 40 : i32
    %scan3A_26 = arith.addi %scan3A_24, %scan3A_25 : i32
    %scan3A_27 = arith.constant 1 : i32
    %scan3A_28 = scf.for %scan3A_31 = %scan3A_24 to %scan3A_26 step %scan3A_27 iter_args(%scan3A_32 = %scan3A_23) -> (i32)  : i32 {
      %mul3A_33 = arith.constant 2 : i32
      %mul3A_34 = arith.muli %mul3A_33, %scan3A_31 : i32
      %add3A_35 = arith.constant 1 : i32
      %add3A_36 = arith.addi %mul3A_34, %add3A_35 : i32
      %dma_start3A_37 = arith.constant 0 : i32
      %dma_start3A_38 = tpu.memref_slice %arg6[%add3A_36, %dma_start3A_37] : memref<80x64xi32, #tpu.memory_space<vmem>> -> memref<1x64xi32, #tpu.memory_space<vmem>>
      %dma_start3A_39 = tpu.memref_squeeze %dma_start3A_38 : memref<1x64xi32, #tpu.memory_space<vmem>> -> memref<64xi32, #tpu.memory_space<vmem>>
      %dma_start3A_40 = arith.constant 0 : i32
      %dma_start3A_41 = arith.constant 0 : i32
      %dma_start3A_42 = tpu.memref_slice %arg2[%dma_start3A_40, %dma_start3A_41] : memref<10240x144xf32, #tpu.memory_space<hbm>> -> memref<10240x144xf32, #tpu.memory_space<hbm>>
      tpu.enqueue_indirect_dma source(%dma_start3A_42 : memref<10240x144xf32, #tpu.memory_space<hbm>>) target(%arg9 : memref<64x144xf32, #tpu.memory_space<vmem>>) offsets(%dma_start3A_39 : memref<64xi32, #tpu.memory_space<vmem>>) semaphore(%arg12 : memref<!tpu.dma_semaphore, #tpu.memory_space<semaphore_mem>>)
      %dma_wait3A = arith.constant 0 : i32
      %dma_wait3A_43 = tpu.memref_slice %arg6[%mul3A_34, %dma_wait3A] : memref<80x64xi32, #tpu.memory_space<vmem>> -> memref<1x64xi32, #tpu.memory_space<vmem>>
      %dma_wait3A_44 = tpu.memref_squeeze %dma_wait3A_43 : memref<1x64xi32, #tpu.memory_space<vmem>> -> memref<64xi32, #tpu.memory_space<vmem>>
      %dma_wait3A_45 = arith.constant 0 : i32
      %dma_wait3A_46 = arith.constant 0 : i32
      %dma_wait3A_47 = tpu.memref_slice %arg2[%dma_wait3A_45, %dma_wait3A_46] : memref<10240x144xf32, #tpu.memory_space<hbm>> -> memref<10240x144xf32, #tpu.memory_space<hbm>>
      tpu.wait_indirect_dma semaphore(%arg11 : memref<!tpu.dma_semaphore, #tpu.memory_space<semaphore_mem>>) src(%dma_wait3A_47 : memref<10240x144xf32, #tpu.memory_space<hbm>>) dst(%arg8 : memref<64x144xf32, #tpu.memory_space<vmem>>)
      "tpu.region"() ({
        %run_scoped3A = tpu.sem_alloc : memref<!tpu.dma_semaphore, #tpu.memory_space<semaphore_mem>>
        %dma_start3A_61 = arith.constant 0 : i32
        %dma_start3A_62 = tpu.memref_slice %arg7[%mul3A_34, %dma_start3A_61] : memref<80x64xi32, #tpu.memory_space<vmem>> -> memref<1x64xi32, #tpu.memory_space<vmem>>
        %dma_start3A_63 = tpu.memref_squeeze %dma_start3A_62 : memref<1x64xi32, #tpu.memory_space<vmem>> -> memref<64xi32, #tpu.memory_space<vmem>>
        %dma_start3A_64 = arith.constant 0 : i32
        %dma_start3A_65 = arith.constant 0 : i32
        %dma_start3A_66 = tpu.memref_slice %arg10[%dma_start3A_64, %dma_start3A_65] : memref<10240x144xf32, #tpu.memory_space<vmem_shared>> -> memref<10240x144xf32, #tpu.memory_space<vmem_shared>>
        tpu.enqueue_indirect_dma source(%arg8 : memref<64x144xf32, #tpu.memory_space<vmem>>) target(%dma_start3A_66 : memref<10240x144xf32, #tpu.memory_space<vmem_shared>>) offsets(%dma_start3A_63 : memref<64xi32, #tpu.memory_space<vmem>>) semaphore(%run_scoped3A : memref<!tpu.dma_semaphore, #tpu.memory_space<semaphore_mem>>) {add = true}
        %dma_wait3A_67 = arith.constant 0 : i32
        %dma_wait3A_68 = tpu.memref_slice %arg7[%mul3A_34, %dma_wait3A_67] : memref<80x64xi32, #tpu.memory_space<vmem>> -> memref<1x64xi32, #tpu.memory_space<vmem>>
        %dma_wait3A_69 = tpu.memref_squeeze %dma_wait3A_68 : memref<1x64xi32, #tpu.memory_space<vmem>> -> memref<64xi32, #tpu.memory_space<vmem>>
        %dma_wait3A_70 = arith.constant 0 : i32
        %dma_wait3A_71 = arith.constant 0 : i32
        %dma_wait3A_72 = tpu.memref_slice %arg10[%dma_wait3A_70, %dma_wait3A_71] : memref<10240x144xf32, #tpu.memory_space<vmem_shared>> -> memref<10240x144xf32, #tpu.memory_space<vmem_shared>>
        tpu.wait_indirect_dma semaphore(%run_scoped3A : memref<!tpu.dma_semaphore, #tpu.memory_space<semaphore_mem>>) src(%arg8 : memref<64x144xf32, #tpu.memory_space<vmem>>) dst(%dma_wait3A_72 : memref<10240x144xf32, #tpu.memory_space<vmem_shared>>)
        tpu.yield
      }) : () -> ()
      %lt3A = arith.constant 39 : i32
      %lt3A_48 = arith.cmpi slt, %scan3A_31, %lt3A : i32
      %convert_element_type3A = arith.extui %lt3A_48 : i1 to i32
      %cond3A = arith.constant 0 : i32
      %cond3A_49 = arith.cmpi ne, %convert_element_type3A, %cond3A : i32
      scf.if %cond3A_49 {
        %add3A_61 = arith.constant 2 : i32
        %add3A_62 = arith.addi %mul3A_34, %add3A_61 : i32
        %dma_start3A_63 = arith.constant 0 : i32
        %dma_start3A_64 = tpu.memref_slice %arg6[%add3A_62, %dma_start3A_63] : memref<80x64xi32, #tpu.memory_space<vmem>> -> memref<1x64xi32, #tpu.memory_space<vmem>>
        %dma_start3A_65 = tpu.memref_squeeze %dma_start3A_64 : memref<1x64xi32, #tpu.memory_space<vmem>> -> memref<64xi32, #tpu.memory_space<vmem>>
        %dma_start3A_66 = arith.constant 0 : i32
        %dma_start3A_67 = arith.constant 0 : i32
        %dma_start3A_68 = tpu.memref_slice %arg2[%dma_start3A_66, %dma_start3A_67] : memref<10240x144xf32, #tpu.memory_space<hbm>> -> memref<10240x144xf32, #tpu.memory_space<hbm>>
        tpu.enqueue_indirect_dma source(%dma_start3A_68 : memref<10240x144xf32, #tpu.memory_space<hbm>>) target(%arg8 : memref<64x144xf32, #tpu.memory_space<vmem>>) offsets(%dma_start3A_65 : memref<64xi32, #tpu.memory_space<vmem>>) semaphore(%arg11 : memref<!tpu.dma_semaphore, #tpu.memory_space<semaphore_mem>>)
      } else {
      }
      %add3A_50 = arith.constant 1 : i32
      %add3A_51 = arith.addi %mul3A_34, %add3A_50 : i32
      %dma_wait3A_52 = arith.constant 0 : i32
      %dma_wait3A_53 = tpu.memref_slice %arg6[%add3A_51, %dma_wait3A_52] : memref<80x64xi32, #tpu.memory_space<vmem>> -> memref<1x64xi32, #tpu.memory_space<vmem>>
      %dma_wait3A_54 = tpu.memref_squeeze %dma_wait3A_53 : memref<1x64xi32, #tpu.memory_space<vmem>> -> memref<64xi32, #tpu.memory_space<vmem>>
      %dma_wait3A_55 = arith.constant 0 : i32
      %dma_wait3A_56 = arith.constant 0 : i32
      %dma_wait3A_57 = tpu.memref_slice %arg2[%dma_wait3A_55, %dma_wait3A_56] : memref<10240x144xf32, #tpu.memory_space<hbm>> -> memref<10240x144xf32, #tpu.memory_space<hbm>>
      tpu.wait_indirect_dma semaphore(%arg12 : memref<!tpu.dma_semaphore, #tpu.memory_space<semaphore_mem>>) src(%dma_wait3A_57 : memref<10240x144xf32, #tpu.memory_space<hbm>>) dst(%arg9 : memref<64x144xf32, #tpu.memory_space<vmem>>)
      %add3A_58 = arith.constant 1 : i32
      %add3A_59 = arith.addi %mul3A_34, %add3A_58 : i32
      "tpu.region"() ({
        %run_scoped3A = tpu.sem_alloc : memref<!tpu.dma_semaphore, #tpu.memory_space<semaphore_mem>>
        %dma_start3A_61 = arith.constant 0 : i32
        %dma_start3A_62 = tpu.memref_slice %arg7[%add3A_59, %dma_start3A_61] : memref<80x64xi32, #tpu.memory_space<vmem>> -> memref<1x64xi32, #tpu.memory_space<vmem>>
        %dma_start3A_63 = tpu.memref_squeeze %dma_start3A_62 : memref<1x64xi32, #tpu.memory_space<vmem>> -> memref<64xi32, #tpu.memory_space<vmem>>
        %dma_start3A_64 = arith.constant 0 : i32
        %dma_start3A_65 = arith.constant 0 : i32
        %dma_start3A_66 = tpu.memref_slice %arg10[%dma_start3A_64, %dma_start3A_65] : memref<10240x144xf32, #tpu.memory_space<vmem_shared>> -> memref<10240x144xf32, #tpu.memory_space<vmem_shared>>
        tpu.enqueue_indirect_dma source(%arg9 : memref<64x144xf32, #tpu.memory_space<vmem>>) target(%dma_start3A_66 : memref<10240x144xf32, #tpu.memory_space<vmem_shared>>) offsets(%dma_start3A_63 : memref<64xi32, #tpu.memory_space<vmem>>) semaphore(%run_scoped3A : memref<!tpu.dma_semaphore, #tpu.memory_space<semaphore_mem>>) {add = true}
        %dma_wait3A_67 = arith.constant 0 : i32
        %dma_wait3A_68 = tpu.memref_slice %arg7[%add3A_59, %dma_wait3A_67] : memref<80x64xi32, #tpu.memory_space<vmem>> -> memref<1x64xi32, #tpu.memory_space<vmem>>
        %dma_wait3A_69 = tpu.memref_squeeze %dma_wait3A_68 : memref<1x64xi32, #tpu.memory_space<vmem>> -> memref<64xi32, #tpu.memory_space<vmem>>
        %dma_wait3A_70 = arith.constant 0 : i32
        %dma_wait3A_71 = arith.constant 0 : i32
        %dma_wait3A_72 = tpu.memref_slice %arg10[%dma_wait3A_70, %dma_wait3A_71] : memref<10240x144xf32, #tpu.memory_space<vmem_shared>> -> memref<10240x144xf32, #tpu.memory_space<vmem_shared>>
        tpu.wait_indirect_dma semaphore(%run_scoped3A : memref<!tpu.dma_semaphore, #tpu.memory_space<semaphore_mem>>) src(%arg9 : memref<64x144xf32, #tpu.memory_space<vmem>>) dst(%dma_wait3A_72 : memref<10240x144xf32, #tpu.memory_space<vmem_shared>>)
        tpu.yield
      }) : () -> ()
      %scan3A_60 = arith.constant 0 : i32
      scf.yield %scan3A_60 : i32
    }
    %scan3A_29 = arith.constant 40 : i32
    %barrier3A_30 = arith.constant 0 : index
    tpu.barrier barrier_id(%barrier3A_30)
    "tpu.region"() ({
      %run_scoped3A = tpu.sem_alloc : memref<!tpu.dma_semaphore, #tpu.memory_space<semaphore_mem>>
      %dma_start3A_31 = arith.constant 0 : i32
      %dma_start3A_32 = tpu.memref_slice %arg5[%arg0, %mul3A_2, %dma_start3A_31] : memref<2x10240x144xf32, #tpu.memory_space<hbm>> -> memref<1x640x144xf32, #tpu.memory_space<hbm>>
      %dma_start3A_33 = tpu.memref_squeeze %dma_start3A_32 : memref<1x640x144xf32, #tpu.memory_space<hbm>> -> memref<640x144xf32, #tpu.memory_space<hbm>>
      %dma_start3A_34 = arith.constant 0 : i32
      %dma_start3A_35 = tpu.memref_slice %arg10[%mul3A_2, %dma_start3A_34] : memref<10240x144xf32, #tpu.memory_space<vmem_shared>> -> memref<640x144xf32, #tpu.memory_space<vmem_shared>>
      tpu.enqueue_dma source(%dma_start3A_35 : memref<640x144xf32, #tpu.memory_space<vmem_shared>>) target(%dma_start3A_33 : memref<640x144xf32, #tpu.memory_space<hbm>>) target_semaphore(%run_scoped3A : memref<!tpu.dma_semaphore, #tpu.memory_space<semaphore_mem>>)
      %dma_wait3A = arith.constant 0 : i32
      %dma_wait3A_36 = tpu.memref_slice %arg5[%arg0, %mul3A_2, %dma_wait3A] : memref<2x10240x144xf32, #tpu.memory_space<hbm>> -> memref<1x640x144xf32, #tpu.memory_space<hbm>>
      %dma_wait3A_37 = tpu.memref_squeeze %dma_wait3A_36 : memref<1x640x144xf32, #tpu.memory_space<hbm>> -> memref<640x144xf32, #tpu.memory_space<hbm>>
      %dma_wait3A_38 = arith.constant 0 : i32
      %dma_wait3A_39 = tpu.memref_slice %arg10[%mul3A_2, %dma_wait3A_38] : memref<10240x144xf32, #tpu.memory_space<vmem_shared>> -> memref<640x144xf32, #tpu.memory_space<vmem_shared>>
      tpu.wait_dma2 semaphore(%run_scoped3A : memref<!tpu.dma_semaphore, #tpu.memory_space<semaphore_mem>>) src(%dma_wait3A_39 : memref<640x144xf32, #tpu.memory_space<vmem_shared>>) dst(%dma_wait3A_37 : memref<640x144xf32, #tpu.memory_space<hbm>>)
      tpu.yield
    }) : () -> ()
    return
  }
}

#map = affine_map<(d0, d1) -> (0, 0)>
#map1 = affine_map<(d0, d1) -> (0, 0, 0)>
module attributes {stable_mosaic.version = 14 : i64} {
  func.func @_segsum_kernel(%arg0: i32, %arg1: i32, %arg2: memref<10240x144xf32, #tpu.memory_space<hbm>>, %arg3: memref<32x80x64xi32, #tpu.memory_space<hbm>>, %arg4: memref<32x80x64xi32, #tpu.memory_space<hbm>>, %arg5: memref<2x10240x144xf32, #tpu.memory_space<hbm>>, %arg6: memref<80x64xi32, #tpu.memory_space<vmem>>, %arg7: memref<80x64xi32, #tpu.memory_space<vmem>>, %arg8: memref<64x144xf32, #tpu.memory_space<vmem>>, %arg9: memref<64x144xf32, #tpu.memory_space<vmem>>, %arg10: memref<10240x144xf32, #tpu.memory_space<vmem_shared>>, %arg11: memref<!tpu.dma_semaphore, #tpu.memory_space<semaphore_mem>>, %arg12: memref<!tpu.dma_semaphore, #tpu.memory_space<semaphore_mem>>) attributes {dimension_semantics = [#tpu.dimension_semantics<core_parallel>, #tpu.dimension_semantics<subcore_parallel>], iteration_bounds = array<i64: 2, 16>, scalar_prefetch = 0 : i64, scratch_operands = 7 : i64, tpu.core_type = #tpu.core_type<sc_vector_subcore>, window_params = [{transform_indices = #map}, {transform_indices = #map1}, {transform_indices = #map1}, {transform_indices = #map1}]} {
    %mul3A = arith.constant 2 : i32
    %mul3A_0 = arith.muli %arg1, %mul3A : i32
    %add3A = arith.addi %mul3A_0, %arg0 : i32
    %mul3A_1 = arith.constant 640 : i32
    %mul3A_2 = arith.muli %arg1, %mul3A_1 : i32
    %broadcast_in_dim3A = arith.constant 0.000000e+00 : f32
    %broadcast_in_dim3A_3 = vector.broadcast %broadcast_in_dim3A : f32 to vector<16xf32>
    %scan3A = arith.constant 0 : i32
    %scan3A_4 = arith.constant 0 : i32
    %scan3A_5 = arith.constant 64 : i32
    %scan3A_6 = arith.addi %scan3A_4, %scan3A_5 : i32
    %scan3A_7 = arith.constant 1 : i32
    %scan3A_8 = scf.for %scan3A_31 = %scan3A_4 to %scan3A_6 step %scan3A_7 iter_args(%scan3A_32 = %scan3A) -> (i32)  : i32 {
      %scan3A_33 = arith.constant 0 : i32
      %scan3A_34 = arith.constant 0 : i32
      %scan3A_35 = arith.constant 9 : i32
      %scan3A_36 = arith.addi %scan3A_34, %scan3A_35 : i32
      %scan3A_37 = arith.constant 1 : i32
      %scan3A_38 = scf.for %scan3A_40 = %scan3A_34 to %scan3A_36 step %scan3A_37 iter_args(%scan3A_41 = %scan3A_33) -> (i32)  : i32 {
        %mul3A_42 = arith.constant 16 : i32
        %mul3A_43 = arith.muli %scan3A_40, %mul3A_42 : i32
        %swap3A = arith.index_cast %scan3A_31 : i32 to index
        %swap3A_44 = arith.index_cast %mul3A_43 : i32 to index
        %swap3A_45 = tpu.vector_load %arg8[%swap3A, %swap3A_44] {strides = array<i32>} : memref<64x144xf32, #tpu.memory_space<vmem>>, vector<1x16xf32>,
        %swap3A_46 = vector.shape_cast %swap3A_45 : vector<1x16xf32> to vector<16xf32>
        %swap3A_47 = vector.shape_cast %broadcast_in_dim3A_3 : vector<16xf32> to vector<1x16xf32>
        tpu.vector_store %arg8[%swap3A, %swap3A_44], %swap3A_47 {strides = array<i32>} : memref<64x144xf32, #tpu.memory_space<vmem>>, vector<1x16xf32>,
        %scan3A_48 = arith.constant 0 : i32
        scf.yield %scan3A_48 : i32
      }
      %scan3A_39 = arith.constant 9 : i32
      scf.yield %scan3A_38 : i32
    }
    %scan3A_9 = arith.constant 64 : i32
    %scan3A_10 = arith.constant 0 : i32
    %scan3A_11 = arith.constant 0 : i32
    %scan3A_12 = arith.constant 10 : i32
    %scan3A_13 = arith.addi %scan3A_11, %scan3A_12 : i32
    %scan3A_14 = arith.constant 1 : i32
    %scan3A_15 = scf.for %scan3A_31 = %scan3A_11 to %scan3A_13 step %scan3A_14 iter_args(%scan3A_32 = %scan3A_10) -> (i32)  : i32 {
      %mul3A_33 = arith.constant 64 : i32
      %mul3A_34 = arith.muli %scan3A_31, %mul3A_33 : i32
      %add3A_35 = arith.addi %mul3A_2, %mul3A_34 : i32
      "tpu.region"() ({
        %run_scoped3A = tpu.sem_alloc : memref<!tpu.dma_semaphore, #tpu.memory_space<semaphore_mem>>
        %dma_start3A_37 = arith.constant 0 : i32
        %dma_start3A_38 = tpu.memref_slice %arg10[%add3A_35, %dma_start3A_37] : memref<10240x144xf32, #tpu.memory_space<vmem_shared>> -> memref<64x144xf32, #tpu.memory_space<vmem_shared>>
        %dma_start3A_39 = arith.constant 0 : i32
        %dma_start3A_40 = tpu.memref_slice %arg10[%add3A_35, %dma_start3A_39] : memref<10240x144xf32, #tpu.memory_space<vmem_shared>> -> memref<64x144xf32, #tpu.memory_space<vmem_shared>>
        tpu.enqueue_dma source(%arg8 : memref<64x144xf32, #tpu.memory_space<vmem>>) target(%dma_start3A_40 : memref<64x144xf32, #tpu.memory_space<vmem_shared>>) target_semaphore(%run_scoped3A : memref<!tpu.dma_semaphore, #tpu.memory_space<semaphore_mem>>)
        %dma_wait3A = arith.constant 0 : i32
        %dma_wait3A_41 = tpu.memref_slice %arg10[%add3A_35, %dma_wait3A] : memref<10240x144xf32, #tpu.memory_space<vmem_shared>> -> memref<64x144xf32, #tpu.memory_space<vmem_shared>>
        %dma_wait3A_42 = arith.constant 0 : i32
        %dma_wait3A_43 = tpu.memref_slice %arg10[%add3A_35, %dma_wait3A_42] : memref<10240x144xf32, #tpu.memory_space<vmem_shared>> -> memref<64x144xf32, #tpu.memory_space<vmem_shared>>
        tpu.wait_dma2 semaphore(%run_scoped3A : memref<!tpu.dma_semaphore, #tpu.memory_space<semaphore_mem>>) src(%arg8 : memref<64x144xf32, #tpu.memory_space<vmem>>) dst(%dma_wait3A_43 : memref<64x144xf32, #tpu.memory_space<vmem_shared>>)
        tpu.yield
      }) : () -> ()
      %scan3A_36 = arith.constant 0 : i32
      scf.yield %scan3A_36 : i32
    }
    %scan3A_16 = arith.constant 10 : i32
    "tpu.region"() ({
      %run_scoped3A = tpu.sem_alloc : memref<!tpu.dma_semaphore, #tpu.memory_space<semaphore_mem>>
      %dma_start3A_31 = arith.constant 0 : i32
      %dma_start3A_32 = arith.constant 0 : i32
      %dma_start3A_33 = tpu.memref_slice %arg3[%add3A, %dma_start3A_31, %dma_start3A_32] : memref<32x80x64xi32, #tpu.memory_space<hbm>> -> memref<1x80x64xi32, #tpu.memory_space<hbm>>
      %dma_start3A_34 = tpu.memref_squeeze %dma_start3A_33 : memref<1x80x64xi32, #tpu.memory_space<hbm>> -> memref<80x64xi32, #tpu.memory_space<hbm>>
      %dma_start3A_35 = arith.constant 0 : i32
      %dma_start3A_36 = arith.constant 0 : i32
      %dma_start3A_37 = tpu.memref_slice %arg3[%add3A, %dma_start3A_35, %dma_start3A_36] : memref<32x80x64xi32, #tpu.memory_space<hbm>> -> memref<1x80x64xi32, #tpu.memory_space<hbm>>
      %dma_start3A_38 = tpu.memref_squeeze %dma_start3A_37 : memref<1x80x64xi32, #tpu.memory_space<hbm>> -> memref<80x64xi32, #tpu.memory_space<hbm>>
      tpu.enqueue_dma source(%dma_start3A_38 : memref<80x64xi32, #tpu.memory_space<hbm>>) target(%arg6 : memref<80x64xi32, #tpu.memory_space<vmem>>) target_semaphore(%run_scoped3A : memref<!tpu.dma_semaphore, #tpu.memory_space<semaphore_mem>>)
      %dma_wait3A = arith.constant 0 : i32
      %dma_wait3A_39 = arith.constant 0 : i32
      %dma_wait3A_40 = tpu.memref_slice %arg3[%add3A, %dma_wait3A, %dma_wait3A_39] : memref<32x80x64xi32, #tpu.memory_space<hbm>> -> memref<1x80x64xi32, #tpu.memory_space<hbm>>
      %dma_wait3A_41 = tpu.memref_squeeze %dma_wait3A_40 : memref<1x80x64xi32, #tpu.memory_space<hbm>> -> memref<80x64xi32, #tpu.memory_space<hbm>>
      %dma_wait3A_42 = arith.constant 0 : i32
      %dma_wait3A_43 = arith.constant 0 : i32
      %dma_wait3A_44 = tpu.memref_slice %arg3[%add3A, %dma_wait3A_42, %dma_wait3A_43] : memref<32x80x64xi32, #tpu.memory_space<hbm>> -> memref<1x80x64xi32, #tpu.memory_space<hbm>>
      %dma_wait3A_45 = tpu.memref_squeeze %dma_wait3A_44 : memref<1x80x64xi32, #tpu.memory_space<hbm>> -> memref<80x64xi32, #tpu.memory_space<hbm>>
      tpu.wait_dma2 semaphore(%run_scoped3A : memref<!tpu.dma_semaphore, #tpu.memory_space<semaphore_mem>>) src(%dma_wait3A_45 : memref<80x64xi32, #tpu.memory_space<hbm>>) dst(%arg6 : memref<80x64xi32, #tpu.memory_space<vmem>>)
      tpu.yield
    }) : () -> ()
    "tpu.region"() ({
      %run_scoped3A = tpu.sem_alloc : memref<!tpu.dma_semaphore, #tpu.memory_space<semaphore_mem>>
      %dma_start3A_31 = arith.constant 0 : i32
      %dma_start3A_32 = arith.constant 0 : i32
      %dma_start3A_33 = tpu.memref_slice %arg4[%add3A, %dma_start3A_31, %dma_start3A_32] : memref<32x80x64xi32, #tpu.memory_space<hbm>> -> memref<1x80x64xi32, #tpu.memory_space<hbm>>
      %dma_start3A_34 = tpu.memref_squeeze %dma_start3A_33 : memref<1x80x64xi32, #tpu.memory_space<hbm>> -> memref<80x64xi32, #tpu.memory_space<hbm>>
      %dma_start3A_35 = arith.constant 0 : i32
      %dma_start3A_36 = arith.constant 0 : i32
      %dma_start3A_37 = tpu.memref_slice %arg4[%add3A, %dma_start3A_35, %dma_start3A_36] : memref<32x80x64xi32, #tpu.memory_space<hbm>> -> memref<1x80x64xi32, #tpu.memory_space<hbm>>
      %dma_start3A_38 = tpu.memref_squeeze %dma_start3A_37 : memref<1x80x64xi32, #tpu.memory_space<hbm>> -> memref<80x64xi32, #tpu.memory_space<hbm>>
      tpu.enqueue_dma source(%dma_start3A_38 : memref<80x64xi32, #tpu.memory_space<hbm>>) target(%arg7 : memref<80x64xi32, #tpu.memory_space<vmem>>) target_semaphore(%run_scoped3A : memref<!tpu.dma_semaphore, #tpu.memory_space<semaphore_mem>>)
      %dma_wait3A = arith.constant 0 : i32
      %dma_wait3A_39 = arith.constant 0 : i32
      %dma_wait3A_40 = tpu.memref_slice %arg4[%add3A, %dma_wait3A, %dma_wait3A_39] : memref<32x80x64xi32, #tpu.memory_space<hbm>> -> memref<1x80x64xi32, #tpu.memory_space<hbm>>
      %dma_wait3A_41 = tpu.memref_squeeze %dma_wait3A_40 : memref<1x80x64xi32, #tpu.memory_space<hbm>> -> memref<80x64xi32, #tpu.memory_space<hbm>>
      %dma_wait3A_42 = arith.constant 0 : i32
      %dma_wait3A_43 = arith.constant 0 : i32
      %dma_wait3A_44 = tpu.memref_slice %arg4[%add3A, %dma_wait3A_42, %dma_wait3A_43] : memref<32x80x64xi32, #tpu.memory_space<hbm>> -> memref<1x80x64xi32, #tpu.memory_space<hbm>>
      %dma_wait3A_45 = tpu.memref_squeeze %dma_wait3A_44 : memref<1x80x64xi32, #tpu.memory_space<hbm>> -> memref<80x64xi32, #tpu.memory_space<hbm>>
      tpu.wait_dma2 semaphore(%run_scoped3A : memref<!tpu.dma_semaphore, #tpu.memory_space<semaphore_mem>>) src(%dma_wait3A_45 : memref<80x64xi32, #tpu.memory_space<hbm>>) dst(%arg7 : memref<80x64xi32, #tpu.memory_space<vmem>>)
      tpu.yield
    }) : () -> ()
    %barrier3A = arith.constant 0 : index
    tpu.barrier barrier_id(%barrier3A)
    %dma_start3A = arith.constant 0 : i32
    %dma_start3A_17 = arith.constant 0 : i32
    %dma_start3A_18 = tpu.memref_slice %arg6[%dma_start3A, %dma_start3A_17] : memref<80x64xi32, #tpu.memory_space<vmem>> -> memref<1x64xi32, #tpu.memory_space<vmem>>
    %dma_start3A_19 = tpu.memref_squeeze %dma_start3A_18 : memref<1x64xi32, #tpu.memory_space<vmem>> -> memref<64xi32, #tpu.memory_space<vmem>>
    %dma_start3A_20 = arith.constant 0 : i32
    %dma_start3A_21 = arith.constant 0 : i32
    %dma_start3A_22 = tpu.memref_slice %arg2[%dma_start3A_20, %dma_start3A_21] : memref<10240x144xf32, #tpu.memory_space<hbm>> -> memref<10240x144xf32, #tpu.memory_space<hbm>>
    tpu.enqueue_indirect_dma source(%dma_start3A_22 : memref<10240x144xf32, #tpu.memory_space<hbm>>) target(%arg8 : memref<64x144xf32, #tpu.memory_space<vmem>>) offsets(%dma_start3A_19 : memref<64xi32, #tpu.memory_space<vmem>>) semaphore(%arg11 : memref<!tpu.dma_semaphore, #tpu.memory_space<semaphore_mem>>)
    %scan3A_23 = arith.constant 0 : i32
    %scan3A_24 = arith.constant 0 : i32
    %scan3A_25 = arith.constant 40 : i32
    %scan3A_26 = arith.addi %scan3A_24, %scan3A_25 : i32
    %scan3A_27 = arith.constant 1 : i32
    %scan3A_28 = scf.for %scan3A_31 = %scan3A_24 to %scan3A_26 step %scan3A_27 iter_args(%scan3A_32 = %scan3A_23) -> (i32)  : i32 {
      %mul3A_33 = arith.constant 2 : i32
      %mul3A_34 = arith.muli %mul3A_33, %scan3A_31 : i32
      %add3A_35 = arith.constant 1 : i32
      %add3A_36 = arith.addi %mul3A_34, %add3A_35 : i32
      %dma_start3A_37 = arith.constant 0 : i32
      %dma_start3A_38 = tpu.memref_slice %arg6[%add3A_36, %dma_start3A_37] : memref<80x64xi32, #tpu.memory_space<vmem>> -> memref<1x64xi32, #tpu.memory_space<vmem>>
      %dma_start3A_39 = tpu.memref_squeeze %dma_start3A_38 : memref<1x64xi32, #tpu.memory_space<vmem>> -> memref<64xi32, #tpu.memory_space<vmem>>
      %dma_start3A_40 = arith.constant 0 : i32
      %dma_start3A_41 = arith.constant 0 : i32
      %dma_start3A_42 = tpu.memref_slice %arg2[%dma_start3A_40, %dma_start3A_41] : memref<10240x144xf32, #tpu.memory_space<hbm>> -> memref<10240x144xf32, #tpu.memory_space<hbm>>
      tpu.enqueue_indirect_dma source(%dma_start3A_42 : memref<10240x144xf32, #tpu.memory_space<hbm>>) target(%arg9 : memref<64x144xf32, #tpu.memory_space<vmem>>) offsets(%dma_start3A_39 : memref<64xi32, #tpu.memory_space<vmem>>) semaphore(%arg12 : memref<!tpu.dma_semaphore, #tpu.memory_space<semaphore_mem>>)
      %dma_wait3A = arith.constant 0 : i32
      %dma_wait3A_43 = tpu.memref_slice %arg6[%mul3A_34, %dma_wait3A] : memref<80x64xi32, #tpu.memory_space<vmem>> -> memref<1x64xi32, #tpu.memory_space<vmem>>
      %dma_wait3A_44 = tpu.memref_squeeze %dma_wait3A_43 : memref<1x64xi32, #tpu.memory_space<vmem>> -> memref<64xi32, #tpu.memory_space<vmem>>
      %dma_wait3A_45 = arith.constant 0 : i32
      %dma_wait3A_46 = arith.constant 0 : i32
      %dma_wait3A_47 = tpu.memref_slice %arg2[%dma_wait3A_45, %dma_wait3A_46] : memref<10240x144xf32, #tpu.memory_space<hbm>> -> memref<10240x144xf32, #tpu.memory_space<hbm>>
      tpu.wait_indirect_dma semaphore(%arg11 : memref<!tpu.dma_semaphore, #tpu.memory_space<semaphore_mem>>) src(%dma_wait3A_47 : memref<10240x144xf32, #tpu.memory_space<hbm>>) dst(%arg8 : memref<64x144xf32, #tpu.memory_space<vmem>>)
      "tpu.region"() ({
        %run_scoped3A = tpu.sem_alloc : memref<!tpu.dma_semaphore, #tpu.memory_space<semaphore_mem>>
        %dma_start3A_61 = arith.constant 0 : i32
        %dma_start3A_62 = tpu.memref_slice %arg7[%mul3A_34, %dma_start3A_61] : memref<80x64xi32, #tpu.memory_space<vmem>> -> memref<1x64xi32, #tpu.memory_space<vmem>>
        %dma_start3A_63 = tpu.memref_squeeze %dma_start3A_62 : memref<1x64xi32, #tpu.memory_space<vmem>> -> memref<64xi32, #tpu.memory_space<vmem>>
        %dma_start3A_64 = arith.constant 0 : i32
        %dma_start3A_65 = arith.constant 0 : i32
        %dma_start3A_66 = tpu.memref_slice %arg10[%dma_start3A_64, %dma_start3A_65] : memref<10240x144xf32, #tpu.memory_space<vmem_shared>> -> memref<10240x144xf32, #tpu.memory_space<vmem_shared>>
        tpu.enqueue_indirect_dma source(%arg8 : memref<64x144xf32, #tpu.memory_space<vmem>>) target(%dma_start3A_66 : memref<10240x144xf32, #tpu.memory_space<vmem_shared>>) offsets(%dma_start3A_63 : memref<64xi32, #tpu.memory_space<vmem>>) semaphore(%run_scoped3A : memref<!tpu.dma_semaphore, #tpu.memory_space<semaphore_mem>>) {add = true}
        %dma_wait3A_67 = arith.constant 0 : i32
        %dma_wait3A_68 = tpu.memref_slice %arg7[%mul3A_34, %dma_wait3A_67] : memref<80x64xi32, #tpu.memory_space<vmem>> -> memref<1x64xi32, #tpu.memory_space<vmem>>
        %dma_wait3A_69 = tpu.memref_squeeze %dma_wait3A_68 : memref<1x64xi32, #tpu.memory_space<vmem>> -> memref<64xi32, #tpu.memory_space<vmem>>
        %dma_wait3A_70 = arith.constant 0 : i32
        %dma_wait3A_71 = arith.constant 0 : i32
        %dma_wait3A_72 = tpu.memref_slice %arg10[%dma_wait3A_70, %dma_wait3A_71] : memref<10240x144xf32, #tpu.memory_space<vmem_shared>> -> memref<10240x144xf32, #tpu.memory_space<vmem_shared>>
        tpu.wait_indirect_dma semaphore(%run_scoped3A : memref<!tpu.dma_semaphore, #tpu.memory_space<semaphore_mem>>) src(%arg8 : memref<64x144xf32, #tpu.memory_space<vmem>>) dst(%dma_wait3A_72 : memref<10240x144xf32, #tpu.memory_space<vmem_shared>>)
        tpu.yield
      }) : () -> ()
      %lt3A = arith.constant 39 : i32
      %lt3A_48 = arith.cmpi slt, %scan3A_31, %lt3A : i32
      %convert_element_type3A = arith.extui %lt3A_48 : i1 to i32
      %cond3A = arith.constant 0 : i32
      %cond3A_49 = arith.cmpi ne, %convert_element_type3A, %cond3A : i32
      scf.if %cond3A_49 {
        %add3A_61 = arith.constant 2 : i32
        %add3A_62 = arith.addi %mul3A_34, %add3A_61 : i32
        %dma_start3A_63 = arith.constant 0 : i32
        %dma_start3A_64 = tpu.memref_slice %arg6[%add3A_62, %dma_start3A_63] : memref<80x64xi32, #tpu.memory_space<vmem>> -> memref<1x64xi32, #tpu.memory_space<vmem>>
        %dma_start3A_65 = tpu.memref_squeeze %dma_start3A_64 : memref<1x64xi32, #tpu.memory_space<vmem>> -> memref<64xi32, #tpu.memory_space<vmem>>
        %dma_start3A_66 = arith.constant 0 : i32
        %dma_start3A_67 = arith.constant 0 : i32
        %dma_start3A_68 = tpu.memref_slice %arg2[%dma_start3A_66, %dma_start3A_67] : memref<10240x144xf32, #tpu.memory_space<hbm>> -> memref<10240x144xf32, #tpu.memory_space<hbm>>
        tpu.enqueue_indirect_dma source(%dma_start3A_68 : memref<10240x144xf32, #tpu.memory_space<hbm>>) target(%arg8 : memref<64x144xf32, #tpu.memory_space<vmem>>) offsets(%dma_start3A_65 : memref<64xi32, #tpu.memory_space<vmem>>) semaphore(%arg11 : memref<!tpu.dma_semaphore, #tpu.memory_space<semaphore_mem>>)
      } else {
      }
      %add3A_50 = arith.constant 1 : i32
      %add3A_51 = arith.addi %mul3A_34, %add3A_50 : i32
      %dma_wait3A_52 = arith.constant 0 : i32
      %dma_wait3A_53 = tpu.memref_slice %arg6[%add3A_51, %dma_wait3A_52] : memref<80x64xi32, #tpu.memory_space<vmem>> -> memref<1x64xi32, #tpu.memory_space<vmem>>
      %dma_wait3A_54 = tpu.memref_squeeze %dma_wait3A_53 : memref<1x64xi32, #tpu.memory_space<vmem>> -> memref<64xi32, #tpu.memory_space<vmem>>
      %dma_wait3A_55 = arith.constant 0 : i32
      %dma_wait3A_56 = arith.constant 0 : i32
      %dma_wait3A_57 = tpu.memref_slice %arg2[%dma_wait3A_55, %dma_wait3A_56] : memref<10240x144xf32, #tpu.memory_space<hbm>> -> memref<10240x144xf32, #tpu.memory_space<hbm>>
      tpu.wait_indirect_dma semaphore(%arg12 : memref<!tpu.dma_semaphore, #tpu.memory_space<semaphore_mem>>) src(%dma_wait3A_57 : memref<10240x144xf32, #tpu.memory_space<hbm>>) dst(%arg9 : memref<64x144xf32, #tpu.memory_space<vmem>>)
      %add3A_58 = arith.constant 1 : i32
      %add3A_59 = arith.addi %mul3A_34, %add3A_58 : i32
      "tpu.region"() ({
        %run_scoped3A = tpu.sem_alloc : memref<!tpu.dma_semaphore, #tpu.memory_space<semaphore_mem>>
        %dma_start3A_61 = arith.constant 0 : i32
        %dma_start3A_62 = tpu.memref_slice %arg7[%add3A_59, %dma_start3A_61] : memref<80x64xi32, #tpu.memory_space<vmem>> -> memref<1x64xi32, #tpu.memory_space<vmem>>
        %dma_start3A_63 = tpu.memref_squeeze %dma_start3A_62 : memref<1x64xi32, #tpu.memory_space<vmem>> -> memref<64xi32, #tpu.memory_space<vmem>>
        %dma_start3A_64 = arith.constant 0 : i32
        %dma_start3A_65 = arith.constant 0 : i32
        %dma_start3A_66 = tpu.memref_slice %arg10[%dma_start3A_64, %dma_start3A_65] : memref<10240x144xf32, #tpu.memory_space<vmem_shared>> -> memref<10240x144xf32, #tpu.memory_space<vmem_shared>>
        tpu.enqueue_indirect_dma source(%arg9 : memref<64x144xf32, #tpu.memory_space<vmem>>) target(%dma_start3A_66 : memref<10240x144xf32, #tpu.memory_space<vmem_shared>>) offsets(%dma_start3A_63 : memref<64xi32, #tpu.memory_space<vmem>>) semaphore(%run_scoped3A : memref<!tpu.dma_semaphore, #tpu.memory_space<semaphore_mem>>) {add = true}
        %dma_wait3A_67 = arith.constant 0 : i32
        %dma_wait3A_68 = tpu.memref_slice %arg7[%add3A_59, %dma_wait3A_67] : memref<80x64xi32, #tpu.memory_space<vmem>> -> memref<1x64xi32, #tpu.memory_space<vmem>>
        %dma_wait3A_69 = tpu.memref_squeeze %dma_wait3A_68 : memref<1x64xi32, #tpu.memory_space<vmem>> -> memref<64xi32, #tpu.memory_space<vmem>>
        %dma_wait3A_70 = arith.constant 0 : i32
        %dma_wait3A_71 = arith.constant 0 : i32
        %dma_wait3A_72 = tpu.memref_slice %arg10[%dma_wait3A_70, %dma_wait3A_71] : memref<10240x144xf32, #tpu.memory_space<vmem_shared>> -> memref<10240x144xf32, #tpu.memory_space<vmem_shared>>
        tpu.wait_indirect_dma semaphore(%run_scoped3A : memref<!tpu.dma_semaphore, #tpu.memory_space<semaphore_mem>>) src(%arg9 : memref<64x144xf32, #tpu.memory_space<vmem>>) dst(%dma_wait3A_72 : memref<10240x144xf32, #tpu.memory_space<vmem_shared>>)
        tpu.yield
      }) : () -> ()
      %scan3A_60 = arith.constant 0 : i32
      scf.yield %scan3A_60 : i32
    }
    %scan3A_29 = arith.constant 40 : i32
    %barrier3A_30 = arith.constant 0 : index
    tpu.barrier barrier_id(%barrier3A_30)
    "tpu.region"() ({
      %run_scoped3A = tpu.sem_alloc : memref<!tpu.dma_semaphore, #tpu.memory_space<semaphore_mem>>
      %dma_start3A_31 = arith.constant 0 : i32
      %dma_start3A_32 = tpu.memref_slice %arg5[%arg0, %mul3A_2, %dma_start3A_31] : memref<2x10240x144xf32, #tpu.memory_space<hbm>> -> memref<1x640x144xf32, #tpu.memory_space<hbm>>
      %dma_start3A_33 = tpu.memref_squeeze %dma_start3A_32 : memref<1x640x144xf32, #tpu.memory_space<hbm>> -> memref<640x144xf32, #tpu.memory_space<hbm>>
      %dma_start3A_34 = arith.constant 0 : i32
      %dma_start3A_35 = tpu.memref_slice %arg10[%mul3A_2, %dma_start3A_34] : memref<10240x144xf32, #tpu.memory_space<vmem_shared>> -> memref<640x144xf32, #tpu.memory_space<vmem_shared>>
      tpu.enqueue_dma source(%dma_start3A_35 : memref<640x144xf32, #tpu.memory_space<vmem_shared>>) target(%dma_start3A_33 : memref<640x144xf32, #tpu.memory_space<hbm>>) target_semaphore(%run_scoped3A : memref<!tpu.dma_semaphore, #tpu.memory_space<semaphore_mem>>)
      %dma_wait3A = arith.constant 0 : i32
      %dma_wait3A_36 = tpu.memref_slice %arg5[%arg0, %mul3A_2, %dma_wait3A] : memref<2x10240x144xf32, #tpu.memory_space<hbm>> -> memref<1x640x144xf32, #tpu.memory_space<hbm>>
      %dma_wait3A_37 = tpu.memref_squeeze %dma_wait3A_36 : memref<1x640x144xf32, #tpu.memory_space<hbm>> -> memref<640x144xf32, #tpu.memory_space<hbm>>
      %dma_wait3A_38 = arith.constant 0 : i32
      %dma_wait3A_39 = tpu.memref_slice %arg10[%mul3A_2, %dma_wait3A_38] : memref<10240x144xf32, #tpu.memory_space<vmem_shared>> -> memref<640x144xf32, #tpu.memory_space<vmem_shared>>
      tpu.wait_dma2 semaphore(%run_scoped3A : memref<!tpu.dma_semaphore, #tpu.memory_space<semaphore_mem>>) src(%dma_wait3A_39 : memref<640x144xf32, #tpu.memory_space<vmem_shared>>) dst(%dma_wait3A_37 : memref<640x144xf32, #tpu.memory_space<hbm>>)
      tpu.yield
    }) : () -> ()
    return
  }
}

module attributes {stable_mosaic.version = 14 : i64} {
  func.func @_table_body(%arg0: i32, %arg1: memref<640x128xf32, #tpu.memory_space<vmem>>, %arg2: memref<640x128xf32, #tpu.memory_space<vmem>>, %arg3: memref<640x1xf32, #tpu.memory_space<vmem>>, %arg4: memref<128x128xf32, #tpu.memory_space<vmem>>, %arg5: memref<128x128xf32, #tpu.memory_space<vmem>>, %arg6: memref<1x128xf32, #tpu.memory_space<vmem>>, %arg7: memref<640x144xf32, #tpu.memory_space<vmem>>) attributes {dimension_semantics = [#tpu.dimension_semantics<arbitrary>], iteration_bounds = array<i64: 16>, scalar_prefetch = 0 : i64, scratch_operands = 0 : i64, tpu.core_type = #tpu.core_type<tc>, window_params = [{transform_indices = @transform_0, window_bounds = array<i64: 640, 128>}, {transform_indices = @transform_1, window_bounds = array<i64: 640, 128>}, {transform_indices = @transform_2, window_bounds = array<i64: 640, 1>}, {pipeline_mode = #tpu.pipeline_mode<synchronous>, transform_indices = @transform_3, window_bounds = array<i64: 128, 128>}, {pipeline_mode = #tpu.pipeline_mode<synchronous>, transform_indices = @transform_4, window_bounds = array<i64: 128, 128>}, {pipeline_mode = #tpu.pipeline_mode<synchronous>, transform_indices = @transform_5, window_bounds = array<i64: 1, 128>}, {transform_indices = @transform_6, window_bounds = array<i64: 640, 144>}]} {
    %get3A = arith.constant 0 : index
    %get3A_0 = arith.constant 0 : index
    %get3A_1 = vector.load %arg1[%get3A, %get3A_0] : memref<640x128xf32, #tpu.memory_space<vmem>>, vector<640x128xf32>
    %get3A_2 = arith.constant 0 : index
    %get3A_3 = arith.constant 0 : index
    %get3A_4 = vector.load %arg4[%get3A_2, %get3A_3] : memref<128x128xf32, #tpu.memory_space<vmem>>, vector<128x128xf32>
    %dot_general3A = arith.constant dense<0.000000e+00> : vector<640x128xf32>
    %dot_general3A_5 = tpu.matmul %get3A_1, %get3A_4, %dot_general3A {dimension_numbers = #tpu.dot_dimension_numbers<[1], [0], [0], [1], [0, 0, 1, 1], [], []>, transpose_lhs_hint = false} : vector<640x128xf32>, vector<128x128xf32>, vector<640x128xf32> -> vector<640x128xf32>
    %get3A_6 = arith.constant 0 : index
    %get3A_7 = arith.constant 0 : index
    %get3A_8 = vector.load %arg2[%get3A_6, %get3A_7] : memref<640x128xf32, #tpu.memory_space<vmem>>, vector<640x128xf32>
    %get3A_9 = arith.constant 0 : index
    %get3A_10 = arith.constant 0 : index
    %get3A_11 = vector.load %arg5[%get3A_9, %get3A_10] : memref<128x128xf32, #tpu.memory_space<vmem>>, vector<128x128xf32>
    %dot_general3A_12 = arith.constant dense<0.000000e+00> : vector<640x128xf32>
    %dot_general3A_13 = tpu.matmul %get3A_8, %get3A_11, %dot_general3A_12 {dimension_numbers = #tpu.dot_dimension_numbers<[1], [0], [0], [1], [0, 0, 1, 1], [], []>, transpose_lhs_hint = false} : vector<640x128xf32>, vector<128x128xf32>, vector<640x128xf32> -> vector<640x128xf32>
    %add3A = arith.addf %dot_general3A_5, %dot_general3A_13 : vector<640x128xf32>
    %get3A_14 = arith.constant 0 : index
    %get3A_15 = arith.constant 0 : index
    %get3A_16 = vector.load %arg6[%get3A_14, %get3A_15] : memref<1x128xf32, #tpu.memory_space<vmem>>, vector<1x128xf32>
    %add3A_17 = vector.broadcast %get3A_16 : vector<1x128xf32> to vector<640x128xf32>
    %add3A_18 = arith.addf %add3A, %add3A_17 : vector<640x128xf32>
    %get3A_19 = arith.constant 0 : index
    %get3A_20 = arith.constant 0 : index
    %get3A_21 = vector.load %arg3[%get3A_19, %get3A_20] : memref<640x1xf32, #tpu.memory_space<vmem>>, vector<640x1xf32>
    %mul3A = vector.broadcast %get3A_21 : vector<640x1xf32> to vector<640x128xf32>
    %mul3A_22 = arith.mulf %mul3A, %add3A_18 : vector<640x128xf32>
    %broadcast_in_dim3A = arith.constant 0.000000e+00 : f32
    %broadcast_in_dim3A_23 = vector.broadcast %broadcast_in_dim3A : f32 to vector<640x15xf32>
    %concatenate3A = tpu.concatenate %mul3A_22, %get3A_21, %broadcast_in_dim3A_23 in 1 : vector<640x128xf32>, vector<640x1xf32>, vector<640x15xf32> -> vector<640x144xf32>
    %mul3A_24 = arith.constant 640 : i32
    %mul3A_25 = arith.muli %arg0, %mul3A_24 : i32
    %iota3A = tpu.iota {dimensions = array<i32: 0>} : vector<640x1xi32>
    %add3A_26 = vector.broadcast %mul3A_25 : i32 to vector<640x1xi32>
    %add3A_27 = arith.addi %add3A_26, %iota3A : vector<640x1xi32>
    %lt3A = arith.constant 10000 : i32
    %lt3A_28 = vector.broadcast %lt3A : i32 to vector<640x1xi32>
    %lt3A_29 = arith.cmpi slt, %add3A_27, %lt3A_28 : vector<640x1xi32>
    %jit3A = arith.constant 0.000000e+00 : f32
    %broadcast_in_dim3A_30 = vector.shape_cast %lt3A_29 : vector<640x1xi1> to vector<640x1xi1>
    %broadcast_in_dim3A_31 = vector.broadcast %broadcast_in_dim3A_30 : vector<640x1xi1> to vector<640x144xi1>
    %broadcast_in_dim3A_32 = vector.broadcast %jit3A : f32 to vector<640x144xf32>
    %select_n3A = arith.select %broadcast_in_dim3A_31, %concatenate3A, %broadcast_in_dim3A_32 : vector<640x144xi1>, vector<640x144xf32>
    %swap3A = arith.constant 0 : index
    %swap3A_33 = arith.constant 0 : index
    %swap3A_34 = vector.load %arg7[%swap3A, %swap3A_33] : memref<640x144xf32, #tpu.memory_space<vmem>>, vector<640x144xf32>
    tpu.vector_store %arg7[%swap3A, %swap3A_33], %select_n3A {strides = array<i32>} : memref<640x144xf32, #tpu.memory_space<vmem>>, vector<640x144xf32>,
    return
  }
  func.func @transform_0(%arg0: i32) -> (i32, i32) {
    %c0_i32 = arith.constant 0 : i32
    %c0_i32_0 = arith.constant 0 : i32
    return %arg0, %c0_i32 : i32, i32
  }
  func.func @transform_1(%arg0: i32) -> (i32, i32) {
    %c0_i32 = arith.constant 0 : i32
    %c0_i32_0 = arith.constant 0 : i32
    return %arg0, %c0_i32 : i32, i32
  }
  func.func @transform_2(%arg0: i32) -> (i32, i32) {
    %c0_i32 = arith.constant 0 : i32
    %c0_i32_0 = arith.constant 0 : i32
    return %arg0, %c0_i32 : i32, i32
  }
  func.func @transform_3(%arg0: i32) -> (i32, i32) {
    %c0_i32 = arith.constant 0 : i32
    %c0_i32_0 = arith.constant 0 : i32
    %c0_i32_1 = arith.constant 0 : i32
    return %c0_i32, %c0_i32_0 : i32, i32
  }
  func.func @transform_4(%arg0: i32) -> (i32, i32) {
    %c0_i32 = arith.constant 0 : i32
    %c0_i32_0 = arith.constant 0 : i32
    %c0_i32_1 = arith.constant 0 : i32
    return %c0_i32, %c0_i32_0 : i32, i32
  }
  func.func @transform_5(%arg0: i32) -> (i32, i32) {
    %c0_i32 = arith.constant 0 : i32
    %c0_i32_0 = arith.constant 0 : i32
    %c0_i32_1 = arith.constant 0 : i32
    return %c0_i32, %c0_i32_0 : i32, i32
  }
  func.func @transform_6(%arg0: i32) -> (i32, i32) {
    %c0_i32 = arith.constant 0 : i32
    %c0_i32_0 = arith.constant 0 : i32
    return %arg0, %c0_i32 : i32, i32
  }
}

module attributes {stable_mosaic.version = 14 : i64} {
  func.func @_ek_body(%arg0: memref<10000x128xf32, #tpu.memory_space<vmem>>, %arg1: memref<10000x128xf32, #tpu.memory_space<vmem>>, %arg2: memref<128x128xf32, #tpu.memory_space<vmem>>, %arg3: memref<128x128xf32, #tpu.memory_space<vmem>>, %arg4: memref<1x128xf32, #tpu.memory_space<vmem>>, %arg5: memref<128x1xf32, #tpu.memory_space<vmem>>, %arg6: memref<10000x1xf32, #tpu.memory_space<vmem>>) attributes {dimension_semantics = [], scalar_prefetch = 0 : i64, scratch_operands = 0 : i64, tpu.core_type = #tpu.core_type<tc>} {
    %get3A = arith.constant 0 : index
    %get3A_0 = arith.constant 0 : index
    %get3A_1 = vector.load %arg0[%get3A, %get3A_0] : memref<10000x128xf32, #tpu.memory_space<vmem>>, vector<10000x128xf32>
    %get3A_2 = arith.constant 0 : index
    %get3A_3 = arith.constant 0 : index
    %get3A_4 = vector.load %arg2[%get3A_2, %get3A_3] : memref<128x128xf32, #tpu.memory_space<vmem>>, vector<128x128xf32>
    %dot_general3A = arith.constant dense<0.000000e+00> : vector<10000x128xf32>
    %dot_general3A_5 = tpu.matmul %get3A_1, %get3A_4, %dot_general3A {dimension_numbers = #tpu.dot_dimension_numbers<[1], [0], [0], [1], [0, 0, 1, 1], [], []>, transpose_lhs_hint = false} : vector<10000x128xf32>, vector<128x128xf32>, vector<10000x128xf32> -> vector<10000x128xf32>
    %get3A_6 = arith.constant 0 : index
    %get3A_7 = arith.constant 0 : index
    %get3A_8 = vector.load %arg1[%get3A_6, %get3A_7] : memref<10000x128xf32, #tpu.memory_space<vmem>>, vector<10000x128xf32>
    %get3A_9 = arith.constant 0 : index
    %get3A_10 = arith.constant 0 : index
    %get3A_11 = vector.load %arg3[%get3A_9, %get3A_10] : memref<128x128xf32, #tpu.memory_space<vmem>>, vector<128x128xf32>
    %dot_general3A_12 = arith.constant dense<0.000000e+00> : vector<10000x128xf32>
    %dot_general3A_13 = tpu.matmul %get3A_8, %get3A_11, %dot_general3A_12 {dimension_numbers = #tpu.dot_dimension_numbers<[1], [0], [0], [1], [0, 0, 1, 1], [], []>, transpose_lhs_hint = false} : vector<10000x128xf32>, vector<128x128xf32>, vector<10000x128xf32> -> vector<10000x128xf32>
    %add3A = arith.addf %dot_general3A_5, %dot_general3A_13 : vector<10000x128xf32>
    %get3A_14 = arith.constant 0 : index
    %get3A_15 = arith.constant 0 : index
    %get3A_16 = vector.load %arg4[%get3A_14, %get3A_15] : memref<1x128xf32, #tpu.memory_space<vmem>>, vector<1x128xf32>
    %add3A_17 = vector.broadcast %get3A_16 : vector<1x128xf32> to vector<10000x128xf32>
    %add3A_18 = arith.addf %add3A, %add3A_17 : vector<10000x128xf32>
    %get3A_19 = arith.constant 0 : index
    %get3A_20 = arith.constant 0 : index
    %get3A_21 = vector.load %arg5[%get3A_19, %get3A_20] : memref<128x1xf32, #tpu.memory_space<vmem>>, vector<128x1xf32>
    %dot_general3A_22 = arith.constant dense<0.000000e+00> : vector<10000x1xf32>
    %dot_general3A_23 = tpu.matmul %add3A_18, %get3A_21, %dot_general3A_22 {dimension_numbers = #tpu.dot_dimension_numbers<[1], [0], [0], [1], [0, 0, 1, 1], [], []>, transpose_lhs_hint = false} : vector<10000x128xf32>, vector<128x1xf32>, vector<10000x1xf32> -> vector<10000x1xf32>
    %reduce_max3A = vector.shape_cast %dot_general3A_23 : vector<10000x1xf32> to vector<1x10000x1xf32>
    %reduce_max3A_24 = arith.constant dense<0xFF800000> : vector<1xf32>
    %reduce_max3A_25 = vector.multi_reduction <maximumf>, %reduce_max3A, %reduce_max3A_24 [1, 2] : vector<1x10000x1xf32> to vector<1xf32>
    %reduce_max3A_26 = vector.shape_cast %reduce_max3A_25 : vector<1xf32> to vector<1x1x1xf32>
    %reduce_max3A_27 = vector.extract %reduce_max3A_26[0, 0, 0] : f32 from vector<1x1x1xf32>
    %sub3A = vector.broadcast %reduce_max3A_27 : f32 to vector<10000x1xf32>
    %sub3A_28 = arith.subf %dot_general3A_23, %sub3A : vector<10000x1xf32>
    %exp3A = math.exp %sub3A_28 : vector<10000x1xf32>
    %swap3A = arith.constant 0 : index
    %swap3A_29 = arith.constant 0 : index
    %swap3A_30 = vector.load %arg6[%swap3A, %swap3A_29] : memref<10000x1xf32, #tpu.memory_space<vmem>>, vector<10000x1xf32>
    tpu.vector_store %arg6[%swap3A, %swap3A_29], %exp3A {strides = array<i32>} : memref<10000x1xf32, #tpu.memory_space<vmem>>, vector<10000x1xf32>,
    return
  }
}

module attributes {stable_mosaic.version = 14 : i64} {
  func.func @_table_body(%arg0: i32, %arg1: memref<640x128xf32, #tpu.memory_space<vmem>>, %arg2: memref<640x128xf32, #tpu.memory_space<vmem>>, %arg3: memref<640x1xf32, #tpu.memory_space<vmem>>, %arg4: memref<128x128xf32, #tpu.memory_space<vmem>>, %arg5: memref<128x128xf32, #tpu.memory_space<vmem>>, %arg6: memref<1x128xf32, #tpu.memory_space<vmem>>, %arg7: memref<640x144xf32, #tpu.memory_space<vmem>>) attributes {dimension_semantics = [#tpu.dimension_semantics<arbitrary>], iteration_bounds = array<i64: 16>, scalar_prefetch = 0 : i64, scratch_operands = 0 : i64, tpu.core_type = #tpu.core_type<tc>, window_params = [{transform_indices = @transform_0, window_bounds = array<i64: 640, 128>}, {transform_indices = @transform_1, window_bounds = array<i64: 640, 128>}, {transform_indices = @transform_2, window_bounds = array<i64: 640, 1>}, {pipeline_mode = #tpu.pipeline_mode<synchronous>, transform_indices = @transform_3, window_bounds = array<i64: 128, 128>}, {pipeline_mode = #tpu.pipeline_mode<synchronous>, transform_indices = @transform_4, window_bounds = array<i64: 128, 128>}, {pipeline_mode = #tpu.pipeline_mode<synchronous>, transform_indices = @transform_5, window_bounds = array<i64: 1, 128>}, {transform_indices = @transform_6, window_bounds = array<i64: 640, 144>}]} {
    %get3A = arith.constant 0 : index
    %get3A_0 = arith.constant 0 : index
    %get3A_1 = vector.load %arg1[%get3A, %get3A_0] : memref<640x128xf32, #tpu.memory_space<vmem>>, vector<640x128xf32>
    %get3A_2 = arith.constant 0 : index
    %get3A_3 = arith.constant 0 : index
    %get3A_4 = vector.load %arg4[%get3A_2, %get3A_3] : memref<128x128xf32, #tpu.memory_space<vmem>>, vector<128x128xf32>
    %dot_general3A = arith.constant dense<0.000000e+00> : vector<640x128xf32>
    %dot_general3A_5 = tpu.matmul %get3A_1, %get3A_4, %dot_general3A {dimension_numbers = #tpu.dot_dimension_numbers<[1], [0], [0], [1], [0, 0, 1, 1], [], []>, transpose_lhs_hint = false} : vector<640x128xf32>, vector<128x128xf32>, vector<640x128xf32> -> vector<640x128xf32>
    %get3A_6 = arith.constant 0 : index
    %get3A_7 = arith.constant 0 : index
    %get3A_8 = vector.load %arg2[%get3A_6, %get3A_7] : memref<640x128xf32, #tpu.memory_space<vmem>>, vector<640x128xf32>
    %get3A_9 = arith.constant 0 : index
    %get3A_10 = arith.constant 0 : index
    %get3A_11 = vector.load %arg5[%get3A_9, %get3A_10] : memref<128x128xf32, #tpu.memory_space<vmem>>, vector<128x128xf32>
    %dot_general3A_12 = arith.constant dense<0.000000e+00> : vector<640x128xf32>
    %dot_general3A_13 = tpu.matmul %get3A_8, %get3A_11, %dot_general3A_12 {dimension_numbers = #tpu.dot_dimension_numbers<[1], [0], [0], [1], [0, 0, 1, 1], [], []>, transpose_lhs_hint = false} : vector<640x128xf32>, vector<128x128xf32>, vector<640x128xf32> -> vector<640x128xf32>
    %add3A = arith.addf %dot_general3A_5, %dot_general3A_13 : vector<640x128xf32>
    %get3A_14 = arith.constant 0 : index
    %get3A_15 = arith.constant 0 : index
    %get3A_16 = vector.load %arg6[%get3A_14, %get3A_15] : memref<1x128xf32, #tpu.memory_space<vmem>>, vector<1x128xf32>
    %add3A_17 = vector.broadcast %get3A_16 : vector<1x128xf32> to vector<640x128xf32>
    %add3A_18 = arith.addf %add3A, %add3A_17 : vector<640x128xf32>
    %get3A_19 = arith.constant 0 : index
    %get3A_20 = arith.constant 0 : index
    %get3A_21 = vector.load %arg3[%get3A_19, %get3A_20] : memref<640x1xf32, #tpu.memory_space<vmem>>, vector<640x1xf32>
    %mul3A = vector.broadcast %get3A_21 : vector<640x1xf32> to vector<640x128xf32>
    %mul3A_22 = arith.mulf %mul3A, %add3A_18 : vector<640x128xf32>
    %broadcast_in_dim3A = arith.constant 0.000000e+00 : f32
    %broadcast_in_dim3A_23 = vector.broadcast %broadcast_in_dim3A : f32 to vector<640x15xf32>
    %concatenate3A = tpu.concatenate %mul3A_22, %get3A_21, %broadcast_in_dim3A_23 in 1 : vector<640x128xf32>, vector<640x1xf32>, vector<640x15xf32> -> vector<640x144xf32>
    %mul3A_24 = arith.constant 640 : i32
    %mul3A_25 = arith.muli %arg0, %mul3A_24 : i32
    %iota3A = tpu.iota {dimensions = array<i32: 0>} : vector<640x1xi32>
    %add3A_26 = vector.broadcast %mul3A_25 : i32 to vector<640x1xi32>
    %add3A_27 = arith.addi %add3A_26, %iota3A : vector<640x1xi32>
    %lt3A = arith.constant 10000 : i32
    %lt3A_28 = vector.broadcast %lt3A : i32 to vector<640x1xi32>
    %lt3A_29 = arith.cmpi slt, %add3A_27, %lt3A_28 : vector<640x1xi32>
    %jit3A = arith.constant 0.000000e+00 : f32
    %broadcast_in_dim3A_30 = vector.shape_cast %lt3A_29 : vector<640x1xi1> to vector<640x1xi1>
    %broadcast_in_dim3A_31 = vector.broadcast %broadcast_in_dim3A_30 : vector<640x1xi1> to vector<640x144xi1>
    %broadcast_in_dim3A_32 = vector.broadcast %jit3A : f32 to vector<640x144xf32>
    %select_n3A = arith.select %broadcast_in_dim3A_31, %concatenate3A, %broadcast_in_dim3A_32 : vector<640x144xi1>, vector<640x144xf32>
    %swap3A = arith.constant 0 : index
    %swap3A_33 = arith.constant 0 : index
    %swap3A_34 = vector.load %arg7[%swap3A, %swap3A_33] : memref<640x144xf32, #tpu.memory_space<vmem>>, vector<640x144xf32>
    tpu.vector_store %arg7[%swap3A, %swap3A_33], %select_n3A {strides = array<i32>} : memref<640x144xf32, #tpu.memory_space<vmem>>, vector<640x144xf32>,
    return
  }
  func.func @transform_0(%arg0: i32) -> (i32, i32) {
    %c0_i32 = arith.constant 0 : i32
    %c0_i32_0 = arith.constant 0 : i32
    return %arg0, %c0_i32 : i32, i32
  }
  func.func @transform_1(%arg0: i32) -> (i32, i32) {
    %c0_i32 = arith.constant 0 : i32
    %c0_i32_0 = arith.constant 0 : i32
    return %arg0, %c0_i32 : i32, i32
  }
  func.func @transform_2(%arg0: i32) -> (i32, i32) {
    %c0_i32 = arith.constant 0 : i32
    %c0_i32_0 = arith.constant 0 : i32
    return %arg0, %c0_i32 : i32, i32
  }
  func.func @transform_3(%arg0: i32) -> (i32, i32) {
    %c0_i32 = arith.constant 0 : i32
    %c0_i32_0 = arith.constant 0 : i32
    %c0_i32_1 = arith.constant 0 : i32
    return %c0_i32, %c0_i32_0 : i32, i32
  }
  func.func @transform_4(%arg0: i32) -> (i32, i32) {
    %c0_i32 = arith.constant 0 : i32
    %c0_i32_0 = arith.constant 0 : i32
    %c0_i32_1 = arith.constant 0 : i32
    return %c0_i32, %c0_i32_0 : i32, i32
  }
  func.func @transform_5(%arg0: i32) -> (i32, i32) {
    %c0_i32 = arith.constant 0 : i32
    %c0_i32_0 = arith.constant 0 : i32
    %c0_i32_1 = arith.constant 0 : i32
    return %c0_i32, %c0_i32_0 : i32, i32
  }
  func.func @transform_6(%arg0: i32) -> (i32, i32) {
    %c0_i32 = arith.constant 0 : i32
    %c0_i32_0 = arith.constant 0 : i32
    return %arg0, %c0_i32 : i32, i32
  }
}

module attributes {stable_mosaic.version = 14 : i64} {
  func.func @_gru_body(%arg0: i32, %arg1: memref<2x2000x144xf32, #tpu.memory_space<vmem>>, %arg2: memref<2000x128xf32, #tpu.memory_space<vmem>>, %arg3: memref<2000x1xi32, #tpu.memory_space<vmem>>, %arg4: memref<2000x1xi32, #tpu.memory_space<vmem>>, %arg5: memref<128x384xf32, #tpu.memory_space<vmem>>, %arg6: memref<1x384xf32, #tpu.memory_space<vmem>>, %arg7: memref<128x384xf32, #tpu.memory_space<vmem>>, %arg8: memref<1x384xf32, #tpu.memory_space<vmem>>, %arg9: memref<2000x128xf32, #tpu.memory_space<vmem>>) attributes {dimension_semantics = [#tpu.dimension_semantics<arbitrary>], iteration_bounds = array<i64: 5>, scalar_prefetch = 0 : i64, scratch_operands = 0 : i64, tpu.core_type = #tpu.core_type<tc>, window_params = [{transform_indices = @transform_0, window_bounds = array<i64: 2, 2000, 144>}, {transform_indices = @transform_1, window_bounds = array<i64: 2000, 128>}, {transform_indices = @transform_2, window_bounds = array<i64: 2000, 1>}, {transform_indices = @transform_3, window_bounds = array<i64: 2000, 1>}, {pipeline_mode = #tpu.pipeline_mode<synchronous>, transform_indices = @transform_4, window_bounds = array<i64: 128, 384>}, {pipeline_mode = #tpu.pipeline_mode<synchronous>, transform_indices = @transform_5, window_bounds = array<i64: 1, 384>}, {pipeline_mode = #tpu.pipeline_mode<synchronous>, transform_indices = @transform_6, window_bounds = array<i64: 128, 384>}, {pipeline_mode = #tpu.pipeline_mode<synchronous>, transform_indices = @transform_7, window_bounds = array<i64: 1, 384>}, {transform_indices = @transform_8, window_bounds = array<i64: 2000, 128>}]} {
    %get3A = arith.constant 0 : index
    %get3A_0 = arith.constant 0 : index
    %get3A_1 = arith.constant 0 : index
    %get3A_2 = vector.load %arg1[%get3A, %get3A_0, %get3A_1] : memref<2x2000x144xf32, #tpu.memory_space<vmem>>, vector<1x2000x144xf32>
    %get3A_3 = vector.shape_cast %get3A_2 : vector<1x2000x144xf32> to vector<2000x144xf32>
    %get3A_4 = arith.constant 1 : index
    %get3A_5 = arith.constant 0 : index
    %get3A_6 = arith.constant 0 : index
    %get3A_7 = vector.load %arg1[%get3A_4, %get3A_5, %get3A_6] : memref<2x2000x144xf32, #tpu.memory_space<vmem>>, vector<1x2000x144xf32>
    %get3A_8 = vector.shape_cast %get3A_7 : vector<1x2000x144xf32> to vector<2000x144xf32>
    %add3A = arith.addf %get3A_3, %get3A_8 : vector<2000x144xf32>
    %slice3A = vector.extract_strided_slice %add3A {offsets = [0, 128], sizes = [2000, 1], strides = [1, 1]} : vector<2000x144xf32> to vector<2000x1xf32>
    %gt3A = arith.constant 0.000000e+00 : f32
    %gt3A_9 = vector.broadcast %gt3A : f32 to vector<2000x1xf32>
    %gt3A_10 = arith.cmpf ogt, %slice3A, %gt3A_9 : vector<2000x1xf32>
    %slice3A_11 = vector.extract_strided_slice %add3A {offsets = [0, 0], sizes = [2000, 128], strides = [1, 1]} : vector<2000x144xf32> to vector<2000x128xf32>
    %jit3A = arith.constant 1.000000e+00 : f32
    %broadcast_in_dim3A = vector.broadcast %jit3A : f32 to vector<2000x1xf32>
    %select_n3A = arith.select %gt3A_10, %slice3A, %broadcast_in_dim3A : vector<2000x1xi1>, vector<2000x1xf32>
    %div3A = vector.broadcast %select_n3A : vector<2000x1xf32> to vector<2000x128xf32>
    %div3A_12 = arith.divf %slice3A_11, %div3A : vector<2000x128xf32>
    %jit3A_13 = arith.constant 0.000000e+00 : f32
    %broadcast_in_dim3A_14 = vector.shape_cast %gt3A_10 : vector<2000x1xi1> to vector<2000x1xi1>
    %broadcast_in_dim3A_15 = vector.broadcast %broadcast_in_dim3A_14 : vector<2000x1xi1> to vector<2000x128xi1>
    %broadcast_in_dim3A_16 = vector.broadcast %jit3A_13 : f32 to vector<2000x128xf32>
    %select_n3A_17 = arith.select %broadcast_in_dim3A_15, %div3A_12, %broadcast_in_dim3A_16 : vector<2000x128xi1>, vector<2000x128xf32>
    %get3A_18 = arith.constant 0 : index
    %get3A_19 = arith.constant 0 : index
    %get3A_20 = vector.load %arg2[%get3A_18, %get3A_19] : memref<2000x128xf32, #tpu.memory_space<vmem>>, vector<2000x128xf32>
    %get3A_21 = arith.constant 0 : index
    %get3A_22 = arith.constant 0 : index
    %get3A_23 = vector.load %arg5[%get3A_21, %get3A_22] : memref<128x384xf32, #tpu.memory_space<vmem>>, vector<128x384xf32>
    %dot_general3A = arith.constant dense<0.000000e+00> : vector<2000x384xf32>
    %dot_general3A_24 = tpu.matmul %select_n3A_17, %get3A_23, %dot_general3A {dimension_numbers = #tpu.dot_dimension_numbers<[1], [0], [0], [1], [0, 0, 1, 1], [], []>, transpose_lhs_hint = false} : vector<2000x128xf32>, vector<128x384xf32>, vector<2000x384xf32> -> vector<2000x384xf32>
    %get3A_25 = arith.constant 0 : index
    %get3A_26 = arith.constant 0 : index
    %get3A_27 = vector.load %arg6[%get3A_25, %get3A_26] : memref<1x384xf32, #tpu.memory_space<vmem>>, vector<1x384xf32>
    %add3A_28 = vector.broadcast %get3A_27 : vector<1x384xf32> to vector<2000x384xf32>
    %add3A_29 = arith.addf %dot_general3A_24, %add3A_28 : vector<2000x384xf32>
    %get3A_30 = arith.constant 0 : index
    %get3A_31 = arith.constant 0 : index
    %get3A_32 = vector.load %arg7[%get3A_30, %get3A_31] : memref<128x384xf32, #tpu.memory_space<vmem>>, vector<128x384xf32>
    %dot_general3A_33 = arith.constant dense<0.000000e+00> : vector<2000x384xf32>
    %dot_general3A_34 = tpu.matmul %get3A_20, %get3A_32, %dot_general3A_33 {dimension_numbers = #tpu.dot_dimension_numbers<[1], [0], [0], [1], [0, 0, 1, 1], [], []>, transpose_lhs_hint = false} : vector<2000x128xf32>, vector<128x384xf32>, vector<2000x384xf32> -> vector<2000x384xf32>
    %get3A_35 = arith.constant 0 : index
    %get3A_36 = arith.constant 0 : index
    %get3A_37 = vector.load %arg8[%get3A_35, %get3A_36] : memref<1x384xf32, #tpu.memory_space<vmem>>, vector<1x384xf32>
    %add3A_38 = vector.broadcast %get3A_37 : vector<1x384xf32> to vector<2000x384xf32>
    %add3A_39 = arith.addf %dot_general3A_34, %add3A_38 : vector<2000x384xf32>
    %slice3A_40 = vector.extract_strided_slice %add3A_29 {offsets = [0, 0], sizes = [2000, 128], strides = [1, 1]} : vector<2000x384xf32> to vector<2000x128xf32>
    %slice3A_41 = vector.extract_strided_slice %add3A_39 {offsets = [0, 0], sizes = [2000, 128], strides = [1, 1]} : vector<2000x384xf32> to vector<2000x128xf32>
    %add3A_42 = arith.addf %slice3A_40, %slice3A_41 : vector<2000x128xf32>
    %logistic3A = arith.negf %add3A_42 : vector<2000x128xf32>
    %logistic3A_43 = math.exp %logistic3A : vector<2000x128xf32>
    %logistic3A_44 = arith.constant 1.000000e+00 : f32
    %logistic3A_45 = vector.broadcast %logistic3A_44 : f32 to vector<2000x128xf32>
    %logistic3A_46 = arith.addf %logistic3A_45, %logistic3A_43 : vector<2000x128xf32>
    %logistic3A_47 = arith.divf %logistic3A_45, %logistic3A_46 : vector<2000x128xf32>
    %slice3A_48 = vector.extract_strided_slice %add3A_29 {offsets = [0, 128], sizes = [2000, 128], strides = [1, 1]} : vector<2000x384xf32> to vector<2000x128xf32>
    %slice3A_49 = vector.extract_strided_slice %add3A_39 {offsets = [0, 128], sizes = [2000, 128], strides = [1, 1]} : vector<2000x384xf32> to vector<2000x128xf32>
    %add3A_50 = arith.addf %slice3A_48, %slice3A_49 : vector<2000x128xf32>
    %logistic3A_51 = arith.negf %add3A_50 : vector<2000x128xf32>
    %logistic3A_52 = math.exp %logistic3A_51 : vector<2000x128xf32>
    %logistic3A_53 = arith.constant 1.000000e+00 : f32
    %logistic3A_54 = vector.broadcast %logistic3A_53 : f32 to vector<2000x128xf32>
    %logistic3A_55 = arith.addf %logistic3A_54, %logistic3A_52 : vector<2000x128xf32>
    %logistic3A_56 = arith.divf %logistic3A_54, %logistic3A_55 : vector<2000x128xf32>
    %slice3A_57 = vector.extract_strided_slice %add3A_29 {offsets = [0, 256], sizes = [2000, 128], strides = [1, 1]} : vector<2000x384xf32> to vector<2000x128xf32>
    %slice3A_58 = vector.extract_strided_slice %add3A_39 {offsets = [0, 256], sizes = [2000, 128], strides = [1, 1]} : vector<2000x384xf32> to vector<2000x128xf32>
    %mul3A = arith.mulf %logistic3A_47, %slice3A_58 : vector<2000x128xf32>
    %add3A_59 = arith.addf %slice3A_57, %mul3A : vector<2000x128xf32>
    %tanh3A = math.tanh %add3A_59 : vector<2000x128xf32>
    %sub3A = arith.constant 1.000000e+00 : f32
    %sub3A_60 = vector.broadcast %sub3A : f32 to vector<2000x128xf32>
    %sub3A_61 = arith.subf %sub3A_60, %logistic3A_56 : vector<2000x128xf32>
    %mul3A_62 = arith.mulf %sub3A_61, %tanh3A : vector<2000x128xf32>
    %mul3A_63 = arith.mulf %logistic3A_56, %get3A_20 : vector<2000x128xf32>
    %add3A_64 = arith.addf %mul3A_62, %mul3A_63 : vector<2000x128xf32>
    %get3A_65 = arith.constant 0 : index
    %get3A_66 = arith.constant 0 : index
    %get3A_67 = vector.load %arg4[%get3A_65, %get3A_66] : memref<2000x1xi32, #tpu.memory_space<vmem>>, vector<2000x1xi32>
    %eq3A = arith.constant 1 : i32
    %eq3A_68 = vector.broadcast %eq3A : i32 to vector<2000x1xi32>
    %eq3A_69 = arith.cmpi eq, %get3A_67, %eq3A_68 : vector<2000x1xi32>
    %get3A_70 = arith.constant 0 : index
    %get3A_71 = arith.constant 0 : index
    %get3A_72 = vector.load %arg3[%get3A_70, %get3A_71] : memref<2000x1xi32, #tpu.memory_space<vmem>>, vector<2000x1xi32>
    %eq3A_73 = arith.constant 6 : i32
    %eq3A_74 = vector.broadcast %eq3A_73 : i32 to vector<2000x1xi32>
    %eq3A_75 = arith.cmpi eq, %get3A_72, %eq3A_74 : vector<2000x1xi32>
    %and3A = arith.andi %eq3A_69, %eq3A_75 : vector<2000x1xi1>
    %broadcast_in_dim3A_76 = vector.shape_cast %and3A : vector<2000x1xi1> to vector<2000x1xi1>
    %broadcast_in_dim3A_77 = vector.broadcast %broadcast_in_dim3A_76 : vector<2000x1xi1> to vector<2000x128xi1>
    %select_n3A_78 = arith.select %broadcast_in_dim3A_77, %add3A_64, %get3A_20 : vector<2000x128xi1>, vector<2000x128xf32>
    %swap3A = arith.constant 0 : index
    %swap3A_79 = arith.constant 0 : index
    %swap3A_80 = vector.load %arg9[%swap3A, %swap3A_79] : memref<2000x128xf32, #tpu.memory_space<vmem>>, vector<2000x128xf32>
    tpu.vector_store %arg9[%swap3A, %swap3A_79], %select_n3A_78 {strides = array<i32>} : memref<2000x128xf32, #tpu.memory_space<vmem>>, vector<2000x128xf32>,
    return
  }
  func.func @transform_0(%arg0: i32) -> (i32, i32, i32) {
    %c0_i32 = arith.constant 0 : i32
    %c0_i32_0 = arith.constant 0 : i32
    %c0_i32_1 = arith.constant 0 : i32
    return %c0_i32, %arg0, %c0_i32_0 : i32, i32, i32
  }
  func.func @transform_1(%arg0: i32) -> (i32, i32) {
    %c0_i32 = arith.constant 0 : i32
    %c0_i32_0 = arith.constant 0 : i32
    return %arg0, %c0_i32 : i32, i32
  }
  func.func @transform_2(%arg0: i32) -> (i32, i32) {
    %c0_i32 = arith.constant 0 : i32
    %c0_i32_0 = arith.constant 0 : i32
    return %arg0, %c0_i32 : i32, i32
  }
  func.func @transform_3(%arg0: i32) -> (i32, i32) {
    %c0_i32 = arith.constant 0 : i32
    %c0_i32_0 = arith.constant 0 : i32
    return %arg0, %c0_i32 : i32, i32
  }
  func.func @transform_4(%arg0: i32) -> (i32, i32) {
    %c0_i32 = arith.constant 0 : i32
    %c0_i32_0 = arith.constant 0 : i32
    %c0_i32_1 = arith.constant 0 : i32
    return %c0_i32, %c0_i32_0 : i32, i32
  }
  func.func @transform_5(%arg0: i32) -> (i32, i32) {
    %c0_i32 = arith.constant 0 : i32
    %c0_i32_0 = arith.constant 0 : i32
    %c0_i32_1 = arith.constant 0 : i32
    return %c0_i32, %c0_i32_0 : i32, i32
  }
  func.func @transform_6(%arg0: i32) -> (i32, i32) {
    %c0_i32 = arith.constant 0 : i32
    %c0_i32_0 = arith.constant 0 : i32
    %c0_i32_1 = arith.constant 0 : i32
    return %c0_i32, %c0_i32_0 : i32, i32
  }
  func.func @transform_7(%arg0: i32) -> (i32, i32) {
    %c0_i32 = arith.constant 0 : i32
    %c0_i32_0 = arith.constant 0 : i32
    %c0_i32_1 = arith.constant 0 : i32
    return %c0_i32, %c0_i32_0 : i32, i32
  }
  func.func @transform_8(%arg0: i32) -> (i32, i32) {
    %c0_i32 = arith.constant 0 : i32
    %c0_i32_0 = arith.constant 0 : i32
    return %arg0, %c0_i32 : i32, i32
  }
}

module attributes {stable_mosaic.version = 14 : i64} {
  func.func @_gru_body(%arg0: i32, %arg1: memref<2x2000x144xf32, #tpu.memory_space<vmem>>, %arg2: memref<2000x128xf32, #tpu.memory_space<vmem>>, %arg3: memref<2000x1xi32, #tpu.memory_space<vmem>>, %arg4: memref<2000x1xi32, #tpu.memory_space<vmem>>, %arg5: memref<128x384xf32, #tpu.memory_space<vmem>>, %arg6: memref<1x384xf32, #tpu.memory_space<vmem>>, %arg7: memref<128x384xf32, #tpu.memory_space<vmem>>, %arg8: memref<1x384xf32, #tpu.memory_space<vmem>>, %arg9: memref<2000x128xf32, #tpu.memory_space<vmem>>) attributes {dimension_semantics = [#tpu.dimension_semantics<arbitrary>], iteration_bounds = array<i64: 5>, scalar_prefetch = 0 : i64, scratch_operands = 0 : i64, tpu.core_type = #tpu.core_type<tc>, window_params = [{transform_indices = @transform_0, window_bounds = array<i64: 2, 2000, 144>}, {transform_indices = @transform_1, window_bounds = array<i64: 2000, 128>}, {transform_indices = @transform_2, window_bounds = array<i64: 2000, 1>}, {transform_indices = @transform_3, window_bounds = array<i64: 2000, 1>}, {pipeline_mode = #tpu.pipeline_mode<synchronous>, transform_indices = @transform_4, window_bounds = array<i64: 128, 384>}, {pipeline_mode = #tpu.pipeline_mode<synchronous>, transform_indices = @transform_5, window_bounds = array<i64: 1, 384>}, {pipeline_mode = #tpu.pipeline_mode<synchronous>, transform_indices = @transform_6, window_bounds = array<i64: 128, 384>}, {pipeline_mode = #tpu.pipeline_mode<synchronous>, transform_indices = @transform_7, window_bounds = array<i64: 1, 384>}, {transform_indices = @transform_8, window_bounds = array<i64: 2000, 128>}]} {
    %get3A = arith.constant 0 : index
    %get3A_0 = arith.constant 0 : index
    %get3A_1 = arith.constant 0 : index
    %get3A_2 = vector.load %arg1[%get3A, %get3A_0, %get3A_1] : memref<2x2000x144xf32, #tpu.memory_space<vmem>>, vector<1x2000x144xf32>
    %get3A_3 = vector.shape_cast %get3A_2 : vector<1x2000x144xf32> to vector<2000x144xf32>
    %get3A_4 = arith.constant 1 : index
    %get3A_5 = arith.constant 0 : index
    %get3A_6 = arith.constant 0 : index
    %get3A_7 = vector.load %arg1[%get3A_4, %get3A_5, %get3A_6] : memref<2x2000x144xf32, #tpu.memory_space<vmem>>, vector<1x2000x144xf32>
    %get3A_8 = vector.shape_cast %get3A_7 : vector<1x2000x144xf32> to vector<2000x144xf32>
    %add3A = arith.addf %get3A_3, %get3A_8 : vector<2000x144xf32>
    %slice3A = vector.extract_strided_slice %add3A {offsets = [0, 128], sizes = [2000, 1], strides = [1, 1]} : vector<2000x144xf32> to vector<2000x1xf32>
    %gt3A = arith.constant 0.000000e+00 : f32
    %gt3A_9 = vector.broadcast %gt3A : f32 to vector<2000x1xf32>
    %gt3A_10 = arith.cmpf ogt, %slice3A, %gt3A_9 : vector<2000x1xf32>
    %slice3A_11 = vector.extract_strided_slice %add3A {offsets = [0, 0], sizes = [2000, 128], strides = [1, 1]} : vector<2000x144xf32> to vector<2000x128xf32>
    %jit3A = arith.constant 1.000000e+00 : f32
    %broadcast_in_dim3A = vector.broadcast %jit3A : f32 to vector<2000x1xf32>
    %select_n3A = arith.select %gt3A_10, %slice3A, %broadcast_in_dim3A : vector<2000x1xi1>, vector<2000x1xf32>
    %div3A = vector.broadcast %select_n3A : vector<2000x1xf32> to vector<2000x128xf32>
    %div3A_12 = arith.divf %slice3A_11, %div3A : vector<2000x128xf32>
    %jit3A_13 = arith.constant 0.000000e+00 : f32
    %broadcast_in_dim3A_14 = vector.shape_cast %gt3A_10 : vector<2000x1xi1> to vector<2000x1xi1>
    %broadcast_in_dim3A_15 = vector.broadcast %broadcast_in_dim3A_14 : vector<2000x1xi1> to vector<2000x128xi1>
    %broadcast_in_dim3A_16 = vector.broadcast %jit3A_13 : f32 to vector<2000x128xf32>
    %select_n3A_17 = arith.select %broadcast_in_dim3A_15, %div3A_12, %broadcast_in_dim3A_16 : vector<2000x128xi1>, vector<2000x128xf32>
    %get3A_18 = arith.constant 0 : index
    %get3A_19 = arith.constant 0 : index
    %get3A_20 = vector.load %arg2[%get3A_18, %get3A_19] : memref<2000x128xf32, #tpu.memory_space<vmem>>, vector<2000x128xf32>
    %get3A_21 = arith.constant 0 : index
    %get3A_22 = arith.constant 0 : index
    %get3A_23 = vector.load %arg5[%get3A_21, %get3A_22] : memref<128x384xf32, #tpu.memory_space<vmem>>, vector<128x384xf32>
    %dot_general3A = arith.constant dense<0.000000e+00> : vector<2000x384xf32>
    %dot_general3A_24 = tpu.matmul %select_n3A_17, %get3A_23, %dot_general3A {dimension_numbers = #tpu.dot_dimension_numbers<[1], [0], [0], [1], [0, 0, 1, 1], [], []>, transpose_lhs_hint = false} : vector<2000x128xf32>, vector<128x384xf32>, vector<2000x384xf32> -> vector<2000x384xf32>
    %get3A_25 = arith.constant 0 : index
    %get3A_26 = arith.constant 0 : index
    %get3A_27 = vector.load %arg6[%get3A_25, %get3A_26] : memref<1x384xf32, #tpu.memory_space<vmem>>, vector<1x384xf32>
    %add3A_28 = vector.broadcast %get3A_27 : vector<1x384xf32> to vector<2000x384xf32>
    %add3A_29 = arith.addf %dot_general3A_24, %add3A_28 : vector<2000x384xf32>
    %get3A_30 = arith.constant 0 : index
    %get3A_31 = arith.constant 0 : index
    %get3A_32 = vector.load %arg7[%get3A_30, %get3A_31] : memref<128x384xf32, #tpu.memory_space<vmem>>, vector<128x384xf32>
    %dot_general3A_33 = arith.constant dense<0.000000e+00> : vector<2000x384xf32>
    %dot_general3A_34 = tpu.matmul %get3A_20, %get3A_32, %dot_general3A_33 {dimension_numbers = #tpu.dot_dimension_numbers<[1], [0], [0], [1], [0, 0, 1, 1], [], []>, transpose_lhs_hint = false} : vector<2000x128xf32>, vector<128x384xf32>, vector<2000x384xf32> -> vector<2000x384xf32>
    %get3A_35 = arith.constant 0 : index
    %get3A_36 = arith.constant 0 : index
    %get3A_37 = vector.load %arg8[%get3A_35, %get3A_36] : memref<1x384xf32, #tpu.memory_space<vmem>>, vector<1x384xf32>
    %add3A_38 = vector.broadcast %get3A_37 : vector<1x384xf32> to vector<2000x384xf32>
    %add3A_39 = arith.addf %dot_general3A_34, %add3A_38 : vector<2000x384xf32>
    %slice3A_40 = vector.extract_strided_slice %add3A_29 {offsets = [0, 0], sizes = [2000, 128], strides = [1, 1]} : vector<2000x384xf32> to vector<2000x128xf32>
    %slice3A_41 = vector.extract_strided_slice %add3A_39 {offsets = [0, 0], sizes = [2000, 128], strides = [1, 1]} : vector<2000x384xf32> to vector<2000x128xf32>
    %add3A_42 = arith.addf %slice3A_40, %slice3A_41 : vector<2000x128xf32>
    %logistic3A = arith.negf %add3A_42 : vector<2000x128xf32>
    %logistic3A_43 = math.exp %logistic3A : vector<2000x128xf32>
    %logistic3A_44 = arith.constant 1.000000e+00 : f32
    %logistic3A_45 = vector.broadcast %logistic3A_44 : f32 to vector<2000x128xf32>
    %logistic3A_46 = arith.addf %logistic3A_45, %logistic3A_43 : vector<2000x128xf32>
    %logistic3A_47 = arith.divf %logistic3A_45, %logistic3A_46 : vector<2000x128xf32>
    %slice3A_48 = vector.extract_strided_slice %add3A_29 {offsets = [0, 128], sizes = [2000, 128], strides = [1, 1]} : vector<2000x384xf32> to vector<2000x128xf32>
    %slice3A_49 = vector.extract_strided_slice %add3A_39 {offsets = [0, 128], sizes = [2000, 128], strides = [1, 1]} : vector<2000x384xf32> to vector<2000x128xf32>
    %add3A_50 = arith.addf %slice3A_48, %slice3A_49 : vector<2000x128xf32>
    %logistic3A_51 = arith.negf %add3A_50 : vector<2000x128xf32>
    %logistic3A_52 = math.exp %logistic3A_51 : vector<2000x128xf32>
    %logistic3A_53 = arith.constant 1.000000e+00 : f32
    %logistic3A_54 = vector.broadcast %logistic3A_53 : f32 to vector<2000x128xf32>
    %logistic3A_55 = arith.addf %logistic3A_54, %logistic3A_52 : vector<2000x128xf32>
    %logistic3A_56 = arith.divf %logistic3A_54, %logistic3A_55 : vector<2000x128xf32>
    %slice3A_57 = vector.extract_strided_slice %add3A_29 {offsets = [0, 256], sizes = [2000, 128], strides = [1, 1]} : vector<2000x384xf32> to vector<2000x128xf32>
    %slice3A_58 = vector.extract_strided_slice %add3A_39 {offsets = [0, 256], sizes = [2000, 128], strides = [1, 1]} : vector<2000x384xf32> to vector<2000x128xf32>
    %mul3A = arith.mulf %logistic3A_47, %slice3A_58 : vector<2000x128xf32>
    %add3A_59 = arith.addf %slice3A_57, %mul3A : vector<2000x128xf32>
    %tanh3A = math.tanh %add3A_59 : vector<2000x128xf32>
    %sub3A = arith.constant 1.000000e+00 : f32
    %sub3A_60 = vector.broadcast %sub3A : f32 to vector<2000x128xf32>
    %sub3A_61 = arith.subf %sub3A_60, %logistic3A_56 : vector<2000x128xf32>
    %mul3A_62 = arith.mulf %sub3A_61, %tanh3A : vector<2000x128xf32>
    %mul3A_63 = arith.mulf %logistic3A_56, %get3A_20 : vector<2000x128xf32>
    %add3A_64 = arith.addf %mul3A_62, %mul3A_63 : vector<2000x128xf32>
    %get3A_65 = arith.constant 0 : index
    %get3A_66 = arith.constant 0 : index
    %get3A_67 = vector.load %arg4[%get3A_65, %get3A_66] : memref<2000x1xi32, #tpu.memory_space<vmem>>, vector<2000x1xi32>
    %eq3A = arith.constant 1 : i32
    %eq3A_68 = vector.broadcast %eq3A : i32 to vector<2000x1xi32>
    %eq3A_69 = arith.cmpi eq, %get3A_67, %eq3A_68 : vector<2000x1xi32>
    %get3A_70 = arith.constant 0 : index
    %get3A_71 = arith.constant 0 : index
    %get3A_72 = vector.load %arg3[%get3A_70, %get3A_71] : memref<2000x1xi32, #tpu.memory_space<vmem>>, vector<2000x1xi32>
    %eq3A_73 = arith.constant 4 : i32
    %eq3A_74 = vector.broadcast %eq3A_73 : i32 to vector<2000x1xi32>
    %eq3A_75 = arith.cmpi eq, %get3A_72, %eq3A_74 : vector<2000x1xi32>
    %and3A = arith.andi %eq3A_69, %eq3A_75 : vector<2000x1xi1>
    %broadcast_in_dim3A_76 = vector.shape_cast %and3A : vector<2000x1xi1> to vector<2000x1xi1>
    %broadcast_in_dim3A_77 = vector.broadcast %broadcast_in_dim3A_76 : vector<2000x1xi1> to vector<2000x128xi1>
    %select_n3A_78 = arith.select %broadcast_in_dim3A_77, %add3A_64, %get3A_20 : vector<2000x128xi1>, vector<2000x128xf32>
    %swap3A = arith.constant 0 : index
    %swap3A_79 = arith.constant 0 : index
    %swap3A_80 = vector.load %arg9[%swap3A, %swap3A_79] : memref<2000x128xf32, #tpu.memory_space<vmem>>, vector<2000x128xf32>
    tpu.vector_store %arg9[%swap3A, %swap3A_79], %select_n3A_78 {strides = array<i32>} : memref<2000x128xf32, #tpu.memory_space<vmem>>, vector<2000x128xf32>,
    return
  }
  func.func @transform_0(%arg0: i32) -> (i32, i32, i32) {
    %c0_i32 = arith.constant 0 : i32
    %c0_i32_0 = arith.constant 0 : i32
    %c0_i32_1 = arith.constant 0 : i32
    return %c0_i32, %arg0, %c0_i32_0 : i32, i32, i32
  }
  func.func @transform_1(%arg0: i32) -> (i32, i32) {
    %c0_i32 = arith.constant 0 : i32
    %c0_i32_0 = arith.constant 0 : i32
    return %arg0, %c0_i32 : i32, i32
  }
  func.func @transform_2(%arg0: i32) -> (i32, i32) {
    %c0_i32 = arith.constant 0 : i32
    %c0_i32_0 = arith.constant 0 : i32
    return %arg0, %c0_i32 : i32, i32
  }
  func.func @transform_3(%arg0: i32) -> (i32, i32) {
    %c0_i32 = arith.constant 0 : i32
    %c0_i32_0 = arith.constant 0 : i32
    return %arg0, %c0_i32 : i32, i32
  }
  func.func @transform_4(%arg0: i32) -> (i32, i32) {
    %c0_i32 = arith.constant 0 : i32
    %c0_i32_0 = arith.constant 0 : i32
    %c0_i32_1 = arith.constant 0 : i32
    return %c0_i32, %c0_i32_0 : i32, i32
  }
  func.func @transform_5(%arg0: i32) -> (i32, i32) {
    %c0_i32 = arith.constant 0 : i32
    %c0_i32_0 = arith.constant 0 : i32
    %c0_i32_1 = arith.constant 0 : i32
    return %c0_i32, %c0_i32_0 : i32, i32
  }
  func.func @transform_6(%arg0: i32) -> (i32, i32) {
    %c0_i32 = arith.constant 0 : i32
    %c0_i32_0 = arith.constant 0 : i32
    %c0_i32_1 = arith.constant 0 : i32
    return %c0_i32, %c0_i32_0 : i32, i32
  }
  func.func @transform_7(%arg0: i32) -> (i32, i32) {
    %c0_i32 = arith.constant 0 : i32
    %c0_i32_0 = arith.constant 0 : i32
    %c0_i32_1 = arith.constant 0 : i32
    return %c0_i32, %c0_i32_0 : i32, i32
  }
  func.func @transform_8(%arg0: i32) -> (i32, i32) {
    %c0_i32 = arith.constant 0 : i32
    %c0_i32_0 = arith.constant 0 : i32
    return %arg0, %c0_i32 : i32, i32
  }
}

module attributes {stable_mosaic.version = 14 : i64} {
  func.func @_gru_body(%arg0: i32, %arg1: memref<2x2000x144xf32, #tpu.memory_space<vmem>>, %arg2: memref<2000x128xf32, #tpu.memory_space<vmem>>, %arg3: memref<2000x1xi32, #tpu.memory_space<vmem>>, %arg4: memref<2000x1xi32, #tpu.memory_space<vmem>>, %arg5: memref<128x384xf32, #tpu.memory_space<vmem>>, %arg6: memref<1x384xf32, #tpu.memory_space<vmem>>, %arg7: memref<128x384xf32, #tpu.memory_space<vmem>>, %arg8: memref<1x384xf32, #tpu.memory_space<vmem>>, %arg9: memref<2000x128xf32, #tpu.memory_space<vmem>>) attributes {dimension_semantics = [#tpu.dimension_semantics<arbitrary>], iteration_bounds = array<i64: 5>, scalar_prefetch = 0 : i64, scratch_operands = 0 : i64, tpu.core_type = #tpu.core_type<tc>, window_params = [{transform_indices = @transform_0, window_bounds = array<i64: 2, 2000, 144>}, {transform_indices = @transform_1, window_bounds = array<i64: 2000, 128>}, {transform_indices = @transform_2, window_bounds = array<i64: 2000, 1>}, {transform_indices = @transform_3, window_bounds = array<i64: 2000, 1>}, {pipeline_mode = #tpu.pipeline_mode<synchronous>, transform_indices = @transform_4, window_bounds = array<i64: 128, 384>}, {pipeline_mode = #tpu.pipeline_mode<synchronous>, transform_indices = @transform_5, window_bounds = array<i64: 1, 384>}, {pipeline_mode = #tpu.pipeline_mode<synchronous>, transform_indices = @transform_6, window_bounds = array<i64: 128, 384>}, {pipeline_mode = #tpu.pipeline_mode<synchronous>, transform_indices = @transform_7, window_bounds = array<i64: 1, 384>}, {transform_indices = @transform_8, window_bounds = array<i64: 2000, 128>}]} {
    %get3A = arith.constant 0 : index
    %get3A_0 = arith.constant 0 : index
    %get3A_1 = arith.constant 0 : index
    %get3A_2 = vector.load %arg1[%get3A, %get3A_0, %get3A_1] : memref<2x2000x144xf32, #tpu.memory_space<vmem>>, vector<1x2000x144xf32>
    %get3A_3 = vector.shape_cast %get3A_2 : vector<1x2000x144xf32> to vector<2000x144xf32>
    %get3A_4 = arith.constant 1 : index
    %get3A_5 = arith.constant 0 : index
    %get3A_6 = arith.constant 0 : index
    %get3A_7 = vector.load %arg1[%get3A_4, %get3A_5, %get3A_6] : memref<2x2000x144xf32, #tpu.memory_space<vmem>>, vector<1x2000x144xf32>
    %get3A_8 = vector.shape_cast %get3A_7 : vector<1x2000x144xf32> to vector<2000x144xf32>
    %add3A = arith.addf %get3A_3, %get3A_8 : vector<2000x144xf32>
    %slice3A = vector.extract_strided_slice %add3A {offsets = [0, 128], sizes = [2000, 1], strides = [1, 1]} : vector<2000x144xf32> to vector<2000x1xf32>
    %gt3A = arith.constant 0.000000e+00 : f32
    %gt3A_9 = vector.broadcast %gt3A : f32 to vector<2000x1xf32>
    %gt3A_10 = arith.cmpf ogt, %slice3A, %gt3A_9 : vector<2000x1xf32>
    %slice3A_11 = vector.extract_strided_slice %add3A {offsets = [0, 0], sizes = [2000, 128], strides = [1, 1]} : vector<2000x144xf32> to vector<2000x128xf32>
    %jit3A = arith.constant 1.000000e+00 : f32
    %broadcast_in_dim3A = vector.broadcast %jit3A : f32 to vector<2000x1xf32>
    %select_n3A = arith.select %gt3A_10, %slice3A, %broadcast_in_dim3A : vector<2000x1xi1>, vector<2000x1xf32>
    %div3A = vector.broadcast %select_n3A : vector<2000x1xf32> to vector<2000x128xf32>
    %div3A_12 = arith.divf %slice3A_11, %div3A : vector<2000x128xf32>
    %jit3A_13 = arith.constant 0.000000e+00 : f32
    %broadcast_in_dim3A_14 = vector.shape_cast %gt3A_10 : vector<2000x1xi1> to vector<2000x1xi1>
    %broadcast_in_dim3A_15 = vector.broadcast %broadcast_in_dim3A_14 : vector<2000x1xi1> to vector<2000x128xi1>
    %broadcast_in_dim3A_16 = vector.broadcast %jit3A_13 : f32 to vector<2000x128xf32>
    %select_n3A_17 = arith.select %broadcast_in_dim3A_15, %div3A_12, %broadcast_in_dim3A_16 : vector<2000x128xi1>, vector<2000x128xf32>
    %get3A_18 = arith.constant 0 : index
    %get3A_19 = arith.constant 0 : index
    %get3A_20 = vector.load %arg2[%get3A_18, %get3A_19] : memref<2000x128xf32, #tpu.memory_space<vmem>>, vector<2000x128xf32>
    %get3A_21 = arith.constant 0 : index
    %get3A_22 = arith.constant 0 : index
    %get3A_23 = vector.load %arg5[%get3A_21, %get3A_22] : memref<128x384xf32, #tpu.memory_space<vmem>>, vector<128x384xf32>
    %dot_general3A = arith.constant dense<0.000000e+00> : vector<2000x384xf32>
    %dot_general3A_24 = tpu.matmul %select_n3A_17, %get3A_23, %dot_general3A {dimension_numbers = #tpu.dot_dimension_numbers<[1], [0], [0], [1], [0, 0, 1, 1], [], []>, transpose_lhs_hint = false} : vector<2000x128xf32>, vector<128x384xf32>, vector<2000x384xf32> -> vector<2000x384xf32>
    %get3A_25 = arith.constant 0 : index
    %get3A_26 = arith.constant 0 : index
    %get3A_27 = vector.load %arg6[%get3A_25, %get3A_26] : memref<1x384xf32, #tpu.memory_space<vmem>>, vector<1x384xf32>
    %add3A_28 = vector.broadcast %get3A_27 : vector<1x384xf32> to vector<2000x384xf32>
    %add3A_29 = arith.addf %dot_general3A_24, %add3A_28 : vector<2000x384xf32>
    %get3A_30 = arith.constant 0 : index
    %get3A_31 = arith.constant 0 : index
    %get3A_32 = vector.load %arg7[%get3A_30, %get3A_31] : memref<128x384xf32, #tpu.memory_space<vmem>>, vector<128x384xf32>
    %dot_general3A_33 = arith.constant dense<0.000000e+00> : vector<2000x384xf32>
    %dot_general3A_34 = tpu.matmul %get3A_20, %get3A_32, %dot_general3A_33 {dimension_numbers = #tpu.dot_dimension_numbers<[1], [0], [0], [1], [0, 0, 1, 1], [], []>, transpose_lhs_hint = false} : vector<2000x128xf32>, vector<128x384xf32>, vector<2000x384xf32> -> vector<2000x384xf32>
    %get3A_35 = arith.constant 0 : index
    %get3A_36 = arith.constant 0 : index
    %get3A_37 = vector.load %arg8[%get3A_35, %get3A_36] : memref<1x384xf32, #tpu.memory_space<vmem>>, vector<1x384xf32>
    %add3A_38 = vector.broadcast %get3A_37 : vector<1x384xf32> to vector<2000x384xf32>
    %add3A_39 = arith.addf %dot_general3A_34, %add3A_38 : vector<2000x384xf32>
    %slice3A_40 = vector.extract_strided_slice %add3A_29 {offsets = [0, 0], sizes = [2000, 128], strides = [1, 1]} : vector<2000x384xf32> to vector<2000x128xf32>
    %slice3A_41 = vector.extract_strided_slice %add3A_39 {offsets = [0, 0], sizes = [2000, 128], strides = [1, 1]} : vector<2000x384xf32> to vector<2000x128xf32>
    %add3A_42 = arith.addf %slice3A_40, %slice3A_41 : vector<2000x128xf32>
    %logistic3A = arith.negf %add3A_42 : vector<2000x128xf32>
    %logistic3A_43 = math.exp %logistic3A : vector<2000x128xf32>
    %logistic3A_44 = arith.constant 1.000000e+00 : f32
    %logistic3A_45 = vector.broadcast %logistic3A_44 : f32 to vector<2000x128xf32>
    %logistic3A_46 = arith.addf %logistic3A_45, %logistic3A_43 : vector<2000x128xf32>
    %logistic3A_47 = arith.divf %logistic3A_45, %logistic3A_46 : vector<2000x128xf32>
    %slice3A_48 = vector.extract_strided_slice %add3A_29 {offsets = [0, 128], sizes = [2000, 128], strides = [1, 1]} : vector<2000x384xf32> to vector<2000x128xf32>
    %slice3A_49 = vector.extract_strided_slice %add3A_39 {offsets = [0, 128], sizes = [2000, 128], strides = [1, 1]} : vector<2000x384xf32> to vector<2000x128xf32>
    %add3A_50 = arith.addf %slice3A_48, %slice3A_49 : vector<2000x128xf32>
    %logistic3A_51 = arith.negf %add3A_50 : vector<2000x128xf32>
    %logistic3A_52 = math.exp %logistic3A_51 : vector<2000x128xf32>
    %logistic3A_53 = arith.constant 1.000000e+00 : f32
    %logistic3A_54 = vector.broadcast %logistic3A_53 : f32 to vector<2000x128xf32>
    %logistic3A_55 = arith.addf %logistic3A_54, %logistic3A_52 : vector<2000x128xf32>
    %logistic3A_56 = arith.divf %logistic3A_54, %logistic3A_55 : vector<2000x128xf32>
    %slice3A_57 = vector.extract_strided_slice %add3A_29 {offsets = [0, 256], sizes = [2000, 128], strides = [1, 1]} : vector<2000x384xf32> to vector<2000x128xf32>
    %slice3A_58 = vector.extract_strided_slice %add3A_39 {offsets = [0, 256], sizes = [2000, 128], strides = [1, 1]} : vector<2000x384xf32> to vector<2000x128xf32>
    %mul3A = arith.mulf %logistic3A_47, %slice3A_58 : vector<2000x128xf32>
    %add3A_59 = arith.addf %slice3A_57, %mul3A : vector<2000x128xf32>
    %tanh3A = math.tanh %add3A_59 : vector<2000x128xf32>
    %sub3A = arith.constant 1.000000e+00 : f32
    %sub3A_60 = vector.broadcast %sub3A : f32 to vector<2000x128xf32>
    %sub3A_61 = arith.subf %sub3A_60, %logistic3A_56 : vector<2000x128xf32>
    %mul3A_62 = arith.mulf %sub3A_61, %tanh3A : vector<2000x128xf32>
    %mul3A_63 = arith.mulf %logistic3A_56, %get3A_20 : vector<2000x128xf32>
    %add3A_64 = arith.addf %mul3A_62, %mul3A_63 : vector<2000x128xf32>
    %get3A_65 = arith.constant 0 : index
    %get3A_66 = arith.constant 0 : index
    %get3A_67 = vector.load %arg4[%get3A_65, %get3A_66] : memref<2000x1xi32, #tpu.memory_space<vmem>>, vector<2000x1xi32>
    %eq3A = arith.constant 2 : i32
    %eq3A_68 = vector.broadcast %eq3A : i32 to vector<2000x1xi32>
    %eq3A_69 = arith.cmpi eq, %get3A_67, %eq3A_68 : vector<2000x1xi32>
    %get3A_70 = arith.constant 0 : index
    %get3A_71 = arith.constant 0 : index
    %get3A_72 = vector.load %arg3[%get3A_70, %get3A_71] : memref<2000x1xi32, #tpu.memory_space<vmem>>, vector<2000x1xi32>
    %eq3A_73 = arith.constant 6 : i32
    %eq3A_74 = vector.broadcast %eq3A_73 : i32 to vector<2000x1xi32>
    %eq3A_75 = arith.cmpi eq, %get3A_72, %eq3A_74 : vector<2000x1xi32>
    %and3A = arith.andi %eq3A_69, %eq3A_75 : vector<2000x1xi1>
    %broadcast_in_dim3A_76 = vector.shape_cast %and3A : vector<2000x1xi1> to vector<2000x1xi1>
    %broadcast_in_dim3A_77 = vector.broadcast %broadcast_in_dim3A_76 : vector<2000x1xi1> to vector<2000x128xi1>
    %select_n3A_78 = arith.select %broadcast_in_dim3A_77, %add3A_64, %get3A_20 : vector<2000x128xi1>, vector<2000x128xf32>
    %swap3A = arith.constant 0 : index
    %swap3A_79 = arith.constant 0 : index
    %swap3A_80 = vector.load %arg9[%swap3A, %swap3A_79] : memref<2000x128xf32, #tpu.memory_space<vmem>>, vector<2000x128xf32>
    tpu.vector_store %arg9[%swap3A, %swap3A_79], %select_n3A_78 {strides = array<i32>} : memref<2000x128xf32, #tpu.memory_space<vmem>>, vector<2000x128xf32>,
    return
  }
  func.func @transform_0(%arg0: i32) -> (i32, i32, i32) {
    %c0_i32 = arith.constant 0 : i32
    %c0_i32_0 = arith.constant 0 : i32
    %c0_i32_1 = arith.constant 0 : i32
    return %c0_i32, %arg0, %c0_i32_0 : i32, i32, i32
  }
  func.func @transform_1(%arg0: i32) -> (i32, i32) {
    %c0_i32 = arith.constant 0 : i32
    %c0_i32_0 = arith.constant 0 : i32
    return %arg0, %c0_i32 : i32, i32
  }
  func.func @transform_2(%arg0: i32) -> (i32, i32) {
    %c0_i32 = arith.constant 0 : i32
    %c0_i32_0 = arith.constant 0 : i32
    return %arg0, %c0_i32 : i32, i32
  }
  func.func @transform_3(%arg0: i32) -> (i32, i32) {
    %c0_i32 = arith.constant 0 : i32
    %c0_i32_0 = arith.constant 0 : i32
    return %arg0, %c0_i32 : i32, i32
  }
  func.func @transform_4(%arg0: i32) -> (i32, i32) {
    %c0_i32 = arith.constant 0 : i32
    %c0_i32_0 = arith.constant 0 : i32
    %c0_i32_1 = arith.constant 0 : i32
    return %c0_i32, %c0_i32_0 : i32, i32
  }
  func.func @transform_5(%arg0: i32) -> (i32, i32) {
    %c0_i32 = arith.constant 0 : i32
    %c0_i32_0 = arith.constant 0 : i32
    %c0_i32_1 = arith.constant 0 : i32
    return %c0_i32, %c0_i32_0 : i32, i32
  }
  func.func @transform_6(%arg0: i32) -> (i32, i32) {
    %c0_i32 = arith.constant 0 : i32
    %c0_i32_0 = arith.constant 0 : i32
    %c0_i32_1 = arith.constant 0 : i32
    return %c0_i32, %c0_i32_0 : i32, i32
  }
  func.func @transform_7(%arg0: i32) -> (i32, i32) {
    %c0_i32 = arith.constant 0 : i32
    %c0_i32_0 = arith.constant 0 : i32
    %c0_i32_1 = arith.constant 0 : i32
    return %c0_i32, %c0_i32_0 : i32, i32
  }
  func.func @transform_8(%arg0: i32) -> (i32, i32) {
    %c0_i32 = arith.constant 0 : i32
    %c0_i32_0 = arith.constant 0 : i32
    return %arg0, %c0_i32 : i32, i32
  }
}

module attributes {stable_mosaic.version = 14 : i64} {
  func.func @_gru_body(%arg0: i32, %arg1: memref<2x2000x144xf32, #tpu.memory_space<vmem>>, %arg2: memref<2000x128xf32, #tpu.memory_space<vmem>>, %arg3: memref<2000x1xi32, #tpu.memory_space<vmem>>, %arg4: memref<2000x1xi32, #tpu.memory_space<vmem>>, %arg5: memref<128x384xf32, #tpu.memory_space<vmem>>, %arg6: memref<1x384xf32, #tpu.memory_space<vmem>>, %arg7: memref<128x384xf32, #tpu.memory_space<vmem>>, %arg8: memref<1x384xf32, #tpu.memory_space<vmem>>, %arg9: memref<2000x128xf32, #tpu.memory_space<vmem>>) attributes {dimension_semantics = [#tpu.dimension_semantics<arbitrary>], iteration_bounds = array<i64: 5>, scalar_prefetch = 0 : i64, scratch_operands = 0 : i64, tpu.core_type = #tpu.core_type<tc>, window_params = [{transform_indices = @transform_0, window_bounds = array<i64: 2, 2000, 144>}, {transform_indices = @transform_1, window_bounds = array<i64: 2000, 128>}, {transform_indices = @transform_2, window_bounds = array<i64: 2000, 1>}, {transform_indices = @transform_3, window_bounds = array<i64: 2000, 1>}, {pipeline_mode = #tpu.pipeline_mode<synchronous>, transform_indices = @transform_4, window_bounds = array<i64: 128, 384>}, {pipeline_mode = #tpu.pipeline_mode<synchronous>, transform_indices = @transform_5, window_bounds = array<i64: 1, 384>}, {pipeline_mode = #tpu.pipeline_mode<synchronous>, transform_indices = @transform_6, window_bounds = array<i64: 128, 384>}, {pipeline_mode = #tpu.pipeline_mode<synchronous>, transform_indices = @transform_7, window_bounds = array<i64: 1, 384>}, {transform_indices = @transform_8, window_bounds = array<i64: 2000, 128>}]} {
    %get3A = arith.constant 0 : index
    %get3A_0 = arith.constant 0 : index
    %get3A_1 = arith.constant 0 : index
    %get3A_2 = vector.load %arg1[%get3A, %get3A_0, %get3A_1] : memref<2x2000x144xf32, #tpu.memory_space<vmem>>, vector<1x2000x144xf32>
    %get3A_3 = vector.shape_cast %get3A_2 : vector<1x2000x144xf32> to vector<2000x144xf32>
    %get3A_4 = arith.constant 1 : index
    %get3A_5 = arith.constant 0 : index
    %get3A_6 = arith.constant 0 : index
    %get3A_7 = vector.load %arg1[%get3A_4, %get3A_5, %get3A_6] : memref<2x2000x144xf32, #tpu.memory_space<vmem>>, vector<1x2000x144xf32>
    %get3A_8 = vector.shape_cast %get3A_7 : vector<1x2000x144xf32> to vector<2000x144xf32>
    %add3A = arith.addf %get3A_3, %get3A_8 : vector<2000x144xf32>
    %slice3A = vector.extract_strided_slice %add3A {offsets = [0, 128], sizes = [2000, 1], strides = [1, 1]} : vector<2000x144xf32> to vector<2000x1xf32>
    %gt3A = arith.constant 0.000000e+00 : f32
    %gt3A_9 = vector.broadcast %gt3A : f32 to vector<2000x1xf32>
    %gt3A_10 = arith.cmpf ogt, %slice3A, %gt3A_9 : vector<2000x1xf32>
    %slice3A_11 = vector.extract_strided_slice %add3A {offsets = [0, 0], sizes = [2000, 128], strides = [1, 1]} : vector<2000x144xf32> to vector<2000x128xf32>
    %jit3A = arith.constant 1.000000e+00 : f32
    %broadcast_in_dim3A = vector.broadcast %jit3A : f32 to vector<2000x1xf32>
    %select_n3A = arith.select %gt3A_10, %slice3A, %broadcast_in_dim3A : vector<2000x1xi1>, vector<2000x1xf32>
    %div3A = vector.broadcast %select_n3A : vector<2000x1xf32> to vector<2000x128xf32>
    %div3A_12 = arith.divf %slice3A_11, %div3A : vector<2000x128xf32>
    %jit3A_13 = arith.constant 0.000000e+00 : f32
    %broadcast_in_dim3A_14 = vector.shape_cast %gt3A_10 : vector<2000x1xi1> to vector<2000x1xi1>
    %broadcast_in_dim3A_15 = vector.broadcast %broadcast_in_dim3A_14 : vector<2000x1xi1> to vector<2000x128xi1>
    %broadcast_in_dim3A_16 = vector.broadcast %jit3A_13 : f32 to vector<2000x128xf32>
    %select_n3A_17 = arith.select %broadcast_in_dim3A_15, %div3A_12, %broadcast_in_dim3A_16 : vector<2000x128xi1>, vector<2000x128xf32>
    %get3A_18 = arith.constant 0 : index
    %get3A_19 = arith.constant 0 : index
    %get3A_20 = vector.load %arg2[%get3A_18, %get3A_19] : memref<2000x128xf32, #tpu.memory_space<vmem>>, vector<2000x128xf32>
    %get3A_21 = arith.constant 0 : index
    %get3A_22 = arith.constant 0 : index
    %get3A_23 = vector.load %arg5[%get3A_21, %get3A_22] : memref<128x384xf32, #tpu.memory_space<vmem>>, vector<128x384xf32>
    %dot_general3A = arith.constant dense<0.000000e+00> : vector<2000x384xf32>
    %dot_general3A_24 = tpu.matmul %select_n3A_17, %get3A_23, %dot_general3A {dimension_numbers = #tpu.dot_dimension_numbers<[1], [0], [0], [1], [0, 0, 1, 1], [], []>, transpose_lhs_hint = false} : vector<2000x128xf32>, vector<128x384xf32>, vector<2000x384xf32> -> vector<2000x384xf32>
    %get3A_25 = arith.constant 0 : index
    %get3A_26 = arith.constant 0 : index
    %get3A_27 = vector.load %arg6[%get3A_25, %get3A_26] : memref<1x384xf32, #tpu.memory_space<vmem>>, vector<1x384xf32>
    %add3A_28 = vector.broadcast %get3A_27 : vector<1x384xf32> to vector<2000x384xf32>
    %add3A_29 = arith.addf %dot_general3A_24, %add3A_28 : vector<2000x384xf32>
    %get3A_30 = arith.constant 0 : index
    %get3A_31 = arith.constant 0 : index
    %get3A_32 = vector.load %arg7[%get3A_30, %get3A_31] : memref<128x384xf32, #tpu.memory_space<vmem>>, vector<128x384xf32>
    %dot_general3A_33 = arith.constant dense<0.000000e+00> : vector<2000x384xf32>
    %dot_general3A_34 = tpu.matmul %get3A_20, %get3A_32, %dot_general3A_33 {dimension_numbers = #tpu.dot_dimension_numbers<[1], [0], [0], [1], [0, 0, 1, 1], [], []>, transpose_lhs_hint = false} : vector<2000x128xf32>, vector<128x384xf32>, vector<2000x384xf32> -> vector<2000x384xf32>
    %get3A_35 = arith.constant 0 : index
    %get3A_36 = arith.constant 0 : index
    %get3A_37 = vector.load %arg8[%get3A_35, %get3A_36] : memref<1x384xf32, #tpu.memory_space<vmem>>, vector<1x384xf32>
    %add3A_38 = vector.broadcast %get3A_37 : vector<1x384xf32> to vector<2000x384xf32>
    %add3A_39 = arith.addf %dot_general3A_34, %add3A_38 : vector<2000x384xf32>
    %slice3A_40 = vector.extract_strided_slice %add3A_29 {offsets = [0, 0], sizes = [2000, 128], strides = [1, 1]} : vector<2000x384xf32> to vector<2000x128xf32>
    %slice3A_41 = vector.extract_strided_slice %add3A_39 {offsets = [0, 0], sizes = [2000, 128], strides = [1, 1]} : vector<2000x384xf32> to vector<2000x128xf32>
    %add3A_42 = arith.addf %slice3A_40, %slice3A_41 : vector<2000x128xf32>
    %logistic3A = arith.negf %add3A_42 : vector<2000x128xf32>
    %logistic3A_43 = math.exp %logistic3A : vector<2000x128xf32>
    %logistic3A_44 = arith.constant 1.000000e+00 : f32
    %logistic3A_45 = vector.broadcast %logistic3A_44 : f32 to vector<2000x128xf32>
    %logistic3A_46 = arith.addf %logistic3A_45, %logistic3A_43 : vector<2000x128xf32>
    %logistic3A_47 = arith.divf %logistic3A_45, %logistic3A_46 : vector<2000x128xf32>
    %slice3A_48 = vector.extract_strided_slice %add3A_29 {offsets = [0, 128], sizes = [2000, 128], strides = [1, 1]} : vector<2000x384xf32> to vector<2000x128xf32>
    %slice3A_49 = vector.extract_strided_slice %add3A_39 {offsets = [0, 128], sizes = [2000, 128], strides = [1, 1]} : vector<2000x384xf32> to vector<2000x128xf32>
    %add3A_50 = arith.addf %slice3A_48, %slice3A_49 : vector<2000x128xf32>
    %logistic3A_51 = arith.negf %add3A_50 : vector<2000x128xf32>
    %logistic3A_52 = math.exp %logistic3A_51 : vector<2000x128xf32>
    %logistic3A_53 = arith.constant 1.000000e+00 : f32
    %logistic3A_54 = vector.broadcast %logistic3A_53 : f32 to vector<2000x128xf32>
    %logistic3A_55 = arith.addf %logistic3A_54, %logistic3A_52 : vector<2000x128xf32>
    %logistic3A_56 = arith.divf %logistic3A_54, %logistic3A_55 : vector<2000x128xf32>
    %slice3A_57 = vector.extract_strided_slice %add3A_29 {offsets = [0, 256], sizes = [2000, 128], strides = [1, 1]} : vector<2000x384xf32> to vector<2000x128xf32>
    %slice3A_58 = vector.extract_strided_slice %add3A_39 {offsets = [0, 256], sizes = [2000, 128], strides = [1, 1]} : vector<2000x384xf32> to vector<2000x128xf32>
    %mul3A = arith.mulf %logistic3A_47, %slice3A_58 : vector<2000x128xf32>
    %add3A_59 = arith.addf %slice3A_57, %mul3A : vector<2000x128xf32>
    %tanh3A = math.tanh %add3A_59 : vector<2000x128xf32>
    %sub3A = arith.constant 1.000000e+00 : f32
    %sub3A_60 = vector.broadcast %sub3A : f32 to vector<2000x128xf32>
    %sub3A_61 = arith.subf %sub3A_60, %logistic3A_56 : vector<2000x128xf32>
    %mul3A_62 = arith.mulf %sub3A_61, %tanh3A : vector<2000x128xf32>
    %mul3A_63 = arith.mulf %logistic3A_56, %get3A_20 : vector<2000x128xf32>
    %add3A_64 = arith.addf %mul3A_62, %mul3A_63 : vector<2000x128xf32>
    %get3A_65 = arith.constant 0 : index
    %get3A_66 = arith.constant 0 : index
    %get3A_67 = vector.load %arg4[%get3A_65, %get3A_66] : memref<2000x1xi32, #tpu.memory_space<vmem>>, vector<2000x1xi32>
    %eq3A = arith.constant 2 : i32
    %eq3A_68 = vector.broadcast %eq3A : i32 to vector<2000x1xi32>
    %eq3A_69 = arith.cmpi eq, %get3A_67, %eq3A_68 : vector<2000x1xi32>
    %get3A_70 = arith.constant 0 : index
    %get3A_71 = arith.constant 0 : index
    %get3A_72 = vector.load %arg3[%get3A_70, %get3A_71] : memref<2000x1xi32, #tpu.memory_space<vmem>>, vector<2000x1xi32>
    %eq3A_73 = arith.constant 4 : i32
    %eq3A_74 = vector.broadcast %eq3A_73 : i32 to vector<2000x1xi32>
    %eq3A_75 = arith.cmpi eq, %get3A_72, %eq3A_74 : vector<2000x1xi32>
    %and3A = arith.andi %eq3A_69, %eq3A_75 : vector<2000x1xi1>
    %broadcast_in_dim3A_76 = vector.shape_cast %and3A : vector<2000x1xi1> to vector<2000x1xi1>
    %broadcast_in_dim3A_77 = vector.broadcast %broadcast_in_dim3A_76 : vector<2000x1xi1> to vector<2000x128xi1>
    %select_n3A_78 = arith.select %broadcast_in_dim3A_77, %add3A_64, %get3A_20 : vector<2000x128xi1>, vector<2000x128xf32>
    %swap3A = arith.constant 0 : index
    %swap3A_79 = arith.constant 0 : index
    %swap3A_80 = vector.load %arg9[%swap3A, %swap3A_79] : memref<2000x128xf32, #tpu.memory_space<vmem>>, vector<2000x128xf32>
    tpu.vector_store %arg9[%swap3A, %swap3A_79], %select_n3A_78 {strides = array<i32>} : memref<2000x128xf32, #tpu.memory_space<vmem>>, vector<2000x128xf32>,
    return
  }
  func.func @transform_0(%arg0: i32) -> (i32, i32, i32) {
    %c0_i32 = arith.constant 0 : i32
    %c0_i32_0 = arith.constant 0 : i32
    %c0_i32_1 = arith.constant 0 : i32
    return %c0_i32, %arg0, %c0_i32_0 : i32, i32, i32
  }
  func.func @transform_1(%arg0: i32) -> (i32, i32) {
    %c0_i32 = arith.constant 0 : i32
    %c0_i32_0 = arith.constant 0 : i32
    return %arg0, %c0_i32 : i32, i32
  }
  func.func @transform_2(%arg0: i32) -> (i32, i32) {
    %c0_i32 = arith.constant 0 : i32
    %c0_i32_0 = arith.constant 0 : i32
    return %arg0, %c0_i32 : i32, i32
  }
  func.func @transform_3(%arg0: i32) -> (i32, i32) {
    %c0_i32 = arith.constant 0 : i32
    %c0_i32_0 = arith.constant 0 : i32
    return %arg0, %c0_i32 : i32, i32
  }
  func.func @transform_4(%arg0: i32) -> (i32, i32) {
    %c0_i32 = arith.constant 0 : i32
    %c0_i32_0 = arith.constant 0 : i32
    %c0_i32_1 = arith.constant 0 : i32
    return %c0_i32, %c0_i32_0 : i32, i32
  }
  func.func @transform_5(%arg0: i32) -> (i32, i32) {
    %c0_i32 = arith.constant 0 : i32
    %c0_i32_0 = arith.constant 0 : i32
    %c0_i32_1 = arith.constant 0 : i32
    return %c0_i32, %c0_i32_0 : i32, i32
  }
  func.func @transform_6(%arg0: i32) -> (i32, i32) {
    %c0_i32 = arith.constant 0 : i32
    %c0_i32_0 = arith.constant 0 : i32
    %c0_i32_1 = arith.constant 0 : i32
    return %c0_i32, %c0_i32_0 : i32, i32
  }
  func.func @transform_7(%arg0: i32) -> (i32, i32) {
    %c0_i32 = arith.constant 0 : i32
    %c0_i32_0 = arith.constant 0 : i32
    %c0_i32_1 = arith.constant 0 : i32
    return %c0_i32, %c0_i32_0 : i32, i32
  }
  func.func @transform_8(%arg0: i32) -> (i32, i32) {
    %c0_i32 = arith.constant 0 : i32
    %c0_i32_0 = arith.constant 0 : i32
    return %arg0, %c0_i32 : i32, i32
  }
}

module attributes {stable_mosaic.version = 14 : i64} {
  func.func @_mlp_body(%arg0: memref<10000x128xf32, #tpu.memory_space<vmem>>, %arg1: memref<128x32xf32, #tpu.memory_space<vmem>>, %arg2: memref<1x32xf32, #tpu.memory_space<vmem>>, %arg3: memref<1x32xf32, #tpu.memory_space<vmem>>, %arg4: memref<1x32xf32, #tpu.memory_space<vmem>>, %arg5: memref<32x32xf32, #tpu.memory_space<vmem>>, %arg6: memref<1x32xf32, #tpu.memory_space<vmem>>, %arg7: memref<1x32xf32, #tpu.memory_space<vmem>>, %arg8: memref<1x32xf32, #tpu.memory_space<vmem>>, %arg9: memref<32x1xf32, #tpu.memory_space<vmem>>, %arg10: memref<1x1xf32, #tpu.memory_space<vmem>>, %arg11: memref<10000x1xf32, #tpu.memory_space<vmem>>) attributes {dimension_semantics = [], scalar_prefetch = 0 : i64, scratch_operands = 0 : i64, tpu.core_type = #tpu.core_type<tc>} {
    %get3A = arith.constant 0 : index
    %get3A_0 = arith.constant 0 : index
    %get3A_1 = vector.load %arg0[%get3A, %get3A_0] : memref<10000x128xf32, #tpu.memory_space<vmem>>, vector<10000x128xf32>
    %get3A_2 = arith.constant 0 : index
    %get3A_3 = arith.constant 0 : index
    %get3A_4 = vector.load %arg1[%get3A_2, %get3A_3] : memref<128x32xf32, #tpu.memory_space<vmem>>, vector<128x32xf32>
    %dot_general3A = arith.constant dense<0.000000e+00> : vector<10000x32xf32>
    %dot_general3A_5 = tpu.matmul %get3A_1, %get3A_4, %dot_general3A {dimension_numbers = #tpu.dot_dimension_numbers<[1], [0], [0], [1], [0, 0, 1, 1], [], []>, transpose_lhs_hint = false} : vector<10000x128xf32>, vector<128x32xf32>, vector<10000x32xf32> -> vector<10000x32xf32>
    %get3A_6 = arith.constant 0 : index
    %get3A_7 = arith.constant 0 : index
    %get3A_8 = vector.load %arg2[%get3A_6, %get3A_7] : memref<1x32xf32, #tpu.memory_space<vmem>>, vector<1x32xf32>
    %add3A = vector.broadcast %get3A_8 : vector<1x32xf32> to vector<10000x32xf32>
    %add3A_9 = arith.addf %dot_general3A_5, %add3A : vector<10000x32xf32>
    %get3A_10 = arith.constant 0 : index
    %get3A_11 = arith.constant 0 : index
    %get3A_12 = vector.load %arg3[%get3A_10, %get3A_11] : memref<1x32xf32, #tpu.memory_space<vmem>>, vector<1x32xf32>
    %get3A_13 = arith.constant 0 : index
    %get3A_14 = arith.constant 0 : index
    %get3A_15 = vector.load %arg4[%get3A_13, %get3A_14] : memref<1x32xf32, #tpu.memory_space<vmem>>, vector<1x32xf32>
    %reduce_sum3A = arith.constant dense<0.000000e+00> : vector<32xf32>
    %reduce_sum3A_16 = vector.multi_reduction <add>, %add3A_9, %reduce_sum3A [0] : vector<10000x32xf32> to vector<32xf32>
    %broadcast_in_dim3A = vector.shape_cast %reduce_sum3A_16 : vector<32xf32> to vector<1x32xf32>
    %div3A = arith.constant 1.000000e+04 : f32
    %div3A_17 = vector.broadcast %div3A : f32 to vector<1x32xf32>
    %div3A_18 = arith.divf %broadcast_in_dim3A, %div3A_17 : vector<1x32xf32>
    %sub3A = vector.broadcast %div3A_18 : vector<1x32xf32> to vector<10000x32xf32>
    %sub3A_19 = arith.subf %add3A_9, %sub3A : vector<10000x32xf32>
    %integer_pow3A = arith.mulf %sub3A_19, %sub3A_19 : vector<10000x32xf32>
    %reduce_sum3A_20 = arith.constant dense<0.000000e+00> : vector<32xf32>
    %reduce_sum3A_21 = vector.multi_reduction <add>, %integer_pow3A, %reduce_sum3A_20 [0] : vector<10000x32xf32> to vector<32xf32>
    %broadcast_in_dim3A_22 = vector.shape_cast %reduce_sum3A_21 : vector<32xf32> to vector<1x32xf32>
    %div3A_23 = arith.constant 1.000000e+04 : f32
    %div3A_24 = vector.broadcast %div3A_23 : f32 to vector<1x32xf32>
    %div3A_25 = arith.divf %broadcast_in_dim3A_22, %div3A_24 : vector<1x32xf32>
    %sub3A_26 = vector.broadcast %div3A_18 : vector<1x32xf32> to vector<10000x32xf32>
    %sub3A_27 = arith.subf %add3A_9, %sub3A_26 : vector<10000x32xf32>
    %add3A_28 = arith.constant 9.99999974E-6 : f32
    %add3A_29 = vector.broadcast %add3A_28 : f32 to vector<1x32xf32>
    %add3A_30 = arith.addf %div3A_25, %add3A_29 : vector<1x32xf32>
    %sqrt3A = math.sqrt %add3A_30 : vector<1x32xf32>
    %div3A_31 = vector.broadcast %sqrt3A : vector<1x32xf32> to vector<10000x32xf32>
    %div3A_32 = arith.divf %sub3A_27, %div3A_31 : vector<10000x32xf32>
    %mul3A = vector.broadcast %get3A_12 : vector<1x32xf32> to vector<10000x32xf32>
    %mul3A_33 = arith.mulf %div3A_32, %mul3A : vector<10000x32xf32>
    %add3A_34 = vector.broadcast %get3A_15 : vector<1x32xf32> to vector<10000x32xf32>
    %add3A_35 = arith.addf %mul3A_33, %add3A_34 : vector<10000x32xf32>
    %max3A = arith.constant 0.000000e+00 : f32
    %max3A_36 = vector.broadcast %max3A : f32 to vector<10000x32xf32>
    %max3A_37 = arith.maximumf %add3A_35, %max3A_36 : vector<10000x32xf32>
    %get3A_38 = arith.constant 0 : index
    %get3A_39 = arith.constant 0 : index
    %get3A_40 = vector.load %arg5[%get3A_38, %get3A_39] : memref<32x32xf32, #tpu.memory_space<vmem>>, vector<32x32xf32>
    %dot_general3A_41 = arith.constant dense<0.000000e+00> : vector<10000x32xf32>
    %dot_general3A_42 = tpu.matmul %max3A_37, %get3A_40, %dot_general3A_41 {dimension_numbers = #tpu.dot_dimension_numbers<[1], [0], [0], [1], [0, 0, 1, 1], [], []>, transpose_lhs_hint = false} : vector<10000x32xf32>, vector<32x32xf32>, vector<10000x32xf32> -> vector<10000x32xf32>
    %get3A_43 = arith.constant 0 : index
    %get3A_44 = arith.constant 0 : index
    %get3A_45 = vector.load %arg6[%get3A_43, %get3A_44] : memref<1x32xf32, #tpu.memory_space<vmem>>, vector<1x32xf32>
    %add3A_46 = vector.broadcast %get3A_45 : vector<1x32xf32> to vector<10000x32xf32>
    %add3A_47 = arith.addf %dot_general3A_42, %add3A_46 : vector<10000x32xf32>
    %get3A_48 = arith.constant 0 : index
    %get3A_49 = arith.constant 0 : index
    %get3A_50 = vector.load %arg7[%get3A_48, %get3A_49] : memref<1x32xf32, #tpu.memory_space<vmem>>, vector<1x32xf32>
    %get3A_51 = arith.constant 0 : index
    %get3A_52 = arith.constant 0 : index
    %get3A_53 = vector.load %arg8[%get3A_51, %get3A_52] : memref<1x32xf32, #tpu.memory_space<vmem>>, vector<1x32xf32>
    %reduce_sum3A_54 = arith.constant dense<0.000000e+00> : vector<32xf32>
    %reduce_sum3A_55 = vector.multi_reduction <add>, %add3A_47, %reduce_sum3A_54 [0] : vector<10000x32xf32> to vector<32xf32>
    %broadcast_in_dim3A_56 = vector.shape_cast %reduce_sum3A_55 : vector<32xf32> to vector<1x32xf32>
    %div3A_57 = arith.constant 1.000000e+04 : f32
    %div3A_58 = vector.broadcast %div3A_57 : f32 to vector<1x32xf32>
    %div3A_59 = arith.divf %broadcast_in_dim3A_56, %div3A_58 : vector<1x32xf32>
    %sub3A_60 = vector.broadcast %div3A_59 : vector<1x32xf32> to vector<10000x32xf32>
    %sub3A_61 = arith.subf %add3A_47, %sub3A_60 : vector<10000x32xf32>
    %integer_pow3A_62 = arith.mulf %sub3A_61, %sub3A_61 : vector<10000x32xf32>
    %reduce_sum3A_63 = arith.constant dense<0.000000e+00> : vector<32xf32>
    %reduce_sum3A_64 = vector.multi_reduction <add>, %integer_pow3A_62, %reduce_sum3A_63 [0] : vector<10000x32xf32> to vector<32xf32>
    %broadcast_in_dim3A_65 = vector.shape_cast %reduce_sum3A_64 : vector<32xf32> to vector<1x32xf32>
    %div3A_66 = arith.constant 1.000000e+04 : f32
    %div3A_67 = vector.broadcast %div3A_66 : f32 to vector<1x32xf32>
    %div3A_68 = arith.divf %broadcast_in_dim3A_65, %div3A_67 : vector<1x32xf32>
    %sub3A_69 = vector.broadcast %div3A_59 : vector<1x32xf32> to vector<10000x32xf32>
    %sub3A_70 = arith.subf %add3A_47, %sub3A_69 : vector<10000x32xf32>
    %add3A_71 = arith.constant 9.99999974E-6 : f32
    %add3A_72 = vector.broadcast %add3A_71 : f32 to vector<1x32xf32>
    %add3A_73 = arith.addf %div3A_68, %add3A_72 : vector<1x32xf32>
    %sqrt3A_74 = math.sqrt %add3A_73 : vector<1x32xf32>
    %div3A_75 = vector.broadcast %sqrt3A_74 : vector<1x32xf32> to vector<10000x32xf32>
    %div3A_76 = arith.divf %sub3A_70, %div3A_75 : vector<10000x32xf32>
    %mul3A_77 = vector.broadcast %get3A_50 : vector<1x32xf32> to vector<10000x32xf32>
    %mul3A_78 = arith.mulf %div3A_76, %mul3A_77 : vector<10000x32xf32>
    %add3A_79 = vector.broadcast %get3A_53 : vector<1x32xf32> to vector<10000x32xf32>
    %add3A_80 = arith.addf %mul3A_78, %add3A_79 : vector<10000x32xf32>
    %max3A_81 = arith.constant 0.000000e+00 : f32
    %max3A_82 = vector.broadcast %max3A_81 : f32 to vector<10000x32xf32>
    %max3A_83 = arith.maximumf %add3A_80, %max3A_82 : vector<10000x32xf32>
    %get3A_84 = arith.constant 0 : index
    %get3A_85 = arith.constant 0 : index
    %get3A_86 = vector.load %arg9[%get3A_84, %get3A_85] : memref<32x1xf32, #tpu.memory_space<vmem>>, vector<32x1xf32>
    %dot_general3A_87 = arith.constant dense<0.000000e+00> : vector<10000x1xf32>
    %dot_general3A_88 = tpu.matmul %max3A_83, %get3A_86, %dot_general3A_87 {dimension_numbers = #tpu.dot_dimension_numbers<[1], [0], [0], [1], [0, 0, 1, 1], [], []>, transpose_lhs_hint = false} : vector<10000x32xf32>, vector<32x1xf32>, vector<10000x1xf32> -> vector<10000x1xf32>
    %get3A_89 = arith.constant 0 : index
    %get3A_90 = arith.constant 0 : index
    %get3A_91 = vector.load %arg10[%get3A_89, %get3A_90] : memref<1x1xf32, #tpu.memory_space<vmem>>, vector<1x1xf32>
    %add3A_92 = vector.broadcast %get3A_91 : vector<1x1xf32> to vector<10000x1xf32>
    %add3A_93 = arith.addf %dot_general3A_88, %add3A_92 : vector<10000x1xf32>
    %swap3A = arith.constant 0 : index
    %swap3A_94 = arith.constant 0 : index
    %swap3A_95 = vector.load %arg11[%swap3A, %swap3A_94] : memref<10000x1xf32, #tpu.memory_space<vmem>>, vector<10000x1xf32>
    tpu.vector_store %arg11[%swap3A, %swap3A_94], %add3A_93 {strides = array<i32>} : memref<10000x1xf32, #tpu.memory_space<vmem>>, vector<10000x1xf32>,
    return
  }
}

</mosaic_0001>

<sc_bundles>
// kernel: kernel.27.cloned.1.call-start
scs
__scs_entry_jumppad:
0x0: {  	(pc) =	sbr.rel $0x88, $3  }
0x1: {  	(tag) =	ssettag $0x0;
	lr =	simm.s32 $0x1  }
0x2: {  	[smem:$0x3F6E] =	sst lr;
	_ =	strace $0xD0000000  }
0x3: {  	_ = 	snop  }
0x4: {  	_ = 	snop  }
0x5: {  	_ = 	snop  }
0x6: {  	_ = 	snop  }
0x7: {  	_ = 	snop  }
__scs_overlays_trampoline_lowered:
0x8: {  	[smem:$0x3F7D] =	sst s0  }
0x9: {  	[smem:$0x3F7E] =	sst s1  }
0xa: {  	[smem:$0x3F7F] =	sst s2  }
0xb: {  	[smem:$0x3F80] =	sst s3  }
0xc: {  	[smem:$0x3F81] =	sst s4  }
0xd: {  	[smem:$0x3F82] =	sst s5  }
0xe: {  	[smem:$0x3F83] =	sst s6  }
0xf: {  	[smem:$0x3F84] =	sst s7  }
0x10: {  	[smem:$0x3F85] =	sst s8  }
0x11: {  	[smem:$0x3F86] =	sst s9;
	s0 =	simm.s32 @!p0 $0x0  }
0x12: {  	s1 =	sld [smem:$0x3F6C];
	s0 =	simm.s32 @p0 $0x1  }
0x13: {  	[smem:$0x3F87] =	sst s0;
	s0 =	simm.s32 @!p1 $0x0  }
0x14: {  	s2 =	sld [smem:$0x3F6B];
	s0 =	simm.s32 @p1 $0x1  }
0x15: {  	[smem:$0x3F88] =	sst s0;
	s0 =	simm.s32 @!p2 $0x0  }
0x16: {  	s3 =	sld [smem:$0x3FDB];
	s0 =	simm.s32 @p2 $0x1  }
0x17: {  	s4 =	simm.s32 $0x1BF5;
	[smem:$0x3F8A] =	sst s0  }
0x18: {  	s0 =	sld [smem:$0x3F6D];
	_ =	swait.ge [sflag:s4], $0x0  }
0x19: {  	s7 =	sld [smem:$0x3F6E]  }
0x1a: {  	s8 =	sadd.s32 $0xFFFFE003, lr  }
0x1b: {  	s9 =	sadd.s32 $0xFFFFFEF7, lr;
	s5 =	simm.s32 $0xFFFFFFFF;
	p2 =	slt.u32 s8, $0xFFFFF086  }
0x1c: {  	p1 =	slt.u32 s9, $0xF7A;
	s5 =	simm.s32 @!p2 $0x0  }
0x1d: {  	s5 =	simm.s32 @p1 $0x1;
	p0 =	seq.s32 s7, s2  }
0x1e: {  	s7 =	smul.u32 @!p0 $0xF7A, s2;
	p2 =	seq.s32 @!p0 s5, $0x0  }
0x1f: {  	s9 =	smul.u32 $0xF7A, s1;
	s8 =	simm.s32 @!p0 $0x1BF5;
	p2 =	por !p2, p0  }
0x20: {  	[sflag:s8] =	ssyncset.s32 @!p0 $0xFFFFF086;
	s6 =	sadd.s32 @!p0 s3, s7;
	s7 =	simm.s32 @!p0 $0x108  }
0x21: {  	s3 =	sadd.s32 s3, s9;
	s6 =	sadd.s32 @!p0 $0x88, s6;
	s7 =	simm.s32 @p2 $0x1082  }
0x22: {  	[simem:s7], [sflag:s8] =	dma.local @!p0 [hbm:s6], $0xF7A  }
0x23: {  	s9 =	sor.u32 $0xD0000000, s2;
	s6 =	simm.s32 $0x108;
	_ =	swait.ge @!p0 [sflag:s8], $0x0  }
0x24: {  	s3 =	sadd.s32 $0x88, s3;
	s6 =	simm.s32 @!p1 $0x1082;
	[sflag:s4] =	ssyncset.s32 $0xFFFFF086  }
0x25: {  	[simem:s6], [sflag:s4] =	dma.local [hbm:s3], $0xF7A  }
0x26: {  	[smem:$0x3F6E] =	sst s1;
	(tag) =	ssettag s2;
	_ =	strace s9  }
0x27: {  	s1 =	sld [smem:$0x3F7E]  }
0x28: {  	s2 =	sld [smem:$0x3F7F]  }
0x29: {  	s4 =	sld [smem:$0x3F81]  }
0x2a: {  	p0 =	seq.s32 s5, $0x0;
	s5 =	sld [smem:$0x3F82]  }
0x2b: {  	s6 =	sld [smem:$0x3F83]  }
0x2c: {  	s7 =	sld [smem:$0x3F84]  }
0x2d: {  	s3 =	simm.s32 $0x108;
	s8 =	sld [smem:$0x3F85]  }
0x2e: {  	s3 =	simm.s32 @!p0 $0x1082;
	s9 =	sld [smem:$0x3F86]  }
0x2f: {  	lr =	sadd.s32 s0, s3;
	s0 =	sld [smem:$0x3F7D]  }
0x30: {  	s3 =	sld [smem:$0x3F80]  }
0x31: {  	[smem:$0x3F89] =	sst s10  }
0x32: {  	s10 =	sld [smem:$0x3F87];
	_ =	sdelay $0x3  }
0x33: {  	p0 =	seq.s32 s10, $0x1;
	s10 =	sld [smem:$0x3F89];
	_ =	sdelay $0x3  }
0x34: {  	[smem:$0x3F89] =	sst s10  }
0x35: {  	s10 =	sld [smem:$0x3F88];
	_ =	sdelay $0x3  }
0x36: {  	p1 =	seq.s32 s10, $0x1;
	s10 =	sld [smem:$0x3F89];
	_ =	sdelay $0x3  }
0x37: {  	[smem:$0x3F89] =	sst s10  }
0x38: {  	s10 =	sld [smem:$0x3F8A]  }
0x39: {  	_ = 	snop;
	(pc) =	sbr.ind lr, $3  }
0x3a: {  	_ = 	snop  }
0x3b: {  	_ = 	snop  }
0x3c: {  	p2 =	seq.s32 s10, $0x1;
	s10 =	sld [smem:$0x3F89]  }
0x3d: {  	_ =	shalt  }
0x3e: {  	_ =	shalt  }
0x3f: {  	_ =	shalt  }
0x40: {  	_ =	shalt  }
0x41: {  	_ =	shalt  }
0x42: {  	_ =	shalt  }
0x43: {  	_ =	shalt  }
0x44: {  	_ =	shalt  }
0x45: {  	_ =	shalt  }
0x46: {  	_ =	shalt  }
0x47: {  	_ =	shalt  }
0x48: {  	_ =	shalt  }
0x49: {  	_ =	shalt  }
0x4a: {  	_ =	shalt  }
0x4b: {  	_ =	shalt  }
0x4c: {  	_ =	shalt  }
0x4d: {  	_ =	shalt  }
0x4e: {  	_ =	shalt  }
0x4f: {  	_ =	shalt  }
0x50: {  	_ =	shalt  }
0x51: {  	_ =	shalt  }
0x52: {  	_ =	shalt  }
0x53: {  	_ =	shalt  }
0x54: {  	_ =	shalt  }
0x55: {  	_ =	shalt  }
0x56: {  	_ =	shalt  }
0x57: {  	_ =	shalt  }
0x58: {  	_ =	shalt  }
0x59: {  	_ =	shalt  }
0x5a: {  	_ =	shalt  }
0x5b: {  	_ =	shalt  }
0x5c: {  	_ =	shalt  }
0x5d: {  	_ =	shalt  }
0x5e: {  	_ =	shalt  }
0x5f: {  	_ =	shalt  }
0x60: {  	_ =	shalt  }
0x61: {  	_ =	shalt  }
0x62: {  	_ =	shalt  }
0x63: {  	_ =	shalt  }
0x64: {  	_ =	shalt  }
0x65: {  	_ =	shalt  }
0x66: {  	_ =	shalt  }
0x67: {  	_ =	shalt  }
0x68: {  	_ =	shalt  }
0x69: {  	_ =	shalt  }
0x6a: {  	_ =	shalt  }
0x6b: {  	_ =	shalt  }
0x6c: {  	_ =	shalt  }
0x6d: {  	_ =	shalt  }
0x6e: {  	_ =	shalt  }
0x6f: {  	_ =	shalt  }
0x70: {  	_ =	shalt  }
0x71: {  	_ =	shalt  }
0x72: {  	_ =	shalt  }
0x73: {  	_ =	shalt  }
0x74: {  	_ =	shalt  }
0x75: {  	_ =	shalt  }
0x76: {  	_ =	shalt  }
0x77: {  	_ =	shalt  }
0x78: {  	_ =	shalt  }
0x79: {  	_ =	shalt  }
0x7a: {  	_ =	shalt  }
0x7b: {  	_ =	shalt  }
0x7c: {  	_ =	shalt  }
0x7d: {  	_ =	shalt  }
0x7e: {  	_ =	shalt  }
0x7f: {  	_ =	shalt  }
0x80: {  	_ =	shalt  }
0x81: {  	_ =	shalt  }
0x82: {  	_ =	shalt  }
0x83: {  	_ =	shalt  }
0x84: {  	_ =	shalt  }
0x85: {  	_ =	shalt  }
0x86: {  	_ =	shalt  }
0x87: {  	_ =	shalt  }
.Lfunc_end0:
.L_simem_size_0:
called_computation_lowered:
.L_overlay_start_0:
0x88: {  	s2 =	sld [smem:$0x3FD9]  }
0x89: {  	s3 =	sld [smem:$0x3FFE];
	_ =	sdelay $0x1  }
0x8a: {  	s1 =	srdreg.scid  }
0x8b: {  	s0 =	sand.u32 $0x1, s1  }
0x8c: {  	s16 =	sshll.u32 s0, $0xA;
	s2 =	sadd.s32 s3, s2  }
0x8d: {  	s2 =	sadd.s32 s2, s16  }
0x8e: {  	[smem:$0x3F95] =	sst s2  }
0x8f: {  	_ = 	snop  }
0x90: {  	(tm) =	ssettm $0x1  }
0x91: {  	s17 =	sld [smem:$0x3FFB];
	_ =	sdelay $0x3  }
0x92: {  	_ =	strace s17  }
0x93: {  	s2 =	sld [smem:$0x3FFC];
	_ =	sdelay $0x3  }
0x94: {  	_ =	strace s2  }
0x95: {  	s2 =	sld [smem:$0x3FFD];
	_ =	sdelay $0x3  }
0x96: {  	_ =	strace s2  }
0x97: {  	_ =	strace $0x8FFFFFFF  }
0x98: {  	s18 =	sld [smem:$0x3FDB];
	_ =	sdelay $0x1  }
0x99: {  	s19 =	simm.s32 $_scs_section_size  }
0x9a: {  	s4 =	simm.s32 $_size__tile_overlayer_lowered;
	s5 =	simm.s32 $_tile_overlayer_lowered  }
0x9b: {  	s22 =	simm.s32 $0x1BFF;
	s21 =	sshll.u32 s5, $0x1;
	s2 =	sadd.s32 s19, s18  }
0x9c: {  	s6 =	simm.s32 $0x0;
	s20 =	sshll.u32 s4, $0x1;
	s4 =	sadd.s32 s21, s2  }
0x9d: {  	[timem:s6], [sflag:s22] =	dma.local [hbm:s4], s20  }
0x9e: {  	_ =	swait.ge [sflag:s22], s20  }
0x9f: {  	s3 =	ssub.s32 $0x0, s20;
	[sflag:s22] =	ssyncset.done $0x0  }
0xa0: {  	[sflag:s22] =	ssyncadd.s32 s3;
	_ =	sdelay $0x1  }
0xa1: {  	s23 =	simm.s32 $0x1B8B  }
0xa2: {  	_ =	swait.ge [sflag:s23], $0x1  }
0xa3: {  	[sflag:s23] =	ssyncset.done $0x0  }
0xa4: {  	s25 =	simm.s32 $0x1B8E;
	s24 =	sld [smem:$0x3FFE];
	[sflag:s23] =	ssyncadd.s32 $0xFFFFFFFF  }
0xa5: {  	s26 =	simm.s32 $execute0_lowered;
	[smem:$0x3FD2] =	sst s25  }
0xa6: {  	s4 =	sshll.u32 s26, $0x1;
	_ =	strace $0x80000046;
	[dreg:$0x1] =	wrdreg $0xFFFFFFFF  }
0xa7: {  	s28 =	simm.s32 $_size_execute0_lowered;
	s2 =	sadd.s32 s2, s4;
	[dreg:$0x0] =	wrdreg $0x0  }
0xa8: {  	s4 =	sshll.u32 s28, $0x1;
	[dreg:$0x2] =	wrdreg s2  }
0xa9: {  	[dreg:$0x3] =	wrdreg s4  }
0xaa: {  	[dreg:$0x4] =	wrdreg $0xC0  }
0xab: {  	_ =	task [dreg:s6], $0x5FFFF  }
0xac: {  	[dreg:$0x1] =	wrdreg $0xFFFFFFFF  }
0xad: {  	[dreg:$0x0] =	wrdreg $0x60  }
0xae: {  	[dreg:$0x2] =	wrdreg s24  }
0xaf: {  	[dreg:$0x3] =	wrdreg $0x70000  }
0xb0: {  	[dreg:$0x4] =	wrdreg $0xA  }
0xb1: {  	_ =	task.clear_ibuf [dreg:s6], $0x5FFFF;
	_ =	strace $0x90000046  }
0xb2: {  	s29 =	simm.s32 $0xA;
	_ =	strace $0x80000048  }
0xb3: {  	_ =	swait.ge [sflag:s29], $0x1  }
0xb4: {  	[sflag:s29] =	ssyncadd.s32 $0xFFFFFFFF  }
0xb5: {  	_ =	strace $0x90000048  }
0xb6: {  	_ =	sfence  }
0xb7: {  	s30 =	sld [smem:$0x0];
	_ =	sdelay $0x2  }
0xb8: {  	s31 =	sshll.u32 s1, $0xD;
	s1 =	sshrl.u32 s1, $0x2  }
0xb9: {  	s3 =	sand.u32 $0x4000, s31;
	s1 =	sadd.s32 s1, s30  }
0xba: {  	s0 =	sor.u32 s3, s0;
	s1 =	sshll.u32 s1, $0x11  }
0xbb: {  	s0 =	sor.u32 s1, s0  }
0xbc: {  	s0 =	sadd.s32 $0x8F2B, s0  }
0xbd: {  	[sflag:s0] =	ssyncadd.remote.s32 $0x1  }
0xbe: {  	_ =	sfence.sel $0xFFFF  }
0xbf: {  	[dreg:$0x0] =	wrdreg $0xFFFFFFFF;
	(pc) =	sbr.abs _section_cstart, $3  }
0xc0: {  	[dreg:$0x1] =	wrdreg $0xFFFFFFFF  }
0xc1: {  	_ =	task.clear_ibuf [dreg:s6], $0x2FFFF;
	_ =	strace $0x9FFFFFFF  }
0xc2: {  	(tm) =	ssettm $0x7FFFFFFF  }
0xc3: {  	_ =	shalt  }
tec
execute0_lowered:
.L_overlay_start_1:
0x0: {  	(tag) =	ssettag $0x1  }
0x1: {  	s0 =	rddreg [dreg:$0x0]  }
0x2: {  	s1 =	rddreg [dreg:$0x1]  }
0x3: {  	s2 =	srdreg.scid;
	s3 =	simm.s32 $0x0;
	s28 =	stileid.u32  }
0x4: {  	s19 =	simm.s32 $0x2800;
	s20 =	simm.s32 $0x3;
	s22 =	simm.s32 $0x40  }
0x5: {  	s23 =	simm.s32 $0x4C00;
	s24 =	simm.s32 $0x1;
	s26 =	simm.s32 $0x2  }
0x6: {  	s29 =	simm.s32 $0x2780;
	s30 =	simm.s32 $0x27C0;
	s8 =	smul.u32 $0x16800, s28  }
0x7: {  	s5 =	sand.u32 $0x1, s2;
	[smem:$0x7FF] =	sst s3;
	s10 =	smul.u32 $0x5A000, s28  }
0x8: {  	s7 =	sshll.u32 s28, $0x1;
	s4 =	sadd.s32 $0xD000, s0;
	s6 =	smul.u32 $0x168000, s5  }
0x9: {  	_ =	strace $0x80000047;
	s7 =	sor.u32 s5, s7;
	s5 =	ssub.s32 $0x2, s5  }
0xa: {  	s7 =	smul.u32 $0x280, s7;
	s9 =	sshrl.u32 s5, $0x1;
	s10 =	sshrl.u32 s10, $0x2  }
0xb: {  	s31 =	sadd.s32 s8, s1;
	s6 =	sadd.s32 s8, s6;
	s9 =	ssub.s32 s5, s9  }
0xc: {  	s8 =	sadd.s32 s10, s1;
	s25 =	sshrl.u32 s31, $0x3;
	s6 =	sshrl.u32 s6, $0x3  }
0xd: {  	s7 =	sadd.s32 s7, s0;
	s9 =	smax.u32 s9, $0x1;
	s10 =	sadd.s32 $0x2400, s8  }
0xe: {  	s11 =	sadd.s32 $0x4800, s8;
	s12 =	sadd.s32 $0x6C00, s8;
	s13 =	sadd.s32 $0x9000, s8  }
0xf: {  	s14 =	sadd.s32 $0xB400, s8;
	s15 =	sadd.s32 $0xD800, s8;
	s16 =	sadd.s32 $0xFC00, s8  }
0x10: {  	s17 =	sadd.s32 $0x12000, s8;
	s18 =	sadd.s32 $0x14400, s8;
	s0 =	sadd.s32 s6, s0  }
0x11: {  	v0 =	vimm.f32 $0.0e+00;
	s5 =	sadd.s32 $0x3A000, s7;
	s6 =	sadd.s32 $0x3F000, s7;
	s7 =	sadd.s32 $0x44000, s0  }
.LBB2_1:
0x12: {  	s31 =	simm.s32 $0x80;
	s0 =	simm.s32 $0x440  }
.LBB2_2:
0x13: {  	p0 =	sne.s32 s0, $0x8FC0;
	[tilespmem:s31+$0x2800] =	vst v0  }
0x14: {  	[tilespmem:s31+$0x2780] =	vst v0  }
0x15: {  	[tilespmem:s31+$0x2790] =	vst v0  }
0x16: {  	[tilespmem:s31+$0x27A0] =	vst v0  }
.Ltmp0:
0x17: {  	[tilespmem:s31+$0x27B0] =	vst v0;
	(pc) =	sbr.rel @p0 .LBB2_2-.Ltmp0, $4  }
0x18: {  	[tilespmem:s31+$0x27C0] =	vst v0  }
0x19: {  	[tilespmem:s31+$0x27D0] =	vst v0  }
0x1a: {  	[tilespmem:s31+$0x27E0] =	vst v0  }
0x1b: {  	[tilespmem:s31+$0x27F0] =	vst v0;
	s31 =	sshra.s32 s0, $0x2;
	s0 =	sadd.s32 $0x240, s0  }
0x1c: {  	[tilespmem:s31+$0x2800] =	vst v0  }
0x1d: {  	[tilespmem:s31+$0x2780] =	vst v0  }
0x1e: {  	[tilespmem:s31+$0x2790] =	vst v0  }
0x1f: {  	[tilespmem:s31+$0x27A0] =	vst v0  }
0x20: {  	[tilespmem:s31+$0x27B0] =	vst v0  }
0x21: {  	[tilespmem:s31+$0x27C0] =	vst v0  }
0x22: {  	[tilespmem:s31+$0x27D0] =	vst v0  }
0x23: {  	[tilespmem:s31+$0x27E0] =	vst v0  }
0x24: {  	[tilespmem:s31+$0x27F0] =	vst v0  }
0x25: {  	[spmem:s8] =	stream.linear.scatter [tilespmem:s19], [sflag:$0x3], $0x2400, $0x38;
	[tilespmem:$0x1D800] =	vst v63  }
0x26: {  	_ =	swait.ge [sflag:s20], $0x2400  }
0x27: {  	[sflag:s20] =	ssyncset.done $0x0  }
0x28: {  	[sflag:s20] =	ssyncadd.s32 $0xFFFFDC00  }
0x29: {  	[spmem:s10] =	stream.linear.scatter [tilespmem:s19], [sflag:$0x3], $0x2400, $0x38;
	[tilespmem:$0x1D800] =	vst v63  }
0x2a: {  	_ =	swait.ge [sflag:s20], $0x2400  }
0x2b: {  	[sflag:s20] =	ssyncset.done $0x0  }
0x2c: {  	[sflag:s20] =	ssyncadd.s32 $0xFFFFDC00  }
0x2d: {  	[spmem:s11] =	stream.linear.scatter [tilespmem:s19], [sflag:$0x3], $0x2400, $0x38;
	[tilespmem:$0x1D800] =	vst v63  }
0x2e: {  	_ =	swait.ge [sflag:s20], $0x2400  }
0x2f: {  	[sflag:s20] =	ssyncset.done $0x0  }
0x30: {  	[sflag:s20] =	ssyncadd.s32 $0xFFFFDC00  }
0x31: {  	[spmem:s12] =	stream.linear.scatter [tilespmem:s19], [sflag:$0x3], $0x2400, $0x38;
	[tilespmem:$0x1D800] =	vst v63  }
0x32: {  	_ =	swait.ge [sflag:s20], $0x2400  }
0x33: {  	[sflag:s20] =	ssyncset.done $0x0  }
0x34: {  	[sflag:s20] =	ssyncadd.s32 $0xFFFFDC00  }
0x35: {  	[spmem:s13] =	stream.linear.scatter [tilespmem:s19], [sflag:$0x3], $0x2400, $0x38;
	[tilespmem:$0x1D800] =	vst v63  }
0x36: {  	_ =	swait.ge [sflag:s20], $0x2400  }
0x37: {  	[sflag:s20] =	ssyncset.done $0x0  }
0x38: {  	[sflag:s20] =	ssyncadd.s32 $0xFFFFDC00  }
0x39: {  	[spmem:s14] =	stream.linear.scatter [tilespmem:s19], [sflag:$0x3], $0x2400, $0x38;
	[tilespmem:$0x1D800] =	vst v63  }
0x3a: {  	_ =	swait.ge [sflag:s20], $0x2400  }
0x3b: {  	[sflag:s20] =	ssyncset.done $0x0  }
0x3c: {  	[sflag:s20] =	ssyncadd.s32 $0xFFFFDC00  }
0x3d: {  	[spmem:s15] =	stream.linear.scatter [tilespmem:s19], [sflag:$0x3], $0x2400, $0x38;
	[tilespmem:$0x1D800] =	vst v63  }
0x3e: {  	_ =	swait.ge [sflag:s20], $0x2400  }
0x3f: {  	[sflag:s20] =	ssyncset.done $0x0  }
0x40: {  	[sflag:s20] =	ssyncadd.s32 $0xFFFFDC00  }
0x41: {  	[spmem:s16] =	stream.linear.scatter [tilespmem:s19], [sflag:$0x3], $0x2400, $0x38;
	[tilespmem:$0x1D800] =	vst v63  }
0x42: {  	_ =	swait.ge [sflag:s20], $0x2400  }
0x43: {  	[sflag:s20] =	ssyncset.done $0x0  }
0x44: {  	[sflag:s20] =	ssyncadd.s32 $0xFFFFDC00  }
0x45: {  	[spmem:s17] =	stream.linear.scatter [tilespmem:s19], [sflag:$0x3], $0x2400, $0x38;
	[tilespmem:$0x1D800] =	vst v63  }
0x46: {  	_ =	swait.ge [sflag:s20], $0x2400  }
0x47: {  	[sflag:s20] =	ssyncset.done $0x0  }
0x48: {  	[sflag:s20] =	ssyncadd.s32 $0xFFFFDC00  }
0x49: {  	[spmem:s18] =	stream.linear.scatter [tilespmem:s19], [sflag:$0x3], $0x2400, $0x38;
	[tilespmem:$0x1D800] =	vst v63  }
0x4a: {  	_ =	swait.ge [sflag:s20], $0x2400  }
0x4b: {  	[sflag:s20] =	ssyncset.done $0x0  }
0x4c: {  	s0 =	simm.s32 $0x0;
	[sflag:s20] =	ssyncadd.s32 $0xFFFFDC00  }
0x4d: {  	[tilespmem:s0], [sflag:$0x3] =	stream.linear.gather [hbm4b:s5+s0], $0x1400, $0x38;
	[tilespmem:$0x1D800] =	vst v63  }
0x4e: {  	_ =	swait.ge [sflag:s20], $0x1400  }
0x4f: {  	[sflag:s20] =	ssyncset.done $0x0  }
0x50: {  	s2 =	simm.s32 $0x1400;
	[sflag:s20] =	ssyncadd.s32 $0xFFFFEC00  }
0x51: {  	[tilespmem:s2], [sflag:$0x3] =	stream.linear.gather [hbm4b:s6+s0], $0x1400, $0x38;
	[tilespmem:$0x1D800] =	vst v63  }
0x52: {  	_ =	swait.ge [sflag:s20], $0x1400  }
0x53: {  	[sflag:s20] =	ssyncset.done $0x0  }
0x54: {  	[sflag:s20] =	ssyncadd.s32 $0xFFFFEC00  }
0x55: {  	[bflag:$0x0] =	sbarrier.arrive $0xFFFF  }
0x56: {  	[tilespmem:s19], [sflag:$0x1] =	stream.indirect.gather [hbm4b:s4+s22], $0x90, s0, s22, $0xb8;
	[tilespmem:$0x1D800] =	vst v63  }
0x57: {  	s28 =	simm.s32 $0x40  }
0x58: {  	[tilespmem:s23], [sflag:$0x2] =	stream.indirect.gather [hbm4b:s4+s22], $0x90, s28, s22, $0xb8;
	[tilespmem:$0x1D800] =	vst v63  }
0x59: {  	_ =	swait.ge [sflag:s24], $0x2400  }
0x5a: {  	[sflag:s24] =	ssyncset.done $0x0  }
0x5b: {  	s2 =	simm.s32 $0x1400;
	[sflag:s24] =	ssyncadd.s32 $0xFFFFDC00  }
0x5c: {  	[spmem:s1] =	stream.indirect.scatter.add.f32 [tilespmem:s19], [sflag:$0x3], $0x90, s2, s22, $0xb8;
	[tilespmem:$0x1D800] =	vst v63  }
0x5d: {  	_ =	swait.ge [sflag:s20], $0x2400  }
0x5e: {  	[sflag:s20] =	ssyncset.done $0x0  }
0x5f: {  	s21 =	simm.s32 $0x80;
	[sflag:s20] =	ssyncadd.s32 $0xFFFFDC00  }
0x60: {  	[tilespmem:s19], [sflag:$0x1] =	stream.indirect.gather [hbm4b:s4+s22], $0x90, s21, s22, $0xb8;
	[tilespmem:$0x1D800] =	vst v63  }
0x61: {  	_ =	swait.ge [sflag:s26], $0x2400  }
0x62: {  	[sflag:s26] =	ssyncset.done $0x0  }
0x63: {  	s28 =	simm.s32 $0x1440;
	[sflag:s26] =	ssyncadd.s32 $0xFFFFDC00  }
0x64: {  	[spmem:s1] =	stream.indirect.scatter.add.f32 [tilespmem:s23], [sflag:$0x3], $0x90, s28, s22, $0xb8;
	[tilespmem:$0x1D800] =	vst v63  }
0x65: {  	_ =	swait.ge [sflag:s20], $0x2400  }
0x66: {  	s31 =	simm.s32 $0x80;
	s0 =	simm.s32 $0x400;
	[sflag:s20] =	ssyncset.done $0x0  }
.LBB2_4:
0x67: {  	s2 =	sadd.s32 $0x40, s31  }
0x68: {  	[sflag:s20] =	ssyncadd.s32 $0xFFFFDC00;
	s21 =	smov.u32 s0;
	s28 =	sadd.s32 $0x200, s0  }
0x69: {  	[tilespmem:s23], [sflag:$0x2] =	stream.indirect.gather [hbm4b:s4+s22], $0x90, s2, s22, $0xb8;
	[tilespmem:$0x1D800] =	vst v63  }
0x6a: {  	p0 =	sne.s32 s0, $0x4C00;
	_ =	swait.ge [sflag:s24], $0x2400  }
0x6b: {  	[sflag:s24] =	ssyncset.done $0x0  }
0x6c: {  	s0 =	sadd.s32 $0x1400, s31;
	[sflag:s24] =	ssyncadd.s32 $0xFFFFDC00  }
0x6d: {  	[spmem:s1] =	stream.indirect.scatter.add.f32 [tilespmem:s19], [sflag:$0x3], $0x90, s0, s22, $0xb8;
	[tilespmem:$0x1D800] =	vst v63  }
0x6e: {  	_ =	swait.ge [sflag:s20], $0x2400  }
0x6f: {  	[sflag:s20] =	ssyncset.done $0x0  }
0x70: {  	s0 =	sadd.s32 $0x80, s31;
	[sflag:s20] =	ssyncadd.s32 $0xFFFFDC00  }
0x71: {  	[tilespmem:s19], [sflag:$0x1] =	stream.indirect.gather [hbm4b:s4+s22], $0x90, s0, s22, $0xb8;
	[tilespmem:$0x1D800] =	vst v63  }
0x72: {  	_ =	swait.ge [sflag:s26], $0x2400  }
.Ltmp1:
0x73: {  	[sflag:s26] =	ssyncset.done $0x0;
	(pc) =	sbr.rel @p0 .LBB2_4-.Ltmp1, $4  }
0x74: {  	s0 =	sadd.s32 $0x1440, s31;
	[sflag:s26] =	ssyncadd.s32 $0xFFFFDC00  }
0x75: {  	[spmem:s1] =	stream.indirect.scatter.add.f32 [tilespmem:s23], [sflag:$0x3], $0x90, s0, s22, $0xb8;
	[tilespmem:$0x1D800] =	vst v63  }
0x76: {  	_ =	swait.ge [sflag:s20], $0x2400  }
0x77: {  	s31 =	sshra.s32 s21, $0x2;
	s0 =	smov.u32 s28;
	[sflag:s20] =	ssyncset.done $0x0  }
0x78: {  	s0 =	sadd.s32 $0x40, s31;
	[sflag:s20] =	ssyncadd.s32 $0xFFFFDC00  }
0x79: {  	[tilespmem:s23], [sflag:$0x2] =	stream.indirect.gather [hbm4b:s4+s22], $0x90, s0, s22, $0xb8;
	[tilespmem:$0x1D800] =	vst v63  }
0x7a: {  	_ =	swait.ge [sflag:s24], $0x2400  }
0x7b: {  	[sflag:s24] =	ssyncset.done $0x0  }
0x7c: {  	s28 =	sadd.s32 $0x1400, s31;
	[sflag:s24] =	ssyncadd.s32 $0xFFFFDC00  }
0x7d: {  	[spmem:s1] =	stream.indirect.scatter.add.f32 [tilespmem:s19], [sflag:$0x3], $0x90, s28, s22, $0xb8;
	[tilespmem:$0x1D800] =	vst v63  }
0x7e: {  	_ =	swait.ge [sflag:s20], $0x2400  }
0x7f: {  	[sflag:s20] =	ssyncset.done $0x0  }
0x80: {  	s2 =	sadd.s32 $0x80, s31;
	[sflag:s20] =	ssyncadd.s32 $0xFFFFDC00  }
0x81: {  	[tilespmem:s19], [sflag:$0x1] =	stream.indirect.gather [hbm4b:s4+s22], $0x90, s2, s22, $0xb8;
	[tilespmem:$0x1D800] =	vst v63  }
0x82: {  	_ =	swait.ge [sflag:s26], $0x2400  }
0x83: {  	[sflag:s26] =	ssyncset.done $0x0  }
0x84: {  	s21 =	sadd.s32 $0x1440, s31;
	[sflag:s26] =	ssyncadd.s32 $0xFFFFDC00  }
0x85: {  	[spmem:s1] =	stream.indirect.scatter.add.f32 [tilespmem:s23], [sflag:$0x3], $0x90, s21, s22, $0xb8;
	[tilespmem:$0x1D800] =	vst v63  }
0x86: {  	_ =	swait.ge [sflag:s20], $0x2400  }
0x87: {  	[sflag:s20] =	ssyncset.done $0x0  }
0x88: {  	s28 =	simm.s32 $0x13C0;
	[sflag:s20] =	ssyncadd.s32 $0xFFFFDC00  }
0x89: {  	[tilespmem:s23], [sflag:$0x2] =	stream.indirect.gather [hbm4b:s4+s22], $0x90, s28, s22, $0xb8;
	[tilespmem:$0x1D800] =	vst v63  }
0x8a: {  	_ =	swait.ge [sflag:s24], $0x2400  }
0x8b: {  	[sflag:s24] =	ssyncset.done $0x0  }
0x8c: {  	[sflag:s24] =	ssyncadd.s32 $0xFFFFDC00  }
0x8d: {  	[spmem:s1] =	stream.indirect.scatter.add.f32 [tilespmem:s19], [sflag:$0x3], $0x90, s29, s22, $0xb8;
	[tilespmem:$0x1D800] =	vst v63  }
0x8e: {  	_ =	swait.ge [sflag:s20], $0x2400  }
0x8f: {  	[sflag:s20] =	ssyncset.done $0x0  }
0x90: {  	[sflag:s20] =	ssyncadd.s32 $0xFFFFDC00  }
0x91: {  	_ =	swait.ge [sflag:s26], $0x2400  }
0x92: {  	[sflag:s26] =	ssyncset.done $0x0  }
0x93: {  	[sflag:s26] =	ssyncadd.s32 $0xFFFFDC00  }
0x94: {  	[spmem:s1] =	stream.indirect.scatter.add.f32 [tilespmem:s23], [sflag:$0x3], $0x90, s30, s22, $0xb8;
	[tilespmem:$0x1D800] =	vst v63  }
0x95: {  	_ =	swait.ge [sflag:s20], $0x2400  }
0x96: {  	s31 =	stileid.u32;
	s3 =	sadd.s32 $0x1, s3;
	[sflag:s20] =	ssyncset.done $0x0  }
0x97: {  	s0 =	sshll.u32 s31, $0x6;
	p0 =	sne.s32 s3, s9;
	[sflag:s20] =	ssyncadd.s32 $0xFFFFDC00  }
.Ltmp2:
0x98: {  	s0 =	sor.u32 $0x1C03, s0;
	[bflag:$0x0] =	sbarrier.arrive $0xFFFF;
	(pc) =	sbr.rel @p0 .LBB2_1-.Ltmp2, $4  }
0x99: {  	[hbm:s7], [sflag:s0] =	dma.local [spmem:s25], $0x2D00  }
0x9a: {  	_ =	swait.ge [sflag:s20], $0x2D00  }
0x9b: {  	[sflag:s20] =	ssyncset.done $0x0  }
0x9c: {  	[sflag:s20] =	ssyncadd.s32 $0xFFFFD300  }
0x9d: {  	_ =	sfence.sel $0x180000  }
0x9e: {  	[bflag:$0x0] =	sbarrier.arrive $0xFFFF  }
0x9f: {  	_ =	strace $0x90000047  }
0xa0: {  	s0 =	stileid.u32;
	[bflag:$0x2] =	sbarrier.arrive $0xFFFF  }
0xa1: {  	p0 =	sne.s32 s0, $0x0;
	s0 =	rddreg [dreg:$0x2]  }
0xa2: {  	s0 =	sadd.s32 @!p0 $0x100000, s0  }
0xa3: {  	[sflag:s0] =	ssyncadd.tile.s32 @!p0 $0x1;
	_ =	shalt  }
.Lfunc_end2:
_tile_overlayer_lowered:
.L_overlay_start_2:
0xa4: {  	(tag) =	ssettag $0x2  }
0xa5: {  	s0 =	rddreg [dreg:$0x0];
	s2 =	stileid.u32  }
0xa6: {  	s1 =	rddreg [dreg:$0x1];
	p0 =	sne.s32 s2, $0x0  }
0xa7: {  	s3 =	rddreg [dreg:$0x2];
	[bflag:$0x3] =	sbarrier.arrive $0xFFFF;
	s2 =	simm.s32 @!p0 $0x1C03  }
0xa8: {  	[timem:s3], [sflag:s2] =	dma.local @!p0 [hbm:s0], s1  }
0xa9: {  	s0 =	simm.s32 @!p0 $0x3  }
0xaa: {  	_ =	swait.ge @!p0 [sflag:s0], s1  }
0xab: {  	s1 =	ssub.s32 @!p0 $0x0, s1;
	[sflag:s0] =	ssyncset.done @!p0 $0x0  }
0xac: {  	[sflag:s0] =	ssyncadd.s32 @!p0 s1  }
0xad: {  	[bflag:$0x3] =	sbarrier.arrive $0xFFFF  }
0xae: {  	_ =	shalt  }

// kernel: kernel.30.cloned.1.call-start
scs
__scs_entry_jumppad:
0x0: {  	(pc) =	sbr.rel $0x88, $3  }
0x1: {  	(tag) =	ssettag $0x0;
	lr =	simm.s32 $0x1  }
0x2: {  	[smem:$0x3F6E] =	sst lr;
	_ =	strace $0xD0000000  }
0x3: {  	_ = 	snop  }
0x4: {  	_ = 	snop  }
0x5: {  	_ = 	snop  }
0x6: {  	_ = 	snop  }
0x7: {  	_ = 	snop  }
__scs_overlays_trampoline_lowered:
0x8: {  	[smem:$0x3F7D] =	sst s0  }
0x9: {  	[smem:$0x3F7E] =	sst s1  }
0xa: {  	[smem:$0x3F7F] =	sst s2  }
0xb: {  	[smem:$0x3F80] =	sst s3  }
0xc: {  	[smem:$0x3F81] =	sst s4  }
0xd: {  	[smem:$0x3F82] =	sst s5  }
0xe: {  	[smem:$0x3F83] =	sst s6  }
0xf: {  	[smem:$0x3F84] =	sst s7  }
0x10: {  	[smem:$0x3F85] =	sst s8  }
0x11: {  	[smem:$0x3F86] =	sst s9;
	s0 =	simm.s32 @!p0 $0x0  }
0x12: {  	s1 =	sld [smem:$0x3F6C];
	s0 =	simm.s32 @p0 $0x1  }
0x13: {  	[smem:$0x3F87] =	sst s0;
	s0 =	simm.s32 @!p1 $0x0  }
0x14: {  	s2 =	sld [smem:$0x3F6B];
	s0 =	simm.s32 @p1 $0x1  }
0x15: {  	[smem:$0x3F88] =	sst s0;
	s0 =	simm.s32 @!p2 $0x0  }
0x16: {  	s3 =	sld [smem:$0x3FDB];
	s0 =	simm.s32 @p2 $0x1  }
0x17: {  	s4 =	simm.s32 $0x1BF5;
	[smem:$0x3F8A] =	sst s0  }
0x18: {  	s0 =	sld [smem:$0x3F6D];
	_ =	swait.ge [sflag:s4], $0x0  }
0x19: {  	s7 =	sld [smem:$0x3F6E]  }
0x1a: {  	s8 =	sadd.s32 $0xFFFFE003, lr  }
0x1b: {  	s9 =	sadd.s32 $0xFFFFFEF7, lr;
	s5 =	simm.s32 $0xFFFFFFFF;
	p2 =	slt.u32 s8, $0xFFFFF086  }
0x1c: {  	p1 =	slt.u32 s9, $0xF7A;
	s5 =	simm.s32 @!p2 $0x0  }
0x1d: {  	s5 =	simm.s32 @p1 $0x1;
	p0 =	seq.s32 s7, s2  }
0x1e: {  	s7 =	smul.u32 @!p0 $0xF7A, s2;
	p2 =	seq.s32 @!p0 s5, $0x0  }
0x1f: {  	s9 =	smul.u32 $0xF7A, s1;
	s8 =	simm.s32 @!p0 $0x1BF5;
	p2 =	por !p2, p0  }
0x20: {  	[sflag:s8] =	ssyncset.s32 @!p0 $0xFFFFF086;
	s6 =	sadd.s32 @!p0 s3, s7;
	s7 =	simm.s32 @!p0 $0x108  }
0x21: {  	s3 =	sadd.s32 s3, s9;
	s6 =	sadd.s32 @!p0 $0x88, s6;
	s7 =	simm.s32 @p2 $0x1082  }
0x22: {  	[simem:s7], [sflag:s8] =	dma.local @!p0 [hbm:s6], $0xF7A  }
0x23: {  	s9 =	sor.u32 $0xD0000000, s2;
	s6 =	simm.s32 $0x108;
	_ =	swait.ge @!p0 [sflag:s8], $0x0  }
0x24: {  	s3 =	sadd.s32 $0x88, s3;
	s6 =	simm.s32 @!p1 $0x1082;
	[sflag:s4] =	ssyncset.s32 $0xFFFFF086  }
0x25: {  	[simem:s6], [sflag:s4] =	dma.local [hbm:s3], $0xF7A  }
0x26: {  	[smem:$0x3F6E] =	sst s1;
	(tag) =	ssettag s2;
	_ =	strace s9  }
0x27: {  	s1 =	sld [smem:$0x3F7E]  }
0x28: {  	s2 =	sld [smem:$0x3F7F]  }
0x29: {  	s4 =	sld [smem:$0x3F81]  }
0x2a: {  	p0 =	seq.s32 s5, $0x0;
	s5 =	sld [smem:$0x3F82]  }
0x2b: {  	s6 =	sld [smem:$0x3F83]  }
0x2c: {  	s7 =	sld [smem:$0x3F84]  }
0x2d: {  	s3 =	simm.s32 $0x108;
	s8 =	sld [smem:$0x3F85]  }
0x2e: {  	s3 =	simm.s32 @!p0 $0x1082;
	s9 =	sld [smem:$0x3F86]  }
0x2f: {  	lr =	sadd.s32 s0, s3;
	s0 =	sld [smem:$0x3F7D]  }
0x30: {  	s3 =	sld [smem:$0x3F80]  }
0x31: {  	[smem:$0x3F89] =	sst s10  }
0x32: {  	s10 =	sld [smem:$0x3F87];
	_ =	sdelay $0x3  }
0x33: {  	p0 =	seq.s32 s10, $0x1;
	s10 =	sld [smem:$0x3F89];
	_ =	sdelay $0x3  }
0x34: {  	[smem:$0x3F89] =	sst s10  }
0x35: {  	s10 =	sld [smem:$0x3F88];
	_ =	sdelay $0x3  }
0x36: {  	p1 =	seq.s32 s10, $0x1;
	s10 =	sld [smem:$0x3F89];
	_ =	sdelay $0x3  }
0x37: {  	[smem:$0x3F89] =	sst s10  }
0x38: {  	s10 =	sld [smem:$0x3F8A]  }
0x39: {  	_ = 	snop;
	(pc) =	sbr.ind lr, $3  }
0x3a: {  	_ = 	snop  }
0x3b: {  	_ = 	snop  }
0x3c: {  	p2 =	seq.s32 s10, $0x1;
	s10 =	sld [smem:$0x3F89]  }
0x3d: {  	_ =	shalt  }
0x3e: {  	_ =	shalt  }
0x3f: {  	_ =	shalt  }
0x40: {  	_ =	shalt  }
0x41: {  	_ =	shalt  }
0x42: {  	_ =	shalt  }
0x43: {  	_ =	shalt  }
0x44: {  	_ =	shalt  }
0x45: {  	_ =	shalt  }
0x46: {  	_ =	shalt  }
0x47: {  	_ =	shalt  }
0x48: {  	_ =	shalt  }
0x49: {  	_ =	shalt  }
0x4a: {  	_ =	shalt  }
0x4b: {  	_ =	shalt  }
0x4c: {  	_ =	shalt  }
0x4d: {  	_ =	shalt  }
0x4e: {  	_ =	shalt  }
0x4f: {  	_ =	shalt  }
0x50: {  	_ =	shalt  }
0x51: {  	_ =	shalt  }
0x52: {  	_ =	shalt  }
0x53: {  	_ =	shalt  }
0x54: {  	_ =	shalt  }
0x55: {  	_ =	shalt  }
0x56: {  	_ =	shalt  }
0x57: {  	_ =	shalt  }
0x58: {  	_ =	shalt  }
0x59: {  	_ =	shalt  }
0x5a: {  	_ =	shalt  }
0x5b: {  	_ =	shalt  }
0x5c: {  	_ =	shalt  }
0x5d: {  	_ =	shalt  }
0x5e: {  	_ =	shalt  }
0x5f: {  	_ =	shalt  }
0x60: {  	_ =	shalt  }
0x61: {  	_ =	shalt  }
0x62: {  	_ =	shalt  }
0x63: {  	_ =	shalt  }
0x64: {  	_ =	shalt  }
0x65: {  	_ =	shalt  }
0x66: {  	_ =	shalt  }
0x67: {  	_ =	shalt  }
0x68: {  	_ =	shalt  }
0x69: {  	_ =	shalt  }
0x6a: {  	_ =	shalt  }
0x6b: {  	_ =	shalt  }
0x6c: {  	_ =	shalt  }
0x6d: {  	_ =	shalt  }
0x6e: {  	_ =	shalt  }
0x6f: {  	_ =	shalt  }
0x70: {  	_ =	shalt  }
0x71: {  	_ =	shalt  }
0x72: {  	_ =	shalt  }
0x73: {  	_ =	shalt  }
0x74: {  	_ =	shalt  }
0x75: {  	_ =	shalt  }
0x76: {  	_ =	shalt  }
0x77: {  	_ =	shalt  }
0x78: {  	_ =	shalt  }
0x79: {  	_ =	shalt  }
0x7a: {  	_ =	shalt  }
0x7b: {  	_ =	shalt  }
0x7c: {  	_ =	shalt  }
0x7d: {  	_ =	shalt  }
0x7e: {  	_ =	shalt  }
0x7f: {  	_ =	shalt  }
0x80: {  	_ =	shalt  }
0x81: {  	_ =	shalt  }
0x82: {  	_ =	shalt  }
0x83: {  	_ =	shalt  }
0x84: {  	_ =	shalt  }
0x85: {  	_ =	shalt  }
0x86: {  	_ =	shalt  }
0x87: {  	_ =	shalt  }
.Lfunc_end0:
.L_simem_size_0:
called_computation.1_lowered:
.L_overlay_start_0:
0x88: {  	s2 =	sld [smem:$0x3FD9]  }
0x89: {  	s3 =	sld [smem:$0x3FFE];
	_ =	sdelay $0x1  }
0x8a: {  	s1 =	srdreg.scid  }
0x8b: {  	s0 =	sand.u32 $0x1, s1  }
0x8c: {  	s17 =	sshll.u32 s0, $0xA;
	s2 =	sadd.s32 s3, s2  }
0x8d: {  	s2 =	sadd.s32 s2, s17  }
0x8e: {  	[smem:$0x3F95] =	sst s2  }
0x8f: {  	_ = 	snop  }
0x90: {  	(tm) =	ssettm $0x1  }
0x91: {  	s18 =	sld [smem:$0x3FFB];
	_ =	sdelay $0x3  }
0x92: {  	_ =	strace s18  }
0x93: {  	s2 =	sld [smem:$0x3FFC];
	_ =	sdelay $0x3  }
0x94: {  	_ =	strace s2  }
0x95: {  	s2 =	sld [smem:$0x3FFD];
	_ =	sdelay $0x3  }
0x96: {  	_ =	strace s2  }
0x97: {  	_ =	strace $0x8FFFFFFF  }
0x98: {  	s19 =	sld [smem:$0x3FDB];
	_ =	sdelay $0x1  }
0x99: {  	s20 =	simm.s32 $_scs_section_size  }
0x9a: {  	s4 =	simm.s32 $_size__tile_overlayer_lowered;
	s5 =	simm.s32 $_tile_overlayer_lowered  }
0x9b: {  	s6 =	simm.s32 $0x1BFF;
	s21 =	sshll.u32 s5, $0x1;
	s3 =	sadd.s32 s20, s19  }
0x9c: {  	s22 =	simm.s32 $0x0;
	s4 =	sshll.u32 s4, $0x1;
	s5 =	sadd.s32 s21, s3  }
0x9d: {  	[timem:s22], [sflag:s6] =	dma.local [hbm:s5], s4  }
0x9e: {  	_ =	swait.ge [sflag:s6], s4  }
0x9f: {  	s4 =	ssub.s32 $0x0, s4;
	[sflag:s6] =	ssyncset.done $0x0  }
0xa0: {  	[sflag:s6] =	ssyncadd.s32 s4;
	_ =	sdelay $0x1  }
0xa1: {  	s23 =	simm.s32 $0x1B8B  }
0xa2: {  	_ =	swait.ge [sflag:s23], $0x1  }
0xa3: {  	[sflag:s23] =	ssyncset.done $0x0  }
0xa4: {  	[sflag:s23] =	ssyncadd.s32 $0xFFFFFFFF  }
0xa5: {  	s4 =	sld [smem:$0x0]  }
0xa6: {  	s5 =	sand.u32 $0xFFFFFFFE, s1  }
0xa7: {  	p0 =	sne.s32 s1, s5  }
0xa8: {  	s5 =	sshll.u32 @p0 s5, $0xE  }
0xa9: {  	s5 =	sadd.s32 @p0 $0x11B8D, s5;
	s6 =	sshll.u32 @p0 s4, $0x11  }
0xaa: {  	s5 =	sor.u32 @p0 s6, s5  }
0xab: {  	[sflag:s5] =	ssyncadd.remote.s32 @p0 $0x1;
	_ =	sdelay $0x1  }
0xac: {  	s5 =	simm.s32 @p0 $0x1B8D  }
0xad: {  	_ =	swait.eq @p0 [sflag:s5], $0x1  }
0xae: {  	[sflag:s5] =	ssyncadd.s32 @p0 $0xFFFFFFFF  }
0xaf: {  	s6 =	sshll.u32 @!p0 s1, $0xE  }
0xb0: {  	s6 =	sor.u32 @!p0 $0x4000, s6;
	s5 =	simm.s32 @!p0 $0x1B8D  }
0xb1: {  	s4 =	sshll.u32 @!p0 s4, $0x11;
	s6 =	sadd.s32 @!p0 $0x11B8D, s6;
	_ =	swait.eq @!p0 [sflag:s5], $0x1  }
0xb2: {  	s4 =	sor.u32 @!p0 s4, s6;
	[sflag:s5] =	ssyncadd.s32 @!p0 $0xFFFFFFFF  }
0xb3: {  	s25 =	simm.s32 $0x1B8E;
	s24 =	sld [smem:$0x3FFE];
	[sflag:s4] =	ssyncadd.remote.s32 @!p0 $0x1  }
0xb4: {  	s26 =	simm.s32 $execute0_lowered;
	[smem:$0x3FD2] =	sst s25  }
0xb5: {  	s5 =	sshll.u32 s26, $0x1;
	_ =	strace $0x80000049;
	[dreg:$0x1] =	wrdreg $0xFFFFFFFF  }
0xb6: {  	s28 =	simm.s32 $_size_execute0_lowered;
	s3 =	sadd.s32 s3, s5;
	[dreg:$0x0] =	wrdreg $0x0  }
0xb7: {  	s5 =	sshll.u32 s28, $0x1;
	[dreg:$0x2] =	wrdreg s3  }
0xb8: {  	[dreg:$0x3] =	wrdreg s5  }
0xb9: {  	[dreg:$0x4] =	wrdreg $0xC0  }
0xba: {  	_ =	task [dreg:s22], $0x5FFFF  }
0xbb: {  	[dreg:$0x1] =	wrdreg $0xFFFFFFFF  }
0xbc: {  	[dreg:$0x0] =	wrdreg $0x60  }
0xbd: {  	[dreg:$0x2] =	wrdreg s24  }
0xbe: {  	[dreg:$0x3] =	wrdreg $0x70000  }
0xbf: {  	[dreg:$0x4] =	wrdreg $0x9  }
0xc0: {  	_ =	task.clear_ibuf [dreg:s22], $0x5FFFF;
	_ =	strace $0x90000049  }
0xc1: {  	s29 =	simm.s32 $0x9;
	_ =	strace $0x8000004B  }
0xc2: {  	_ =	swait.ge [sflag:s29], $0x1  }
0xc3: {  	[sflag:s29] =	ssyncadd.s32 $0xFFFFFFFF  }
0xc4: {  	_ =	strace $0x9000004B  }
0xc5: {  	_ =	sfence  }
0xc6: {  	s30 =	sld [smem:$0x0];
	_ =	sdelay $0x2  }
0xc7: {  	s31 =	sshll.u32 s1, $0xD;
	s1 =	sshrl.u32 s1, $0x2  }
0xc8: {  	s4 =	sand.u32 $0x4000, s31;
	s1 =	sadd.s32 s1, s30  }
0xc9: {  	s0 =	sor.u32 s4, s0;
	s1 =	sshll.u32 s1, $0x11  }
0xca: {  	s0 =	sor.u32 s1, s0  }
0xcb: {  	s0 =	sadd.s32 $0x8F2B, s0  }
0xcc: {  	[sflag:s0] =	ssyncadd.remote.s32 $0x1  }
0xcd: {  	_ =	sfence.sel $0xFFFF  }
0xce: {  	[dreg:$0x0] =	wrdreg $0xFFFFFFFF;
	(pc) =	sbr.abs _section_cstart, $3  }
0xcf: {  	[dreg:$0x1] =	wrdreg $0xFFFFFFFF  }
0xd0: {  	_ =	task.clear_ibuf [dreg:s22], $0x2FFFF;
	_ =	strace $0x9FFFFFFF  }
0xd1: {  	(tm) =	ssettm $0x7FFFFFFF  }
tec
execute0_lowered:
.L_overlay_start_1:
0x0: {  	(tag) =	ssettag $0x1  }
0x1: {  	s0 =	rddreg [dreg:$0x0]  }
0x2: {  	s1 =	rddreg [dreg:$0x1]  }
0x3: {  	s2 =	srdreg.scid;
	s3 =	simm.s32 $0x0;
	s28 =	stileid.u32  }
0x4: {  	s19 =	simm.s32 $0x2800;
	s20 =	simm.s32 $0x3;
	s22 =	simm.s32 $0x40  }
0x5: {  	s23 =	simm.s32 $0x4C00;
	s24 =	simm.s32 $0x1;
	s26 =	simm.s32 $0x2  }
0x6: {  	s29 =	simm.s32 $0x2780;
	s30 =	simm.s32 $0x27C0;
	s8 =	smul.u32 $0x16800, s28  }
0x7: {  	s5 =	sand.u32 $0x1, s2;
	[smem:$0x7FF] =	sst s3;
	s10 =	smul.u32 $0x5A000, s28  }
0x8: {  	s7 =	sshll.u32 s28, $0x1;
	s4 =	sadd.s32 $0x117A00, s0;
	s6 =	smul.u32 $0x168000, s5  }
0x9: {  	_ =	strace $0x8000004A;
	s7 =	sor.u32 s5, s7;
	s5 =	ssub.s32 $0x2, s5  }
0xa: {  	s7 =	smul.u32 $0x280, s7;
	s9 =	sshrl.u32 s5, $0x1;
	s10 =	sshrl.u32 s10, $0x2  }
0xb: {  	s31 =	sadd.s32 s8, s1;
	s6 =	sadd.s32 s8, s6;
	s9 =	ssub.s32 s5, s9  }
0xc: {  	s8 =	sadd.s32 s10, s1;
	s25 =	sshrl.u32 s31, $0x3;
	s6 =	sshrl.u32 s6, $0x3  }
0xd: {  	s7 =	sadd.s32 s7, s0;
	s9 =	smax.u32 s9, $0x1;
	s10 =	sadd.s32 $0x2400, s8  }
0xe: {  	s11 =	sadd.s32 $0x4800, s8;
	s12 =	sadd.s32 $0x6C00, s8;
	s13 =	sadd.s32 $0x9000, s8  }
0xf: {  	s14 =	sadd.s32 $0xB400, s8;
	s15 =	sadd.s32 $0xD800, s8;
	s16 =	sadd.s32 $0xFC00, s8  }
0x10: {  	s17 =	sadd.s32 $0x12000, s8;
	s18 =	sadd.s32 $0x14400, s8;
	s0 =	sadd.s32 s6, s0  }
0x11: {  	v0 =	vimm.f32 $0.0e+00;
	s5 =	sadd.s32 $0x3A000, s7;
	s6 =	sadd.s32 $0x3F000, s7;
	s7 =	sadd.s32 $0x144A00, s0  }
.LBB2_1:
0x12: {  	s31 =	simm.s32 $0x80;
	s0 =	simm.s32 $0x440  }
.LBB2_2:
0x13: {  	p0 =	sne.s32 s0, $0x8FC0;
	[tilespmem:s31+$0x2800] =	vst v0  }
0x14: {  	[tilespmem:s31+$0x2780] =	vst v0  }
0x15: {  	[tilespmem:s31+$0x2790] =	vst v0  }
0x16: {  	[tilespmem:s31+$0x27A0] =	vst v0  }
.Ltmp0:
0x17: {  	[tilespmem:s31+$0x27B0] =	vst v0;
	(pc) =	sbr.rel @p0 .LBB2_2-.Ltmp0, $4  }
0x18: {  	[tilespmem:s31+$0x27C0] =	vst v0  }
0x19: {  	[tilespmem:s31+$0x27D0] =	vst v0  }
0x1a: {  	[tilespmem:s31+$0x27E0] =	vst v0  }
0x1b: {  	[tilespmem:s31+$0x27F0] =	vst v0;
	s31 =	sshra.s32 s0, $0x2;
	s0 =	sadd.s32 $0x240, s0  }
0x1c: {  	[tilespmem:s31+$0x2800] =	vst v0  }
0x1d: {  	[tilespmem:s31+$0x2780] =	vst v0  }
0x1e: {  	[tilespmem:s31+$0x2790] =	vst v0  }
0x1f: {  	[tilespmem:s31+$0x27A0] =	vst v0  }
0x20: {  	[tilespmem:s31+$0x27B0] =	vst v0  }
0x21: {  	[tilespmem:s31+$0x27C0] =	vst v0  }
0x22: {  	[tilespmem:s31+$0x27D0] =	vst v0  }
0x23: {  	[tilespmem:s31+$0x27E0] =	vst v0  }
0x24: {  	[tilespmem:s31+$0x27F0] =	vst v0  }
0x25: {  	[spmem:s8] =	stream.linear.scatter [tilespmem:s19], [sflag:$0x3], $0x2400, $0x38;
	[tilespmem:$0x1D800] =	vst v63  }
0x26: {  	_ =	swait.ge [sflag:s20], $0x2400  }
0x27: {  	[sflag:s20] =	ssyncset.done $0x0  }
0x28: {  	[sflag:s20] =	ssyncadd.s32 $0xFFFFDC00  }
0x29: {  	[spmem:s10] =	stream.linear.scatter [tilespmem:s19], [sflag:$0x3], $0x2400, $0x38;
	[tilespmem:$0x1D800] =	vst v63  }
0x2a: {  	_ =	swait.ge [sflag:s20], $0x2400  }
0x2b: {  	[sflag:s20] =	ssyncset.done $0x0  }
0x2c: {  	[sflag:s20] =	ssyncadd.s32 $0xFFFFDC00  }
0x2d: {  	[spmem:s11] =	stream.linear.scatter [tilespmem:s19], [sflag:$0x3], $0x2400, $0x38;
	[tilespmem:$0x1D800] =	vst v63  }
0x2e: {  	_ =	swait.ge [sflag:s20], $0x2400  }
0x2f: {  	[sflag:s20] =	ssyncset.done $0x0  }
0x30: {  	[sflag:s20] =	ssyncadd.s32 $0xFFFFDC00  }
0x31: {  	[spmem:s12] =	stream.linear.scatter [tilespmem:s19], [sflag:$0x3], $0x2400, $0x38;
	[tilespmem:$0x1D800] =	vst v63  }
0x32: {  	_ =	swait.ge [sflag:s20], $0x2400  }
0x33: {  	[sflag:s20] =	ssyncset.done $0x0  }
0x34: {  	[sflag:s20] =	ssyncadd.s32 $0xFFFFDC00  }
0x35: {  	[spmem:s13] =	stream.linear.scatter [tilespmem:s19], [sflag:$0x3], $0x2400, $0x38;
	[tilespmem:$0x1D800] =	vst v63  }
0x36: {  	_ =	swait.ge [sflag:s20], $0x2400  }
0x37: {  	[sflag:s20] =	ssyncset.done $0x0  }
0x38: {  	[sflag:s20] =	ssyncadd.s32 $0xFFFFDC00  }
0x39: {  	[spmem:s14] =	stream.linear.scatter [tilespmem:s19], [sflag:$0x3], $0x2400, $0x38;
	[tilespmem:$0x1D800] =	vst v63  }
0x3a: {  	_ =	swait.ge [sflag:s20], $0x2400  }
0x3b: {  	[sflag:s20] =	ssyncset.done $0x0  }
0x3c: {  	[sflag:s20] =	ssyncadd.s32 $0xFFFFDC00  }
0x3d: {  	[spmem:s15] =	stream.linear.scatter [tilespmem:s19], [sflag:$0x3], $0x2400, $0x38;
	[tilespmem:$0x1D800] =	vst v63  }
0x3e: {  	_ =	swait.ge [sflag:s20], $0x2400  }
0x3f: {  	[sflag:s20] =	ssyncset.done $0x0  }
0x40: {  	[sflag:s20] =	ssyncadd.s32 $0xFFFFDC00  }
0x41: {  	[spmem:s16] =	stream.linear.scatter [tilespmem:s19], [sflag:$0x3], $0x2400, $0x38;
	[tilespmem:$0x1D800] =	vst v63  }
0x42: {  	_ =	swait.ge [sflag:s20], $0x2400  }
0x43: {  	[sflag:s20] =	ssyncset.done $0x0  }
0x44: {  	[sflag:s20] =	ssyncadd.s32 $0xFFFFDC00  }
0x45: {  	[spmem:s17] =	stream.linear.scatter [tilespmem:s19], [sflag:$0x3], $0x2400, $0x38;
	[tilespmem:$0x1D800] =	vst v63  }
0x46: {  	_ =	swait.ge [sflag:s20], $0x2400  }
0x47: {  	[sflag:s20] =	ssyncset.done $0x0  }
0x48: {  	[sflag:s20] =	ssyncadd.s32 $0xFFFFDC00  }
0x49: {  	[spmem:s18] =	stream.linear.scatter [tilespmem:s19], [sflag:$0x3], $0x2400, $0x38;
	[tilespmem:$0x1D800] =	vst v63  }
0x4a: {  	_ =	swait.ge [sflag:s20], $0x2400  }
0x4b: {  	[sflag:s20] =	ssyncset.done $0x0  }
0x4c: {  	s0 =	simm.s32 $0x0;
	[sflag:s20] =	ssyncadd.s32 $0xFFFFDC00  }
0x4d: {  	[tilespmem:s0], [sflag:$0x3] =	stream.linear.gather [hbm4b:s5+s0], $0x1400, $0x38;
	[tilespmem:$0x1D800] =	vst v63  }
0x4e: {  	_ =	swait.ge [sflag:s20], $0x1400  }
0x4f: {  	[sflag:s20] =	ssyncset.done $0x0  }
0x50: {  	s2 =	simm.s32 $0x1400;
	[sflag:s20] =	ssyncadd.s32 $0xFFFFEC00  }
0x51: {  	[tilespmem:s2], [sflag:$0x3] =	stream.linear.gather [hbm4b:s6+s0], $0x1400, $0x38;
	[tilespmem:$0x1D800] =	vst v63  }
0x52: {  	_ =	swait.ge [sflag:s20], $0x1400  }
0x53: {  	[sflag:s20] =	ssyncset.done $0x0  }
0x54: {  	[sflag:s20] =	ssyncadd.s32 $0xFFFFEC00  }
0x55: {  	[bflag:$0x0] =	sbarrier.arrive $0xFFFF  }
0x56: {  	[tilespmem:s19], [sflag:$0x1] =	stream.indirect.gather [hbm4b:s4+s22], $0x90, s0, s22, $0xb8;
	[tilespmem:$0x1D800] =	vst v63  }
0x57: {  	s28 =	simm.s32 $0x40  }
0x58: {  	[tilespmem:s23], [sflag:$0x2] =	stream.indirect.gather [hbm4b:s4+s22], $0x90, s28, s22, $0xb8;
	[tilespmem:$0x1D800] =	vst v63  }
0x59: {  	_ =	swait.ge [sflag:s24], $0x2400  }
0x5a: {  	[sflag:s24] =	ssyncset.done $0x0  }
0x5b: {  	s2 =	simm.s32 $0x1400;
	[sflag:s24] =	ssyncadd.s32 $0xFFFFDC00  }
0x5c: {  	[spmem:s1] =	stream.indirect.scatter.add.f32 [tilespmem:s19], [sflag:$0x3], $0x90, s2, s22, $0xb8;
	[tilespmem:$0x1D800] =	vst v63  }
0x5d: {  	_ =	swait.ge [sflag:s20], $0x2400  }
0x5e: {  	[sflag:s20] =	ssyncset.done $0x0  }
0x5f: {  	s21 =	simm.s32 $0x80;
	[sflag:s20] =	ssyncadd.s32 $0xFFFFDC00  }
0x60: {  	[tilespmem:s19], [sflag:$0x1] =	stream.indirect.gather [hbm4b:s4+s22], $0x90, s21, s22, $0xb8;
	[tilespmem:$0x1D800] =	vst v63  }
0x61: {  	_ =	swait.ge [sflag:s26], $0x2400  }
0x62: {  	[sflag:s26] =	ssyncset.done $0x0  }
0x63: {  	s28 =	simm.s32 $0x1440;
	[sflag:s26] =	ssyncadd.s32 $0xFFFFDC00  }
0x64: {  	[spmem:s1] =	stream.indirect.scatter.add.f32 [tilespmem:s23], [sflag:$0x3], $0x90, s28, s22, $0xb8;
	[tilespmem:$0x1D800] =	vst v63  }
0x65: {  	_ =	swait.ge [sflag:s20], $0x2400  }
0x66: {  	s31 =	simm.s32 $0x80;
	s0 =	simm.s32 $0x400;
	[sflag:s20] =	ssyncset.done $0x0  }
.LBB2_4:
0x67: {  	s2 =	sadd.s32 $0x40, s31  }
0x68: {  	[sflag:s20] =	ssyncadd.s32 $0xFFFFDC00;
	s21 =	smov.u32 s0;
	s28 =	sadd.s32 $0x200, s0  }
0x69: {  	[tilespmem:s23], [sflag:$0x2] =	stream.indirect.gather [hbm4b:s4+s22], $0x90, s2, s22, $0xb8;
	[tilespmem:$0x1D800] =	vst v63  }
0x6a: {  	p0 =	sne.s32 s0, $0x4C00;
	_ =	swait.ge [sflag:s24], $0x2400  }
0x6b: {  	[sflag:s24] =	ssyncset.done $0x0  }
0x6c: {  	s0 =	sadd.s32 $0x1400, s31;
	[sflag:s24] =	ssyncadd.s32 $0xFFFFDC00  }
0x6d: {  	[spmem:s1] =	stream.indirect.scatter.add.f32 [tilespmem:s19], [sflag:$0x3], $0x90, s0, s22, $0xb8;
	[tilespmem:$0x1D800] =	vst v63  }
0x6e: {  	_ =	swait.ge [sflag:s20], $0x2400  }
0x6f: {  	[sflag:s20] =	ssyncset.done $0x0  }
0x70: {  	s0 =	sadd.s32 $0x80, s31;
	[sflag:s20] =	ssyncadd.s32 $0xFFFFDC00  }
0x71: {  	[tilespmem:s19], [sflag:$0x1] =	stream.indirect.gather [hbm4b:s4+s22], $0x90, s0, s22, $0xb8;
	[tilespmem:$0x1D800] =	vst v63  }
0x72: {  	_ =	swait.ge [sflag:s26], $0x2400  }
.Ltmp1:
0x73: {  	[sflag:s26] =	ssyncset.done $0x0;
	(pc) =	sbr.rel @p0 .LBB2_4-.Ltmp1, $4  }
0x74: {  	s0 =	sadd.s32 $0x1440, s31;
	[sflag:s26] =	ssyncadd.s32 $0xFFFFDC00  }
0x75: {  	[spmem:s1] =	stream.indirect.scatter.add.f32 [tilespmem:s23], [sflag:$0x3], $0x90, s0, s22, $0xb8;
	[tilespmem:$0x1D800] =	vst v63  }
0x76: {  	_ =	swait.ge [sflag:s20], $0x2400  }
0x77: {  	s31 =	sshra.s32 s21, $0x2;
	s0 =	smov.u32 s28;
	[sflag:s20] =	ssyncset.done $0x0  }
0x78: {  	s0 =	sadd.s32 $0x40, s31;
	[sflag:s20] =	ssyncadd.s32 $0xFFFFDC00  }
0x79: {  	[tilespmem:s23], [sflag:$0x2] =	stream.indirect.gather [hbm4b:s4+s22], $0x90, s0, s22, $0xb8;
	[tilespmem:$0x1D800] =	vst v63  }
0x7a: {  	_ =	swait.ge [sflag:s24], $0x2400  }
0x7b: {  	[sflag:s24] =	ssyncset.done $0x0  }
0x7c: {  	s28 =	sadd.s32 $0x1400, s31;
	[sflag:s24] =	ssyncadd.s32 $0xFFFFDC00  }
0x7d: {  	[spmem:s1] =	stream.indirect.scatter.add.f32 [tilespmem:s19], [sflag:$0x3], $0x90, s28, s22, $0xb8;
	[tilespmem:$0x1D800] =	vst v63  }
0x7e: {  	_ =	swait.ge [sflag:s20], $0x2400  }
0x7f: {  	[sflag:s20] =	ssyncset.done $0x0  }
0x80: {  	s2 =	sadd.s32 $0x80, s31;
	[sflag:s20] =	ssyncadd.s32 $0xFFFFDC00  }
0x81: {  	[tilespmem:s19], [sflag:$0x1] =	stream.indirect.gather [hbm4b:s4+s22], $0x90, s2, s22, $0xb8;
	[tilespmem:$0x1D800] =	vst v63  }
0x82: {  	_ =	swait.ge [sflag:s26], $0x2400  }
0x83: {  	[sflag:s26] =	ssyncset.done $0x0  }
0x84: {  	s21 =	sadd.s32 $0x1440, s31;
	[sflag:s26] =	ssyncadd.s32 $0xFFFFDC00  }
0x85: {  	[spmem:s1] =	stream.indirect.scatter.add.f32 [tilespmem:s23], [sflag:$0x3], $0x90, s21, s22, $0xb8;
	[tilespmem:$0x1D800] =	vst v63  }
0x86: {  	_ =	swait.ge [sflag:s20], $0x2400  }
0x87: {  	[sflag:s20] =	ssyncset.done $0x0  }
0x88: {  	s28 =	simm.s32 $0x13C0;
	[sflag:s20] =	ssyncadd.s32 $0xFFFFDC00  }
0x89: {  	[tilespmem:s23], [sflag:$0x2] =	stream.indirect.gather [hbm4b:s4+s22], $0x90, s28, s22, $0xb8;
	[tilespmem:$0x1D800] =	vst v63  }
0x8a: {  	_ =	swait.ge [sflag:s24], $0x2400  }
0x8b: {  	[sflag:s24] =	ssyncset.done $0x0  }
0x8c: {  	[sflag:s24] =	ssyncadd.s32 $0xFFFFDC00  }
0x8d: {  	[spmem:s1] =	stream.indirect.scatter.add.f32 [tilespmem:s19], [sflag:$0x3], $0x90, s29, s22, $0xb8;
	[tilespmem:$0x1D800] =	vst v63  }
0x8e: {  	_ =	swait.ge [sflag:s20], $0x2400  }
0x8f: {  	[sflag:s20] =	ssyncset.done $0x0  }
0x90: {  	[sflag:s20] =	ssyncadd.s32 $0xFFFFDC00  }
0x91: {  	_ =	swait.ge [sflag:s26], $0x2400  }
0x92: {  	[sflag:s26] =	ssyncset.done $0x0  }
0x93: {  	[sflag:s26] =	ssyncadd.s32 $0xFFFFDC00  }
0x94: {  	[spmem:s1] =	stream.indirect.scatter.add.f32 [tilespmem:s23], [sflag:$0x3], $0x90, s30, s22, $0xb8;
	[tilespmem:$0x1D800] =	vst v63  }
0x95: {  	_ =	swait.ge [sflag:s20], $0x2400  }
0x96: {  	s31 =	stileid.u32;
	s3 =	sadd.s32 $0x1, s3;
	[sflag:s20] =	ssyncset.done $0x0  }
0x97: {  	s0 =	sshll.u32 s31, $0x6;
	p0 =	sne.s32 s3, s9;
	[sflag:s20] =	ssyncadd.s32 $0xFFFFDC00  }
.Ltmp2:
0x98: {  	s0 =	sor.u32 $0x1C03, s0;
	[bflag:$0x0] =	sbarrier.arrive $0xFFFF;
	(pc) =	sbr.rel @p0 .LBB2_1-.Ltmp2, $4  }
0x99: {  	[hbm:s7], [sflag:s0] =	dma.local [spmem:s25], $0x2D00  }
0x9a: {  	_ =	swait.ge [sflag:s20], $0x2D00  }
0x9b: {  	[sflag:s20] =	ssyncset.done $0x0  }
0x9c: {  	[sflag:s20] =	ssyncadd.s32 $0xFFFFD300  }
0x9d: {  	_ =	sfence.sel $0x180000  }
0x9e: {  	[bflag:$0x0] =	sbarrier.arrive $0xFFFF  }
0x9f: {  	_ =	strace $0x9000004A  }
0xa0: {  	s0 =	stileid.u32;
	[bflag:$0x2] =	sbarrier.arrive $0xFFFF  }
0xa1: {  	p0 =	sne.s32 s0, $0x0;
	s0 =	rddreg [dreg:$0x2]  }
0xa2: {  	s0 =	sadd.s32 @!p0 $0x100000, s0  }
0xa3: {  	[sflag:s0] =	ssyncadd.tile.s32 @!p0 $0x1;
	_ =	shalt  }
.Lfunc_end2:
_tile_overlayer_lowered:
.L_overlay_start_2:
0xa4: {  	(tag) =	ssettag $0x2  }
0xa5: {  	s0 =	rddreg [dreg:$0x0];
	s2 =	stileid.u32  }
0xa6: {  	s1 =	rddreg [dreg:$0x1];
	p0 =	sne.s32 s2, $0x0  }
0xa7: {  	s3 =	rddreg [dreg:$0x2];
	[bflag:$0x3] =	sbarrier.arrive $0xFFFF;
	s2 =	simm.s32 @!p0 $0x1C03  }
0xa8: {  	[timem:s3], [sflag:s2] =	dma.local @!p0 [hbm:s0], s1  }
0xa9: {  	s0 =	simm.s32 @!p0 $0x3  }
0xaa: {  	_ =	swait.ge @!p0 [sflag:s0], s1  }
0xab: {  	s1 =	ssub.s32 @!p0 $0x0, s1;
	[sflag:s0] =	ssyncset.done @!p0 $0x0  }
0xac: {  	[sflag:s0] =	ssyncadd.s32 @!p0 s1  }
0xad: {  	[bflag:$0x3] =	sbarrier.arrive $0xFFFF  }
0xae: {  	_ =	shalt  }

// kernel: kernel.33.cloned.1.call-start
scs
__scs_entry_jumppad:
0x0: {  	(pc) =	sbr.rel $0x88, $3  }
0x1: {  	(tag) =	ssettag $0x0;
	lr =	simm.s32 $0x1  }
0x2: {  	[smem:$0x3F6E] =	sst lr;
	_ =	strace $0xD0000000  }
0x3: {  	_ = 	snop  }
0x4: {  	_ = 	snop  }
0x5: {  	_ = 	snop  }
0x6: {  	_ = 	snop  }
0x7: {  	_ = 	snop  }
__scs_overlays_trampoline_lowered:
0x8: {  	[smem:$0x3F7D] =	sst s0  }
0x9: {  	[smem:$0x3F7E] =	sst s1  }
0xa: {  	[smem:$0x3F7F] =	sst s2  }
0xb: {  	[smem:$0x3F80] =	sst s3  }
0xc: {  	[smem:$0x3F81] =	sst s4  }
0xd: {  	[smem:$0x3F82] =	sst s5  }
0xe: {  	[smem:$0x3F83] =	sst s6  }
0xf: {  	[smem:$0x3F84] =	sst s7  }
0x10: {  	[smem:$0x3F85] =	sst s8  }
0x11: {  	[smem:$0x3F86] =	sst s9;
	s0 =	simm.s32 @!p0 $0x0  }
0x12: {  	s1 =	sld [smem:$0x3F6C];
	s0 =	simm.s32 @p0 $0x1  }
0x13: {  	[smem:$0x3F87] =	sst s0;
	s0 =	simm.s32 @!p1 $0x0  }
0x14: {  	s2 =	sld [smem:$0x3F6B];
	s0 =	simm.s32 @p1 $0x1  }
0x15: {  	[smem:$0x3F88] =	sst s0;
	s0 =	simm.s32 @!p2 $0x0  }
0x16: {  	s3 =	sld [smem:$0x3FDB];
	s0 =	simm.s32 @p2 $0x1  }
0x17: {  	s4 =	simm.s32 $0x1BF5;
	[smem:$0x3F8A] =	sst s0  }
0x18: {  	s0 =	sld [smem:$0x3F6D];
	_ =	swait.ge [sflag:s4], $0x0  }
0x19: {  	s7 =	sld [smem:$0x3F6E]  }
0x1a: {  	s8 =	sadd.s32 $0xFFFFE003, lr  }
0x1b: {  	s9 =	sadd.s32 $0xFFFFFEF7, lr;
	s5 =	simm.s32 $0xFFFFFFFF;
	p2 =	slt.u32 s8, $0xFFFFF086  }
0x1c: {  	p1 =	slt.u32 s9, $0xF7A;
	s5 =	simm.s32 @!p2 $0x0  }
0x1d: {  	s5 =	simm.s32 @p1 $0x1;
	p0 =	seq.s32 s7, s2  }
0x1e: {  	s7 =	smul.u32 @!p0 $0xF7A, s2;
	p2 =	seq.s32 @!p0 s5, $0x0  }
0x1f: {  	s9 =	smul.u32 $0xF7A, s1;
	s8 =	simm.s32 @!p0 $0x1BF5;
	p2 =	por !p2, p0  }
0x20: {  	[sflag:s8] =	ssyncset.s32 @!p0 $0xFFFFF086;
	s6 =	sadd.s32 @!p0 s3, s7;
	s7 =	simm.s32 @!p0 $0x108  }
0x21: {  	s3 =	sadd.s32 s3, s9;
	s6 =	sadd.s32 @!p0 $0x88, s6;
	s7 =	simm.s32 @p2 $0x1082  }
0x22: {  	[simem:s7], [sflag:s8] =	dma.local @!p0 [hbm:s6], $0xF7A  }
0x23: {  	s9 =	sor.u32 $0xD0000000, s2;
	s6 =	simm.s32 $0x108;
	_ =	swait.ge @!p0 [sflag:s8], $0x0  }
0x24: {  	s3 =	sadd.s32 $0x88, s3;
	s6 =	simm.s32 @!p1 $0x1082;
	[sflag:s4] =	ssyncset.s32 $0xFFFFF086  }
0x25: {  	[simem:s6], [sflag:s4] =	dma.local [hbm:s3], $0xF7A  }
0x26: {  	[smem:$0x3F6E] =	sst s1;
	(tag) =	ssettag s2;
	_ =	strace s9  }
0x27: {  	s1 =	sld [smem:$0x3F7E]  }
0x28: {  	s2 =	sld [smem:$0x3F7F]  }
0x29: {  	s4 =	sld [smem:$0x3F81]  }
0x2a: {  	p0 =	seq.s32 s5, $0x0;
	s5 =	sld [smem:$0x3F82]  }
0x2b: {  	s6 =	sld [smem:$0x3F83]  }
0x2c: {  	s7 =	sld [smem:$0x3F84]  }
0x2d: {  	s3 =	simm.s32 $0x108;
	s8 =	sld [smem:$0x3F85]  }
0x2e: {  	s3 =	simm.s32 @!p0 $0x1082;
	s9 =	sld [smem:$0x3F86]  }
0x2f: {  	lr =	sadd.s32 s0, s3;
	s0 =	sld [smem:$0x3F7D]  }
0x30: {  	s3 =	sld [smem:$0x3F80]  }
0x31: {  	[smem:$0x3F89] =	sst s10  }
0x32: {  	s10 =	sld [smem:$0x3F87];
	_ =	sdelay $0x3  }
0x33: {  	p0 =	seq.s32 s10, $0x1;
	s10 =	sld [smem:$0x3F89];
	_ =	sdelay $0x3  }
0x34: {  	[smem:$0x3F89] =	sst s10  }
0x35: {  	s10 =	sld [smem:$0x3F88];
	_ =	sdelay $0x3  }
0x36: {  	p1 =	seq.s32 s10, $0x1;
	s10 =	sld [smem:$0x3F89];
	_ =	sdelay $0x3  }
0x37: {  	[smem:$0x3F89] =	sst s10  }
0x38: {  	s10 =	sld [smem:$0x3F8A]  }
0x39: {  	_ = 	snop;
	(pc) =	sbr.ind lr, $3  }
0x3a: {  	_ = 	snop  }
0x3b: {  	_ = 	snop  }
0x3c: {  	p2 =	seq.s32 s10, $0x1;
	s10 =	sld [smem:$0x3F89]  }
0x3d: {  	_ =	shalt  }
0x3e: {  	_ =	shalt  }
0x3f: {  	_ =	shalt  }
0x40: {  	_ =	shalt  }
0x41: {  	_ =	shalt  }
0x42: {  	_ =	shalt  }
0x43: {  	_ =	shalt  }
0x44: {  	_ =	shalt  }
0x45: {  	_ =	shalt  }
0x46: {  	_ =	shalt  }
0x47: {  	_ =	shalt  }
0x48: {  	_ =	shalt  }
0x49: {  	_ =	shalt  }
0x4a: {  	_ =	shalt  }
0x4b: {  	_ =	shalt  }
0x4c: {  	_ =	shalt  }
0x4d: {  	_ =	shalt  }
0x4e: {  	_ =	shalt  }
0x4f: {  	_ =	shalt  }
0x50: {  	_ =	shalt  }
0x51: {  	_ =	shalt  }
0x52: {  	_ =	shalt  }
0x53: {  	_ =	shalt  }
0x54: {  	_ =	shalt  }
0x55: {  	_ =	shalt  }
0x56: {  	_ =	shalt  }
0x57: {  	_ =	shalt  }
0x58: {  	_ =	shalt  }
0x59: {  	_ =	shalt  }
0x5a: {  	_ =	shalt  }
0x5b: {  	_ =	shalt  }
0x5c: {  	_ =	shalt  }
0x5d: {  	_ =	shalt  }
0x5e: {  	_ =	shalt  }
0x5f: {  	_ =	shalt  }
0x60: {  	_ =	shalt  }
0x61: {  	_ =	shalt  }
0x62: {  	_ =	shalt  }
0x63: {  	_ =	shalt  }
0x64: {  	_ =	shalt  }
0x65: {  	_ =	shalt  }
0x66: {  	_ =	shalt  }
0x67: {  	_ =	shalt  }
0x68: {  	_ =	shalt  }
0x69: {  	_ =	shalt  }
0x6a: {  	_ =	shalt  }
0x6b: {  	_ =	shalt  }
0x6c: {  	_ =	shalt  }
0x6d: {  	_ =	shalt  }
0x6e: {  	_ =	shalt  }
0x6f: {  	_ =	shalt  }
0x70: {  	_ =	shalt  }
0x71: {  	_ =	shalt  }
0x72: {  	_ =	shalt  }
0x73: {  	_ =	shalt  }
0x74: {  	_ =	shalt  }
0x75: {  	_ =	shalt  }
0x76: {  	_ =	shalt  }
0x77: {  	_ =	shalt  }
0x78: {  	_ =	shalt  }
0x79: {  	_ =	shalt  }
0x7a: {  	_ =	shalt  }
0x7b: {  	_ =	shalt  }
0x7c: {  	_ =	shalt  }
0x7d: {  	_ =	shalt  }
0x7e: {  	_ =	shalt  }
0x7f: {  	_ =	shalt  }
0x80: {  	_ =	shalt  }
0x81: {  	_ =	shalt  }
0x82: {  	_ =	shalt  }
0x83: {  	_ =	shalt  }
0x84: {  	_ =	shalt  }
0x85: {  	_ =	shalt  }
0x86: {  	_ =	shalt  }
0x87: {  	_ =	shalt  }
.Lfunc_end0:
.L_simem_size_0:
called_computation.2_lowered:
.L_overlay_start_0:
0x88: {  	s2 =	sld [smem:$0x3FD9]  }
0x89: {  	s3 =	sld [smem:$0x3FFE];
	_ =	sdelay $0x1  }
0x8a: {  	s1 =	srdreg.scid  }
0x8b: {  	s0 =	sand.u32 $0x1, s1  }
0x8c: {  	s17 =	sshll.u32 s0, $0xA;
	s2 =	sadd.s32 s3, s2  }
0x8d: {  	s2 =	sadd.s32 s2, s17  }
0x8e: {  	[smem:$0x3F95] =	sst s2  }
0x8f: {  	_ = 	snop  }
0x90: {  	(tm) =	ssettm $0x1  }
0x91: {  	s18 =	sld [smem:$0x3FFB];
	_ =	sdelay $0x3  }
0x92: {  	_ =	strace s18  }
0x93: {  	s2 =	sld [smem:$0x3FFC];
	_ =	sdelay $0x3  }
0x94: {  	_ =	strace s2  }
0x95: {  	s2 =	sld [smem:$0x3FFD];
	_ =	sdelay $0x3  }
0x96: {  	_ =	strace s2  }
0x97: {  	_ =	strace $0x8FFFFFFF  }
0x98: {  	s19 =	sld [smem:$0x3FDB];
	_ =	sdelay $0x1  }
0x99: {  	s20 =	simm.s32 $_scs_section_size  }
0x9a: {  	s4 =	simm.s32 $_size__tile_overlayer_lowered;
	s5 =	simm.s32 $_tile_overlayer_lowered  }
0x9b: {  	s6 =	simm.s32 $0x1BFF;
	s21 =	sshll.u32 s5, $0x1;
	s3 =	sadd.s32 s20, s19  }
0x9c: {  	s22 =	simm.s32 $0x0;
	s4 =	sshll.u32 s4, $0x1;
	s5 =	sadd.s32 s21, s3  }
0x9d: {  	[timem:s22], [sflag:s6] =	dma.local [hbm:s5], s4  }
0x9e: {  	_ =	swait.ge [sflag:s6], s4  }
0x9f: {  	s4 =	ssub.s32 $0x0, s4;
	[sflag:s6] =	ssyncset.done $0x0  }
0xa0: {  	[sflag:s6] =	ssyncadd.s32 s4;
	_ =	sdelay $0x1  }
0xa1: {  	s23 =	simm.s32 $0x1B8B  }
0xa2: {  	_ =	swait.ge [sflag:s23], $0x1  }
0xa3: {  	[sflag:s23] =	ssyncset.done $0x0  }
0xa4: {  	[sflag:s23] =	ssyncadd.s32 $0xFFFFFFFF  }
0xa5: {  	s4 =	sld [smem:$0x0]  }
0xa6: {  	s5 =	sand.u32 $0xFFFFFFFE, s1  }
0xa7: {  	p0 =	sne.s32 s1, s5  }
0xa8: {  	s5 =	sshll.u32 @p0 s5, $0xE  }
0xa9: {  	s5 =	sadd.s32 @p0 $0x11B8D, s5;
	s6 =	sshll.u32 @p0 s4, $0x11  }
0xaa: {  	s5 =	sor.u32 @p0 s6, s5  }
0xab: {  	[sflag:s5] =	ssyncadd.remote.s32 @p0 $0x1;
	_ =	sdelay $0x1  }
0xac: {  	s5 =	simm.s32 @p0 $0x1B8D  }
0xad: {  	_ =	swait.eq @p0 [sflag:s5], $0x1  }
0xae: {  	[sflag:s5] =	ssyncadd.s32 @p0 $0xFFFFFFFF  }
0xaf: {  	s6 =	sshll.u32 @!p0 s1, $0xE  }
0xb0: {  	s6 =	sor.u32 @!p0 $0x4000, s6;
	s5 =	simm.s32 @!p0 $0x1B8D  }
0xb1: {  	s4 =	sshll.u32 @!p0 s4, $0x11;
	s6 =	sadd.s32 @!p0 $0x11B8D, s6;
	_ =	swait.eq @!p0 [sflag:s5], $0x1  }
0xb2: {  	s4 =	sor.u32 @!p0 s4, s6;
	[sflag:s5] =	ssyncadd.s32 @!p0 $0xFFFFFFFF  }
0xb3: {  	s25 =	simm.s32 $0x1B8E;
	s24 =	sld [smem:$0x3FFE];
	[sflag:s4] =	ssyncadd.remote.s32 @!p0 $0x1  }
0xb4: {  	s26 =	simm.s32 $execute0_lowered;
	[smem:$0x3FD2] =	sst s25  }
0xb5: {  	s5 =	sshll.u32 s26, $0x1;
	_ =	strace $0x8000004C;
	[dreg:$0x1] =	wrdreg $0xFFFFFFFF  }
0xb6: {  	s28 =	simm.s32 $_size_execute0_lowered;
	s3 =	sadd.s32 s3, s5;
	[dreg:$0x0] =	wrdreg $0x0  }
0xb7: {  	s5 =	sshll.u32 s28, $0x1;
	[dreg:$0x2] =	wrdreg s3  }
0xb8: {  	[dreg:$0x3] =	wrdreg s5  }
0xb9: {  	[dreg:$0x4] =	wrdreg $0xC0  }
0xba: {  	_ =	task [dreg:s22], $0x5FFFF  }
0xbb: {  	[dreg:$0x1] =	wrdreg $0xFFFFFFFF  }
0xbc: {  	[dreg:$0x0] =	wrdreg $0x60  }
0xbd: {  	[dreg:$0x2] =	wrdreg s24  }
0xbe: {  	[dreg:$0x3] =	wrdreg $0x70000  }
0xbf: {  	[dreg:$0x4] =	wrdreg $0xA  }
0xc0: {  	_ =	task.clear_ibuf [dreg:s22], $0x5FFFF;
	_ =	strace $0x9000004C  }
0xc1: {  	s29 =	simm.s32 $0xA;
	_ =	strace $0x8000004E  }
0xc2: {  	_ =	swait.ge [sflag:s29], $0x1  }
0xc3: {  	[sflag:s29] =	ssyncadd.s32 $0xFFFFFFFF  }
0xc4: {  	_ =	strace $0x9000004E  }
0xc5: {  	_ =	sfence  }
0xc6: {  	s30 =	sld [smem:$0x0];
	_ =	sdelay $0x2  }
0xc7: {  	s31 =	sshll.u32 s1, $0xD;
	s1 =	sshrl.u32 s1, $0x2  }
0xc8: {  	s4 =	sand.u32 $0x4000, s31;
	s1 =	sadd.s32 s1, s30  }
0xc9: {  	s0 =	sor.u32 s4, s0;
	s1 =	sshll.u32 s1, $0x11  }
0xca: {  	s0 =	sor.u32 s1, s0  }
0xcb: {  	s0 =	sadd.s32 $0x8F2B, s0  }
0xcc: {  	[sflag:s0] =	ssyncadd.remote.s32 $0x1  }
0xcd: {  	_ =	sfence.sel $0xFFFF  }
0xce: {  	[dreg:$0x0] =	wrdreg $0xFFFFFFFF;
	(pc) =	sbr.abs _section_cstart, $3  }
0xcf: {  	[dreg:$0x1] =	wrdreg $0xFFFFFFFF  }
0xd0: {  	_ =	task.clear_ibuf [dreg:s22], $0x2FFFF;
	_ =	strace $0x9FFFFFFF  }
0xd1: {  	(tm) =	ssettm $0x7FFFFFFF  }
tec
execute0_lowered:
.L_overlay_start_1:
0x0: {  	(tag) =	ssettag $0x1  }
0x1: {  	s0 =	rddreg [dreg:$0x0]  }
0x2: {  	s1 =	rddreg [dreg:$0x1]  }
0x3: {  	s2 =	srdreg.scid;
	s3 =	simm.s32 $0x0;
	s28 =	stileid.u32  }
0x4: {  	s19 =	simm.s32 $0x2800;
	s20 =	simm.s32 $0x3;
	s22 =	simm.s32 $0x40  }
0x5: {  	s23 =	simm.s32 $0x4C00;
	s24 =	simm.s32 $0x1;
	s26 =	simm.s32 $0x2  }
0x6: {  	s29 =	simm.s32 $0x2780;
	s30 =	simm.s32 $0x27C0;
	s8 =	smul.u32 $0x16800, s28  }
0x7: {  	s5 =	sand.u32 $0x1, s2;
	[smem:$0x7FF] =	sst s3;
	s10 =	smul.u32 $0x5A000, s28  }
0x8: {  	s7 =	sshll.u32 s28, $0x1;
	s4 =	sadd.s32 $0xD000, s0;
	s6 =	smul.u32 $0x168000, s5  }
0x9: {  	_ =	strace $0x8000004D;
	s7 =	sor.u32 s5, s7;
	s5 =	ssub.s32 $0x2, s5  }
0xa: {  	s7 =	smul.u32 $0x280, s7;
	s9 =	sshrl.u32 s5, $0x1;
	s10 =	sshrl.u32 s10, $0x2  }
0xb: {  	s31 =	sadd.s32 s8, s1;
	s6 =	sadd.s32 s8, s6;
	s9 =	ssub.s32 s5, s9  }
0xc: {  	s8 =	sadd.s32 s10, s1;
	s25 =	sshrl.u32 s31, $0x3;
	s6 =	sshrl.u32 s6, $0x3  }
0xd: {  	s7 =	sadd.s32 s7, s0;
	s9 =	smax.u32 s9, $0x1;
	s10 =	sadd.s32 $0x2400, s8  }
0xe: {  	s11 =	sadd.s32 $0x4800, s8;
	s12 =	sadd.s32 $0x6C00, s8;
	s13 =	sadd.s32 $0x9000, s8  }
0xf: {  	s14 =	sadd.s32 $0xB400, s8;
	s15 =	sadd.s32 $0xD800, s8;
	s16 =	sadd.s32 $0xFC00, s8  }
0x10: {  	s17 =	sadd.s32 $0x12000, s8;
	s18 =	sadd.s32 $0x14400, s8;
	s0 =	sadd.s32 s6, s0  }
0x11: {  	v0 =	vimm.f32 $0.0e+00;
	s5 =	sadd.s32 $0x3A000, s7;
	s6 =	sadd.s32 $0x3F000, s7;
	s7 =	sadd.s32 $0x44000, s0  }
.LBB2_1:
0x12: {  	s31 =	simm.s32 $0x80;
	s0 =	simm.s32 $0x440  }
.LBB2_2:
0x13: {  	p0 =	sne.s32 s0, $0x8FC0;
	[tilespmem:s31+$0x2800] =	vst v0  }
0x14: {  	[tilespmem:s31+$0x2780] =	vst v0  }
0x15: {  	[tilespmem:s31+$0x2790] =	vst v0  }
0x16: {  	[tilespmem:s31+$0x27A0] =	vst v0  }
.Ltmp0:
0x17: {  	[tilespmem:s31+$0x27B0] =	vst v0;
	(pc) =	sbr.rel @p0 .LBB2_2-.Ltmp0, $4  }
0x18: {  	[tilespmem:s31+$0x27C0] =	vst v0  }
0x19: {  	[tilespmem:s31+$0x27D0] =	vst v0  }
0x1a: {  	[tilespmem:s31+$0x27E0] =	vst v0  }
0x1b: {  	[tilespmem:s31+$0x27F0] =	vst v0;
	s31 =	sshra.s32 s0, $0x2;
	s0 =	sadd.s32 $0x240, s0  }
0x1c: {  	[tilespmem:s31+$0x2800] =	vst v0  }
0x1d: {  	[tilespmem:s31+$0x2780] =	vst v0  }
0x1e: {  	[tilespmem:s31+$0x2790] =	vst v0  }
0x1f: {  	[tilespmem:s31+$0x27A0] =	vst v0  }
0x20: {  	[tilespmem:s31+$0x27B0] =	vst v0  }
0x21: {  	[tilespmem:s31+$0x27C0] =	vst v0  }
0x22: {  	[tilespmem:s31+$0x27D0] =	vst v0  }
0x23: {  	[tilespmem:s31+$0x27E0] =	vst v0  }
0x24: {  	[tilespmem:s31+$0x27F0] =	vst v0  }
0x25: {  	[spmem:s8] =	stream.linear.scatter [tilespmem:s19], [sflag:$0x3], $0x2400, $0x38;
	[tilespmem:$0x1D800] =	vst v63  }
0x26: {  	_ =	swait.ge [sflag:s20], $0x2400  }
0x27: {  	[sflag:s20] =	ssyncset.done $0x0  }
0x28: {  	[sflag:s20] =	ssyncadd.s32 $0xFFFFDC00  }
0x29: {  	[spmem:s10] =	stream.linear.scatter [tilespmem:s19], [sflag:$0x3], $0x2400, $0x38;
	[tilespmem:$0x1D800] =	vst v63  }
0x2a: {  	_ =	swait.ge [sflag:s20], $0x2400  }
0x2b: {  	[sflag:s20] =	ssyncset.done $0x0  }
0x2c: {  	[sflag:s20] =	ssyncadd.s32 $0xFFFFDC00  }
0x2d: {  	[spmem:s11] =	stream.linear.scatter [tilespmem:s19], [sflag:$0x3], $0x2400, $0x38;
	[tilespmem:$0x1D800] =	vst v63  }
0x2e: {  	_ =	swait.ge [sflag:s20], $0x2400  }
0x2f: {  	[sflag:s20] =	ssyncset.done $0x0  }
0x30: {  	[sflag:s20] =	ssyncadd.s32 $0xFFFFDC00  }
0x31: {  	[spmem:s12] =	stream.linear.scatter [tilespmem:s19], [sflag:$0x3], $0x2400, $0x38;
	[tilespmem:$0x1D800] =	vst v63  }
0x32: {  	_ =	swait.ge [sflag:s20], $0x2400  }
0x33: {  	[sflag:s20] =	ssyncset.done $0x0  }
0x34: {  	[sflag:s20] =	ssyncadd.s32 $0xFFFFDC00  }
0x35: {  	[spmem:s13] =	stream.linear.scatter [tilespmem:s19], [sflag:$0x3], $0x2400, $0x38;
	[tilespmem:$0x1D800] =	vst v63  }
0x36: {  	_ =	swait.ge [sflag:s20], $0x2400  }
0x37: {  	[sflag:s20] =	ssyncset.done $0x0  }
0x38: {  	[sflag:s20] =	ssyncadd.s32 $0xFFFFDC00  }
0x39: {  	[spmem:s14] =	stream.linear.scatter [tilespmem:s19], [sflag:$0x3], $0x2400, $0x38;
	[tilespmem:$0x1D800] =	vst v63  }
0x3a: {  	_ =	swait.ge [sflag:s20], $0x2400  }
0x3b: {  	[sflag:s20] =	ssyncset.done $0x0  }
0x3c: {  	[sflag:s20] =	ssyncadd.s32 $0xFFFFDC00  }
0x3d: {  	[spmem:s15] =	stream.linear.scatter [tilespmem:s19], [sflag:$0x3], $0x2400, $0x38;
	[tilespmem:$0x1D800] =	vst v63  }
0x3e: {  	_ =	swait.ge [sflag:s20], $0x2400  }
0x3f: {  	[sflag:s20] =	ssyncset.done $0x0  }
0x40: {  	[sflag:s20] =	ssyncadd.s32 $0xFFFFDC00  }
0x41: {  	[spmem:s16] =	stream.linear.scatter [tilespmem:s19], [sflag:$0x3], $0x2400, $0x38;
	[tilespmem:$0x1D800] =	vst v63  }
0x42: {  	_ =	swait.ge [sflag:s20], $0x2400  }
0x43: {  	[sflag:s20] =	ssyncset.done $0x0  }
0x44: {  	[sflag:s20] =	ssyncadd.s32 $0xFFFFDC00  }
0x45: {  	[spmem:s17] =	stream.linear.scatter [tilespmem:s19], [sflag:$0x3], $0x2400, $0x38;
	[tilespmem:$0x1D800] =	vst v63  }
0x46: {  	_ =	swait.ge [sflag:s20], $0x2400  }
0x47: {  	[sflag:s20] =	ssyncset.done $0x0  }
0x48: {  	[sflag:s20] =	ssyncadd.s32 $0xFFFFDC00  }
0x49: {  	[spmem:s18] =	stream.linear.scatter [tilespmem:s19], [sflag:$0x3], $0x2400, $0x38;
	[tilespmem:$0x1D800] =	vst v63  }
0x4a: {  	_ =	swait.ge [sflag:s20], $0x2400  }
0x4b: {  	[sflag:s20] =	ssyncset.done $0x0  }
0x4c: {  	s0 =	simm.s32 $0x0;
	[sflag:s20] =	ssyncadd.s32 $0xFFFFDC00  }
0x4d: {  	[tilespmem:s0], [sflag:$0x3] =	stream.linear.gather [hbm4b:s5+s0], $0x1400, $0x38;
	[tilespmem:$0x1D800] =	vst v63  }
0x4e: {  	_ =	swait.ge [sflag:s20], $0x1400  }
0x4f: {  	[sflag:s20] =	ssyncset.done $0x0  }
0x50: {  	s2 =	simm.s32 $0x1400;
	[sflag:s20] =	ssyncadd.s32 $0xFFFFEC00  }
0x51: {  	[tilespmem:s2], [sflag:$0x3] =	stream.linear.gather [hbm4b:s6+s0], $0x1400, $0x38;
	[tilespmem:$0x1D800] =	vst v63  }
0x52: {  	_ =	swait.ge [sflag:s20], $0x1400  }
0x53: {  	[sflag:s20] =	ssyncset.done $0x0  }
0x54: {  	[sflag:s20] =	ssyncadd.s32 $0xFFFFEC00  }
0x55: {  	[bflag:$0x0] =	sbarrier.arrive $0xFFFF  }
0x56: {  	[tilespmem:s19], [sflag:$0x1] =	stream.indirect.gather [hbm4b:s4+s22], $0x90, s0, s22, $0xb8;
	[tilespmem:$0x1D800] =	vst v63  }
0x57: {  	s28 =	simm.s32 $0x40  }
0x58: {  	[tilespmem:s23], [sflag:$0x2] =	stream.indirect.gather [hbm4b:s4+s22], $0x90, s28, s22, $0xb8;
	[tilespmem:$0x1D800] =	vst v63  }
0x59: {  	_ =	swait.ge [sflag:s24], $0x2400  }
0x5a: {  	[sflag:s24] =	ssyncset.done $0x0  }
0x5b: {  	s2 =	simm.s32 $0x1400;
	[sflag:s24] =	ssyncadd.s32 $0xFFFFDC00  }
0x5c: {  	[spmem:s1] =	stream.indirect.scatter.add.f32 [tilespmem:s19], [sflag:$0x3], $0x90, s2, s22, $0xb8;
	[tilespmem:$0x1D800] =	vst v63  }
0x5d: {  	_ =	swait.ge [sflag:s20], $0x2400  }
0x5e: {  	[sflag:s20] =	ssyncset.done $0x0  }
0x5f: {  	s21 =	simm.s32 $0x80;
	[sflag:s20] =	ssyncadd.s32 $0xFFFFDC00  }
0x60: {  	[tilespmem:s19], [sflag:$0x1] =	stream.indirect.gather [hbm4b:s4+s22], $0x90, s21, s22, $0xb8;
	[tilespmem:$0x1D800] =	vst v63  }
0x61: {  	_ =	swait.ge [sflag:s26], $0x2400  }
0x62: {  	[sflag:s26] =	ssyncset.done $0x0  }
0x63: {  	s28 =	simm.s32 $0x1440;
	[sflag:s26] =	ssyncadd.s32 $0xFFFFDC00  }
0x64: {  	[spmem:s1] =	stream.indirect.scatter.add.f32 [tilespmem:s23], [sflag:$0x3], $0x90, s28, s22, $0xb8;
	[tilespmem:$0x1D800] =	vst v63  }
0x65: {  	_ =	swait.ge [sflag:s20], $0x2400  }
0x66: {  	s31 =	simm.s32 $0x80;
	s0 =	simm.s32 $0x400;
	[sflag:s20] =	ssyncset.done $0x0  }
.LBB2_4:
0x67: {  	s2 =	sadd.s32 $0x40, s31  }
0x68: {  	[sflag:s20] =	ssyncadd.s32 $0xFFFFDC00;
	s21 =	smov.u32 s0;
	s28 =	sadd.s32 $0x200, s0  }
0x69: {  	[tilespmem:s23], [sflag:$0x2] =	stream.indirect.gather [hbm4b:s4+s22], $0x90, s2, s22, $0xb8;
	[tilespmem:$0x1D800] =	vst v63  }
0x6a: {  	p0 =	sne.s32 s0, $0x4C00;
	_ =	swait.ge [sflag:s24], $0x2400  }
0x6b: {  	[sflag:s24] =	ssyncset.done $0x0  }
0x6c: {  	s0 =	sadd.s32 $0x1400, s31;
	[sflag:s24] =	ssyncadd.s32 $0xFFFFDC00  }
0x6d: {  	[spmem:s1] =	stream.indirect.scatter.add.f32 [tilespmem:s19], [sflag:$0x3], $0x90, s0, s22, $0xb8;
	[tilespmem:$0x1D800] =	vst v63  }
0x6e: {  	_ =	swait.ge [sflag:s20], $0x2400  }
0x6f: {  	[sflag:s20] =	ssyncset.done $0x0  }
0x70: {  	s0 =	sadd.s32 $0x80, s31;
	[sflag:s20] =	ssyncadd.s32 $0xFFFFDC00  }
0x71: {  	[tilespmem:s19], [sflag:$0x1] =	stream.indirect.gather [hbm4b:s4+s22], $0x90, s0, s22, $0xb8;
	[tilespmem:$0x1D800] =	vst v63  }
0x72: {  	_ =	swait.ge [sflag:s26], $0x2400  }
.Ltmp1:
0x73: {  	[sflag:s26] =	ssyncset.done $0x0;
	(pc) =	sbr.rel @p0 .LBB2_4-.Ltmp1, $4  }
0x74: {  	s0 =	sadd.s32 $0x1440, s31;
	[sflag:s26] =	ssyncadd.s32 $0xFFFFDC00  }
0x75: {  	[spmem:s1] =	stream.indirect.scatter.add.f32 [tilespmem:s23], [sflag:$0x3], $0x90, s0, s22, $0xb8;
	[tilespmem:$0x1D800] =	vst v63  }
0x76: {  	_ =	swait.ge [sflag:s20], $0x2400  }
0x77: {  	s31 =	sshra.s32 s21, $0x2;
	s0 =	smov.u32 s28;
	[sflag:s20] =	ssyncset.done $0x0  }
0x78: {  	s0 =	sadd.s32 $0x40, s31;
	[sflag:s20] =	ssyncadd.s32 $0xFFFFDC00  }
0x79: {  	[tilespmem:s23], [sflag:$0x2] =	stream.indirect.gather [hbm4b:s4+s22], $0x90, s0, s22, $0xb8;
	[tilespmem:$0x1D800] =	vst v63  }
0x7a: {  	_ =	swait.ge [sflag:s24], $0x2400  }
0x7b: {  	[sflag:s24] =	ssyncset.done $0x0  }
0x7c: {  	s28 =	sadd.s32 $0x1400, s31;
	[sflag:s24] =	ssyncadd.s32 $0xFFFFDC00  }
0x7d: {  	[spmem:s1] =	stream.indirect.scatter.add.f32 [tilespmem:s19], [sflag:$0x3], $0x90, s28, s22, $0xb8;
	[tilespmem:$0x1D800] =	vst v63  }
0x7e: {  	_ =	swait.ge [sflag:s20], $0x2400  }
0x7f: {  	[sflag:s20] =	ssyncset.done $0x0  }
0x80: {  	s2 =	sadd.s32 $0x80, s31;
	[sflag:s20] =	ssyncadd.s32 $0xFFFFDC00  }
0x81: {  	[tilespmem:s19], [sflag:$0x1] =	stream.indirect.gather [hbm4b:s4+s22], $0x90, s2, s22, $0xb8;
	[tilespmem:$0x1D800] =	vst v63  }
0x82: {  	_ =	swait.ge [sflag:s26], $0x2400  }
0x83: {  	[sflag:s26] =	ssyncset.done $0x0  }
0x84: {  	s21 =	sadd.s32 $0x1440, s31;
	[sflag:s26] =	ssyncadd.s32 $0xFFFFDC00  }
0x85: {  	[spmem:s1] =	stream.indirect.scatter.add.f32 [tilespmem:s23], [sflag:$0x3], $0x90, s21, s22, $0xb8;
	[tilespmem:$0x1D800] =	vst v63  }
0x86: {  	_ =	swait.ge [sflag:s20], $0x2400  }
0x87: {  	[sflag:s20] =	ssyncset.done $0x0  }
0x88: {  	s28 =	simm.s32 $0x13C0;
	[sflag:s20] =	ssyncadd.s32 $0xFFFFDC00  }
0x89: {  	[tilespmem:s23], [sflag:$0x2] =	stream.indirect.gather [hbm4b:s4+s22], $0x90, s28, s22, $0xb8;
	[tilespmem:$0x1D800] =	vst v63  }
0x8a: {  	_ =	swait.ge [sflag:s24], $0x2400  }
0x8b: {  	[sflag:s24] =	ssyncset.done $0x0  }
0x8c: {  	[sflag:s24] =	ssyncadd.s32 $0xFFFFDC00  }
0x8d: {  	[spmem:s1] =	stream.indirect.scatter.add.f32 [tilespmem:s19], [sflag:$0x3], $0x90, s29, s22, $0xb8;
	[tilespmem:$0x1D800] =	vst v63  }
0x8e: {  	_ =	swait.ge [sflag:s20], $0x2400  }
0x8f: {  	[sflag:s20] =	ssyncset.done $0x0  }
0x90: {  	[sflag:s20] =	ssyncadd.s32 $0xFFFFDC00  }
0x91: {  	_ =	swait.ge [sflag:s26], $0x2400  }
0x92: {  	[sflag:s26] =	ssyncset.done $0x0  }
0x93: {  	[sflag:s26] =	ssyncadd.s32 $0xFFFFDC00  }
0x94: {  	[spmem:s1] =	stream.indirect.scatter.add.f32 [tilespmem:s23], [sflag:$0x3], $0x90, s30, s22, $0xb8;
	[tilespmem:$0x1D800] =	vst v63  }
0x95: {  	_ =	swait.ge [sflag:s20], $0x2400  }
0x96: {  	s31 =	stileid.u32;
	s3 =	sadd.s32 $0x1, s3;
	[sflag:s20] =	ssyncset.done $0x0  }
0x97: {  	s0 =	sshll.u32 s31, $0x6;
	p0 =	sne.s32 s3, s9;
	[sflag:s20] =	ssyncadd.s32 $0xFFFFDC00  }
.Ltmp2:
0x98: {  	s0 =	sor.u32 $0x1C03, s0;
	[bflag:$0x0] =	sbarrier.arrive $0xFFFF;
	(pc) =	sbr.rel @p0 .LBB2_1-.Ltmp2, $4  }
0x99: {  	[hbm:s7], [sflag:s0] =	dma.local [spmem:s25], $0x2D00  }
0x9a: {  	_ =	swait.ge [sflag:s20], $0x2D00  }
0x9b: {  	[sflag:s20] =	ssyncset.done $0x0  }
0x9c: {  	[sflag:s20] =	ssyncadd.s32 $0xFFFFD300  }
0x9d: {  	_ =	sfence.sel $0x180000  }
0x9e: {  	[bflag:$0x0] =	sbarrier.arrive $0xFFFF  }
0x9f: {  	_ =	strace $0x9000004D  }
0xa0: {  	s0 =	stileid.u32;
	[bflag:$0x2] =	sbarrier.arrive $0xFFFF  }
0xa1: {  	p0 =	sne.s32 s0, $0x0;
	s0 =	rddreg [dreg:$0x2]  }
0xa2: {  	s0 =	sadd.s32 @!p0 $0x100000, s0  }
0xa3: {  	[sflag:s0] =	ssyncadd.tile.s32 @!p0 $0x1;
	_ =	shalt  }
.Lfunc_end2:
_tile_overlayer_lowered:
.L_overlay_start_2:
0xa4: {  	(tag) =	ssettag $0x2  }
0xa5: {  	s0 =	rddreg [dreg:$0x0];
	s2 =	stileid.u32  }
0xa6: {  	s1 =	rddreg [dreg:$0x1];
	p0 =	sne.s32 s2, $0x0  }
0xa7: {  	s3 =	rddreg [dreg:$0x2];
	[bflag:$0x3] =	sbarrier.arrive $0xFFFF;
	s2 =	simm.s32 @!p0 $0x1C03  }
0xa8: {  	[timem:s3], [sflag:s2] =	dma.local @!p0 [hbm:s0], s1  }
0xa9: {  	s0 =	simm.s32 @!p0 $0x3  }
0xaa: {  	_ =	swait.ge @!p0 [sflag:s0], s1  }
0xab: {  	s1 =	ssub.s32 @!p0 $0x0, s1;
	[sflag:s0] =	ssyncset.done @!p0 $0x0  }
0xac: {  	[sflag:s0] =	ssyncadd.s32 @!p0 s1  }
0xad: {  	[bflag:$0x3] =	sbarrier.arrive $0xFFFF  }
0xae: {  	_ =	shalt  }

// kernel: kernel.36.cloned.1.call-start
scs
__scs_entry_jumppad:
0x0: {  	(pc) =	sbr.rel $0x88, $3  }
0x1: {  	(tag) =	ssettag $0x0;
	lr =	simm.s32 $0x1  }
0x2: {  	[smem:$0x3F6E] =	sst lr;
	_ =	strace $0xD0000000  }
0x3: {  	_ = 	snop  }
0x4: {  	_ = 	snop  }
0x5: {  	_ = 	snop  }
0x6: {  	_ = 	snop  }
0x7: {  	_ = 	snop  }
__scs_overlays_trampoline_lowered:
0x8: {  	[smem:$0x3F7D] =	sst s0  }
0x9: {  	[smem:$0x3F7E] =	sst s1  }
0xa: {  	[smem:$0x3F7F] =	sst s2  }
0xb: {  	[smem:$0x3F80] =	sst s3  }
0xc: {  	[smem:$0x3F81] =	sst s4  }
0xd: {  	[smem:$0x3F82] =	sst s5  }
0xe: {  	[smem:$0x3F83] =	sst s6  }
0xf: {  	[smem:$0x3F84] =	sst s7  }
0x10: {  	[smem:$0x3F85] =	sst s8  }
0x11: {  	[smem:$0x3F86] =	sst s9;
	s0 =	simm.s32 @!p0 $0x0  }
0x12: {  	s1 =	sld [smem:$0x3F6C];
	s0 =	simm.s32 @p0 $0x1  }
0x13: {  	[smem:$0x3F87] =	sst s0;
	s0 =	simm.s32 @!p1 $0x0  }
0x14: {  	s2 =	sld [smem:$0x3F6B];
	s0 =	simm.s32 @p1 $0x1  }
0x15: {  	[smem:$0x3F88] =	sst s0;
	s0 =	simm.s32 @!p2 $0x0  }
0x16: {  	s3 =	sld [smem:$0x3FDB];
	s0 =	simm.s32 @p2 $0x1  }
0x17: {  	s4 =	simm.s32 $0x1BF5;
	[smem:$0x3F8A] =	sst s0  }
0x18: {  	s0 =	sld [smem:$0x3F6D];
	_ =	swait.ge [sflag:s4], $0x0  }
0x19: {  	s7 =	sld [smem:$0x3F6E]  }
0x1a: {  	s8 =	sadd.s32 $0xFFFFE003, lr  }
0x1b: {  	s9 =	sadd.s32 $0xFFFFFEF7, lr;
	s5 =	simm.s32 $0xFFFFFFFF;
	p2 =	slt.u32 s8, $0xFFFFF086  }
0x1c: {  	p1 =	slt.u32 s9, $0xF7A;
	s5 =	simm.s32 @!p2 $0x0  }
0x1d: {  	s5 =	simm.s32 @p1 $0x1;
	p0 =	seq.s32 s7, s2  }
0x1e: {  	s7 =	smul.u32 @!p0 $0xF7A, s2;
	p2 =	seq.s32 @!p0 s5, $0x0  }
0x1f: {  	s9 =	smul.u32 $0xF7A, s1;
	s8 =	simm.s32 @!p0 $0x1BF5;
	p2 =	por !p2, p0  }
0x20: {  	[sflag:s8] =	ssyncset.s32 @!p0 $0xFFFFF086;
	s6 =	sadd.s32 @!p0 s3, s7;
	s7 =	simm.s32 @!p0 $0x108  }
0x21: {  	s3 =	sadd.s32 s3, s9;
	s6 =	sadd.s32 @!p0 $0x88, s6;
	s7 =	simm.s32 @p2 $0x1082  }
0x22: {  	[simem:s7], [sflag:s8] =	dma.local @!p0 [hbm:s6], $0xF7A  }
0x23: {  	s9 =	sor.u32 $0xD0000000, s2;
	s6 =	simm.s32 $0x108;
	_ =	swait.ge @!p0 [sflag:s8], $0x0  }
0x24: {  	s3 =	sadd.s32 $0x88, s3;
	s6 =	simm.s32 @!p1 $0x1082;
	[sflag:s4] =	ssyncset.s32 $0xFFFFF086  }
0x25: {  	[simem:s6], [sflag:s4] =	dma.local [hbm:s3], $0xF7A  }
0x26: {  	[smem:$0x3F6E] =	sst s1;
	(tag) =	ssettag s2;
	_ =	strace s9  }
0x27: {  	s1 =	sld [smem:$0x3F7E]  }
0x28: {  	s2 =	sld [smem:$0x3F7F]  }
0x29: {  	s4 =	sld [smem:$0x3F81]  }
0x2a: {  	p0 =	seq.s32 s5, $0x0;
	s5 =	sld [smem:$0x3F82]  }
0x2b: {  	s6 =	sld [smem:$0x3F83]  }
0x2c: {  	s7 =	sld [smem:$0x3F84]  }
0x2d: {  	s3 =	simm.s32 $0x108;
	s8 =	sld [smem:$0x3F85]  }
0x2e: {  	s3 =	simm.s32 @!p0 $0x1082;
	s9 =	sld [smem:$0x3F86]  }
0x2f: {  	lr =	sadd.s32 s0, s3;
	s0 =	sld [smem:$0x3F7D]  }
0x30: {  	s3 =	sld [smem:$0x3F80]  }
0x31: {  	[smem:$0x3F89] =	sst s10  }
0x32: {  	s10 =	sld [smem:$0x3F87];
	_ =	sdelay $0x3  }
0x33: {  	p0 =	seq.s32 s10, $0x1;
	s10 =	sld [smem:$0x3F89];
	_ =	sdelay $0x3  }
0x34: {  	[smem:$0x3F89] =	sst s10  }
0x35: {  	s10 =	sld [smem:$0x3F88];
	_ =	sdelay $0x3  }
0x36: {  	p1 =	seq.s32 s10, $0x1;
	s10 =	sld [smem:$0x3F89];
	_ =	sdelay $0x3  }
0x37: {  	[smem:$0x3F89] =	sst s10  }
0x38: {  	s10 =	sld [smem:$0x3F8A]  }
0x39: {  	_ = 	snop;
	(pc) =	sbr.ind lr, $3  }
0x3a: {  	_ = 	snop  }
0x3b: {  	_ = 	snop  }
0x3c: {  	p2 =	seq.s32 s10, $0x1;
	s10 =	sld [smem:$0x3F89]  }
0x3d: {  	_ =	shalt  }
0x3e: {  	_ =	shalt  }
0x3f: {  	_ =	shalt  }
0x40: {  	_ =	shalt  }
0x41: {  	_ =	shalt  }
0x42: {  	_ =	shalt  }
0x43: {  	_ =	shalt  }
0x44: {  	_ =	shalt  }
0x45: {  	_ =	shalt  }
0x46: {  	_ =	shalt  }
0x47: {  	_ =	shalt  }
0x48: {  	_ =	shalt  }
0x49: {  	_ =	shalt  }
0x4a: {  	_ =	shalt  }
0x4b: {  	_ =	shalt  }
0x4c: {  	_ =	shalt  }
0x4d: {  	_ =	shalt  }
0x4e: {  	_ =	shalt  }
0x4f: {  	_ =	shalt  }
0x50: {  	_ =	shalt  }
0x51: {  	_ =	shalt  }
0x52: {  	_ =	shalt  }
0x53: {  	_ =	shalt  }
0x54: {  	_ =	shalt  }
0x55: {  	_ =	shalt  }
0x56: {  	_ =	shalt  }
0x57: {  	_ =	shalt  }
0x58: {  	_ =	shalt  }
0x59: {  	_ =	shalt  }
0x5a: {  	_ =	shalt  }
0x5b: {  	_ =	shalt  }
0x5c: {  	_ =	shalt  }
0x5d: {  	_ =	shalt  }
0x5e: {  	_ =	shalt  }
0x5f: {  	_ =	shalt  }
0x60: {  	_ =	shalt  }
0x61: {  	_ =	shalt  }
0x62: {  	_ =	shalt  }
0x63: {  	_ =	shalt  }
0x64: {  	_ =	shalt  }
0x65: {  	_ =	shalt  }
0x66: {  	_ =	shalt  }
0x67: {  	_ =	shalt  }
0x68: {  	_ =	shalt  }
0x69: {  	_ =	shalt  }
0x6a: {  	_ =	shalt  }
0x6b: {  	_ =	shalt  }
0x6c: {  	_ =	shalt  }
0x6d: {  	_ =	shalt  }
0x6e: {  	_ =	shalt  }
0x6f: {  	_ =	shalt  }
0x70: {  	_ =	shalt  }
0x71: {  	_ =	shalt  }
0x72: {  	_ =	shalt  }
0x73: {  	_ =	shalt  }
0x74: {  	_ =	shalt  }
0x75: {  	_ =	shalt  }
0x76: {  	_ =	shalt  }
0x77: {  	_ =	shalt  }
0x78: {  	_ =	shalt  }
0x79: {  	_ =	shalt  }
0x7a: {  	_ =	shalt  }
0x7b: {  	_ =	shalt  }
0x7c: {  	_ =	shalt  }
0x7d: {  	_ =	shalt  }
0x7e: {  	_ =	shalt  }
0x7f: {  	_ =	shalt  }
0x80: {  	_ =	shalt  }
0x81: {  	_ =	shalt  }
0x82: {  	_ =	shalt  }
0x83: {  	_ =	shalt  }
0x84: {  	_ =	shalt  }
0x85: {  	_ =	shalt  }
0x86: {  	_ =	shalt  }
0x87: {  	_ =	shalt  }
.Lfunc_end0:
.L_simem_size_0:
called_computation.3_lowered:
.L_overlay_start_0:
0x88: {  	s2 =	sld [smem:$0x3FD9]  }
0x89: {  	s3 =	sld [smem:$0x3FFE];
	_ =	sdelay $0x1  }
0x8a: {  	s1 =	srdreg.scid  }
0x8b: {  	s0 =	sand.u32 $0x1, s1  }
0x8c: {  	s17 =	sshll.u32 s0, $0xA;
	s2 =	sadd.s32 s3, s2  }
0x8d: {  	s2 =	sadd.s32 s2, s17  }
0x8e: {  	[smem:$0x3F95] =	sst s2  }
0x8f: {  	_ = 	snop  }
0x90: {  	(tm) =	ssettm $0x1  }
0x91: {  	s18 =	sld [smem:$0x3FFB];
	_ =	sdelay $0x3  }
0x92: {  	_ =	strace s18  }
0x93: {  	s2 =	sld [smem:$0x3FFC];
	_ =	sdelay $0x3  }
0x94: {  	_ =	strace s2  }
0x95: {  	s2 =	sld [smem:$0x3FFD];
	_ =	sdelay $0x3  }
0x96: {  	_ =	strace s2  }
0x97: {  	_ =	strace $0x8FFFFFFF  }
0x98: {  	s19 =	sld [smem:$0x3FDB];
	_ =	sdelay $0x1  }
0x99: {  	s20 =	simm.s32 $_scs_section_size  }
0x9a: {  	s4 =	simm.s32 $_size__tile_overlayer_lowered;
	s5 =	simm.s32 $_tile_overlayer_lowered  }
0x9b: {  	s6 =	simm.s32 $0x1BFF;
	s21 =	sshll.u32 s5, $0x1;
	s3 =	sadd.s32 s20, s19  }
0x9c: {  	s22 =	simm.s32 $0x0;
	s4 =	sshll.u32 s4, $0x1;
	s5 =	sadd.s32 s21, s3  }
0x9d: {  	[timem:s22], [sflag:s6] =	dma.local [hbm:s5], s4  }
0x9e: {  	_ =	swait.ge [sflag:s6], s4  }
0x9f: {  	s4 =	ssub.s32 $0x0, s4;
	[sflag:s6] =	ssyncset.done $0x0  }
0xa0: {  	[sflag:s6] =	ssyncadd.s32 s4;
	_ =	sdelay $0x1  }
0xa1: {  	s23 =	simm.s32 $0x1B8B  }
0xa2: {  	_ =	swait.ge [sflag:s23], $0x1  }
0xa3: {  	[sflag:s23] =	ssyncset.done $0x0  }
0xa4: {  	[sflag:s23] =	ssyncadd.s32 $0xFFFFFFFF  }
0xa5: {  	s4 =	sld [smem:$0x0]  }
0xa6: {  	s5 =	sand.u32 $0xFFFFFFFE, s1  }
0xa7: {  	p0 =	sne.s32 s1, s5  }
0xa8: {  	s5 =	sshll.u32 @p0 s5, $0xE  }
0xa9: {  	s5 =	sadd.s32 @p0 $0x11B8D, s5;
	s6 =	sshll.u32 @p0 s4, $0x11  }
0xaa: {  	s5 =	sor.u32 @p0 s6, s5  }
0xab: {  	[sflag:s5] =	ssyncadd.remote.s32 @p0 $0x1;
	_ =	sdelay $0x1  }
0xac: {  	s5 =	simm.s32 @p0 $0x1B8D  }
0xad: {  	_ =	swait.eq @p0 [sflag:s5], $0x1  }
0xae: {  	[sflag:s5] =	ssyncadd.s32 @p0 $0xFFFFFFFF  }
0xaf: {  	s6 =	sshll.u32 @!p0 s1, $0xE  }
0xb0: {  	s6 =	sor.u32 @!p0 $0x4000, s6;
	s5 =	simm.s32 @!p0 $0x1B8D  }
0xb1: {  	s4 =	sshll.u32 @!p0 s4, $0x11;
	s6 =	sadd.s32 @!p0 $0x11B8D, s6;
	_ =	swait.eq @!p0 [sflag:s5], $0x1  }
0xb2: {  	s4 =	sor.u32 @!p0 s4, s6;
	[sflag:s5] =	ssyncadd.s32 @!p0 $0xFFFFFFFF  }
0xb3: {  	s25 =	simm.s32 $0x1B8E;
	s24 =	sld [smem:$0x3FFE];
	[sflag:s4] =	ssyncadd.remote.s32 @!p0 $0x1  }
0xb4: {  	s26 =	simm.s32 $execute0_lowered;
	[smem:$0x3FD2] =	sst s25  }
0xb5: {  	s5 =	sshll.u32 s26, $0x1;
	_ =	strace $0x8000004F;
	[dreg:$0x1] =	wrdreg $0xFFFFFFFF  }
0xb6: {  	s28 =	simm.s32 $_size_execute0_lowered;
	s3 =	sadd.s32 s3, s5;
	[dreg:$0x0] =	wrdreg $0x0  }
0xb7: {  	s5 =	sshll.u32 s28, $0x1;
	[dreg:$0x2] =	wrdreg s3  }
0xb8: {  	[dreg:$0x3] =	wrdreg s5  }
0xb9: {  	[dreg:$0x4] =	wrdreg $0xC0  }
0xba: {  	_ =	task [dreg:s22], $0x5FFFF  }
0xbb: {  	[dreg:$0x1] =	wrdreg $0xFFFFFFFF  }
0xbc: {  	[dreg:$0x0] =	wrdreg $0x60  }
0xbd: {  	[dreg:$0x2] =	wrdreg s24  }
0xbe: {  	[dreg:$0x3] =	wrdreg $0x70000  }
0xbf: {  	[dreg:$0x4] =	wrdreg $0x9  }
0xc0: {  	_ =	task.clear_ibuf [dreg:s22], $0x5FFFF;
	_ =	strace $0x9000004F  }
0xc1: {  	s29 =	simm.s32 $0x9;
	_ =	strace $0x80000051  }
0xc2: {  	_ =	swait.ge [sflag:s29], $0x1  }
0xc3: {  	[sflag:s29] =	ssyncadd.s32 $0xFFFFFFFF  }
0xc4: {  	_ =	strace $0x90000051  }
0xc5: {  	_ =	sfence  }
0xc6: {  	s30 =	sld [smem:$0x0];
	_ =	sdelay $0x2  }
0xc7: {  	s31 =	sshll.u32 s1, $0xD;
	s1 =	sshrl.u32 s1, $0x2  }
0xc8: {  	s4 =	sand.u32 $0x4000, s31;
	s1 =	sadd.s32 s1, s30  }
0xc9: {  	s0 =	sor.u32 s4, s0;
	s1 =	sshll.u32 s1, $0x11  }
0xca: {  	s0 =	sor.u32 s1, s0  }
0xcb: {  	s0 =	sadd.s32 $0x8F2B, s0  }
0xcc: {  	[sflag:s0] =	ssyncadd.remote.s32 $0x1  }
0xcd: {  	_ =	sfence.sel $0xFFFF  }
0xce: {  	[dreg:$0x0] =	wrdreg $0xFFFFFFFF;
	(pc) =	sbr.abs _section_cstart, $3  }
0xcf: {  	[dreg:$0x1] =	wrdreg $0xFFFFFFFF  }
0xd0: {  	_ =	task.clear_ibuf [dreg:s22], $0x2FFFF;
	_ =	strace $0x9FFFFFFF  }
0xd1: {  	(tm) =	ssettm $0x7FFFFFFF  }
tec
execute0_lowered:
.L_overlay_start_1:
0x0: {  	(tag) =	ssettag $0x1  }
0x1: {  	s0 =	rddreg [dreg:$0x0]  }
0x2: {  	s1 =	rddreg [dreg:$0x1]  }
0x3: {  	s2 =	srdreg.scid;
	s3 =	simm.s32 $0x0;
	s28 =	stileid.u32  }
0x4: {  	s19 =	simm.s32 $0x2800;
	s20 =	simm.s32 $0x3;
	s22 =	simm.s32 $0x40  }
0x5: {  	s23 =	simm.s32 $0x4C00;
	s24 =	simm.s32 $0x1;
	s26 =	simm.s32 $0x2  }
0x6: {  	s29 =	simm.s32 $0x2780;
	s30 =	simm.s32 $0x27C0;
	s8 =	smul.u32 $0x16800, s28  }
0x7: {  	s5 =	sand.u32 $0x1, s2;
	[smem:$0x7FF] =	sst s3;
	s10 =	smul.u32 $0x5A000, s28  }
0x8: {  	s7 =	sshll.u32 s28, $0x1;
	s4 =	sadd.s32 $0x115E00, s0;
	s6 =	smul.u32 $0x168000, s5  }
0x9: {  	_ =	strace $0x80000050;
	s7 =	sor.u32 s5, s7;
	s5 =	ssub.s32 $0x2, s5  }
0xa: {  	s7 =	smul.u32 $0x280, s7;
	s9 =	sshrl.u32 s5, $0x1;
	s10 =	sshrl.u32 s10, $0x2  }
0xb: {  	s31 =	sadd.s32 s8, s1;
	s6 =	sadd.s32 s8, s6;
	s9 =	ssub.s32 s5, s9  }
0xc: {  	s8 =	sadd.s32 s10, s1;
	s25 =	sshrl.u32 s31, $0x3;
	s6 =	sshrl.u32 s6, $0x3  }
0xd: {  	s7 =	sadd.s32 s7, s0;
	s9 =	smax.u32 s9, $0x1;
	s10 =	sadd.s32 $0x2400, s8  }
0xe: {  	s11 =	sadd.s32 $0x4800, s8;
	s12 =	sadd.s32 $0x6C00, s8;
	s13 =	sadd.s32 $0x9000, s8  }
0xf: {  	s14 =	sadd.s32 $0xB400, s8;
	s15 =	sadd.s32 $0xD800, s8;
	s16 =	sadd.s32 $0xFC00, s8  }
0x10: {  	s17 =	sadd.s32 $0x12000, s8;
	s18 =	sadd.s32 $0x14400, s8;
	s0 =	sadd.s32 s6, s0  }
0x11: {  	v0 =	vimm.f32 $0.0e+00;
	s5 =	sadd.s32 $0x3A000, s7;
	s6 =	sadd.s32 $0x3F000, s7;
	s7 =	sadd.s32 $0x142E00, s0  }
.LBB2_1:
0x12: {  	s31 =	simm.s32 $0x80;
	s0 =	simm.s32 $0x440  }
.LBB2_2:
0x13: {  	p0 =	sne.s32 s0, $0x8FC0;
	[tilespmem:s31+$0x2800] =	vst v0  }
0x14: {  	[tilespmem:s31+$0x2780] =	vst v0  }
0x15: {  	[tilespmem:s31+$0x2790] =	vst v0  }
0x16: {  	[tilespmem:s31+$0x27A0] =	vst v0  }
.Ltmp0:
0x17: {  	[tilespmem:s31+$0x27B0] =	vst v0;
	(pc) =	sbr.rel @p0 .LBB2_2-.Ltmp0, $4  }
0x18: {  	[tilespmem:s31+$0x27C0] =	vst v0  }
0x19: {  	[tilespmem:s31+$0x27D0] =	vst v0  }
0x1a: {  	[tilespmem:s31+$0x27E0] =	vst v0  }
0x1b: {  	[tilespmem:s31+$0x27F0] =	vst v0;
	s31 =	sshra.s32 s0, $0x2;
	s0 =	sadd.s32 $0x240, s0  }
0x1c: {  	[tilespmem:s31+$0x2800] =	vst v0  }
0x1d: {  	[tilespmem:s31+$0x2780] =	vst v0  }
0x1e: {  	[tilespmem:s31+$0x2790] =	vst v0  }
0x1f: {  	[tilespmem:s31+$0x27A0] =	vst v0  }
0x20: {  	[tilespmem:s31+$0x27B0] =	vst v0  }
0x21: {  	[tilespmem:s31+$0x27C0] =	vst v0  }
0x22: {  	[tilespmem:s31+$0x27D0] =	vst v0  }
0x23: {  	[tilespmem:s31+$0x27E0] =	vst v0  }
0x24: {  	[tilespmem:s31+$0x27F0] =	vst v0  }
0x25: {  	[spmem:s8] =	stream.linear.scatter [tilespmem:s19], [sflag:$0x3], $0x2400, $0x38;
	[tilespmem:$0x1D800] =	vst v63  }
0x26: {  	_ =	swait.ge [sflag:s20], $0x2400  }
0x27: {  	[sflag:s20] =	ssyncset.done $0x0  }
0x28: {  	[sflag:s20] =	ssyncadd.s32 $0xFFFFDC00  }
0x29: {  	[spmem:s10] =	stream.linear.scatter [tilespmem:s19], [sflag:$0x3], $0x2400, $0x38;
	[tilespmem:$0x1D800] =	vst v63  }
0x2a: {  	_ =	swait.ge [sflag:s20], $0x2400  }
0x2b: {  	[sflag:s20] =	ssyncset.done $0x0  }
0x2c: {  	[sflag:s20] =	ssyncadd.s32 $0xFFFFDC00  }
0x2d: {  	[spmem:s11] =	stream.linear.scatter [tilespmem:s19], [sflag:$0x3], $0x2400, $0x38;
	[tilespmem:$0x1D800] =	vst v63  }
0x2e: {  	_ =	swait.ge [sflag:s20], $0x2400  }
0x2f: {  	[sflag:s20] =	ssyncset.done $0x0  }
0x30: {  	[sflag:s20] =	ssyncadd.s32 $0xFFFFDC00  }
0x31: {  	[spmem:s12] =	stream.linear.scatter [tilespmem:s19], [sflag:$0x3], $0x2400, $0x38;
	[tilespmem:$0x1D800] =	vst v63  }
0x32: {  	_ =	swait.ge [sflag:s20], $0x2400  }
0x33: {  	[sflag:s20] =	ssyncset.done $0x0  }
0x34: {  	[sflag:s20] =	ssyncadd.s32 $0xFFFFDC00  }
0x35: {  	[spmem:s13] =	stream.linear.scatter [tilespmem:s19], [sflag:$0x3], $0x2400, $0x38;
	[tilespmem:$0x1D800] =	vst v63  }
0x36: {  	_ =	swait.ge [sflag:s20], $0x2400  }
0x37: {  	[sflag:s20] =	ssyncset.done $0x0  }
0x38: {  	[sflag:s20] =	ssyncadd.s32 $0xFFFFDC00  }
0x39: {  	[spmem:s14] =	stream.linear.scatter [tilespmem:s19], [sflag:$0x3], $0x2400, $0x38;
	[tilespmem:$0x1D800] =	vst v63  }
0x3a: {  	_ =	swait.ge [sflag:s20], $0x2400  }
0x3b: {  	[sflag:s20] =	ssyncset.done $0x0  }
0x3c: {  	[sflag:s20] =	ssyncadd.s32 $0xFFFFDC00  }
0x3d: {  	[spmem:s15] =	stream.linear.scatter [tilespmem:s19], [sflag:$0x3], $0x2400, $0x38;
	[tilespmem:$0x1D800] =	vst v63  }
0x3e: {  	_ =	swait.ge [sflag:s20], $0x2400  }
0x3f: {  	[sflag:s20] =	ssyncset.done $0x0  }
0x40: {  	[sflag:s20] =	ssyncadd.s32 $0xFFFFDC00  }
0x41: {  	[spmem:s16] =	stream.linear.scatter [tilespmem:s19], [sflag:$0x3], $0x2400, $0x38;
	[tilespmem:$0x1D800] =	vst v63  }
0x42: {  	_ =	swait.ge [sflag:s20], $0x2400  }
0x43: {  	[sflag:s20] =	ssyncset.done $0x0  }
0x44: {  	[sflag:s20] =	ssyncadd.s32 $0xFFFFDC00  }
0x45: {  	[spmem:s17] =	stream.linear.scatter [tilespmem:s19], [sflag:$0x3], $0x2400, $0x38;
	[tilespmem:$0x1D800] =	vst v63  }
0x46: {  	_ =	swait.ge [sflag:s20], $0x2400  }
0x47: {  	[sflag:s20] =	ssyncset.done $0x0  }
0x48: {  	[sflag:s20] =	ssyncadd.s32 $0xFFFFDC00  }
0x49: {  	[spmem:s18] =	stream.linear.scatter [tilespmem:s19], [sflag:$0x3], $0x2400, $0x38;
	[tilespmem:$0x1D800] =	vst v63  }
0x4a: {  	_ =	swait.ge [sflag:s20], $0x2400  }
0x4b: {  	[sflag:s20] =	ssyncset.done $0x0  }
0x4c: {  	s0 =	simm.s32 $0x0;
	[sflag:s20] =	ssyncadd.s32 $0xFFFFDC00  }
0x4d: {  	[tilespmem:s0], [sflag:$0x3] =	stream.linear.gather [hbm4b:s5+s0], $0x1400, $0x38;
	[tilespmem:$0x1D800] =	vst v63  }
0x4e: {  	_ =	swait.ge [sflag:s20], $0x1400  }
0x4f: {  	[sflag:s20] =	ssyncset.done $0x0  }
0x50: {  	s2 =	simm.s32 $0x1400;
	[sflag:s20] =	ssyncadd.s32 $0xFFFFEC00  }
0x51: {  	[tilespmem:s2], [sflag:$0x3] =	stream.linear.gather [hbm4b:s6+s0], $0x1400, $0x38;
	[tilespmem:$0x1D800] =	vst v63  }
0x52: {  	_ =	swait.ge [sflag:s20], $0x1400  }
0x53: {  	[sflag:s20] =	ssyncset.done $0x0  }
0x54: {  	[sflag:s20] =	ssyncadd.s32 $0xFFFFEC00  }
0x55: {  	[bflag:$0x0] =	sbarrier.arrive $0xFFFF  }
0x56: {  	[tilespmem:s19], [sflag:$0x1] =	stream.indirect.gather [hbm4b:s4+s22], $0x90, s0, s22, $0xb8;
	[tilespmem:$0x1D800] =	vst v63  }
0x57: {  	s28 =	simm.s32 $0x40  }
0x58: {  	[tilespmem:s23], [sflag:$0x2] =	stream.indirect.gather [hbm4b:s4+s22], $0x90, s28, s22, $0xb8;
	[tilespmem:$0x1D800] =	vst v63  }
0x59: {  	_ =	swait.ge [sflag:s24], $0x2400  }
0x5a: {  	[sflag:s24] =	ssyncset.done $0x0  }
0x5b: {  	s2 =	simm.s32 $0x1400;
	[sflag:s24] =	ssyncadd.s32 $0xFFFFDC00  }
0x5c: {  	[spmem:s1] =	stream.indirect.scatter.add.f32 [tilespmem:s19], [sflag:$0x3], $0x90, s2, s22, $0xb8;
	[tilespmem:$0x1D800] =	vst v63  }
0x5d: {  	_ =	swait.ge [sflag:s20], $0x2400  }
0x5e: {  	[sflag:s20] =	ssyncset.done $0x0  }
0x5f: {  	s21 =	simm.s32 $0x80;
	[sflag:s20] =	ssyncadd.s32 $0xFFFFDC00  }
0x60: {  	[tilespmem:s19], [sflag:$0x1] =	stream.indirect.gather [hbm4b:s4+s22], $0x90, s21, s22, $0xb8;
	[tilespmem:$0x1D800] =	vst v63  }
0x61: {  	_ =	swait.ge [sflag:s26], $0x2400  }
0x62: {  	[sflag:s26] =	ssyncset.done $0x0  }
0x63: {  	s28 =	simm.s32 $0x1440;
	[sflag:s26] =	ssyncadd.s32 $0xFFFFDC00  }
0x64: {  	[spmem:s1] =	stream.indirect.scatter.add.f32 [tilespmem:s23], [sflag:$0x3], $0x90, s28, s22, $0xb8;
	[tilespmem:$0x1D800] =	vst v63  }
0x65: {  	_ =	swait.ge [sflag:s20], $0x2400  }
0x66: {  	s31 =	simm.s32 $0x80;
	s0 =	simm.s32 $0x400;
	[sflag:s20] =	ssyncset.done $0x0  }
.LBB2_4:
0x67: {  	s2 =	sadd.s32 $0x40, s31  }
0x68: {  	[sflag:s20] =	ssyncadd.s32 $0xFFFFDC00;
	s21 =	smov.u32 s0;
	s28 =	sadd.s32 $0x200, s0  }
0x69: {  	[tilespmem:s23], [sflag:$0x2] =	stream.indirect.gather [hbm4b:s4+s22], $0x90, s2, s22, $0xb8;
	[tilespmem:$0x1D800] =	vst v63  }
0x6a: {  	p0 =	sne.s32 s0, $0x4C00;
	_ =	swait.ge [sflag:s24], $0x2400  }
0x6b: {  	[sflag:s24] =	ssyncset.done $0x0  }
0x6c: {  	s0 =	sadd.s32 $0x1400, s31;
	[sflag:s24] =	ssyncadd.s32 $0xFFFFDC00  }
0x6d: {  	[spmem:s1] =	stream.indirect.scatter.add.f32 [tilespmem:s19], [sflag:$0x3], $0x90, s0, s22, $0xb8;
	[tilespmem:$0x1D800] =	vst v63  }
0x6e: {  	_ =	swait.ge [sflag:s20], $0x2400  }
0x6f: {  	[sflag:s20] =	ssyncset.done $0x0  }
0x70: {  	s0 =	sadd.s32 $0x80, s31;
	[sflag:s20] =	ssyncadd.s32 $0xFFFFDC00  }
0x71: {  	[tilespmem:s19], [sflag:$0x1] =	stream.indirect.gather [hbm4b:s4+s22], $0x90, s0, s22, $0xb8;
	[tilespmem:$0x1D800] =	vst v63  }
0x72: {  	_ =	swait.ge [sflag:s26], $0x2400  }
.Ltmp1:
0x73: {  	[sflag:s26] =	ssyncset.done $0x0;
	(pc) =	sbr.rel @p0 .LBB2_4-.Ltmp1, $4  }
0x74: {  	s0 =	sadd.s32 $0x1440, s31;
	[sflag:s26] =	ssyncadd.s32 $0xFFFFDC00  }
0x75: {  	[spmem:s1] =	stream.indirect.scatter.add.f32 [tilespmem:s23], [sflag:$0x3], $0x90, s0, s22, $0xb8;
	[tilespmem:$0x1D800] =	vst v63  }
0x76: {  	_ =	swait.ge [sflag:s20], $0x2400  }
0x77: {  	s31 =	sshra.s32 s21, $0x2;
	s0 =	smov.u32 s28;
	[sflag:s20] =	ssyncset.done $0x0  }
0x78: {  	s0 =	sadd.s32 $0x40, s31;
	[sflag:s20] =	ssyncadd.s32 $0xFFFFDC00  }
0x79: {  	[tilespmem:s23], [sflag:$0x2] =	stream.indirect.gather [hbm4b:s4+s22], $0x90, s0, s22, $0xb8;
	[tilespmem:$0x1D800] =	vst v63  }
0x7a: {  	_ =	swait.ge [sflag:s24], $0x2400  }
0x7b: {  	[sflag:s24] =	ssyncset.done $0x0  }
0x7c: {  	s28 =	sadd.s32 $0x1400, s31;
	[sflag:s24] =	ssyncadd.s32 $0xFFFFDC00  }
0x7d: {  	[spmem:s1] =	stream.indirect.scatter.add.f32 [tilespmem:s19], [sflag:$0x3], $0x90, s28, s22, $0xb8;
	[tilespmem:$0x1D800] =	vst v63  }
0x7e: {  	_ =	swait.ge [sflag:s20], $0x2400  }
0x7f: {  	[sflag:s20] =	ssyncset.done $0x0  }
0x80: {  	s2 =	sadd.s32 $0x80, s31;
	[sflag:s20] =	ssyncadd.s32 $0xFFFFDC00  }
0x81: {  	[tilespmem:s19], [sflag:$0x1] =	stream.indirect.gather [hbm4b:s4+s22], $0x90, s2, s22, $0xb8;
	[tilespmem:$0x1D800] =	vst v63  }
0x82: {  	_ =	swait.ge [sflag:s26], $0x2400  }
0x83: {  	[sflag:s26] =	ssyncset.done $0x0  }
0x84: {  	s21 =	sadd.s32 $0x1440, s31;
	[sflag:s26] =	ssyncadd.s32 $0xFFFFDC00  }
0x85: {  	[spmem:s1] =	stream.indirect.scatter.add.f32 [tilespmem:s23], [sflag:$0x3], $0x90, s21, s22, $0xb8;
	[tilespmem:$0x1D800] =	vst v63  }
0x86: {  	_ =	swait.ge [sflag:s20], $0x2400  }
0x87: {  	[sflag:s20] =	ssyncset.done $0x0  }
0x88: {  	s28 =	simm.s32 $0x13C0;
	[sflag:s20] =	ssyncadd.s32 $0xFFFFDC00  }
0x89: {  	[tilespmem:s23], [sflag:$0x2] =	stream.indirect.gather [hbm4b:s4+s22], $0x90, s28, s22, $0xb8;
	[tilespmem:$0x1D800] =	vst v63  }
0x8a: {  	_ =	swait.ge [sflag:s24], $0x2400  }
0x8b: {  	[sflag:s24] =	ssyncset.done $0x0  }
0x8c: {  	[sflag:s24] =	ssyncadd.s32 $0xFFFFDC00  }
0x8d: {  	[spmem:s1] =	stream.indirect.scatter.add.f32 [tilespmem:s19], [sflag:$0x3], $0x90, s29, s22, $0xb8;
	[tilespmem:$0x1D800] =	vst v63  }
0x8e: {  	_ =	swait.ge [sflag:s20], $0x2400  }
0x8f: {  	[sflag:s20] =	ssyncset.done $0x0  }
0x90: {  	[sflag:s20] =	ssyncadd.s32 $0xFFFFDC00  }
0x91: {  	_ =	swait.ge [sflag:s26], $0x2400  }
0x92: {  	[sflag:s26] =	ssyncset.done $0x0  }
0x93: {  	[sflag:s26] =	ssyncadd.s32 $0xFFFFDC00  }
0x94: {  	[spmem:s1] =	stream.indirect.scatter.add.f32 [tilespmem:s23], [sflag:$0x3], $0x90, s30, s22, $0xb8;
	[tilespmem:$0x1D800] =	vst v63  }
0x95: {  	_ =	swait.ge [sflag:s20], $0x2400  }
0x96: {  	s31 =	stileid.u32;
	s3 =	sadd.s32 $0x1, s3;
	[sflag:s20] =	ssyncset.done $0x0  }
0x97: {  	s0 =	sshll.u32 s31, $0x6;
	p0 =	sne.s32 s3, s9;
	[sflag:s20] =	ssyncadd.s32 $0xFFFFDC00  }
.Ltmp2:
0x98: {  	s0 =	sor.u32 $0x1C03, s0;
	[bflag:$0x0] =	sbarrier.arrive $0xFFFF;
	(pc) =	sbr.rel @p0 .LBB2_1-.Ltmp2, $4  }
0x99: {  	[hbm:s7], [sflag:s0] =	dma.local [spmem:s25], $0x2D00  }
0x9a: {  	_ =	swait.ge [sflag:s20], $0x2D00  }
0x9b: {  	[sflag:s20] =	ssyncset.done $0x0  }
0x9c: {  	[sflag:s20] =	ssyncadd.s32 $0xFFFFD300  }
0x9d: {  	_ =	sfence.sel $0x180000  }
0x9e: {  	[bflag:$0x0] =	sbarrier.arrive $0xFFFF  }
0x9f: {  	_ =	strace $0x90000050  }
0xa0: {  	s0 =	stileid.u32;
	[bflag:$0x2] =	sbarrier.arrive $0xFFFF  }
0xa1: {  	p0 =	sne.s32 s0, $0x0;
	s0 =	rddreg [dreg:$0x2]  }
0xa2: {  	s0 =	sadd.s32 @!p0 $0x100000, s0  }
0xa3: {  	[sflag:s0] =	ssyncadd.tile.s32 @!p0 $0x1;
	_ =	shalt  }
.Lfunc_end2:
_tile_overlayer_lowered:
.L_overlay_start_2:
0xa4: {  	(tag) =	ssettag $0x2  }
0xa5: {  	s0 =	rddreg [dreg:$0x0];
	s2 =	stileid.u32  }
0xa6: {  	s1 =	rddreg [dreg:$0x1];
	p0 =	sne.s32 s2, $0x0  }
0xa7: {  	s3 =	rddreg [dreg:$0x2];
	[bflag:$0x3] =	sbarrier.arrive $0xFFFF;
	s2 =	simm.s32 @!p0 $0x1C03  }
0xa8: {  	[timem:s3], [sflag:s2] =	dma.local @!p0 [hbm:s0], s1  }
0xa9: {  	s0 =	simm.s32 @!p0 $0x3  }
0xaa: {  	_ =	swait.ge @!p0 [sflag:s0], s1  }
0xab: {  	s1 =	ssub.s32 @!p0 $0x0, s1;
	[sflag:s0] =	ssyncset.done @!p0 $0x0  }
0xac: {  	[sflag:s0] =	ssyncadd.s32 @!p0 s1  }
0xad: {  	[bflag:$0x3] =	sbarrier.arrive $0xFFFF  }
0xae: {  	_ =	shalt  }

// kernel: kernel.39.cloned.1.call-start
scs
__scs_entry_jumppad:
0x0: {  	(pc) =	sbr.rel $0x88, $3  }
0x1: {  	(tag) =	ssettag $0x0;
	lr =	simm.s32 $0x1  }
0x2: {  	[smem:$0x3F6E] =	sst lr;
	_ =	strace $0xD0000000  }
0x3: {  	_ = 	snop  }
0x4: {  	_ = 	snop  }
0x5: {  	_ = 	snop  }
0x6: {  	_ = 	snop  }
0x7: {  	_ = 	snop  }
__scs_overlays_trampoline_lowered:
0x8: {  	[smem:$0x3F7D] =	sst s0  }
0x9: {  	[smem:$0x3F7E] =	sst s1  }
0xa: {  	[smem:$0x3F7F] =	sst s2  }
0xb: {  	[smem:$0x3F80] =	sst s3  }
0xc: {  	[smem:$0x3F81] =	sst s4  }
0xd: {  	[smem:$0x3F82] =	sst s5  }
0xe: {  	[smem:$0x3F83] =	sst s6  }
0xf: {  	[smem:$0x3F84] =	sst s7  }
0x10: {  	[smem:$0x3F85] =	sst s8  }
0x11: {  	[smem:$0x3F86] =	sst s9;
	s0 =	simm.s32 @!p0 $0x0  }
0x12: {  	s1 =	sld [smem:$0x3F6C];
	s0 =	simm.s32 @p0 $0x1  }
0x13: {  	[smem:$0x3F87] =	sst s0;
	s0 =	simm.s32 @!p1 $0x0  }
0x14: {  	s2 =	sld [smem:$0x3F6B];
	s0 =	simm.s32 @p1 $0x1  }
0x15: {  	[smem:$0x3F88] =	sst s0;
	s0 =	simm.s32 @!p2 $0x0  }
0x16: {  	s3 =	sld [smem:$0x3FDB];
	s0 =	simm.s32 @p2 $0x1  }
0x17: {  	s4 =	simm.s32 $0x1BF5;
	[smem:$0x3F8A] =	sst s0  }
0x18: {  	s0 =	sld [smem:$0x3F6D];
	_ =	swait.ge [sflag:s4], $0x0  }
0x19: {  	s7 =	sld [smem:$0x3F6E]  }
0x1a: {  	s8 =	sadd.s32 $0xFFFFE003, lr  }
0x1b: {  	s9 =	sadd.s32 $0xFFFFFEF7, lr;
	s5 =	simm.s32 $0xFFFFFFFF;
	p2 =	slt.u32 s8, $0xFFFFF086  }
0x1c: {  	p1 =	slt.u32 s9, $0xF7A;
	s5 =	simm.s32 @!p2 $0x0  }
0x1d: {  	s5 =	simm.s32 @p1 $0x1;
	p0 =	seq.s32 s7, s2  }
0x1e: {  	s7 =	smul.u32 @!p0 $0xF7A, s2;
	p2 =	seq.s32 @!p0 s5, $0x0  }
0x1f: {  	s9 =	smul.u32 $0xF7A, s1;
	s8 =	simm.s32 @!p0 $0x1BF5;
	p2 =	por !p2, p0  }
0x20: {  	[sflag:s8] =	ssyncset.s32 @!p0 $0xFFFFF086;
	s6 =	sadd.s32 @!p0 s3, s7;
	s7 =	simm.s32 @!p0 $0x108  }
0x21: {  	s3 =	sadd.s32 s3, s9;
	s6 =	sadd.s32 @!p0 $0x88, s6;
	s7 =	simm.s32 @p2 $0x1082  }
0x22: {  	[simem:s7], [sflag:s8] =	dma.local @!p0 [hbm:s6], $0xF7A  }
0x23: {  	s9 =	sor.u32 $0xD0000000, s2;
	s6 =	simm.s32 $0x108;
	_ =	swait.ge @!p0 [sflag:s8], $0x0  }
0x24: {  	s3 =	sadd.s32 $0x88, s3;
	s6 =	simm.s32 @!p1 $0x1082;
	[sflag:s4] =	ssyncset.s32 $0xFFFFF086  }
0x25: {  	[simem:s6], [sflag:s4] =	dma.local [hbm:s3], $0xF7A  }
0x26: {  	[smem:$0x3F6E] =	sst s1;
	(tag) =	ssettag s2;
	_ =	strace s9  }
0x27: {  	s1 =	sld [smem:$0x3F7E]  }
0x28: {  	s2 =	sld [smem:$0x3F7F]  }
0x29: {  	s4 =	sld [smem:$0x3F81]  }
0x2a: {  	p0 =	seq.s32 s5, $0x0;
	s5 =	sld [smem:$0x3F82]  }
0x2b: {  	s6 =	sld [smem:$0x3F83]  }
0x2c: {  	s7 =	sld [smem:$0x3F84]  }
0x2d: {  	s3 =	simm.s32 $0x108;
	s8 =	sld [smem:$0x3F85]  }
0x2e: {  	s3 =	simm.s32 @!p0 $0x1082;
	s9 =	sld [smem:$0x3F86]  }
0x2f: {  	lr =	sadd.s32 s0, s3;
	s0 =	sld [smem:$0x3F7D]  }
0x30: {  	s3 =	sld [smem:$0x3F80]  }
0x31: {  	[smem:$0x3F89] =	sst s10  }
0x32: {  	s10 =	sld [smem:$0x3F87];
	_ =	sdelay $0x3  }
0x33: {  	p0 =	seq.s32 s10, $0x1;
	s10 =	sld [smem:$0x3F89];
	_ =	sdelay $0x3  }
0x34: {  	[smem:$0x3F89] =	sst s10  }
0x35: {  	s10 =	sld [smem:$0x3F88];
	_ =	sdelay $0x3  }
0x36: {  	p1 =	seq.s32 s10, $0x1;
	s10 =	sld [smem:$0x3F89];
	_ =	sdelay $0x3  }
0x37: {  	[smem:$0x3F89] =	sst s10  }
0x38: {  	s10 =	sld [smem:$0x3F8A]  }
0x39: {  	_ = 	snop;
	(pc) =	sbr.ind lr, $3  }
0x3a: {  	_ = 	snop  }
0x3b: {  	_ = 	snop  }
0x3c: {  	p2 =	seq.s32 s10, $0x1;
	s10 =	sld [smem:$0x3F89]  }
0x3d: {  	_ =	shalt  }
0x3e: {  	_ =	shalt  }
0x3f: {  	_ =	shalt  }
0x40: {  	_ =	shalt  }
0x41: {  	_ =	shalt  }
0x42: {  	_ =	shalt  }
0x43: {  	_ =	shalt  }
0x44: {  	_ =	shalt  }
0x45: {  	_ =	shalt  }
0x46: {  	_ =	shalt  }
0x47: {  	_ =	shalt  }
0x48: {  	_ =	shalt  }
0x49: {  	_ =	shalt  }
0x4a: {  	_ =	shalt  }
0x4b: {  	_ =	shalt  }
0x4c: {  	_ =	shalt  }
0x4d: {  	_ =	shalt  }
0x4e: {  	_ =	shalt  }
0x4f: {  	_ =	shalt  }
0x50: {  	_ =	shalt  }
0x51: {  	_ =	shalt  }
0x52: {  	_ =	shalt  }
0x53: {  	_ =	shalt  }
0x54: {  	_ =	shalt  }
0x55: {  	_ =	shalt  }
0x56: {  	_ =	shalt  }
0x57: {  	_ =	shalt  }
0x58: {  	_ =	shalt  }
0x59: {  	_ =	shalt  }
0x5a: {  	_ =	shalt  }
0x5b: {  	_ =	shalt  }
0x5c: {  	_ =	shalt  }
0x5d: {  	_ =	shalt  }
0x5e: {  	_ =	shalt  }
0x5f: {  	_ =	shalt  }
0x60: {  	_ =	shalt  }
0x61: {  	_ =	shalt  }
0x62: {  	_ =	shalt  }
0x63: {  	_ =	shalt  }
0x64: {  	_ =	shalt  }
0x65: {  	_ =	shalt  }
0x66: {  	_ =	shalt  }
0x67: {  	_ =	shalt  }
0x68: {  	_ =	shalt  }
0x69: {  	_ =	shalt  }
0x6a: {  	_ =	shalt  }
0x6b: {  	_ =	shalt  }
0x6c: {  	_ =	shalt  }
0x6d: {  	_ =	shalt  }
0x6e: {  	_ =	shalt  }
0x6f: {  	_ =	shalt  }
0x70: {  	_ =	shalt  }
0x71: {  	_ =	shalt  }
0x72: {  	_ =	shalt  }
0x73: {  	_ =	shalt  }
0x74: {  	_ =	shalt  }
0x75: {  	_ =	shalt  }
0x76: {  	_ =	shalt  }
0x77: {  	_ =	shalt  }
0x78: {  	_ =	shalt  }
0x79: {  	_ =	shalt  }
0x7a: {  	_ =	shalt  }
0x7b: {  	_ =	shalt  }
0x7c: {  	_ =	shalt  }
0x7d: {  	_ =	shalt  }
0x7e: {  	_ =	shalt  }
0x7f: {  	_ =	shalt  }
0x80: {  	_ =	shalt  }
0x81: {  	_ =	shalt  }
0x82: {  	_ =	shalt  }
0x83: {  	_ =	shalt  }
0x84: {  	_ =	shalt  }
0x85: {  	_ =	shalt  }
0x86: {  	_ =	shalt  }
0x87: {  	_ =	shalt  }
.Lfunc_end0:
.L_simem_size_0:
called_computation.4_lowered:
.L_overlay_start_0:
0x88: {  	s2 =	sld [smem:$0x3FD9]  }
0x89: {  	s3 =	sld [smem:$0x3FFE];
	_ =	sdelay $0x1  }
0x8a: {  	s1 =	srdreg.scid  }
0x8b: {  	s0 =	sand.u32 $0x1, s1  }
0x8c: {  	s16 =	sshll.u32 s0, $0xA;
	s2 =	sadd.s32 s3, s2  }
0x8d: {  	s2 =	sadd.s32 s2, s16  }
0x8e: {  	[smem:$0x3F95] =	sst s2  }
0x8f: {  	_ = 	snop  }
0x90: {  	(tm) =	ssettm $0x1  }
0x91: {  	s17 =	sld [smem:$0x3FFB];
	_ =	sdelay $0x3  }
0x92: {  	_ =	strace s17  }
0x93: {  	s2 =	sld [smem:$0x3FFC];
	_ =	sdelay $0x3  }
0x94: {  	_ =	strace s2  }
0x95: {  	s2 =	sld [smem:$0x3FFD];
	_ =	sdelay $0x3  }
0x96: {  	_ =	strace s2  }
0x97: {  	_ =	strace $0x8FFFFFFF  }
0x98: {  	s18 =	sld [smem:$0x3FDB];
	_ =	sdelay $0x1  }
0x99: {  	s19 =	simm.s32 $_scs_section_size  }
0x9a: {  	s4 =	simm.s32 $_size__tile_overlayer_lowered;
	s5 =	simm.s32 $_tile_overlayer_lowered  }
0x9b: {  	s22 =	simm.s32 $0x1BFF;
	s21 =	sshll.u32 s5, $0x1;
	s2 =	sadd.s32 s19, s18  }
0x9c: {  	s6 =	simm.s32 $0x0;
	s20 =	sshll.u32 s4, $0x1;
	s4 =	sadd.s32 s21, s2  }
0x9d: {  	[timem:s6], [sflag:s22] =	dma.local [hbm:s4], s20  }
0x9e: {  	_ =	swait.ge [sflag:s22], s20  }
0x9f: {  	s3 =	ssub.s32 $0x0, s20;
	[sflag:s22] =	ssyncset.done $0x0  }
0xa0: {  	[sflag:s22] =	ssyncadd.s32 s3;
	_ =	sdelay $0x1  }
0xa1: {  	s23 =	simm.s32 $0x1B8B  }
0xa2: {  	_ =	swait.ge [sflag:s23], $0x1  }
0xa3: {  	[sflag:s23] =	ssyncset.done $0x0  }
0xa4: {  	s25 =	simm.s32 $0x1B8E;
	s24 =	sld [smem:$0x3FFE];
	[sflag:s23] =	ssyncadd.s32 $0xFFFFFFFF  }
0xa5: {  	s26 =	simm.s32 $execute0_lowered;
	[smem:$0x3FD2] =	sst s25  }
0xa6: {  	s4 =	sshll.u32 s26, $0x1;
	_ =	strace $0x80000052;
	[dreg:$0x1] =	wrdreg $0xFFFFFFFF  }
0xa7: {  	s28 =	simm.s32 $_size_execute0_lowered;
	s2 =	sadd.s32 s2, s4;
	[dreg:$0x0] =	wrdreg $0x0  }
0xa8: {  	s4 =	sshll.u32 s28, $0x1;
	[dreg:$0x2] =	wrdreg s2  }
0xa9: {  	[dreg:$0x3] =	wrdreg s4  }
0xaa: {  	[dreg:$0x4] =	wrdreg $0xC0  }
0xab: {  	_ =	task [dreg:s6], $0x5FFFF  }
0xac: {  	[dreg:$0x1] =	wrdreg $0xFFFFFFFF  }
0xad: {  	[dreg:$0x0] =	wrdreg $0x60  }
0xae: {  	[dreg:$0x2] =	wrdreg s24  }
0xaf: {  	[dreg:$0x3] =	wrdreg $0x70000  }
0xb0: {  	[dreg:$0x4] =	wrdreg $0x9  }
0xb1: {  	_ =	task.clear_ibuf [dreg:s6], $0x5FFFF;
	_ =	strace $0x90000052  }
0xb2: {  	s29 =	simm.s32 $0x9;
	_ =	strace $0x80000054  }
0xb3: {  	_ =	swait.ge [sflag:s29], $0x1  }
0xb4: {  	[sflag:s29] =	ssyncadd.s32 $0xFFFFFFFF  }
0xb5: {  	_ =	strace $0x90000054  }
0xb6: {  	_ =	sfence  }
0xb7: {  	s30 =	sld [smem:$0x0];
	_ =	sdelay $0x2  }
0xb8: {  	s31 =	sshll.u32 s1, $0xD;
	s1 =	sshrl.u32 s1, $0x2  }
0xb9: {  	s3 =	sand.u32 $0x4000, s31;
	s1 =	sadd.s32 s1, s30  }
0xba: {  	s0 =	sor.u32 s3, s0;
	s1 =	sshll.u32 s1, $0x11  }
0xbb: {  	s0 =	sor.u32 s1, s0  }
0xbc: {  	s0 =	sadd.s32 $0x8F2B, s0  }
0xbd: {  	[sflag:s0] =	ssyncadd.remote.s32 $0x1  }
0xbe: {  	_ =	sfence.sel $0xFFFF  }
0xbf: {  	[dreg:$0x0] =	wrdreg $0xFFFFFFFF;
	(pc) =	sbr.abs _section_cstart, $3  }
0xc0: {  	[dreg:$0x1] =	wrdreg $0xFFFFFFFF  }
0xc1: {  	_ =	task.clear_ibuf [dreg:s6], $0x2FFFF;
	_ =	strace $0x9FFFFFFF  }
0xc2: {  	(tm) =	ssettm $0x7FFFFFFF  }
0xc3: {  	_ =	shalt  }
tec
execute0_lowered:
.L_overlay_start_1:
0x0: {  	(tag) =	ssettag $0x1  }
0x1: {  	s0 =	rddreg [dreg:$0x0]  }
0x2: {  	s1 =	rddreg [dreg:$0x1]  }
0x3: {  	s2 =	srdreg.scid;
	s3 =	simm.s32 $0x0;
	s28 =	stileid.u32  }
0x4: {  	s19 =	simm.s32 $0x2800;
	s20 =	simm.s32 $0x3;
	s22 =	simm.s32 $0x40  }
0x5: {  	s23 =	simm.s32 $0x4C00;
	s24 =	simm.s32 $0x1;
	s26 =	simm.s32 $0x2  }
0x6: {  	s29 =	simm.s32 $0x2780;
	s30 =	simm.s32 $0x27C0;
	s8 =	smul.u32 $0x16800, s28  }
0x7: {  	s5 =	sand.u32 $0x1, s2;
	[smem:$0x7FF] =	sst s3;
	s10 =	smul.u32 $0x5A000, s28  }
0x8: {  	s7 =	sshll.u32 s28, $0x1;
	s4 =	sadd.s32 $0xD000, s0;
	s6 =	smul.u32 $0x168000, s5  }
0x9: {  	_ =	strace $0x80000053;
	s7 =	sor.u32 s5, s7;
	s5 =	ssub.s32 $0x2, s5  }
0xa: {  	s7 =	smul.u32 $0x280, s7;
	s9 =	sshrl.u32 s5, $0x1;
	s10 =	sshrl.u32 s10, $0x2  }
0xb: {  	s31 =	sadd.s32 s8, s1;
	s6 =	sadd.s32 s8, s6;
	s9 =	ssub.s32 s5, s9  }
0xc: {  	s8 =	sadd.s32 s10, s1;
	s25 =	sshrl.u32 s31, $0x3;
	s6 =	sshrl.u32 s6, $0x3  }
0xd: {  	s7 =	sadd.s32 s7, s0;
	s9 =	smax.u32 s9, $0x1;
	s10 =	sadd.s32 $0x2400, s8  }
0xe: {  	s11 =	sadd.s32 $0x4800, s8;
	s12 =	sadd.s32 $0x6C00, s8;
	s13 =	sadd.s32 $0x9000, s8  }
0xf: {  	s14 =	sadd.s32 $0xB400, s8;
	s15 =	sadd.s32 $0xD800, s8;
	s16 =	sadd.s32 $0xFC00, s8  }
0x10: {  	s17 =	sadd.s32 $0x12000, s8;
	s18 =	sadd.s32 $0x14400, s8;
	s0 =	sadd.s32 s6, s0  }
0x11: {  	v0 =	vimm.f32 $0.0e+00;
	s5 =	sadd.s32 $0x3A000, s7;
	s6 =	sadd.s32 $0x3F000, s7;
	s7 =	sadd.s32 $0x44000, s0  }
.LBB2_1:
0x12: {  	s31 =	simm.s32 $0x80;
	s0 =	simm.s32 $0x440  }
.LBB2_2:
0x13: {  	p0 =	sne.s32 s0, $0x8FC0;
	[tilespmem:s31+$0x2800] =	vst v0  }
0x14: {  	[tilespmem:s31+$0x2780] =	vst v0  }
0x15: {  	[tilespmem:s31+$0x2790] =	vst v0  }
0x16: {  	[tilespmem:s31+$0x27A0] =	vst v0  }
.Ltmp0:
0x17: {  	[tilespmem:s31+$0x27B0] =	vst v0;
	(pc) =	sbr.rel @p0 .LBB2_2-.Ltmp0, $4  }
0x18: {  	[tilespmem:s31+$0x27C0] =	vst v0  }
0x19: {  	[tilespmem:s31+$0x27D0] =	vst v0  }
0x1a: {  	[tilespmem:s31+$0x27E0] =	vst v0  }
0x1b: {  	[tilespmem:s31+$0x27F0] =	vst v0;
	s31 =	sshra.s32 s0, $0x2;
	s0 =	sadd.s32 $0x240, s0  }
0x1c: {  	[tilespmem:s31+$0x2800] =	vst v0  }
0x1d: {  	[tilespmem:s31+$0x2780] =	vst v0  }
0x1e: {  	[tilespmem:s31+$0x2790] =	vst v0  }
0x1f: {  	[tilespmem:s31+$0x27A0] =	vst v0  }
0x20: {  	[tilespmem:s31+$0x27B0] =	vst v0  }
0x21: {  	[tilespmem:s31+$0x27C0] =	vst v0  }
0x22: {  	[tilespmem:s31+$0x27D0] =	vst v0  }
0x23: {  	[tilespmem:s31+$0x27E0] =	vst v0  }
0x24: {  	[tilespmem:s31+$0x27F0] =	vst v0  }
0x25: {  	[spmem:s8] =	stream.linear.scatter [tilespmem:s19], [sflag:$0x3], $0x2400, $0x38;
	[tilespmem:$0x1D800] =	vst v63  }
0x26: {  	_ =	swait.ge [sflag:s20], $0x2400  }
0x27: {  	[sflag:s20] =	ssyncset.done $0x0  }
0x28: {  	[sflag:s20] =	ssyncadd.s32 $0xFFFFDC00  }
0x29: {  	[spmem:s10] =	stream.linear.scatter [tilespmem:s19], [sflag:$0x3], $0x2400, $0x38;
	[tilespmem:$0x1D800] =	vst v63  }
0x2a: {  	_ =	swait.ge [sflag:s20], $0x2400  }
0x2b: {  	[sflag:s20] =	ssyncset.done $0x0  }
0x2c: {  	[sflag:s20] =	ssyncadd.s32 $0xFFFFDC00  }
0x2d: {  	[spmem:s11] =	stream.linear.scatter [tilespmem:s19], [sflag:$0x3], $0x2400, $0x38;
	[tilespmem:$0x1D800] =	vst v63  }
0x2e: {  	_ =	swait.ge [sflag:s20], $0x2400  }
0x2f: {  	[sflag:s20] =	ssyncset.done $0x0  }
0x30: {  	[sflag:s20] =	ssyncadd.s32 $0xFFFFDC00  }
0x31: {  	[spmem:s12] =	stream.linear.scatter [tilespmem:s19], [sflag:$0x3], $0x2400, $0x38;
	[tilespmem:$0x1D800] =	vst v63  }
0x32: {  	_ =	swait.ge [sflag:s20], $0x2400  }
0x33: {  	[sflag:s20] =	ssyncset.done $0x0  }
0x34: {  	[sflag:s20] =	ssyncadd.s32 $0xFFFFDC00  }
0x35: {  	[spmem:s13] =	stream.linear.scatter [tilespmem:s19], [sflag:$0x3], $0x2400, $0x38;
	[tilespmem:$0x1D800] =	vst v63  }
0x36: {  	_ =	swait.ge [sflag:s20], $0x2400  }
0x37: {  	[sflag:s20] =	ssyncset.done $0x0  }
0x38: {  	[sflag:s20] =	ssyncadd.s32 $0xFFFFDC00  }
0x39: {  	[spmem:s14] =	stream.linear.scatter [tilespmem:s19], [sflag:$0x3], $0x2400, $0x38;
	[tilespmem:$0x1D800] =	vst v63  }
0x3a: {  	_ =	swait.ge [sflag:s20], $0x2400  }
0x3b: {  	[sflag:s20] =	ssyncset.done $0x0  }
0x3c: {  	[sflag:s20] =	ssyncadd.s32 $0xFFFFDC00  }
0x3d: {  	[spmem:s15] =	stream.linear.scatter [tilespmem:s19], [sflag:$0x3], $0x2400, $0x38;
	[tilespmem:$0x1D800] =	vst v63  }
0x3e: {  	_ =	swait.ge [sflag:s20], $0x2400  }
0x3f: {  	[sflag:s20] =	ssyncset.done $0x0  }
0x40: {  	[sflag:s20] =	ssyncadd.s32 $0xFFFFDC00  }
0x41: {  	[spmem:s16] =	stream.linear.scatter [tilespmem:s19], [sflag:$0x3], $0x2400, $0x38;
	[tilespmem:$0x1D800] =	vst v63  }
0x42: {  	_ =	swait.ge [sflag:s20], $0x2400  }
0x43: {  	[sflag:s20] =	ssyncset.done $0x0  }
0x44: {  	[sflag:s20] =	ssyncadd.s32 $0xFFFFDC00  }
0x45: {  	[spmem:s17] =	stream.linear.scatter [tilespmem:s19], [sflag:$0x3], $0x2400, $0x38;
	[tilespmem:$0x1D800] =	vst v63  }
0x46: {  	_ =	swait.ge [sflag:s20], $0x2400  }
0x47: {  	[sflag:s20] =	ssyncset.done $0x0  }
0x48: {  	[sflag:s20] =	ssyncadd.s32 $0xFFFFDC00  }
0x49: {  	[spmem:s18] =	stream.linear.scatter [tilespmem:s19], [sflag:$0x3], $0x2400, $0x38;
	[tilespmem:$0x1D800] =	vst v63  }
0x4a: {  	_ =	swait.ge [sflag:s20], $0x2400  }
0x4b: {  	[sflag:s20] =	ssyncset.done $0x0  }
0x4c: {  	s0 =	simm.s32 $0x0;
	[sflag:s20] =	ssyncadd.s32 $0xFFFFDC00  }
0x4d: {  	[tilespmem:s0], [sflag:$0x3] =	stream.linear.gather [hbm4b:s5+s0], $0x1400, $0x38;
	[tilespmem:$0x1D800] =	vst v63  }
0x4e: {  	_ =	swait.ge [sflag:s20], $0x1400  }
0x4f: {  	[sflag:s20] =	ssyncset.done $0x0  }
0x50: {  	s2 =	simm.s32 $0x1400;
	[sflag:s20] =	ssyncadd.s32 $0xFFFFEC00  }
0x51: {  	[tilespmem:s2], [sflag:$0x3] =	stream.linear.gather [hbm4b:s6+s0], $0x1400, $0x38;
	[tilespmem:$0x1D800] =	vst v63  }
0x52: {  	_ =	swait.ge [sflag:s20], $0x1400  }
0x53: {  	[sflag:s20] =	ssyncset.done $0x0  }
0x54: {  	[sflag:s20] =	ssyncadd.s32 $0xFFFFEC00  }
0x55: {  	[bflag:$0x0] =	sbarrier.arrive $0xFFFF  }
0x56: {  	[tilespmem:s19], [sflag:$0x1] =	stream.indirect.gather [hbm4b:s4+s22], $0x90, s0, s22, $0xb8;
	[tilespmem:$0x1D800] =	vst v63  }
0x57: {  	s28 =	simm.s32 $0x40  }
0x58: {  	[tilespmem:s23], [sflag:$0x2] =	stream.indirect.gather [hbm4b:s4+s22], $0x90, s28, s22, $0xb8;
	[tilespmem:$0x1D800] =	vst v63  }
0x59: {  	_ =	swait.ge [sflag:s24], $0x2400  }
0x5a: {  	[sflag:s24] =	ssyncset.done $0x0  }
0x5b: {  	s2 =	simm.s32 $0x1400;
	[sflag:s24] =	ssyncadd.s32 $0xFFFFDC00  }
0x5c: {  	[spmem:s1] =	stream.indirect.scatter.add.f32 [tilespmem:s19], [sflag:$0x3], $0x90, s2, s22, $0xb8;
	[tilespmem:$0x1D800] =	vst v63  }
0x5d: {  	_ =	swait.ge [sflag:s20], $0x2400  }
0x5e: {  	[sflag:s20] =	ssyncset.done $0x0  }
0x5f: {  	s21 =	simm.s32 $0x80;
	[sflag:s20] =	ssyncadd.s32 $0xFFFFDC00  }
0x60: {  	[tilespmem:s19], [sflag:$0x1] =	stream.indirect.gather [hbm4b:s4+s22], $0x90, s21, s22, $0xb8;
	[tilespmem:$0x1D800] =	vst v63  }
0x61: {  	_ =	swait.ge [sflag:s26], $0x2400  }
0x62: {  	[sflag:s26] =	ssyncset.done $0x0  }
0x63: {  	s28 =	simm.s32 $0x1440;
	[sflag:s26] =	ssyncadd.s32 $0xFFFFDC00  }
0x64: {  	[spmem:s1] =	stream.indirect.scatter.add.f32 [tilespmem:s23], [sflag:$0x3], $0x90, s28, s22, $0xb8;
	[tilespmem:$0x1D800] =	vst v63  }
0x65: {  	_ =	swait.ge [sflag:s20], $0x2400  }
0x66: {  	s31 =	simm.s32 $0x80;
	s0 =	simm.s32 $0x400;
	[sflag:s20] =	ssyncset.done $0x0  }
.LBB2_4:
0x67: {  	s2 =	sadd.s32 $0x40, s31  }
0x68: {  	[sflag:s20] =	ssyncadd.s32 $0xFFFFDC00;
	s21 =	smov.u32 s0;
	s28 =	sadd.s32 $0x200, s0  }
0x69: {  	[tilespmem:s23], [sflag:$0x2] =	stream.indirect.gather [hbm4b:s4+s22], $0x90, s2, s22, $0xb8;
	[tilespmem:$0x1D800] =	vst v63  }
0x6a: {  	p0 =	sne.s32 s0, $0x4C00;
	_ =	swait.ge [sflag:s24], $0x2400  }
0x6b: {  	[sflag:s24] =	ssyncset.done $0x0  }
0x6c: {  	s0 =	sadd.s32 $0x1400, s31;
	[sflag:s24] =	ssyncadd.s32 $0xFFFFDC00  }
0x6d: {  	[spmem:s1] =	stream.indirect.scatter.add.f32 [tilespmem:s19], [sflag:$0x3], $0x90, s0, s22, $0xb8;
	[tilespmem:$0x1D800] =	vst v63  }
0x6e: {  	_ =	swait.ge [sflag:s20], $0x2400  }
0x6f: {  	[sflag:s20] =	ssyncset.done $0x0  }
0x70: {  	s0 =	sadd.s32 $0x80, s31;
	[sflag:s20] =	ssyncadd.s32 $0xFFFFDC00  }
0x71: {  	[tilespmem:s19], [sflag:$0x1] =	stream.indirect.gather [hbm4b:s4+s22], $0x90, s0, s22, $0xb8;
	[tilespmem:$0x1D800] =	vst v63  }
0x72: {  	_ =	swait.ge [sflag:s26], $0x2400  }
.Ltmp1:
0x73: {  	[sflag:s26] =	ssyncset.done $0x0;
	(pc) =	sbr.rel @p0 .LBB2_4-.Ltmp1, $4  }
0x74: {  	s0 =	sadd.s32 $0x1440, s31;
	[sflag:s26] =	ssyncadd.s32 $0xFFFFDC00  }
0x75: {  	[spmem:s1] =	stream.indirect.scatter.add.f32 [tilespmem:s23], [sflag:$0x3], $0x90, s0, s22, $0xb8;
	[tilespmem:$0x1D800] =	vst v63  }
0x76: {  	_ =	swait.ge [sflag:s20], $0x2400  }
0x77: {  	s31 =	sshra.s32 s21, $0x2;
	s0 =	smov.u32 s28;
	[sflag:s20] =	ssyncset.done $0x0  }
0x78: {  	s0 =	sadd.s32 $0x40, s31;
	[sflag:s20] =	ssyncadd.s32 $0xFFFFDC00  }
0x79: {  	[tilespmem:s23], [sflag:$0x2] =	stream.indirect.gather [hbm4b:s4+s22], $0x90, s0, s22, $0xb8;
	[tilespmem:$0x1D800] =	vst v63  }
0x7a: {  	_ =	swait.ge [sflag:s24], $0x2400  }
0x7b: {  	[sflag:s24] =	ssyncset.done $0x0  }
0x7c: {  	s28 =	sadd.s32 $0x1400, s31;
	[sflag:s24] =	ssyncadd.s32 $0xFFFFDC00  }
0x7d: {  	[spmem:s1] =	stream.indirect.scatter.add.f32 [tilespmem:s19], [sflag:$0x3], $0x90, s28, s22, $0xb8;
	[tilespmem:$0x1D800] =	vst v63  }
0x7e: {  	_ =	swait.ge [sflag:s20], $0x2400  }
0x7f: {  	[sflag:s20] =	ssyncset.done $0x0  }
0x80: {  	s2 =	sadd.s32 $0x80, s31;
	[sflag:s20] =	ssyncadd.s32 $0xFFFFDC00  }
0x81: {  	[tilespmem:s19], [sflag:$0x1] =	stream.indirect.gather [hbm4b:s4+s22], $0x90, s2, s22, $0xb8;
	[tilespmem:$0x1D800] =	vst v63  }
0x82: {  	_ =	swait.ge [sflag:s26], $0x2400  }
0x83: {  	[sflag:s26] =	ssyncset.done $0x0  }
0x84: {  	s21 =	sadd.s32 $0x1440, s31;
	[sflag:s26] =	ssyncadd.s32 $0xFFFFDC00  }
0x85: {  	[spmem:s1] =	stream.indirect.scatter.add.f32 [tilespmem:s23], [sflag:$0x3], $0x90, s21, s22, $0xb8;
	[tilespmem:$0x1D800] =	vst v63  }
0x86: {  	_ =	swait.ge [sflag:s20], $0x2400  }
0x87: {  	[sflag:s20] =	ssyncset.done $0x0  }
0x88: {  	s28 =	simm.s32 $0x13C0;
	[sflag:s20] =	ssyncadd.s32 $0xFFFFDC00  }
0x89: {  	[tilespmem:s23], [sflag:$0x2] =	stream.indirect.gather [hbm4b:s4+s22], $0x90, s28, s22, $0xb8;
	[tilespmem:$0x1D800] =	vst v63  }
0x8a: {  	_ =	swait.ge [sflag:s24], $0x2400  }
0x8b: {  	[sflag:s24] =	ssyncset.done $0x0  }
0x8c: {  	[sflag:s24] =	ssyncadd.s32 $0xFFFFDC00  }
0x8d: {  	[spmem:s1] =	stream.indirect.scatter.add.f32 [tilespmem:s19], [sflag:$0x3], $0x90, s29, s22, $0xb8;
	[tilespmem:$0x1D800] =	vst v63  }
0x8e: {  	_ =	swait.ge [sflag:s20], $0x2400  }
0x8f: {  	[sflag:s20] =	ssyncset.done $0x0  }
0x90: {  	[sflag:s20] =	ssyncadd.s32 $0xFFFFDC00  }
0x91: {  	_ =	swait.ge [sflag:s26], $0x2400  }
0x92: {  	[sflag:s26] =	ssyncset.done $0x0  }
0x93: {  	[sflag:s26] =	ssyncadd.s32 $0xFFFFDC00  }
0x94: {  	[spmem:s1] =	stream.indirect.scatter.add.f32 [tilespmem:s23], [sflag:$0x3], $0x90, s30, s22, $0xb8;
	[tilespmem:$0x1D800] =	vst v63  }
0x95: {  	_ =	swait.ge [sflag:s20], $0x2400  }
0x96: {  	s31 =	stileid.u32;
	s3 =	sadd.s32 $0x1, s3;
	[sflag:s20] =	ssyncset.done $0x0  }
0x97: {  	s0 =	sshll.u32 s31, $0x6;
	p0 =	sne.s32 s3, s9;
	[sflag:s20] =	ssyncadd.s32 $0xFFFFDC00  }
.Ltmp2:
0x98: {  	s0 =	sor.u32 $0x1C03, s0;
	[bflag:$0x0] =	sbarrier.arrive $0xFFFF;
	(pc) =	sbr.rel @p0 .LBB2_1-.Ltmp2, $4  }
0x99: {  	[hbm:s7], [sflag:s0] =	dma.local [spmem:s25], $0x2D00  }
0x9a: {  	_ =	swait.ge [sflag:s20], $0x2D00  }
0x9b: {  	[sflag:s20] =	ssyncset.done $0x0  }
0x9c: {  	[sflag:s20] =	ssyncadd.s32 $0xFFFFD300  }
0x9d: {  	_ =	sfence.sel $0x180000  }
0x9e: {  	[bflag:$0x0] =	sbarrier.arrive $0xFFFF  }
0x9f: {  	_ =	strace $0x90000053  }
0xa0: {  	s0 =	stileid.u32;
	[bflag:$0x2] =	sbarrier.arrive $0xFFFF  }
0xa1: {  	p0 =	sne.s32 s0, $0x0;
	s0 =	rddreg [dreg:$0x2]  }
0xa2: {  	s0 =	sadd.s32 @!p0 $0x100000, s0  }
0xa3: {  	[sflag:s0] =	ssyncadd.tile.s32 @!p0 $0x1;
	_ =	shalt  }
.Lfunc_end2:
_tile_overlayer_lowered:
.L_overlay_start_2:
0xa4: {  	(tag) =	ssettag $0x2  }
0xa5: {  	s0 =	rddreg [dreg:$0x0];
	s2 =	stileid.u32  }
0xa6: {  	s1 =	rddreg [dreg:$0x1];
	p0 =	sne.s32 s2, $0x0  }
0xa7: {  	s3 =	rddreg [dreg:$0x2];
	[bflag:$0x3] =	sbarrier.arrive $0xFFFF;
	s2 =	simm.s32 @!p0 $0x1C03  }
0xa8: {  	[timem:s3], [sflag:s2] =	dma.local @!p0 [hbm:s0], s1  }
0xa9: {  	s0 =	simm.s32 @!p0 $0x3  }
0xaa: {  	_ =	swait.ge @!p0 [sflag:s0], s1  }
0xab: {  	s1 =	ssub.s32 @!p0 $0x0, s1;
	[sflag:s0] =	ssyncset.done @!p0 $0x0  }
0xac: {  	[sflag:s0] =	ssyncadd.s32 @!p0 s1  }
0xad: {  	[bflag:$0x3] =	sbarrier.arrive $0xFFFF  }
0xae: {  	_ =	shalt  }

// kernel: kernel.42.cloned.1.call-start
scs
__scs_entry_jumppad:
0x0: {  	(pc) =	sbr.rel $0x88, $3  }
0x1: {  	(tag) =	ssettag $0x0;
	lr =	simm.s32 $0x1  }
0x2: {  	[smem:$0x3F6E] =	sst lr;
	_ =	strace $0xD0000000  }
0x3: {  	_ = 	snop  }
0x4: {  	_ = 	snop  }
0x5: {  	_ = 	snop  }
0x6: {  	_ = 	snop  }
0x7: {  	_ = 	snop  }
__scs_overlays_trampoline_lowered:
0x8: {  	[smem:$0x3F7D] =	sst s0  }
0x9: {  	[smem:$0x3F7E] =	sst s1  }
0xa: {  	[smem:$0x3F7F] =	sst s2  }
0xb: {  	[smem:$0x3F80] =	sst s3  }
0xc: {  	[smem:$0x3F81] =	sst s4  }
0xd: {  	[smem:$0x3F82] =	sst s5  }
0xe: {  	[smem:$0x3F83] =	sst s6  }
0xf: {  	[smem:$0x3F84] =	sst s7  }
0x10: {  	[smem:$0x3F85] =	sst s8  }
0x11: {  	[smem:$0x3F86] =	sst s9;
	s0 =	simm.s32 @!p0 $0x0  }
0x12: {  	s1 =	sld [smem:$0x3F6C];
	s0 =	simm.s32 @p0 $0x1  }
0x13: {  	[smem:$0x3F87] =	sst s0;
	s0 =	simm.s32 @!p1 $0x0  }
0x14: {  	s2 =	sld [smem:$0x3F6B];
	s0 =	simm.s32 @p1 $0x1  }
0x15: {  	[smem:$0x3F88] =	sst s0;
	s0 =	simm.s32 @!p2 $0x0  }
0x16: {  	s3 =	sld [smem:$0x3FDB];
	s0 =	simm.s32 @p2 $0x1  }
0x17: {  	s4 =	simm.s32 $0x1BF5;
	[smem:$0x3F8A] =	sst s0  }
0x18: {  	s0 =	sld [smem:$0x3F6D];
	_ =	swait.ge [sflag:s4], $0x0  }
0x19: {  	s7 =	sld [smem:$0x3F6E]  }
0x1a: {  	s8 =	sadd.s32 $0xFFFFE003, lr  }
0x1b: {  	s9 =	sadd.s32 $0xFFFFFEF7, lr;
	s5 =	simm.s32 $0xFFFFFFFF;
	p2 =	slt.u32 s8, $0xFFFFF086  }
0x1c: {  	p1 =	slt.u32 s9, $0xF7A;
	s5 =	simm.s32 @!p2 $0x0  }
0x1d: {  	s5 =	simm.s32 @p1 $0x1;
	p0 =	seq.s32 s7, s2  }
0x1e: {  	s7 =	smul.u32 @!p0 $0xF7A, s2;
	p2 =	seq.s32 @!p0 s5, $0x0  }
0x1f: {  	s9 =	smul.u32 $0xF7A, s1;
	s8 =	simm.s32 @!p0 $0x1BF5;
	p2 =	por !p2, p0  }
0x20: {  	[sflag:s8] =	ssyncset.s32 @!p0 $0xFFFFF086;
	s6 =	sadd.s32 @!p0 s3, s7;
	s7 =	simm.s32 @!p0 $0x108  }
0x21: {  	s3 =	sadd.s32 s3, s9;
	s6 =	sadd.s32 @!p0 $0x88, s6;
	s7 =	simm.s32 @p2 $0x1082  }
0x22: {  	[simem:s7], [sflag:s8] =	dma.local @!p0 [hbm:s6], $0xF7A  }
0x23: {  	s9 =	sor.u32 $0xD0000000, s2;
	s6 =	simm.s32 $0x108;
	_ =	swait.ge @!p0 [sflag:s8], $0x0  }
0x24: {  	s3 =	sadd.s32 $0x88, s3;
	s6 =	simm.s32 @!p1 $0x1082;
	[sflag:s4] =	ssyncset.s32 $0xFFFFF086  }
0x25: {  	[simem:s6], [sflag:s4] =	dma.local [hbm:s3], $0xF7A  }
0x26: {  	[smem:$0x3F6E] =	sst s1;
	(tag) =	ssettag s2;
	_ =	strace s9  }
0x27: {  	s1 =	sld [smem:$0x3F7E]  }
0x28: {  	s2 =	sld [smem:$0x3F7F]  }
0x29: {  	s4 =	sld [smem:$0x3F81]  }
0x2a: {  	p0 =	seq.s32 s5, $0x0;
	s5 =	sld [smem:$0x3F82]  }
0x2b: {  	s6 =	sld [smem:$0x3F83]  }
0x2c: {  	s7 =	sld [smem:$0x3F84]  }
0x2d: {  	s3 =	simm.s32 $0x108;
	s8 =	sld [smem:$0x3F85]  }
0x2e: {  	s3 =	simm.s32 @!p0 $0x1082;
	s9 =	sld [smem:$0x3F86]  }
0x2f: {  	lr =	sadd.s32 s0, s3;
	s0 =	sld [smem:$0x3F7D]  }
0x30: {  	s3 =	sld [smem:$0x3F80]  }
0x31: {  	[smem:$0x3F89] =	sst s10  }
0x32: {  	s10 =	sld [smem:$0x3F87];
	_ =	sdelay $0x3  }
0x33: {  	p0 =	seq.s32 s10, $0x1;
	s10 =	sld [smem:$0x3F89];
	_ =	sdelay $0x3  }
0x34: {  	[smem:$0x3F89] =	sst s10  }
0x35: {  	s10 =	sld [smem:$0x3F88];
	_ =	sdelay $0x3  }
0x36: {  	p1 =	seq.s32 s10, $0x1;
	s10 =	sld [smem:$0x3F89];
	_ =	sdelay $0x3  }
0x37: {  	[smem:$0x3F89] =	sst s10  }
0x38: {  	s10 =	sld [smem:$0x3F8A]  }
0x39: {  	_ = 	snop;
	(pc) =	sbr.ind lr, $3  }
0x3a: {  	_ = 	snop  }
0x3b: {  	_ = 	snop  }
0x3c: {  	p2 =	seq.s32 s10, $0x1;
	s10 =	sld [smem:$0x3F89]  }
0x3d: {  	_ =	shalt  }
0x3e: {  	_ =	shalt  }
0x3f: {  	_ =	shalt  }
0x40: {  	_ =	shalt  }
0x41: {  	_ =	shalt  }
0x42: {  	_ =	shalt  }
0x43: {  	_ =	shalt  }
0x44: {  	_ =	shalt  }
0x45: {  	_ =	shalt  }
0x46: {  	_ =	shalt  }
0x47: {  	_ =	shalt  }
0x48: {  	_ =	shalt  }
0x49: {  	_ =	shalt  }
0x4a: {  	_ =	shalt  }
0x4b: {  	_ =	shalt  }
0x4c: {  	_ =	shalt  }
0x4d: {  	_ =	shalt  }
0x4e: {  	_ =	shalt  }
0x4f: {  	_ =	shalt  }
0x50: {  	_ =	shalt  }
0x51: {  	_ =	shalt  }
0x52: {  	_ =	shalt  }
0x53: {  	_ =	shalt  }
0x54: {  	_ =	shalt  }
0x55: {  	_ =	shalt  }
0x56: {  	_ =	shalt  }
0x57: {  	_ =	shalt  }
0x58: {  	_ =	shalt  }
0x59: {  	_ =	shalt  }
0x5a: {  	_ =	shalt  }
0x5b: {  	_ =	shalt  }
0x5c: {  	_ =	shalt  }
0x5d: {  	_ =	shalt  }
0x5e: {  	_ =	shalt  }
0x5f: {  	_ =	shalt  }
0x60: {  	_ =	shalt  }
0x61: {  	_ =	shalt  }
0x62: {  	_ =	shalt  }
0x63: {  	_ =	shalt  }
0x64: {  	_ =	shalt  }
0x65: {  	_ =	shalt  }
0x66: {  	_ =	shalt  }
0x67: {  	_ =	shalt  }
0x68: {  	_ =	shalt  }
0x69: {  	_ =	shalt  }
0x6a: {  	_ =	shalt  }
0x6b: {  	_ =	shalt  }
0x6c: {  	_ =	shalt  }
0x6d: {  	_ =	shalt  }
0x6e: {  	_ =	shalt  }
0x6f: {  	_ =	shalt  }
0x70: {  	_ =	shalt  }
0x71: {  	_ =	shalt  }
0x72: {  	_ =	shalt  }
0x73: {  	_ =	shalt  }
0x74: {  	_ =	shalt  }
0x75: {  	_ =	shalt  }
0x76: {  	_ =	shalt  }
0x77: {  	_ =	shalt  }
0x78: {  	_ =	shalt  }
0x79: {  	_ =	shalt  }
0x7a: {  	_ =	shalt  }
0x7b: {  	_ =	shalt  }
0x7c: {  	_ =	shalt  }
0x7d: {  	_ =	shalt  }
0x7e: {  	_ =	shalt  }
0x7f: {  	_ =	shalt  }
0x80: {  	_ =	shalt  }
0x81: {  	_ =	shalt  }
0x82: {  	_ =	shalt  }
0x83: {  	_ =	shalt  }
0x84: {  	_ =	shalt  }
0x85: {  	_ =	shalt  }
0x86: {  	_ =	shalt  }
0x87: {  	_ =	shalt  }
.Lfunc_end0:
.L_simem_size_0:
called_computation.5_lowered:
.L_overlay_start_0:
0x88: {  	s2 =	sld [smem:$0x3FD9]  }
0x89: {  	s3 =	sld [smem:$0x3FFE];
	_ =	sdelay $0x1  }
0x8a: {  	s1 =	srdreg.scid  }
0x8b: {  	s0 =	sand.u32 $0x1, s1  }
0x8c: {  	s16 =	sshll.u32 s0, $0xA;
	s2 =	sadd.s32 s3, s2  }
0x8d: {  	s2 =	sadd.s32 s2, s16  }
0x8e: {  	[smem:$0x3F95] =	sst s2  }
0x8f: {  	_ = 	snop  }
0x90: {  	(tm) =	ssettm $0x1  }
0x91: {  	s17 =	sld [smem:$0x3FFB];
	_ =	sdelay $0x3  }
0x92: {  	_ =	strace s17  }
0x93: {  	s2 =	sld [smem:$0x3FFC];
	_ =	sdelay $0x3  }
0x94: {  	_ =	strace s2  }
0x95: {  	s2 =	sld [smem:$0x3FFD];
	_ =	sdelay $0x3  }
0x96: {  	_ =	strace s2  }
0x97: {  	_ =	strace $0x8FFFFFFF  }
0x98: {  	s18 =	sld [smem:$0x3FDB];
	_ =	sdelay $0x1  }
0x99: {  	s19 =	simm.s32 $_scs_section_size  }
0x9a: {  	s4 =	simm.s32 $_size__tile_overlayer_lowered;
	s5 =	simm.s32 $_tile_overlayer_lowered  }
0x9b: {  	s22 =	simm.s32 $0x1BFF;
	s21 =	sshll.u32 s5, $0x1;
	s2 =	sadd.s32 s19, s18  }
0x9c: {  	s6 =	simm.s32 $0x0;
	s20 =	sshll.u32 s4, $0x1;
	s4 =	sadd.s32 s21, s2  }
0x9d: {  	[timem:s6], [sflag:s22] =	dma.local [hbm:s4], s20  }
0x9e: {  	_ =	swait.ge [sflag:s22], s20  }
0x9f: {  	s3 =	ssub.s32 $0x0, s20;
	[sflag:s22] =	ssyncset.done $0x0  }
0xa0: {  	[sflag:s22] =	ssyncadd.s32 s3;
	_ =	sdelay $0x1  }
0xa1: {  	s23 =	simm.s32 $0x1B8B  }
0xa2: {  	_ =	swait.ge [sflag:s23], $0x1  }
0xa3: {  	[sflag:s23] =	ssyncset.done $0x0  }
0xa4: {  	s25 =	simm.s32 $0x1B8E;
	s24 =	sld [smem:$0x3FFE];
	[sflag:s23] =	ssyncadd.s32 $0xFFFFFFFF  }
0xa5: {  	s26 =	simm.s32 $execute0_lowered;
	[smem:$0x3FD2] =	sst s25  }
0xa6: {  	s4 =	sshll.u32 s26, $0x1;
	_ =	strace $0x80000055;
	[dreg:$0x1] =	wrdreg $0xFFFFFFFF  }
0xa7: {  	s28 =	simm.s32 $_size_execute0_lowered;
	s2 =	sadd.s32 s2, s4;
	[dreg:$0x0] =	wrdreg $0x0  }
0xa8: {  	s4 =	sshll.u32 s28, $0x1;
	[dreg:$0x2] =	wrdreg s2  }
0xa9: {  	[dreg:$0x3] =	wrdreg s4  }
0xaa: {  	[dreg:$0x4] =	wrdreg $0xC0  }
0xab: {  	_ =	task [dreg:s6], $0x5FFFF  }
0xac: {  	[dreg:$0x1] =	wrdreg $0xFFFFFFFF  }
0xad: {  	[dreg:$0x0] =	wrdreg $0x60  }
0xae: {  	[dreg:$0x2] =	wrdreg s24  }
0xaf: {  	[dreg:$0x3] =	wrdreg $0x70000  }
0xb0: {  	[dreg:$0x4] =	wrdreg $0x9  }
0xb1: {  	_ =	task.clear_ibuf [dreg:s6], $0x5FFFF;
	_ =	strace $0x90000055  }
0xb2: {  	s29 =	simm.s32 $0x9;
	_ =	strace $0x80000057  }
0xb3: {  	_ =	swait.ge [sflag:s29], $0x1  }
0xb4: {  	[sflag:s29] =	ssyncadd.s32 $0xFFFFFFFF  }
0xb5: {  	_ =	strace $0x90000057  }
0xb6: {  	_ =	sfence  }
0xb7: {  	s30 =	sld [smem:$0x0];
	_ =	sdelay $0x2  }
0xb8: {  	s31 =	sshll.u32 s1, $0xD;
	s1 =	sshrl.u32 s1, $0x2  }
0xb9: {  	s3 =	sand.u32 $0x4000, s31;
	s1 =	sadd.s32 s1, s30  }
0xba: {  	s0 =	sor.u32 s3, s0;
	s1 =	sshll.u32 s1, $0x11  }
0xbb: {  	s0 =	sor.u32 s1, s0  }
0xbc: {  	s0 =	sadd.s32 $0x8F2B, s0  }
0xbd: {  	[sflag:s0] =	ssyncadd.remote.s32 $0x1  }
0xbe: {  	_ =	sfence.sel $0xFFFF  }
0xbf: {  	[dreg:$0x0] =	wrdreg $0xFFFFFFFF;
	(pc) =	sbr.abs _section_cstart, $3  }
0xc0: {  	[dreg:$0x1] =	wrdreg $0xFFFFFFFF  }
0xc1: {  	_ =	task.clear_ibuf [dreg:s6], $0x2FFFF;
	_ =	strace $0x9FFFFFFF  }
0xc2: {  	(tm) =	ssettm $0x7FFFFFFF  }
0xc3: {  	_ =	shalt  }
tec
execute0_lowered:
.L_overlay_start_1:
0x0: {  	(tag) =	ssettag $0x1  }
0x1: {  	s0 =	rddreg [dreg:$0x0]  }
0x2: {  	s1 =	rddreg [dreg:$0x1]  }
0x3: {  	s2 =	srdreg.scid;
	s3 =	simm.s32 $0x0;
	s28 =	stileid.u32  }
0x4: {  	s19 =	simm.s32 $0x2800;
	s20 =	simm.s32 $0x3;
	s22 =	simm.s32 $0x40  }
0x5: {  	s23 =	simm.s32 $0x4C00;
	s24 =	simm.s32 $0x1;
	s26 =	simm.s32 $0x2  }
0x6: {  	s29 =	simm.s32 $0x2780;
	s30 =	simm.s32 $0x27C0;
	s8 =	smul.u32 $0x16800, s28  }
0x7: {  	s5 =	sand.u32 $0x1, s2;
	[smem:$0x7FF] =	sst s3;
	s10 =	smul.u32 $0x5A000, s28  }
0x8: {  	s7 =	sshll.u32 s28, $0x1;
	s4 =	sadd.s32 $0xD000, s0;
	s6 =	smul.u32 $0x168000, s5  }
0x9: {  	_ =	strace $0x80000056;
	s7 =	sor.u32 s5, s7;
	s5 =	ssub.s32 $0x2, s5  }
0xa: {  	s7 =	smul.u32 $0x280, s7;
	s9 =	sshrl.u32 s5, $0x1;
	s10 =	sshrl.u32 s10, $0x2  }
0xb: {  	s31 =	sadd.s32 s8, s1;
	s6 =	sadd.s32 s8, s6;
	s9 =	ssub.s32 s5, s9  }
0xc: {  	s8 =	sadd.s32 s10, s1;
	s25 =	sshrl.u32 s31, $0x3;
	s6 =	sshrl.u32 s6, $0x3  }
0xd: {  	s7 =	sadd.s32 s7, s0;
	s9 =	smax.u32 s9, $0x1;
	s10 =	sadd.s32 $0x2400, s8  }
0xe: {  	s11 =	sadd.s32 $0x4800, s8;
	s12 =	sadd.s32 $0x6C00, s8;
	s13 =	sadd.s32 $0x9000, s8  }
0xf: {  	s14 =	sadd.s32 $0xB400, s8;
	s15 =	sadd.s32 $0xD800, s8;
	s16 =	sadd.s32 $0xFC00, s8  }
0x10: {  	s17 =	sadd.s32 $0x12000, s8;
	s18 =	sadd.s32 $0x14400, s8;
	s0 =	sadd.s32 s6, s0  }
0x11: {  	v0 =	vimm.f32 $0.0e+00;
	s5 =	sadd.s32 $0x3A000, s7;
	s6 =	sadd.s32 $0x3F000, s7;
	s7 =	sadd.s32 $0x44000, s0  }
.LBB2_1:
0x12: {  	s31 =	simm.s32 $0x80;
	s0 =	simm.s32 $0x440  }
.LBB2_2:
0x13: {  	p0 =	sne.s32 s0, $0x8FC0;
	[tilespmem:s31+$0x2800] =	vst v0  }
0x14: {  	[tilespmem:s31+$0x2780] =	vst v0  }
0x15: {  	[tilespmem:s31+$0x2790] =	vst v0  }
0x16: {  	[tilespmem:s31+$0x27A0] =	vst v0  }
.Ltmp0:
0x17: {  	[tilespmem:s31+$0x27B0] =	vst v0;
	(pc) =	sbr.rel @p0 .LBB2_2-.Ltmp0, $4  }
0x18: {  	[tilespmem:s31+$0x27C0] =	vst v0  }
0x19: {  	[tilespmem:s31+$0x27D0] =	vst v0  }
0x1a: {  	[tilespmem:s31+$0x27E0] =	vst v0  }
0x1b: {  	[tilespmem:s31+$0x27F0] =	vst v0;
	s31 =	sshra.s32 s0, $0x2;
	s0 =	sadd.s32 $0x240, s0  }
0x1c: {  	[tilespmem:s31+$0x2800] =	vst v0  }
0x1d: {  	[tilespmem:s31+$0x2780] =	vst v0  }
0x1e: {  	[tilespmem:s31+$0x2790] =	vst v0  }
0x1f: {  	[tilespmem:s31+$0x27A0] =	vst v0  }
0x20: {  	[tilespmem:s31+$0x27B0] =	vst v0  }
0x21: {  	[tilespmem:s31+$0x27C0] =	vst v0  }
0x22: {  	[tilespmem:s31+$0x27D0] =	vst v0  }
0x23: {  	[tilespmem:s31+$0x27E0] =	vst v0  }
0x24: {  	[tilespmem:s31+$0x27F0] =	vst v0  }
0x25: {  	[spmem:s8] =	stream.linear.scatter [tilespmem:s19], [sflag:$0x3], $0x2400, $0x38;
	[tilespmem:$0x1D800] =	vst v63  }
0x26: {  	_ =	swait.ge [sflag:s20], $0x2400  }
0x27: {  	[sflag:s20] =	ssyncset.done $0x0  }
0x28: {  	[sflag:s20] =	ssyncadd.s32 $0xFFFFDC00  }
0x29: {  	[spmem:s10] =	stream.linear.scatter [tilespmem:s19], [sflag:$0x3], $0x2400, $0x38;
	[tilespmem:$0x1D800] =	vst v63  }
0x2a: {  	_ =	swait.ge [sflag:s20], $0x2400  }
0x2b: {  	[sflag:s20] =	ssyncset.done $0x0  }
0x2c: {  	[sflag:s20] =	ssyncadd.s32 $0xFFFFDC00  }
0x2d: {  	[spmem:s11] =	stream.linear.scatter [tilespmem:s19], [sflag:$0x3], $0x2400, $0x38;
	[tilespmem:$0x1D800] =	vst v63  }
0x2e: {  	_ =	swait.ge [sflag:s20], $0x2400  }
0x2f: {  	[sflag:s20] =	ssyncset.done $0x0  }
0x30: {  	[sflag:s20] =	ssyncadd.s32 $0xFFFFDC00  }
0x31: {  	[spmem:s12] =	stream.linear.scatter [tilespmem:s19], [sflag:$0x3], $0x2400, $0x38;
	[tilespmem:$0x1D800] =	vst v63  }
0x32: {  	_ =	swait.ge [sflag:s20], $0x2400  }
0x33: {  	[sflag:s20] =	ssyncset.done $0x0  }
0x34: {  	[sflag:s20] =	ssyncadd.s32 $0xFFFFDC00  }
0x35: {  	[spmem:s13] =	stream.linear.scatter [tilespmem:s19], [sflag:$0x3], $0x2400, $0x38;
	[tilespmem:$0x1D800] =	vst v63  }
0x36: {  	_ =	swait.ge [sflag:s20], $0x2400  }
0x37: {  	[sflag:s20] =	ssyncset.done $0x0  }
0x38: {  	[sflag:s20] =	ssyncadd.s32 $0xFFFFDC00  }
0x39: {  	[spmem:s14] =	stream.linear.scatter [tilespmem:s19], [sflag:$0x3], $0x2400, $0x38;
	[tilespmem:$0x1D800] =	vst v63  }
0x3a: {  	_ =	swait.ge [sflag:s20], $0x2400  }
0x3b: {  	[sflag:s20] =	ssyncset.done $0x0  }
0x3c: {  	[sflag:s20] =	ssyncadd.s32 $0xFFFFDC00  }
0x3d: {  	[spmem:s15] =	stream.linear.scatter [tilespmem:s19], [sflag:$0x3], $0x2400, $0x38;
	[tilespmem:$0x1D800] =	vst v63  }
0x3e: {  	_ =	swait.ge [sflag:s20], $0x2400  }
0x3f: {  	[sflag:s20] =	ssyncset.done $0x0  }
0x40: {  	[sflag:s20] =	ssyncadd.s32 $0xFFFFDC00  }
0x41: {  	[spmem:s16] =	stream.linear.scatter [tilespmem:s19], [sflag:$0x3], $0x2400, $0x38;
	[tilespmem:$0x1D800] =	vst v63  }
0x42: {  	_ =	swait.ge [sflag:s20], $0x2400  }
0x43: {  	[sflag:s20] =	ssyncset.done $0x0  }
0x44: {  	[sflag:s20] =	ssyncadd.s32 $0xFFFFDC00  }
0x45: {  	[spmem:s17] =	stream.linear.scatter [tilespmem:s19], [sflag:$0x3], $0x2400, $0x38;
	[tilespmem:$0x1D800] =	vst v63  }
0x46: {  	_ =	swait.ge [sflag:s20], $0x2400  }
0x47: {  	[sflag:s20] =	ssyncset.done $0x0  }
0x48: {  	[sflag:s20] =	ssyncadd.s32 $0xFFFFDC00  }
0x49: {  	[spmem:s18] =	stream.linear.scatter [tilespmem:s19], [sflag:$0x3], $0x2400, $0x38;
	[tilespmem:$0x1D800] =	vst v63  }
0x4a: {  	_ =	swait.ge [sflag:s20], $0x2400  }
0x4b: {  	[sflag:s20] =	ssyncset.done $0x0  }
0x4c: {  	s0 =	simm.s32 $0x0;
	[sflag:s20] =	ssyncadd.s32 $0xFFFFDC00  }
0x4d: {  	[tilespmem:s0], [sflag:$0x3] =	stream.linear.gather [hbm4b:s5+s0], $0x1400, $0x38;
	[tilespmem:$0x1D800] =	vst v63  }
0x4e: {  	_ =	swait.ge [sflag:s20], $0x1400  }
0x4f: {  	[sflag:s20] =	ssyncset.done $0x0  }
0x50: {  	s2 =	simm.s32 $0x1400;
	[sflag:s20] =	ssyncadd.s32 $0xFFFFEC00  }
0x51: {  	[tilespmem:s2], [sflag:$0x3] =	stream.linear.gather [hbm4b:s6+s0], $0x1400, $0x38;
	[tilespmem:$0x1D800] =	vst v63  }
0x52: {  	_ =	swait.ge [sflag:s20], $0x1400  }
0x53: {  	[sflag:s20] =	ssyncset.done $0x0  }
0x54: {  	[sflag:s20] =	ssyncadd.s32 $0xFFFFEC00  }
0x55: {  	[bflag:$0x0] =	sbarrier.arrive $0xFFFF  }
0x56: {  	[tilespmem:s19], [sflag:$0x1] =	stream.indirect.gather [hbm4b:s4+s22], $0x90, s0, s22, $0xb8;
	[tilespmem:$0x1D800] =	vst v63  }
0x57: {  	s28 =	simm.s32 $0x40  }
0x58: {  	[tilespmem:s23], [sflag:$0x2] =	stream.indirect.gather [hbm4b:s4+s22], $0x90, s28, s22, $0xb8;
	[tilespmem:$0x1D800] =	vst v63  }
0x59: {  	_ =	swait.ge [sflag:s24], $0x2400  }
0x5a: {  	[sflag:s24] =	ssyncset.done $0x0  }
0x5b: {  	s2 =	simm.s32 $0x1400;
	[sflag:s24] =	ssyncadd.s32 $0xFFFFDC00  }
0x5c: {  	[spmem:s1] =	stream.indirect.scatter.add.f32 [tilespmem:s19], [sflag:$0x3], $0x90, s2, s22, $0xb8;
	[tilespmem:$0x1D800] =	vst v63  }
0x5d: {  	_ =	swait.ge [sflag:s20], $0x2400  }
0x5e: {  	[sflag:s20] =	ssyncset.done $0x0  }
0x5f: {  	s21 =	simm.s32 $0x80;
	[sflag:s20] =	ssyncadd.s32 $0xFFFFDC00  }
0x60: {  	[tilespmem:s19], [sflag:$0x1] =	stream.indirect.gather [hbm4b:s4+s22], $0x90, s21, s22, $0xb8;
	[tilespmem:$0x1D800] =	vst v63  }
0x61: {  	_ =	swait.ge [sflag:s26], $0x2400  }
0x62: {  	[sflag:s26] =	ssyncset.done $0x0  }
0x63: {  	s28 =	simm.s32 $0x1440;
	[sflag:s26] =	ssyncadd.s32 $0xFFFFDC00  }
0x64: {  	[spmem:s1] =	stream.indirect.scatter.add.f32 [tilespmem:s23], [sflag:$0x3], $0x90, s28, s22, $0xb8;
	[tilespmem:$0x1D800] =	vst v63  }
0x65: {  	_ =	swait.ge [sflag:s20], $0x2400  }
0x66: {  	s31 =	simm.s32 $0x80;
	s0 =	simm.s32 $0x400;
	[sflag:s20] =	ssyncset.done $0x0  }
.LBB2_4:
0x67: {  	s2 =	sadd.s32 $0x40, s31  }
0x68: {  	[sflag:s20] =	ssyncadd.s32 $0xFFFFDC00;
	s21 =	smov.u32 s0;
	s28 =	sadd.s32 $0x200, s0  }
0x69: {  	[tilespmem:s23], [sflag:$0x2] =	stream.indirect.gather [hbm4b:s4+s22], $0x90, s2, s22, $0xb8;
	[tilespmem:$0x1D800] =	vst v63  }
0x6a: {  	p0 =	sne.s32 s0, $0x4C00;
	_ =	swait.ge [sflag:s24], $0x2400  }
0x6b: {  	[sflag:s24] =	ssyncset.done $0x0  }
0x6c: {  	s0 =	sadd.s32 $0x1400, s31;
	[sflag:s24] =	ssyncadd.s32 $0xFFFFDC00  }
0x6d: {  	[spmem:s1] =	stream.indirect.scatter.add.f32 [tilespmem:s19], [sflag:$0x3], $0x90, s0, s22, $0xb8;
	[tilespmem:$0x1D800] =	vst v63  }
0x6e: {  	_ =	swait.ge [sflag:s20], $0x2400  }
0x6f: {  	[sflag:s20] =	ssyncset.done $0x0  }
0x70: {  	s0 =	sadd.s32 $0x80, s31;
	[sflag:s20] =	ssyncadd.s32 $0xFFFFDC00  }
0x71: {  	[tilespmem:s19], [sflag:$0x1] =	stream.indirect.gather [hbm4b:s4+s22], $0x90, s0, s22, $0xb8;
	[tilespmem:$0x1D800] =	vst v63  }
0x72: {  	_ =	swait.ge [sflag:s26], $0x2400  }
.Ltmp1:
0x73: {  	[sflag:s26] =	ssyncset.done $0x0;
	(pc) =	sbr.rel @p0 .LBB2_4-.Ltmp1, $4  }
0x74: {  	s0 =	sadd.s32 $0x1440, s31;
	[sflag:s26] =	ssyncadd.s32 $0xFFFFDC00  }
0x75: {  	[spmem:s1] =	stream.indirect.scatter.add.f32 [tilespmem:s23], [sflag:$0x3], $0x90, s0, s22, $0xb8;
	[tilespmem:$0x1D800] =	vst v63  }
0x76: {  	_ =	swait.ge [sflag:s20], $0x2400  }
0x77: {  	s31 =	sshra.s32 s21, $0x2;
	s0 =	smov.u32 s28;
	[sflag:s20] =	ssyncset.done $0x0  }
0x78: {  	s0 =	sadd.s32 $0x40, s31;
	[sflag:s20] =	ssyncadd.s32 $0xFFFFDC00  }
0x79: {  	[tilespmem:s23], [sflag:$0x2] =	stream.indirect.gather [hbm4b:s4+s22], $0x90, s0, s22, $0xb8;
	[tilespmem:$0x1D800] =	vst v63  }
0x7a: {  	_ =	swait.ge [sflag:s24], $0x2400  }
0x7b: {  	[sflag:s24] =	ssyncset.done $0x0  }
0x7c: {  	s28 =	sadd.s32 $0x1400, s31;
	[sflag:s24] =	ssyncadd.s32 $0xFFFFDC00  }
0x7d: {  	[spmem:s1] =	stream.indirect.scatter.add.f32 [tilespmem:s19], [sflag:$0x3], $0x90, s28, s22, $0xb8;
	[tilespmem:$0x1D800] =	vst v63  }
0x7e: {  	_ =	swait.ge [sflag:s20], $0x2400  }
0x7f: {  	[sflag:s20] =	ssyncset.done $0x0  }
0x80: {  	s2 =	sadd.s32 $0x80, s31;
	[sflag:s20] =	ssyncadd.s32 $0xFFFFDC00  }
0x81: {  	[tilespmem:s19], [sflag:$0x1] =	stream.indirect.gather [hbm4b:s4+s22], $0x90, s2, s22, $0xb8;
	[tilespmem:$0x1D800] =	vst v63  }
0x82: {  	_ =	swait.ge [sflag:s26], $0x2400  }
0x83: {  	[sflag:s26] =	ssyncset.done $0x0  }
0x84: {  	s21 =	sadd.s32 $0x1440, s31;
	[sflag:s26] =	ssyncadd.s32 $0xFFFFDC00  }
0x85: {  	[spmem:s1] =	stream.indirect.scatter.add.f32 [tilespmem:s23], [sflag:$0x3], $0x90, s21, s22, $0xb8;
	[tilespmem:$0x1D800] =	vst v63  }
0x86: {  	_ =	swait.ge [sflag:s20], $0x2400  }
0x87: {  	[sflag:s20] =	ssyncset.done $0x0  }
0x88: {  	s28 =	simm.s32 $0x13C0;
	[sflag:s20] =	ssyncadd.s32 $0xFFFFDC00  }
0x89: {  	[tilespmem:s23], [sflag:$0x2] =	stream.indirect.gather [hbm4b:s4+s22], $0x90, s28, s22, $0xb8;
	[tilespmem:$0x1D800] =	vst v63  }
0x8a: {  	_ =	swait.ge [sflag:s24], $0x2400  }
0x8b: {  	[sflag:s24] =	ssyncset.done $0x0  }
0x8c: {  	[sflag:s24] =	ssyncadd.s32 $0xFFFFDC00  }
0x8d: {  	[spmem:s1] =	stream.indirect.scatter.add.f32 [tilespmem:s19], [sflag:$0x3], $0x90, s29, s22, $0xb8;
	[tilespmem:$0x1D800] =	vst v63  }
0x8e: {  	_ =	swait.ge [sflag:s20], $0x2400  }
0x8f: {  	[sflag:s20] =	ssyncset.done $0x0  }
0x90: {  	[sflag:s20] =	ssyncadd.s32 $0xFFFFDC00  }
0x91: {  	_ =	swait.ge [sflag:s26], $0x2400  }
0x92: {  	[sflag:s26] =	ssyncset.done $0x0  }
0x93: {  	[sflag:s26] =	ssyncadd.s32 $0xFFFFDC00  }
0x94: {  	[spmem:s1] =	stream.indirect.scatter.add.f32 [tilespmem:s23], [sflag:$0x3], $0x90, s30, s22, $0xb8;
	[tilespmem:$0x1D800] =	vst v63  }
0x95: {  	_ =	swait.ge [sflag:s20], $0x2400  }
0x96: {  	s31 =	stileid.u32;
	s3 =	sadd.s32 $0x1, s3;
	[sflag:s20] =	ssyncset.done $0x0  }
0x97: {  	s0 =	sshll.u32 s31, $0x6;
	p0 =	sne.s32 s3, s9;
	[sflag:s20] =	ssyncadd.s32 $0xFFFFDC00  }
.Ltmp2:
0x98: {  	s0 =	sor.u32 $0x1C03, s0;
	[bflag:$0x0] =	sbarrier.arrive $0xFFFF;
	(pc) =	sbr.rel @p0 .LBB2_1-.Ltmp2, $4  }
0x99: {  	[hbm:s7], [sflag:s0] =	dma.local [spmem:s25], $0x2D00  }
0x9a: {  	_ =	swait.ge [sflag:s20], $0x2D00  }
0x9b: {  	[sflag:s20] =	ssyncset.done $0x0  }
0x9c: {  	[sflag:s20] =	ssyncadd.s32 $0xFFFFD300  }
0x9d: {  	_ =	sfence.sel $0x180000  }
0x9e: {  	[bflag:$0x0] =	sbarrier.arrive $0xFFFF  }
0x9f: {  	_ =	strace $0x90000056  }
0xa0: {  	s0 =	stileid.u32;
	[bflag:$0x2] =	sbarrier.arrive $0xFFFF  }
0xa1: {  	p0 =	sne.s32 s0, $0x0;
	s0 =	rddreg [dreg:$0x2]  }
0xa2: {  	s0 =	sadd.s32 @!p0 $0x100000, s0  }
0xa3: {  	[sflag:s0] =	ssyncadd.tile.s32 @!p0 $0x1;
	_ =	shalt  }
.Lfunc_end2:
_tile_overlayer_lowered:
.L_overlay_start_2:
0xa4: {  	(tag) =	ssettag $0x2  }
0xa5: {  	s0 =	rddreg [dreg:$0x0];
	s2 =	stileid.u32  }
0xa6: {  	s1 =	rddreg [dreg:$0x1];
	p0 =	sne.s32 s2, $0x0  }
0xa7: {  	s3 =	rddreg [dreg:$0x2];
	[bflag:$0x3] =	sbarrier.arrive $0xFFFF;
	s2 =	simm.s32 @!p0 $0x1C03  }
0xa8: {  	[timem:s3], [sflag:s2] =	dma.local @!p0 [hbm:s0], s1  }
0xa9: {  	s0 =	simm.s32 @!p0 $0x3  }
0xaa: {  	_ =	swait.ge @!p0 [sflag:s0], s1  }
0xab: {  	s1 =	ssub.s32 @!p0 $0x0, s1;
	[sflag:s0] =	ssyncset.done @!p0 $0x0  }
0xac: {  	[sflag:s0] =	ssyncadd.s32 @!p0 s1  }
0xad: {  	[bflag:$0x3] =	sbarrier.arrive $0xFFFF  }
0xae: {  	_ =	shalt  }

</sc_bundles>
